<compile_context>
chip_gen: v7x
topology: tpu7x:2x2x1
jax: 0.10.2.dev20260603
libtpu: 0.0.44.dev20260713+nightly
codegen_flags: <defaults>
</compile_context>

<pallas_src>
import functools

import jax
import jax.numpy as jnp
from jax import lax
from jax.experimental import pallas as pl
from jax.experimental.pallas import tpu as pltpu
from jax.experimental.pallas import tpu_sc as plsc

N_ROWS = 64
N_COLS = 8192
KTH = 256
NUM_CORES = 2
NUM_SUBCORES = 16
NW = NUM_CORES * NUM_SUBCORES
ROWS_PER_W = N_ROWS // NW
L = 16
U = 4
UL = U * L
NBINS = 256
TOP_I = -(2 ** 31)


def _sc_kthvalue(x_bits):
    mesh = plsc.VectorSubcoreMesh(
        core_axis_name="c", subcore_axis_name="s",
        num_cores=NUM_CORES, num_subcores=NUM_SUBCORES)

    @functools.partial(
        pl.kernel,
        out_type=(jax.ShapeDtypeStruct((NW, L), jnp.int32),
                  jax.ShapeDtypeStruct((NW, L), jnp.int32)),
        mesh=mesh,
        compiler_params=pltpu.CompilerParams(needs_layout_passes=False),
        scratch_types=[
            pltpu.VMEM((N_COLS,), jnp.int32),
            pltpu.VMEM((N_COLS,), jnp.int32),
            pltpu.VMEM((NBINS,), jnp.int32),
            pltpu.VMEM((NBINS,), jnp.int32),
            pltpu.VMEM((NBINS,), jnp.int32),
            pltpu.VMEM((NBINS,), jnp.int32),
            pltpu.VMEM((L,), jnp.int32),
            pltpu.VMEM((L,), jnp.int32),
            pltpu.VMEM((L,), jnp.int32),
        ],
    )
    def body(x_hbm, vout_hbm, iout_hbm, kbuf0, kbuf1, histA, histB, posaA,
             posaB, bfly, vstage, istage):
        wid = lax.axis_index("s") * NUM_CORES + lax.axis_index("c")
        io = lax.iota(jnp.int32, L)
        perms = tuple(lax.bitwise_xor(io, jnp.int32(1 << p))
                      for p in range(3, -1, -1))
        one = jnp.int32(1)
        zero = jnp.int32(0)
        top = jnp.int32(TOP_I)
        zvec = jnp.zeros((L,), jnp.int32)
        ones_v = jnp.full((L,), 1, jnp.int32)

        kbufs = (kbuf0, kbuf1)
        hists = (histA, histB)
        posas = (posaA, posaB)

        def popc(mask):
            return plsc.all_reduce_population_count(mask)

        def lane_sum(v):
            for p in perms:
                bfly[...] = v
                v = v + plsc.load_gather(bfly, [p])
            return v

        def zero_bins(ref):
            for j in range(NBINS // L):
                ref[pl.ds(j * L, L)] = zvec

        def hist_scan(hist, r):
            run = zero
            less = zvec
            for j in range(NBINS // L):
                h = hist[pl.ds(j * L, L)]
                csg = plsc.cumsum(h) + run
                hist[pl.ds(j * L, L)] = csg
                run = csg[15]
                less = less + popc(csg < r)
            b = less[0]
            bm1 = jnp.maximum(b - 1, zero)
            prev = plsc.load_gather(hist, [jnp.full((L,), bm1, jnp.int32)])
            cbelow = jnp.where(b == 0, zero, prev[0])
            cum_b = plsc.load_gather(hist, [jnp.full((L,), b, jnp.int32)])
            nbin = cum_b[0] - cbelow
            return b, cbelow, nbin

        for row in range(ROWS_PER_W):
            pltpu.sync_copy(x_hbm.at[wid * ROWS_PER_W + row], kbufs[row])

        zero_bins(histA)
        zero_bins(histB)

        @plsc.parallel_loop(0, N_COLS // L, unroll=U)
        def pass_h1(j):
            bs = j * L
            for row in range(ROWS_PER_W):
                krow = kbufs[row]
                b = krow[pl.ds(bs, L)]
                b = jnp.where(b == top, zero, b)
                m = lax.shift_right_arithmetic(b, 31)
                key = lax.bitwise_xor(b, lax.bitwise_or(m, top))
                krow[pl.ds(bs, L)] = key
                bin1 = lax.shift_right_logical(key, 24)
                plsc.addupdate_scatter(hists[row], [bin1], ones_v)

        rs, b1s = [], []
        for row in range(ROWS_PER_W):
            b1, cb1, _ = hist_scan(hists[row], jnp.int32(KTH))
            b1s.append(b1)
            rs.append(jnp.int32(KTH) - cb1)

        zero_bins(histA)
        zero_bins(histB)

        @plsc.parallel_loop(0, N_COLS // L, unroll=U)
        def pass_h2(j):
            bs = j * L
            for row in range(ROWS_PER_W):
                key = kbufs[row][pl.ds(bs, L)]
                m = lax.shift_right_logical(key, 24) == b1s[row]
                binv = lax.bitwise_and(
                    lax.shift_right_logical(key, 16), jnp.int32(0xFF))
                plsc.addupdate_scatter(hists[row], [binv], ones_v, mask=m)

        p16s = []
        for row in range(ROWS_PER_W):
            b2, cb2, _ = hist_scan(hists[row], rs[row])
            rs[row] = rs[row] - cb2
            p16s.append(lax.bitwise_or(
                lax.shift_left(b1s[row], jnp.int32(8)), b2))

        zero_bins(histA)
        zero_bins(histB)
        zero_bins(posaA)
        zero_bins(posaB)

        @plsc.parallel_loop(0, N_COLS // L, unroll=U)
        def pass_h3(j):
            bs = j * L
            for row in range(ROWS_PER_W):
                key = kbufs[row][pl.ds(bs, L)]
                m = lax.shift_right_logical(key, 16) == p16s[row]
                binv = lax.bitwise_and(
                    lax.shift_right_logical(key, 8), jnp.int32(0xFF))
                plsc.addupdate_scatter(hists[row], [binv], ones_v, mask=m)
                plsc.addupdate_scatter(posas[row], [binv], io + bs, mask=m)

        res_v = zvec
        res_i = zvec
        for row in range(ROWS_PER_W):
            krow = kbufs[row]
            hist = hists[row]
            posa = posas[row]
            b3, cb3, n3 = hist_scan(hist, rs[row])
            r = rs[row] - cb3
            p24 = lax.bitwise_or(lax.shift_left(p16s[row], jnp.int32(8)), b3)

            def fast3(_, posa=posa, krow=krow, b3=b3):
                idxv = plsc.load_gather(
                    posa, [jnp.full((L,), b3, jnp.int32)])
                keyv = plsc.load_gather(krow, [idxv])
                return keyv, idxv

            def slow3(_, krow=krow, hist=hist, posa=posa, p24=p24, r=r):
                zero_bins(hist)
                zero_bins(posa)

                @plsc.parallel_loop(0, N_COLS // L, unroll=U)
                def pass_h4(j):
                    bs = j * L
                    key = krow[pl.ds(bs, L)]
                    m = lax.shift_right_logical(key, 8) == p24
                    binv = lax.bitwise_and(key, jnp.int32(0xFF))
                    plsc.addupdate_scatter(hist, [binv], ones_v, mask=m)
                    plsc.addupdate_scatter(posa, [binv], io + bs, mask=m)
                b4, cb4, n4 = hist_scan(hist, r)
                r4 = r - cb4
                v_ans = lax.bitwise_or(lax.shift_left(p24, jnp.int32(8)), b4)

                def fast4(_):
                    return plsc.load_gather(
                        posa, [jnp.full((L,), b4, jnp.int32)])

                def slow4(_):
                    @plsc.parallel_loop(0, N_COLS // L, unroll=U,
                                        carry=(zvec, zvec))
                    def pass_i(j, carry):
                        cnt, pos = carry
                        bs = j * L
                        key = krow[pl.ds(bs, L)]
                        match = key == v_ans
                        mi = jnp.where(match, one, zero)
                        csg = plsc.cumsum(mi) + cnt
                        hit = jnp.logical_and(match, csg == r4)
                        pos = pos + jnp.where(hit, io + bs, zero)
                        cnt = cnt + popc(match)
                        return cnt, pos

                    _, pos_acc = pass_i
                    return lane_sum(pos_acc)

                posv = lax.cond(n4 == 1, fast4, slow4, zero)
                return zvec + v_ans, posv

            key_vec, pos_vec = lax.cond(n3 == 1, fast3, slow3, zero)

            lane = io == row
            res_v = jnp.where(lane, key_vec, res_v)
            res_i = jnp.where(lane, pos_vec, res_i)

        inv = jnp.where(res_v < 0,
                        lax.bitwise_xor(res_v, top),
                        lax.bitwise_xor(res_v, jnp.int32(-1)))
        vstage[...] = inv
        istage[...] = res_i
        pltpu.sync_copy(vstage, vout_hbm.at[wid])
        pltpu.sync_copy(istage, iout_hbm.at[wid])

    return body(x_bits)


def kernel(x):
    xb = lax.bitcast_convert_type(x, jnp.int32)
    vbits, inds = _sc_kthvalue(xb)
    values = lax.bitcast_convert_type(
        vbits[:, :ROWS_PER_W].reshape(N_ROWS), jnp.float32)
    indices = inds[:, :ROWS_PER_W].reshape(N_ROWS)
    return values, indices.astype(jnp.int64)

# --- scband reference (transcript-rebuilt; emitter-appended) ---
"""Pipeline reference for scband-aten-kthvalue-5385888989273 (READ-ONLY COPY).

The authoritative reference and input builder live on the scoring server;
editing this copy changes nothing except your own understanding.
"""

import jax, jax.numpy as jnp
import numpy as np

K = 256
DIM = 1
KEEPDIM = False

def setup_inputs(seed: int = 0) -> dict:
    key = jax.random.key(seed)
    x = jax.random.normal(key, (64, 8192), dtype=jnp.float32)
    return {"x": x}

def reference(x):
    # torch.kthvalue: k-th SMALLEST value along dim, returns (values, indices)
    order = jnp.argsort(x, axis=DIM)
    kth_idx = jnp.take(order, K - 1, axis=DIM)  # shape [B]
    kth_idx_exp = jnp.expand_dims(kth_idx, axis=DIM)
    values = jnp.take_along_axis(x, kth_idx_exp, axis=DIM)
    indices = kth_idx_exp
    if not KEEPDIM:
        values = jnp.squeeze(values, axis=DIM)
        indices = jnp.squeeze(indices, axis=DIM)
    return values, indices.astype(jnp.int64)

if __name__ == "__main__":
    import jax
    _d = setup_inputs()
    print(jax.jit(kernel)(*tuple(_d.values())))

</pallas_src>

<mosaic_0001>
#map = affine_map<(d0, d1) -> (0, 0)>
module attributes {stable_mosaic.version = 14 : i64} {
  func.func @body(%arg0: i32, %arg1: i32, %arg2: memref<64x8192xi32, #tpu.memory_space<hbm>>, %arg3: memref<32x16xi32, #tpu.memory_space<hbm>>, %arg4: memref<32x16xi32, #tpu.memory_space<hbm>>, %arg5: memref<8192xi32, #tpu.memory_space<vmem>>, %arg6: memref<8192xi32, #tpu.memory_space<vmem>>, %arg7: memref<256xi32, #tpu.memory_space<vmem>>, %arg8: memref<256xi32, #tpu.memory_space<vmem>>, %arg9: memref<256xi32, #tpu.memory_space<vmem>>, %arg10: memref<256xi32, #tpu.memory_space<vmem>>, %arg11: memref<16xi32, #tpu.memory_space<vmem>>, %arg12: memref<16xi32, #tpu.memory_space<vmem>>, %arg13: memref<16xi32, #tpu.memory_space<vmem>>) attributes {dimension_semantics = [#tpu.dimension_semantics<core_parallel>, #tpu.dimension_semantics<subcore_parallel>], iteration_bounds = array<i64: 2, 16>, scalar_prefetch = 0 : i64, scratch_operands = 9 : i64, tpu.core_type = #tpu.core_type<sc_vector_subcore>, window_params = [{transform_indices = #map}, {transform_indices = #map}, {transform_indices = #map}]} {
    %mul3A = arith.constant 2 : i32
    %mul3A_0 = arith.muli %arg1, %mul3A : i32
    %add3A = arith.addi %mul3A_0, %arg0 : i32
    %iota3A = tpu.iota {dimensions = array<i32: 0>} : vector<16xi32>
    %xor3A = arith.constant 8 : i32
    %xor3A_1 = vector.broadcast %xor3A : i32 to vector<16xi32>
    %xor3A_2 = arith.xori %iota3A, %xor3A_1 : vector<16xi32>
    %xor3A_3 = arith.constant 4 : i32
    %xor3A_4 = vector.broadcast %xor3A_3 : i32 to vector<16xi32>
    %xor3A_5 = arith.xori %iota3A, %xor3A_4 : vector<16xi32>
    %xor3A_6 = arith.constant 2 : i32
    %xor3A_7 = vector.broadcast %xor3A_6 : i32 to vector<16xi32>
    %xor3A_8 = arith.xori %iota3A, %xor3A_7 : vector<16xi32>
    %xor3A_9 = arith.constant 1 : i32
    %xor3A_10 = vector.broadcast %xor3A_9 : i32 to vector<16xi32>
    %xor3A_11 = arith.xori %iota3A, %xor3A_10 : vector<16xi32>
    %broadcast_in_dim3A = arith.constant 0 : i32
    %broadcast_in_dim3A_12 = vector.broadcast %broadcast_in_dim3A : i32 to vector<16xi32>
    %broadcast_in_dim3A_13 = arith.constant 1 : i32
    %broadcast_in_dim3A_14 = vector.broadcast %broadcast_in_dim3A_13 : i32 to vector<16xi32>
    %mul3A_15 = arith.constant 2 : i32
    %mul3A_16 = arith.muli %add3A, %mul3A_15 : i32
    %add3A_17 = arith.constant 0 : i32
    %add3A_18 = arith.addi %mul3A_16, %add3A_17 : i32
    "tpu.region"() ({
      %run_scoped3A = tpu.sem_alloc : memref<!tpu.dma_semaphore, #tpu.memory_space<semaphore_mem>>
      %dma_start3A = arith.constant 0 : i32
      %dma_start3A_1926 = tpu.memref_slice %arg2[%add3A_18, %dma_start3A] : memref<64x8192xi32, #tpu.memory_space<hbm>> -> memref<1x8192xi32, #tpu.memory_space<hbm>>
      %dma_start3A_1927 = tpu.memref_squeeze %dma_start3A_1926 : memref<1x8192xi32, #tpu.memory_space<hbm>> -> memref<8192xi32, #tpu.memory_space<hbm>>
      %dma_start3A_1928 = arith.constant 0 : i32
      %dma_start3A_1929 = tpu.memref_slice %arg2[%add3A_18, %dma_start3A_1928] : memref<64x8192xi32, #tpu.memory_space<hbm>> -> memref<1x8192xi32, #tpu.memory_space<hbm>>
      %dma_start3A_1930 = tpu.memref_squeeze %dma_start3A_1929 : memref<1x8192xi32, #tpu.memory_space<hbm>> -> memref<8192xi32, #tpu.memory_space<hbm>>
      tpu.enqueue_dma source(%dma_start3A_1930 : memref<8192xi32, #tpu.memory_space<hbm>>) target(%arg5 : memref<8192xi32, #tpu.memory_space<vmem>>) target_semaphore(%run_scoped3A : memref<!tpu.dma_semaphore, #tpu.memory_space<semaphore_mem>>)
      %dma_wait3A = arith.constant 0 : i32
      %dma_wait3A_1931 = tpu.memref_slice %arg2[%add3A_18, %dma_wait3A] : memref<64x8192xi32, #tpu.memory_space<hbm>> -> memref<1x8192xi32, #tpu.memory_space<hbm>>
      %dma_wait3A_1932 = tpu.memref_squeeze %dma_wait3A_1931 : memref<1x8192xi32, #tpu.memory_space<hbm>> -> memref<8192xi32, #tpu.memory_space<hbm>>
      %dma_wait3A_1933 = arith.constant 0 : i32
      %dma_wait3A_1934 = tpu.memref_slice %arg2[%add3A_18, %dma_wait3A_1933] : memref<64x8192xi32, #tpu.memory_space<hbm>> -> memref<1x8192xi32, #tpu.memory_space<hbm>>
      %dma_wait3A_1935 = tpu.memref_squeeze %dma_wait3A_1934 : memref<1x8192xi32, #tpu.memory_space<hbm>> -> memref<8192xi32, #tpu.memory_space<hbm>>
      tpu.wait_dma2 semaphore(%run_scoped3A : memref<!tpu.dma_semaphore, #tpu.memory_space<semaphore_mem>>) src(%dma_wait3A_1935 : memref<8192xi32, #tpu.memory_space<hbm>>) dst(%arg5 : memref<8192xi32, #tpu.memory_space<vmem>>)
      tpu.yield
    }) : () -> ()
    %mul3A_19 = arith.constant 2 : i32
    %mul3A_20 = arith.muli %add3A, %mul3A_19 : i32
    %add3A_21 = arith.constant 1 : i32
    %add3A_22 = arith.addi %mul3A_20, %add3A_21 : i32
    "tpu.region"() ({
      %run_scoped3A = tpu.sem_alloc : memref<!tpu.dma_semaphore, #tpu.memory_space<semaphore_mem>>
      %dma_start3A = arith.constant 0 : i32
      %dma_start3A_1926 = tpu.memref_slice %arg2[%add3A_22, %dma_start3A] : memref<64x8192xi32, #tpu.memory_space<hbm>> -> memref<1x8192xi32, #tpu.memory_space<hbm>>
      %dma_start3A_1927 = tpu.memref_squeeze %dma_start3A_1926 : memref<1x8192xi32, #tpu.memory_space<hbm>> -> memref<8192xi32, #tpu.memory_space<hbm>>
      %dma_start3A_1928 = arith.constant 0 : i32
      %dma_start3A_1929 = tpu.memref_slice %arg2[%add3A_22, %dma_start3A_1928] : memref<64x8192xi32, #tpu.memory_space<hbm>> -> memref<1x8192xi32, #tpu.memory_space<hbm>>
      %dma_start3A_1930 = tpu.memref_squeeze %dma_start3A_1929 : memref<1x8192xi32, #tpu.memory_space<hbm>> -> memref<8192xi32, #tpu.memory_space<hbm>>
      tpu.enqueue_dma source(%dma_start3A_1930 : memref<8192xi32, #tpu.memory_space<hbm>>) target(%arg6 : memref<8192xi32, #tpu.memory_space<vmem>>) target_semaphore(%run_scoped3A : memref<!tpu.dma_semaphore, #tpu.memory_space<semaphore_mem>>)
      %dma_wait3A = arith.constant 0 : i32
      %dma_wait3A_1931 = tpu.memref_slice %arg2[%add3A_22, %dma_wait3A] : memref<64x8192xi32, #tpu.memory_space<hbm>> -> memref<1x8192xi32, #tpu.memory_space<hbm>>
      %dma_wait3A_1932 = tpu.memref_squeeze %dma_wait3A_1931 : memref<1x8192xi32, #tpu.memory_space<hbm>> -> memref<8192xi32, #tpu.memory_space<hbm>>
      %dma_wait3A_1933 = arith.constant 0 : i32
      %dma_wait3A_1934 = tpu.memref_slice %arg2[%add3A_22, %dma_wait3A_1933] : memref<64x8192xi32, #tpu.memory_space<hbm>> -> memref<1x8192xi32, #tpu.memory_space<hbm>>
      %dma_wait3A_1935 = tpu.memref_squeeze %dma_wait3A_1934 : memref<1x8192xi32, #tpu.memory_space<hbm>> -> memref<8192xi32, #tpu.memory_space<hbm>>
      tpu.wait_dma2 semaphore(%run_scoped3A : memref<!tpu.dma_semaphore, #tpu.memory_space<semaphore_mem>>) src(%dma_wait3A_1935 : memref<8192xi32, #tpu.memory_space<hbm>>) dst(%arg6 : memref<8192xi32, #tpu.memory_space<vmem>>)
      tpu.yield
    }) : () -> ()
    %swap3A = arith.constant 0 : index
    %swap3A_23 = tpu.vector_load %arg7[%swap3A] {strides = array<i32>} : memref<256xi32, #tpu.memory_space<vmem>>, vector<16xi32>,
    tpu.vector_store %arg7[%swap3A], %broadcast_in_dim3A_12 {strides = array<i32>} : memref<256xi32, #tpu.memory_space<vmem>>, vector<16xi32>,
    %swap3A_24 = arith.constant 16 : index
    %swap3A_25 = tpu.vector_load %arg7[%swap3A_24] {strides = array<i32>} : memref<256xi32, #tpu.memory_space<vmem>>, vector<16xi32>,
    tpu.vector_store %arg7[%swap3A_24], %broadcast_in_dim3A_12 {strides = array<i32>} : memref<256xi32, #tpu.memory_space<vmem>>, vector<16xi32>,
    %swap3A_26 = arith.constant 32 : index
    %swap3A_27 = tpu.vector_load %arg7[%swap3A_26] {strides = array<i32>} : memref<256xi32, #tpu.memory_space<vmem>>, vector<16xi32>,
    tpu.vector_store %arg7[%swap3A_26], %broadcast_in_dim3A_12 {strides = array<i32>} : memref<256xi32, #tpu.memory_space<vmem>>, vector<16xi32>,
    %swap3A_28 = arith.constant 48 : index
    %swap3A_29 = tpu.vector_load %arg7[%swap3A_28] {strides = array<i32>} : memref<256xi32, #tpu.memory_space<vmem>>, vector<16xi32>,
    tpu.vector_store %arg7[%swap3A_28], %broadcast_in_dim3A_12 {strides = array<i32>} : memref<256xi32, #tpu.memory_space<vmem>>, vector<16xi32>,
    %swap3A_30 = arith.constant 64 : index
    %swap3A_31 = tpu.vector_load %arg7[%swap3A_30] {strides = array<i32>} : memref<256xi32, #tpu.memory_space<vmem>>, vector<16xi32>,
    tpu.vector_store %arg7[%swap3A_30], %broadcast_in_dim3A_12 {strides = array<i32>} : memref<256xi32, #tpu.memory_space<vmem>>, vector<16xi32>,
    %swap3A_32 = arith.constant 80 : index
    %swap3A_33 = tpu.vector_load %arg7[%swap3A_32] {strides = array<i32>} : memref<256xi32, #tpu.memory_space<vmem>>, vector<16xi32>,
    tpu.vector_store %arg7[%swap3A_32], %broadcast_in_dim3A_12 {strides = array<i32>} : memref<256xi32, #tpu.memory_space<vmem>>, vector<16xi32>,
    %swap3A_34 = arith.constant 96 : index
    %swap3A_35 = tpu.vector_load %arg7[%swap3A_34] {strides = array<i32>} : memref<256xi32, #tpu.memory_space<vmem>>, vector<16xi32>,
    tpu.vector_store %arg7[%swap3A_34], %broadcast_in_dim3A_12 {strides = array<i32>} : memref<256xi32, #tpu.memory_space<vmem>>, vector<16xi32>,
    %swap3A_36 = arith.constant 112 : index
    %swap3A_37 = tpu.vector_load %arg7[%swap3A_36] {strides = array<i32>} : memref<256xi32, #tpu.memory_space<vmem>>, vector<16xi32>,
    tpu.vector_store %arg7[%swap3A_36], %broadcast_in_dim3A_12 {strides = array<i32>} : memref<256xi32, #tpu.memory_space<vmem>>, vector<16xi32>,
    %swap3A_38 = arith.constant 128 : index
    %swap3A_39 = tpu.vector_load %arg7[%swap3A_38] {strides = array<i32>} : memref<256xi32, #tpu.memory_space<vmem>>, vector<16xi32>,
    tpu.vector_store %arg7[%swap3A_38], %broadcast_in_dim3A_12 {strides = array<i32>} : memref<256xi32, #tpu.memory_space<vmem>>, vector<16xi32>,
    %swap3A_40 = arith.constant 144 : index
    %swap3A_41 = tpu.vector_load %arg7[%swap3A_40] {strides = array<i32>} : memref<256xi32, #tpu.memory_space<vmem>>, vector<16xi32>,
    tpu.vector_store %arg7[%swap3A_40], %broadcast_in_dim3A_12 {strides = array<i32>} : memref<256xi32, #tpu.memory_space<vmem>>, vector<16xi32>,
    %swap3A_42 = arith.constant 160 : index
    %swap3A_43 = tpu.vector_load %arg7[%swap3A_42] {strides = array<i32>} : memref<256xi32, #tpu.memory_space<vmem>>, vector<16xi32>,
    tpu.vector_store %arg7[%swap3A_42], %broadcast_in_dim3A_12 {strides = array<i32>} : memref<256xi32, #tpu.memory_space<vmem>>, vector<16xi32>,
    %swap3A_44 = arith.constant 176 : index
    %swap3A_45 = tpu.vector_load %arg7[%swap3A_44] {strides = array<i32>} : memref<256xi32, #tpu.memory_space<vmem>>, vector<16xi32>,
    tpu.vector_store %arg7[%swap3A_44], %broadcast_in_dim3A_12 {strides = array<i32>} : memref<256xi32, #tpu.memory_space<vmem>>, vector<16xi32>,
    %swap3A_46 = arith.constant 192 : index
    %swap3A_47 = tpu.vector_load %arg7[%swap3A_46] {strides = array<i32>} : memref<256xi32, #tpu.memory_space<vmem>>, vector<16xi32>,
    tpu.vector_store %arg7[%swap3A_46], %broadcast_in_dim3A_12 {strides = array<i32>} : memref<256xi32, #tpu.memory_space<vmem>>, vector<16xi32>,
    %swap3A_48 = arith.constant 208 : index
    %swap3A_49 = tpu.vector_load %arg7[%swap3A_48] {strides = array<i32>} : memref<256xi32, #tpu.memory_space<vmem>>, vector<16xi32>,
    tpu.vector_store %arg7[%swap3A_48], %broadcast_in_dim3A_12 {strides = array<i32>} : memref<256xi32, #tpu.memory_space<vmem>>, vector<16xi32>,
    %swap3A_50 = arith.constant 224 : index
    %swap3A_51 = tpu.vector_load %arg7[%swap3A_50] {strides = array<i32>} : memref<256xi32, #tpu.memory_space<vmem>>, vector<16xi32>,
    tpu.vector_store %arg7[%swap3A_50], %broadcast_in_dim3A_12 {strides = array<i32>} : memref<256xi32, #tpu.memory_space<vmem>>, vector<16xi32>,
    %swap3A_52 = arith.constant 240 : index
    %swap3A_53 = tpu.vector_load %arg7[%swap3A_52] {strides = array<i32>} : memref<256xi32, #tpu.memory_space<vmem>>, vector<16xi32>,
    tpu.vector_store %arg7[%swap3A_52], %broadcast_in_dim3A_12 {strides = array<i32>} : memref<256xi32, #tpu.memory_space<vmem>>, vector<16xi32>,
    %swap3A_54 = arith.constant 0 : index
    %swap3A_55 = tpu.vector_load %arg8[%swap3A_54] {strides = array<i32>} : memref<256xi32, #tpu.memory_space<vmem>>, vector<16xi32>,
    tpu.vector_store %arg8[%swap3A_54], %broadcast_in_dim3A_12 {strides = array<i32>} : memref<256xi32, #tpu.memory_space<vmem>>, vector<16xi32>,
    %swap3A_56 = arith.constant 16 : index
    %swap3A_57 = tpu.vector_load %arg8[%swap3A_56] {strides = array<i32>} : memref<256xi32, #tpu.memory_space<vmem>>, vector<16xi32>,
    tpu.vector_store %arg8[%swap3A_56], %broadcast_in_dim3A_12 {strides = array<i32>} : memref<256xi32, #tpu.memory_space<vmem>>, vector<16xi32>,
    %swap3A_58 = arith.constant 32 : index
    %swap3A_59 = tpu.vector_load %arg8[%swap3A_58] {strides = array<i32>} : memref<256xi32, #tpu.memory_space<vmem>>, vector<16xi32>,
    tpu.vector_store %arg8[%swap3A_58], %broadcast_in_dim3A_12 {strides = array<i32>} : memref<256xi32, #tpu.memory_space<vmem>>, vector<16xi32>,
    %swap3A_60 = arith.constant 48 : index
    %swap3A_61 = tpu.vector_load %arg8[%swap3A_60] {strides = array<i32>} : memref<256xi32, #tpu.memory_space<vmem>>, vector<16xi32>,
    tpu.vector_store %arg8[%swap3A_60], %broadcast_in_dim3A_12 {strides = array<i32>} : memref<256xi32, #tpu.memory_space<vmem>>, vector<16xi32>,
    %swap3A_62 = arith.constant 64 : index
    %swap3A_63 = tpu.vector_load %arg8[%swap3A_62] {strides = array<i32>} : memref<256xi32, #tpu.memory_space<vmem>>, vector<16xi32>,
    tpu.vector_store %arg8[%swap3A_62], %broadcast_in_dim3A_12 {strides = array<i32>} : memref<256xi32, #tpu.memory_space<vmem>>, vector<16xi32>,
    %swap3A_64 = arith.constant 80 : index
    %swap3A_65 = tpu.vector_load %arg8[%swap3A_64] {strides = array<i32>} : memref<256xi32, #tpu.memory_space<vmem>>, vector<16xi32>,
    tpu.vector_store %arg8[%swap3A_64], %broadcast_in_dim3A_12 {strides = array<i32>} : memref<256xi32, #tpu.memory_space<vmem>>, vector<16xi32>,
    %swap3A_66 = arith.constant 96 : index
    %swap3A_67 = tpu.vector_load %arg8[%swap3A_66] {strides = array<i32>} : memref<256xi32, #tpu.memory_space<vmem>>, vector<16xi32>,
    tpu.vector_store %arg8[%swap3A_66], %broadcast_in_dim3A_12 {strides = array<i32>} : memref<256xi32, #tpu.memory_space<vmem>>, vector<16xi32>,
    %swap3A_68 = arith.constant 112 : index
    %swap3A_69 = tpu.vector_load %arg8[%swap3A_68] {strides = array<i32>} : memref<256xi32, #tpu.memory_space<vmem>>, vector<16xi32>,
    tpu.vector_store %arg8[%swap3A_68], %broadcast_in_dim3A_12 {strides = array<i32>} : memref<256xi32, #tpu.memory_space<vmem>>, vector<16xi32>,
    %swap3A_70 = arith.constant 128 : index
    %swap3A_71 = tpu.vector_load %arg8[%swap3A_70] {strides = array<i32>} : memref<256xi32, #tpu.memory_space<vmem>>, vector<16xi32>,
    tpu.vector_store %arg8[%swap3A_70], %broadcast_in_dim3A_12 {strides = array<i32>} : memref<256xi32, #tpu.memory_space<vmem>>, vector<16xi32>,
    %swap3A_72 = arith.constant 144 : index
    %swap3A_73 = tpu.vector_load %arg8[%swap3A_72] {strides = array<i32>} : memref<256xi32, #tpu.memory_space<vmem>>, vector<16xi32>,
    tpu.vector_store %arg8[%swap3A_72], %broadcast_in_dim3A_12 {strides = array<i32>} : memref<256xi32, #tpu.memory_space<vmem>>, vector<16xi32>,
    %swap3A_74 = arith.constant 160 : index
    %swap3A_75 = tpu.vector_load %arg8[%swap3A_74] {strides = array<i32>} : memref<256xi32, #tpu.memory_space<vmem>>, vector<16xi32>,
    tpu.vector_store %arg8[%swap3A_74], %broadcast_in_dim3A_12 {strides = array<i32>} : memref<256xi32, #tpu.memory_space<vmem>>, vector<16xi32>,
    %swap3A_76 = arith.constant 176 : index
    %swap3A_77 = tpu.vector_load %arg8[%swap3A_76] {strides = array<i32>} : memref<256xi32, #tpu.memory_space<vmem>>, vector<16xi32>,
    tpu.vector_store %arg8[%swap3A_76], %broadcast_in_dim3A_12 {strides = array<i32>} : memref<256xi32, #tpu.memory_space<vmem>>, vector<16xi32>,
    %swap3A_78 = arith.constant 192 : index
    %swap3A_79 = tpu.vector_load %arg8[%swap3A_78] {strides = array<i32>} : memref<256xi32, #tpu.memory_space<vmem>>, vector<16xi32>,
    tpu.vector_store %arg8[%swap3A_78], %broadcast_in_dim3A_12 {strides = array<i32>} : memref<256xi32, #tpu.memory_space<vmem>>, vector<16xi32>,
    %swap3A_80 = arith.constant 208 : index
    %swap3A_81 = tpu.vector_load %arg8[%swap3A_80] {strides = array<i32>} : memref<256xi32, #tpu.memory_space<vmem>>, vector<16xi32>,
    tpu.vector_store %arg8[%swap3A_80], %broadcast_in_dim3A_12 {strides = array<i32>} : memref<256xi32, #tpu.memory_space<vmem>>, vector<16xi32>,
    %swap3A_82 = arith.constant 224 : index
    %swap3A_83 = tpu.vector_load %arg8[%swap3A_82] {strides = array<i32>} : memref<256xi32, #tpu.memory_space<vmem>>, vector<16xi32>,
    tpu.vector_store %arg8[%swap3A_82], %broadcast_in_dim3A_12 {strides = array<i32>} : memref<256xi32, #tpu.memory_space<vmem>>, vector<16xi32>,
    %swap3A_84 = arith.constant 240 : index
    %swap3A_85 = tpu.vector_load %arg8[%swap3A_84] {strides = array<i32>} : memref<256xi32, #tpu.memory_space<vmem>>, vector<16xi32>,
    tpu.vector_store %arg8[%swap3A_84], %broadcast_in_dim3A_12 {strides = array<i32>} : memref<256xi32, #tpu.memory_space<vmem>>, vector<16xi32>,
    %parallel_loop3A = arith.constant 0 : i32
    %parallel_loop3A_86 = arith.constant 512 : i32
    %parallel_loop3A_87 = arith.constant 1 : i32
    %parallel_loop3A_88 = arith.constant -2147483648 : i32
    %parallel_loop3A_89 = arith.constant 0 : i32
    scf.for %parallel_loop3A_1926 = %parallel_loop3A to %parallel_loop3A_86 step %parallel_loop3A_87  : i32 {
      %parallel_loop3A_1927 = arith.constant 16 : i32
      %parallel_loop3A_1928 = arith.muli %parallel_loop3A_1926, %parallel_loop3A_1927 : i32
      %parallel_loop3A_1929 = arith.index_cast %parallel_loop3A_1928 : i32 to index
      %parallel_loop3A_1930 = tpu.vector_load %arg5[%parallel_loop3A_1929] {strides = array<i32>} : memref<8192xi32, #tpu.memory_space<vmem>>, vector<16xi32>,
      %parallel_loop3A_1931 = vector.broadcast %parallel_loop3A_88 : i32 to vector<16xi32>
      %parallel_loop3A_1932 = arith.cmpi eq, %parallel_loop3A_1930, %parallel_loop3A_1931 : vector<16xi32>
      %parallel_loop3A_1933 = vector.broadcast %parallel_loop3A_89 : i32 to vector<16xi32>
      %parallel_loop3A_1934 = arith.select %parallel_loop3A_1932, %parallel_loop3A_1933, %parallel_loop3A_1930 : vector<16xi1>, vector<16xi32>
      %parallel_loop3A_1935 = arith.constant 31 : i32
      %parallel_loop3A_1936 = vector.broadcast %parallel_loop3A_1935 : i32 to vector<16xi32>
      %parallel_loop3A_1937 = arith.shrsi %parallel_loop3A_1934, %parallel_loop3A_1936 : vector<16xi32>
      %parallel_loop3A_1938 = vector.broadcast %parallel_loop3A_88 : i32 to vector<16xi32>
      %parallel_loop3A_1939 = arith.ori %parallel_loop3A_1937, %parallel_loop3A_1938 : vector<16xi32>
      %parallel_loop3A_1940 = arith.xori %parallel_loop3A_1934, %parallel_loop3A_1939 : vector<16xi32>
      %parallel_loop3A_1941 = arith.index_cast %parallel_loop3A_1928 : i32 to index
      %parallel_loop3A_1942 = tpu.vector_load %arg5[%parallel_loop3A_1941] {strides = array<i32>} : memref<8192xi32, #tpu.memory_space<vmem>>, vector<16xi32>,
      tpu.vector_store %arg5[%parallel_loop3A_1941], %parallel_loop3A_1940 {strides = array<i32>} : memref<8192xi32, #tpu.memory_space<vmem>>, vector<16xi32>,
      %parallel_loop3A_1943 = arith.constant 24 : i32
      %parallel_loop3A_1944 = vector.broadcast %parallel_loop3A_1943 : i32 to vector<16xi32>
      %parallel_loop3A_1945 = arith.shrui %parallel_loop3A_1940, %parallel_loop3A_1944 : vector<16xi32>
      tpu.vector_store_idx %arg7[%parallel_loop3A_1945], %broadcast_in_dim3A_14 {add = true} : memref<256xi32, #tpu.memory_space<vmem>>[vector<16xi32>], vector<16xi32>,
      %parallel_loop3A_1946 = arith.index_cast %parallel_loop3A_1928 : i32 to index
      %parallel_loop3A_1947 = tpu.vector_load %arg6[%parallel_loop3A_1946] {strides = array<i32>} : memref<8192xi32, #tpu.memory_space<vmem>>, vector<16xi32>,
      %parallel_loop3A_1948 = vector.broadcast %parallel_loop3A_88 : i32 to vector<16xi32>
      %parallel_loop3A_1949 = arith.cmpi eq, %parallel_loop3A_1947, %parallel_loop3A_1948 : vector<16xi32>
      %parallel_loop3A_1950 = vector.broadcast %parallel_loop3A_89 : i32 to vector<16xi32>
      %parallel_loop3A_1951 = arith.select %parallel_loop3A_1949, %parallel_loop3A_1950, %parallel_loop3A_1947 : vector<16xi1>, vector<16xi32>
      %parallel_loop3A_1952 = arith.constant 31 : i32
      %parallel_loop3A_1953 = vector.broadcast %parallel_loop3A_1952 : i32 to vector<16xi32>
      %parallel_loop3A_1954 = arith.shrsi %parallel_loop3A_1951, %parallel_loop3A_1953 : vector<16xi32>
      %parallel_loop3A_1955 = vector.broadcast %parallel_loop3A_88 : i32 to vector<16xi32>
      %parallel_loop3A_1956 = arith.ori %parallel_loop3A_1954, %parallel_loop3A_1955 : vector<16xi32>
      %parallel_loop3A_1957 = arith.xori %parallel_loop3A_1951, %parallel_loop3A_1956 : vector<16xi32>
      %parallel_loop3A_1958 = arith.index_cast %parallel_loop3A_1928 : i32 to index
      %parallel_loop3A_1959 = tpu.vector_load %arg6[%parallel_loop3A_1958] {strides = array<i32>} : memref<8192xi32, #tpu.memory_space<vmem>>, vector<16xi32>,
      tpu.vector_store %arg6[%parallel_loop3A_1958], %parallel_loop3A_1957 {strides = array<i32>} : memref<8192xi32, #tpu.memory_space<vmem>>, vector<16xi32>,
      %parallel_loop3A_1960 = arith.constant 24 : i32
      %parallel_loop3A_1961 = vector.broadcast %parallel_loop3A_1960 : i32 to vector<16xi32>
      %parallel_loop3A_1962 = arith.shrui %parallel_loop3A_1957, %parallel_loop3A_1961 : vector<16xi32>
      tpu.vector_store_idx %arg8[%parallel_loop3A_1962], %broadcast_in_dim3A_14 {add = true} : memref<256xi32, #tpu.memory_space<vmem>>[vector<16xi32>], vector<16xi32>,
    } {sc.loop_unroll_factor = 4 : i64, sc.parallel_access}
    %get3A = arith.constant 0 : index
    %get3A_90 = tpu.vector_load %arg7[%get3A] {strides = array<i32>} : memref<256xi32, #tpu.memory_space<vmem>>, vector<16xi32>,
    %broadcast_in_dim3A_91 = arith.constant true
    %broadcast_in_dim3A_92 = vector.broadcast %broadcast_in_dim3A_91 : i1 to vector<16xi1>
    %masked_cumsum3A = tpu.scan <sum>, %get3A_90 masked %broadcast_in_dim3A_92 : vector<16xi32>, vector<16xi1> -> vector<16xi32>
    %add3A_93 = arith.constant 0 : i32
    %add3A_94 = vector.broadcast %add3A_93 : i32 to vector<16xi32>
    %add3A_95 = arith.addi %masked_cumsum3A, %add3A_94 : vector<16xi32>
    %swap3A_96 = arith.constant 0 : index
    %swap3A_97 = tpu.vector_load %arg7[%swap3A_96] {strides = array<i32>} : memref<256xi32, #tpu.memory_space<vmem>>, vector<16xi32>,
    tpu.vector_store %arg7[%swap3A_96], %add3A_95 {strides = array<i32>} : memref<256xi32, #tpu.memory_space<vmem>>, vector<16xi32>,
    %slice3A = vector.extract_strided_slice %add3A_95 {offsets = [15], sizes = [1], strides = [1]} : vector<16xi32> to vector<1xi32>
    %squeeze3A = vector.extract %slice3A[0] : i32 from vector<1xi32>
    %lt3A = arith.constant 256 : i32
    %lt3A_98 = vector.broadcast %lt3A : i32 to vector<16xi32>
    %lt3A_99 = arith.cmpi slt, %add3A_95, %lt3A_98 : vector<16xi32>
    %all_reduce_population_count3A = tpu.all_reduce %lt3A_99 {dim = 0 : i64, kind = #tpu.reduction_kind<sum>} : vector<16xi1> -> vector<16xi32>
    %add3A_100 = arith.addi %broadcast_in_dim3A_12, %all_reduce_population_count3A : vector<16xi32>
    %get3A_101 = arith.constant 16 : index
    %get3A_102 = tpu.vector_load %arg7[%get3A_101] {strides = array<i32>} : memref<256xi32, #tpu.memory_space<vmem>>, vector<16xi32>,
    %broadcast_in_dim3A_103 = arith.constant true
    %broadcast_in_dim3A_104 = vector.broadcast %broadcast_in_dim3A_103 : i1 to vector<16xi1>
    %masked_cumsum3A_105 = tpu.scan <sum>, %get3A_102 masked %broadcast_in_dim3A_104 : vector<16xi32>, vector<16xi1> -> vector<16xi32>
    %add3A_106 = vector.broadcast %squeeze3A : i32 to vector<16xi32>
    %add3A_107 = arith.addi %masked_cumsum3A_105, %add3A_106 : vector<16xi32>
    %swap3A_108 = arith.constant 16 : index
    %swap3A_109 = tpu.vector_load %arg7[%swap3A_108] {strides = array<i32>} : memref<256xi32, #tpu.memory_space<vmem>>, vector<16xi32>,
    tpu.vector_store %arg7[%swap3A_108], %add3A_107 {strides = array<i32>} : memref<256xi32, #tpu.memory_space<vmem>>, vector<16xi32>,
    %slice3A_110 = vector.extract_strided_slice %add3A_107 {offsets = [15], sizes = [1], strides = [1]} : vector<16xi32> to vector<1xi32>
    %squeeze3A_111 = vector.extract %slice3A_110[0] : i32 from vector<1xi32>
    %lt3A_112 = arith.constant 256 : i32
    %lt3A_113 = vector.broadcast %lt3A_112 : i32 to vector<16xi32>
    %lt3A_114 = arith.cmpi slt, %add3A_107, %lt3A_113 : vector<16xi32>
    %all_reduce_population_count3A_115 = tpu.all_reduce %lt3A_114 {dim = 0 : i64, kind = #tpu.reduction_kind<sum>} : vector<16xi1> -> vector<16xi32>
    %add3A_116 = arith.addi %add3A_100, %all_reduce_population_count3A_115 : vector<16xi32>
    %get3A_117 = arith.constant 32 : index
    %get3A_118 = tpu.vector_load %arg7[%get3A_117] {strides = array<i32>} : memref<256xi32, #tpu.memory_space<vmem>>, vector<16xi32>,
    %broadcast_in_dim3A_119 = arith.constant true
    %broadcast_in_dim3A_120 = vector.broadcast %broadcast_in_dim3A_119 : i1 to vector<16xi1>
    %masked_cumsum3A_121 = tpu.scan <sum>, %get3A_118 masked %broadcast_in_dim3A_120 : vector<16xi32>, vector<16xi1> -> vector<16xi32>
    %add3A_122 = vector.broadcast %squeeze3A_111 : i32 to vector<16xi32>
    %add3A_123 = arith.addi %masked_cumsum3A_121, %add3A_122 : vector<16xi32>
    %swap3A_124 = arith.constant 32 : index
    %swap3A_125 = tpu.vector_load %arg7[%swap3A_124] {strides = array<i32>} : memref<256xi32, #tpu.memory_space<vmem>>, vector<16xi32>,
    tpu.vector_store %arg7[%swap3A_124], %add3A_123 {strides = array<i32>} : memref<256xi32, #tpu.memory_space<vmem>>, vector<16xi32>,
    %slice3A_126 = vector.extract_strided_slice %add3A_123 {offsets = [15], sizes = [1], strides = [1]} : vector<16xi32> to vector<1xi32>
    %squeeze3A_127 = vector.extract %slice3A_126[0] : i32 from vector<1xi32>
    %lt3A_128 = arith.constant 256 : i32
    %lt3A_129 = vector.broadcast %lt3A_128 : i32 to vector<16xi32>
    %lt3A_130 = arith.cmpi slt, %add3A_123, %lt3A_129 : vector<16xi32>
    %all_reduce_population_count3A_131 = tpu.all_reduce %lt3A_130 {dim = 0 : i64, kind = #tpu.reduction_kind<sum>} : vector<16xi1> -> vector<16xi32>
    %add3A_132 = arith.addi %add3A_116, %all_reduce_population_count3A_131 : vector<16xi32>
    %get3A_133 = arith.constant 48 : index
    %get3A_134 = tpu.vector_load %arg7[%get3A_133] {strides = array<i32>} : memref<256xi32, #tpu.memory_space<vmem>>, vector<16xi32>,
    %broadcast_in_dim3A_135 = arith.constant true
    %broadcast_in_dim3A_136 = vector.broadcast %broadcast_in_dim3A_135 : i1 to vector<16xi1>
    %masked_cumsum3A_137 = tpu.scan <sum>, %get3A_134 masked %broadcast_in_dim3A_136 : vector<16xi32>, vector<16xi1> -> vector<16xi32>
    %add3A_138 = vector.broadcast %squeeze3A_127 : i32 to vector<16xi32>
    %add3A_139 = arith.addi %masked_cumsum3A_137, %add3A_138 : vector<16xi32>
    %swap3A_140 = arith.constant 48 : index
    %swap3A_141 = tpu.vector_load %arg7[%swap3A_140] {strides = array<i32>} : memref<256xi32, #tpu.memory_space<vmem>>, vector<16xi32>,
    tpu.vector_store %arg7[%swap3A_140], %add3A_139 {strides = array<i32>} : memref<256xi32, #tpu.memory_space<vmem>>, vector<16xi32>,
    %slice3A_142 = vector.extract_strided_slice %add3A_139 {offsets = [15], sizes = [1], strides = [1]} : vector<16xi32> to vector<1xi32>
    %squeeze3A_143 = vector.extract %slice3A_142[0] : i32 from vector<1xi32>
    %lt3A_144 = arith.constant 256 : i32
    %lt3A_145 = vector.broadcast %lt3A_144 : i32 to vector<16xi32>
    %lt3A_146 = arith.cmpi slt, %add3A_139, %lt3A_145 : vector<16xi32>
    %all_reduce_population_count3A_147 = tpu.all_reduce %lt3A_146 {dim = 0 : i64, kind = #tpu.reduction_kind<sum>} : vector<16xi1> -> vector<16xi32>
    %add3A_148 = arith.addi %add3A_132, %all_reduce_population_count3A_147 : vector<16xi32>
    %get3A_149 = arith.constant 64 : index
    %get3A_150 = tpu.vector_load %arg7[%get3A_149] {strides = array<i32>} : memref<256xi32, #tpu.memory_space<vmem>>, vector<16xi32>,
    %broadcast_in_dim3A_151 = arith.constant true
    %broadcast_in_dim3A_152 = vector.broadcast %broadcast_in_dim3A_151 : i1 to vector<16xi1>
    %masked_cumsum3A_153 = tpu.scan <sum>, %get3A_150 masked %broadcast_in_dim3A_152 : vector<16xi32>, vector<16xi1> -> vector<16xi32>
    %add3A_154 = vector.broadcast %squeeze3A_143 : i32 to vector<16xi32>
    %add3A_155 = arith.addi %masked_cumsum3A_153, %add3A_154 : vector<16xi32>
    %swap3A_156 = arith.constant 64 : index
    %swap3A_157 = tpu.vector_load %arg7[%swap3A_156] {strides = array<i32>} : memref<256xi32, #tpu.memory_space<vmem>>, vector<16xi32>,
    tpu.vector_store %arg7[%swap3A_156], %add3A_155 {strides = array<i32>} : memref<256xi32, #tpu.memory_space<vmem>>, vector<16xi32>,
    %slice3A_158 = vector.extract_strided_slice %add3A_155 {offsets = [15], sizes = [1], strides = [1]} : vector<16xi32> to vector<1xi32>
    %squeeze3A_159 = vector.extract %slice3A_158[0] : i32 from vector<1xi32>
    %lt3A_160 = arith.constant 256 : i32
    %lt3A_161 = vector.broadcast %lt3A_160 : i32 to vector<16xi32>
    %lt3A_162 = arith.cmpi slt, %add3A_155, %lt3A_161 : vector<16xi32>
    %all_reduce_population_count3A_163 = tpu.all_reduce %lt3A_162 {dim = 0 : i64, kind = #tpu.reduction_kind<sum>} : vector<16xi1> -> vector<16xi32>
    %add3A_164 = arith.addi %add3A_148, %all_reduce_population_count3A_163 : vector<16xi32>
    %get3A_165 = arith.constant 80 : index
    %get3A_166 = tpu.vector_load %arg7[%get3A_165] {strides = array<i32>} : memref<256xi32, #tpu.memory_space<vmem>>, vector<16xi32>,
    %broadcast_in_dim3A_167 = arith.constant true
    %broadcast_in_dim3A_168 = vector.broadcast %broadcast_in_dim3A_167 : i1 to vector<16xi1>
    %masked_cumsum3A_169 = tpu.scan <sum>, %get3A_166 masked %broadcast_in_dim3A_168 : vector<16xi32>, vector<16xi1> -> vector<16xi32>
    %add3A_170 = vector.broadcast %squeeze3A_159 : i32 to vector<16xi32>
    %add3A_171 = arith.addi %masked_cumsum3A_169, %add3A_170 : vector<16xi32>
    %swap3A_172 = arith.constant 80 : index
    %swap3A_173 = tpu.vector_load %arg7[%swap3A_172] {strides = array<i32>} : memref<256xi32, #tpu.memory_space<vmem>>, vector<16xi32>,
    tpu.vector_store %arg7[%swap3A_172], %add3A_171 {strides = array<i32>} : memref<256xi32, #tpu.memory_space<vmem>>, vector<16xi32>,
    %slice3A_174 = vector.extract_strided_slice %add3A_171 {offsets = [15], sizes = [1], strides = [1]} : vector<16xi32> to vector<1xi32>
    %squeeze3A_175 = vector.extract %slice3A_174[0] : i32 from vector<1xi32>
    %lt3A_176 = arith.constant 256 : i32
    %lt3A_177 = vector.broadcast %lt3A_176 : i32 to vector<16xi32>
    %lt3A_178 = arith.cmpi slt, %add3A_171, %lt3A_177 : vector<16xi32>
    %all_reduce_population_count3A_179 = tpu.all_reduce %lt3A_178 {dim = 0 : i64, kind = #tpu.reduction_kind<sum>} : vector<16xi1> -> vector<16xi32>
    %add3A_180 = arith.addi %add3A_164, %all_reduce_population_count3A_179 : vector<16xi32>
    %get3A_181 = arith.constant 96 : index
    %get3A_182 = tpu.vector_load %arg7[%get3A_181] {strides = array<i32>} : memref<256xi32, #tpu.memory_space<vmem>>, vector<16xi32>,
    %broadcast_in_dim3A_183 = arith.constant true
    %broadcast_in_dim3A_184 = vector.broadcast %broadcast_in_dim3A_183 : i1 to vector<16xi1>
    %masked_cumsum3A_185 = tpu.scan <sum>, %get3A_182 masked %broadcast_in_dim3A_184 : vector<16xi32>, vector<16xi1> -> vector<16xi32>
    %add3A_186 = vector.broadcast %squeeze3A_175 : i32 to vector<16xi32>
    %add3A_187 = arith.addi %masked_cumsum3A_185, %add3A_186 : vector<16xi32>
    %swap3A_188 = arith.constant 96 : index
    %swap3A_189 = tpu.vector_load %arg7[%swap3A_188] {strides = array<i32>} : memref<256xi32, #tpu.memory_space<vmem>>, vector<16xi32>,
    tpu.vector_store %arg7[%swap3A_188], %add3A_187 {strides = array<i32>} : memref<256xi32, #tpu.memory_space<vmem>>, vector<16xi32>,
    %slice3A_190 = vector.extract_strided_slice %add3A_187 {offsets = [15], sizes = [1], strides = [1]} : vector<16xi32> to vector<1xi32>
    %squeeze3A_191 = vector.extract %slice3A_190[0] : i32 from vector<1xi32>
    %lt3A_192 = arith.constant 256 : i32
    %lt3A_193 = vector.broadcast %lt3A_192 : i32 to vector<16xi32>
    %lt3A_194 = arith.cmpi slt, %add3A_187, %lt3A_193 : vector<16xi32>
    %all_reduce_population_count3A_195 = tpu.all_reduce %lt3A_194 {dim = 0 : i64, kind = #tpu.reduction_kind<sum>} : vector<16xi1> -> vector<16xi32>
    %add3A_196 = arith.addi %add3A_180, %all_reduce_population_count3A_195 : vector<16xi32>
    %get3A_197 = arith.constant 112 : index
    %get3A_198 = tpu.vector_load %arg7[%get3A_197] {strides = array<i32>} : memref<256xi32, #tpu.memory_space<vmem>>, vector<16xi32>,
    %broadcast_in_dim3A_199 = arith.constant true
    %broadcast_in_dim3A_200 = vector.broadcast %broadcast_in_dim3A_199 : i1 to vector<16xi1>
    %masked_cumsum3A_201 = tpu.scan <sum>, %get3A_198 masked %broadcast_in_dim3A_200 : vector<16xi32>, vector<16xi1> -> vector<16xi32>
    %add3A_202 = vector.broadcast %squeeze3A_191 : i32 to vector<16xi32>
    %add3A_203 = arith.addi %masked_cumsum3A_201, %add3A_202 : vector<16xi32>
    %swap3A_204 = arith.constant 112 : index
    %swap3A_205 = tpu.vector_load %arg7[%swap3A_204] {strides = array<i32>} : memref<256xi32, #tpu.memory_space<vmem>>, vector<16xi32>,
    tpu.vector_store %arg7[%swap3A_204], %add3A_203 {strides = array<i32>} : memref<256xi32, #tpu.memory_space<vmem>>, vector<16xi32>,
    %slice3A_206 = vector.extract_strided_slice %add3A_203 {offsets = [15], sizes = [1], strides = [1]} : vector<16xi32> to vector<1xi32>
    %squeeze3A_207 = vector.extract %slice3A_206[0] : i32 from vector<1xi32>
    %lt3A_208 = arith.constant 256 : i32
    %lt3A_209 = vector.broadcast %lt3A_208 : i32 to vector<16xi32>
    %lt3A_210 = arith.cmpi slt, %add3A_203, %lt3A_209 : vector<16xi32>
    %all_reduce_population_count3A_211 = tpu.all_reduce %lt3A_210 {dim = 0 : i64, kind = #tpu.reduction_kind<sum>} : vector<16xi1> -> vector<16xi32>
    %add3A_212 = arith.addi %add3A_196, %all_reduce_population_count3A_211 : vector<16xi32>
    %get3A_213 = arith.constant 128 : index
    %get3A_214 = tpu.vector_load %arg7[%get3A_213] {strides = array<i32>} : memref<256xi32, #tpu.memory_space<vmem>>, vector<16xi32>,
    %broadcast_in_dim3A_215 = arith.constant true
    %broadcast_in_dim3A_216 = vector.broadcast %broadcast_in_dim3A_215 : i1 to vector<16xi1>
    %masked_cumsum3A_217 = tpu.scan <sum>, %get3A_214 masked %broadcast_in_dim3A_216 : vector<16xi32>, vector<16xi1> -> vector<16xi32>
    %add3A_218 = vector.broadcast %squeeze3A_207 : i32 to vector<16xi32>
    %add3A_219 = arith.addi %masked_cumsum3A_217, %add3A_218 : vector<16xi32>
    %swap3A_220 = arith.constant 128 : index
    %swap3A_221 = tpu.vector_load %arg7[%swap3A_220] {strides = array<i32>} : memref<256xi32, #tpu.memory_space<vmem>>, vector<16xi32>,
    tpu.vector_store %arg7[%swap3A_220], %add3A_219 {strides = array<i32>} : memref<256xi32, #tpu.memory_space<vmem>>, vector<16xi32>,
    %slice3A_222 = vector.extract_strided_slice %add3A_219 {offsets = [15], sizes = [1], strides = [1]} : vector<16xi32> to vector<1xi32>
    %squeeze3A_223 = vector.extract %slice3A_222[0] : i32 from vector<1xi32>
    %lt3A_224 = arith.constant 256 : i32
    %lt3A_225 = vector.broadcast %lt3A_224 : i32 to vector<16xi32>
    %lt3A_226 = arith.cmpi slt, %add3A_219, %lt3A_225 : vector<16xi32>
    %all_reduce_population_count3A_227 = tpu.all_reduce %lt3A_226 {dim = 0 : i64, kind = #tpu.reduction_kind<sum>} : vector<16xi1> -> vector<16xi32>
    %add3A_228 = arith.addi %add3A_212, %all_reduce_population_count3A_227 : vector<16xi32>
    %get3A_229 = arith.constant 144 : index
    %get3A_230 = tpu.vector_load %arg7[%get3A_229] {strides = array<i32>} : memref<256xi32, #tpu.memory_space<vmem>>, vector<16xi32>,
    %broadcast_in_dim3A_231 = arith.constant true
    %broadcast_in_dim3A_232 = vector.broadcast %broadcast_in_dim3A_231 : i1 to vector<16xi1>
    %masked_cumsum3A_233 = tpu.scan <sum>, %get3A_230 masked %broadcast_in_dim3A_232 : vector<16xi32>, vector<16xi1> -> vector<16xi32>
    %add3A_234 = vector.broadcast %squeeze3A_223 : i32 to vector<16xi32>
    %add3A_235 = arith.addi %masked_cumsum3A_233, %add3A_234 : vector<16xi32>
    %swap3A_236 = arith.constant 144 : index
    %swap3A_237 = tpu.vector_load %arg7[%swap3A_236] {strides = array<i32>} : memref<256xi32, #tpu.memory_space<vmem>>, vector<16xi32>,
    tpu.vector_store %arg7[%swap3A_236], %add3A_235 {strides = array<i32>} : memref<256xi32, #tpu.memory_space<vmem>>, vector<16xi32>,
    %slice3A_238 = vector.extract_strided_slice %add3A_235 {offsets = [15], sizes = [1], strides = [1]} : vector<16xi32> to vector<1xi32>
    %squeeze3A_239 = vector.extract %slice3A_238[0] : i32 from vector<1xi32>
    %lt3A_240 = arith.constant 256 : i32
    %lt3A_241 = vector.broadcast %lt3A_240 : i32 to vector<16xi32>
    %lt3A_242 = arith.cmpi slt, %add3A_235, %lt3A_241 : vector<16xi32>
    %all_reduce_population_count3A_243 = tpu.all_reduce %lt3A_242 {dim = 0 : i64, kind = #tpu.reduction_kind<sum>} : vector<16xi1> -> vector<16xi32>
    %add3A_244 = arith.addi %add3A_228, %all_reduce_population_count3A_243 : vector<16xi32>
    %get3A_245 = arith.constant 160 : index
    %get3A_246 = tpu.vector_load %arg7[%get3A_245] {strides = array<i32>} : memref<256xi32, #tpu.memory_space<vmem>>, vector<16xi32>,
    %broadcast_in_dim3A_247 = arith.constant true
    %broadcast_in_dim3A_248 = vector.broadcast %broadcast_in_dim3A_247 : i1 to vector<16xi1>
    %masked_cumsum3A_249 = tpu.scan <sum>, %get3A_246 masked %broadcast_in_dim3A_248 : vector<16xi32>, vector<16xi1> -> vector<16xi32>
    %add3A_250 = vector.broadcast %squeeze3A_239 : i32 to vector<16xi32>
    %add3A_251 = arith.addi %masked_cumsum3A_249, %add3A_250 : vector<16xi32>
    %swap3A_252 = arith.constant 160 : index
    %swap3A_253 = tpu.vector_load %arg7[%swap3A_252] {strides = array<i32>} : memref<256xi32, #tpu.memory_space<vmem>>, vector<16xi32>,
    tpu.vector_store %arg7[%swap3A_252], %add3A_251 {strides = array<i32>} : memref<256xi32, #tpu.memory_space<vmem>>, vector<16xi32>,
    %slice3A_254 = vector.extract_strided_slice %add3A_251 {offsets = [15], sizes = [1], strides = [1]} : vector<16xi32> to vector<1xi32>
    %squeeze3A_255 = vector.extract %slice3A_254[0] : i32 from vector<1xi32>
    %lt3A_256 = arith.constant 256 : i32
    %lt3A_257 = vector.broadcast %lt3A_256 : i32 to vector<16xi32>
    %lt3A_258 = arith.cmpi slt, %add3A_251, %lt3A_257 : vector<16xi32>
    %all_reduce_population_count3A_259 = tpu.all_reduce %lt3A_258 {dim = 0 : i64, kind = #tpu.reduction_kind<sum>} : vector<16xi1> -> vector<16xi32>
    %add3A_260 = arith.addi %add3A_244, %all_reduce_population_count3A_259 : vector<16xi32>
    %get3A_261 = arith.constant 176 : index
    %get3A_262 = tpu.vector_load %arg7[%get3A_261] {strides = array<i32>} : memref<256xi32, #tpu.memory_space<vmem>>, vector<16xi32>,
    %broadcast_in_dim3A_263 = arith.constant true
    %broadcast_in_dim3A_264 = vector.broadcast %broadcast_in_dim3A_263 : i1 to vector<16xi1>
    %masked_cumsum3A_265 = tpu.scan <sum>, %get3A_262 masked %broadcast_in_dim3A_264 : vector<16xi32>, vector<16xi1> -> vector<16xi32>
    %add3A_266 = vector.broadcast %squeeze3A_255 : i32 to vector<16xi32>
    %add3A_267 = arith.addi %masked_cumsum3A_265, %add3A_266 : vector<16xi32>
    %swap3A_268 = arith.constant 176 : index
    %swap3A_269 = tpu.vector_load %arg7[%swap3A_268] {strides = array<i32>} : memref<256xi32, #tpu.memory_space<vmem>>, vector<16xi32>,
    tpu.vector_store %arg7[%swap3A_268], %add3A_267 {strides = array<i32>} : memref<256xi32, #tpu.memory_space<vmem>>, vector<16xi32>,
    %slice3A_270 = vector.extract_strided_slice %add3A_267 {offsets = [15], sizes = [1], strides = [1]} : vector<16xi32> to vector<1xi32>
    %squeeze3A_271 = vector.extract %slice3A_270[0] : i32 from vector<1xi32>
    %lt3A_272 = arith.constant 256 : i32
    %lt3A_273 = vector.broadcast %lt3A_272 : i32 to vector<16xi32>
    %lt3A_274 = arith.cmpi slt, %add3A_267, %lt3A_273 : vector<16xi32>
    %all_reduce_population_count3A_275 = tpu.all_reduce %lt3A_274 {dim = 0 : i64, kind = #tpu.reduction_kind<sum>} : vector<16xi1> -> vector<16xi32>
    %add3A_276 = arith.addi %add3A_260, %all_reduce_population_count3A_275 : vector<16xi32>
    %get3A_277 = arith.constant 192 : index
    %get3A_278 = tpu.vector_load %arg7[%get3A_277] {strides = array<i32>} : memref<256xi32, #tpu.memory_space<vmem>>, vector<16xi32>,
    %broadcast_in_dim3A_279 = arith.constant true
    %broadcast_in_dim3A_280 = vector.broadcast %broadcast_in_dim3A_279 : i1 to vector<16xi1>
    %masked_cumsum3A_281 = tpu.scan <sum>, %get3A_278 masked %broadcast_in_dim3A_280 : vector<16xi32>, vector<16xi1> -> vector<16xi32>
    %add3A_282 = vector.broadcast %squeeze3A_271 : i32 to vector<16xi32>
    %add3A_283 = arith.addi %masked_cumsum3A_281, %add3A_282 : vector<16xi32>
    %swap3A_284 = arith.constant 192 : index
    %swap3A_285 = tpu.vector_load %arg7[%swap3A_284] {strides = array<i32>} : memref<256xi32, #tpu.memory_space<vmem>>, vector<16xi32>,
    tpu.vector_store %arg7[%swap3A_284], %add3A_283 {strides = array<i32>} : memref<256xi32, #tpu.memory_space<vmem>>, vector<16xi32>,
    %slice3A_286 = vector.extract_strided_slice %add3A_283 {offsets = [15], sizes = [1], strides = [1]} : vector<16xi32> to vector<1xi32>
    %squeeze3A_287 = vector.extract %slice3A_286[0] : i32 from vector<1xi32>
    %lt3A_288 = arith.constant 256 : i32
    %lt3A_289 = vector.broadcast %lt3A_288 : i32 to vector<16xi32>
    %lt3A_290 = arith.cmpi slt, %add3A_283, %lt3A_289 : vector<16xi32>
    %all_reduce_population_count3A_291 = tpu.all_reduce %lt3A_290 {dim = 0 : i64, kind = #tpu.reduction_kind<sum>} : vector<16xi1> -> vector<16xi32>
    %add3A_292 = arith.addi %add3A_276, %all_reduce_population_count3A_291 : vector<16xi32>
    %get3A_293 = arith.constant 208 : index
    %get3A_294 = tpu.vector_load %arg7[%get3A_293] {strides = array<i32>} : memref<256xi32, #tpu.memory_space<vmem>>, vector<16xi32>,
    %broadcast_in_dim3A_295 = arith.constant true
    %broadcast_in_dim3A_296 = vector.broadcast %broadcast_in_dim3A_295 : i1 to vector<16xi1>
    %masked_cumsum3A_297 = tpu.scan <sum>, %get3A_294 masked %broadcast_in_dim3A_296 : vector<16xi32>, vector<16xi1> -> vector<16xi32>
    %add3A_298 = vector.broadcast %squeeze3A_287 : i32 to vector<16xi32>
    %add3A_299 = arith.addi %masked_cumsum3A_297, %add3A_298 : vector<16xi32>
    %swap3A_300 = arith.constant 208 : index
    %swap3A_301 = tpu.vector_load %arg7[%swap3A_300] {strides = array<i32>} : memref<256xi32, #tpu.memory_space<vmem>>, vector<16xi32>,
    tpu.vector_store %arg7[%swap3A_300], %add3A_299 {strides = array<i32>} : memref<256xi32, #tpu.memory_space<vmem>>, vector<16xi32>,
    %slice3A_302 = vector.extract_strided_slice %add3A_299 {offsets = [15], sizes = [1], strides = [1]} : vector<16xi32> to vector<1xi32>
    %squeeze3A_303 = vector.extract %slice3A_302[0] : i32 from vector<1xi32>
    %lt3A_304 = arith.constant 256 : i32
    %lt3A_305 = vector.broadcast %lt3A_304 : i32 to vector<16xi32>
    %lt3A_306 = arith.cmpi slt, %add3A_299, %lt3A_305 : vector<16xi32>
    %all_reduce_population_count3A_307 = tpu.all_reduce %lt3A_306 {dim = 0 : i64, kind = #tpu.reduction_kind<sum>} : vector<16xi1> -> vector<16xi32>
    %add3A_308 = arith.addi %add3A_292, %all_reduce_population_count3A_307 : vector<16xi32>
    %get3A_309 = arith.constant 224 : index
    %get3A_310 = tpu.vector_load %arg7[%get3A_309] {strides = array<i32>} : memref<256xi32, #tpu.memory_space<vmem>>, vector<16xi32>,
    %broadcast_in_dim3A_311 = arith.constant true
    %broadcast_in_dim3A_312 = vector.broadcast %broadcast_in_dim3A_311 : i1 to vector<16xi1>
    %masked_cumsum3A_313 = tpu.scan <sum>, %get3A_310 masked %broadcast_in_dim3A_312 : vector<16xi32>, vector<16xi1> -> vector<16xi32>
    %add3A_314 = vector.broadcast %squeeze3A_303 : i32 to vector<16xi32>
    %add3A_315 = arith.addi %masked_cumsum3A_313, %add3A_314 : vector<16xi32>
    %swap3A_316 = arith.constant 224 : index
    %swap3A_317 = tpu.vector_load %arg7[%swap3A_316] {strides = array<i32>} : memref<256xi32, #tpu.memory_space<vmem>>, vector<16xi32>,
    tpu.vector_store %arg7[%swap3A_316], %add3A_315 {strides = array<i32>} : memref<256xi32, #tpu.memory_space<vmem>>, vector<16xi32>,
    %slice3A_318 = vector.extract_strided_slice %add3A_315 {offsets = [15], sizes = [1], strides = [1]} : vector<16xi32> to vector<1xi32>
    %squeeze3A_319 = vector.extract %slice3A_318[0] : i32 from vector<1xi32>
    %lt3A_320 = arith.constant 256 : i32
    %lt3A_321 = vector.broadcast %lt3A_320 : i32 to vector<16xi32>
    %lt3A_322 = arith.cmpi slt, %add3A_315, %lt3A_321 : vector<16xi32>
    %all_reduce_population_count3A_323 = tpu.all_reduce %lt3A_322 {dim = 0 : i64, kind = #tpu.reduction_kind<sum>} : vector<16xi1> -> vector<16xi32>
    %add3A_324 = arith.addi %add3A_308, %all_reduce_population_count3A_323 : vector<16xi32>
    %get3A_325 = arith.constant 240 : index
    %get3A_326 = tpu.vector_load %arg7[%get3A_325] {strides = array<i32>} : memref<256xi32, #tpu.memory_space<vmem>>, vector<16xi32>,
    %broadcast_in_dim3A_327 = arith.constant true
    %broadcast_in_dim3A_328 = vector.broadcast %broadcast_in_dim3A_327 : i1 to vector<16xi1>
    %masked_cumsum3A_329 = tpu.scan <sum>, %get3A_326 masked %broadcast_in_dim3A_328 : vector<16xi32>, vector<16xi1> -> vector<16xi32>
    %add3A_330 = vector.broadcast %squeeze3A_319 : i32 to vector<16xi32>
    %add3A_331 = arith.addi %masked_cumsum3A_329, %add3A_330 : vector<16xi32>
    %swap3A_332 = arith.constant 240 : index
    %swap3A_333 = tpu.vector_load %arg7[%swap3A_332] {strides = array<i32>} : memref<256xi32, #tpu.memory_space<vmem>>, vector<16xi32>,
    tpu.vector_store %arg7[%swap3A_332], %add3A_331 {strides = array<i32>} : memref<256xi32, #tpu.memory_space<vmem>>, vector<16xi32>,
    %slice3A_334 = vector.extract_strided_slice %add3A_331 {offsets = [15], sizes = [1], strides = [1]} : vector<16xi32> to vector<1xi32>
    %squeeze3A_335 = vector.extract %slice3A_334[0] : i32 from vector<1xi32>
    %lt3A_336 = arith.constant 256 : i32
    %lt3A_337 = vector.broadcast %lt3A_336 : i32 to vector<16xi32>
    %lt3A_338 = arith.cmpi slt, %add3A_331, %lt3A_337 : vector<16xi32>
    %all_reduce_population_count3A_339 = tpu.all_reduce %lt3A_338 {dim = 0 : i64, kind = #tpu.reduction_kind<sum>} : vector<16xi1> -> vector<16xi32>
    %add3A_340 = arith.addi %add3A_324, %all_reduce_population_count3A_339 : vector<16xi32>
    %slice3A_341 = vector.extract_strided_slice %add3A_340 {offsets = [0], sizes = [1], strides = [1]} : vector<16xi32> to vector<1xi32>
    %squeeze3A_342 = vector.extract %slice3A_341[0] : i32 from vector<1xi32>
    %sub3A = arith.constant 1 : i32
    %sub3A_343 = arith.subi %squeeze3A_342, %sub3A : i32
    %max3A = arith.constant 0 : i32
    %max3A_344 = arith.maxsi %sub3A_343, %max3A : i32
    %broadcast_in_dim3A_345 = vector.broadcast %max3A_344 : i32 to vector<16xi32>
    %gather3A = tpu.vector_load_idx %arg7[%broadcast_in_dim3A_345] : memref<256xi32, #tpu.memory_space<vmem>>[vector<16xi32>], vector<16xi32>,
    %eq3A = arith.constant 0 : i32
    %eq3A_346 = arith.cmpi eq, %squeeze3A_342, %eq3A : i32
    %slice3A_347 = vector.extract_strided_slice %gather3A {offsets = [0], sizes = [1], strides = [1]} : vector<16xi32> to vector<1xi32>
    %squeeze3A_348 = vector.extract %slice3A_347[0] : i32 from vector<1xi32>
    %jit3A = arith.constant 0 : i32
    %select_n3A = arith.select %eq3A_346, %jit3A, %squeeze3A_348 : i32
    %broadcast_in_dim3A_349 = vector.broadcast %squeeze3A_342 : i32 to vector<16xi32>
    %gather3A_350 = tpu.vector_load_idx %arg7[%broadcast_in_dim3A_349] : memref<256xi32, #tpu.memory_space<vmem>>[vector<16xi32>], vector<16xi32>,
    %slice3A_351 = vector.extract_strided_slice %gather3A_350 {offsets = [0], sizes = [1], strides = [1]} : vector<16xi32> to vector<1xi32>
    %squeeze3A_352 = vector.extract %slice3A_351[0] : i32 from vector<1xi32>
    %sub3A_353 = arith.subi %squeeze3A_352, %select_n3A : i32
    %sub3A_354 = arith.constant 256 : i32
    %sub3A_355 = arith.subi %sub3A_354, %select_n3A : i32
    %get3A_356 = arith.constant 0 : index
    %get3A_357 = tpu.vector_load %arg8[%get3A_356] {strides = array<i32>} : memref<256xi32, #tpu.memory_space<vmem>>, vector<16xi32>,
    %broadcast_in_dim3A_358 = arith.constant true
    %broadcast_in_dim3A_359 = vector.broadcast %broadcast_in_dim3A_358 : i1 to vector<16xi1>
    %masked_cumsum3A_360 = tpu.scan <sum>, %get3A_357 masked %broadcast_in_dim3A_359 : vector<16xi32>, vector<16xi1> -> vector<16xi32>
    %add3A_361 = arith.constant 0 : i32
    %add3A_362 = vector.broadcast %add3A_361 : i32 to vector<16xi32>
    %add3A_363 = arith.addi %masked_cumsum3A_360, %add3A_362 : vector<16xi32>
    %swap3A_364 = arith.constant 0 : index
    %swap3A_365 = tpu.vector_load %arg8[%swap3A_364] {strides = array<i32>} : memref<256xi32, #tpu.memory_space<vmem>>, vector<16xi32>,
    tpu.vector_store %arg8[%swap3A_364], %add3A_363 {strides = array<i32>} : memref<256xi32, #tpu.memory_space<vmem>>, vector<16xi32>,
    %slice3A_366 = vector.extract_strided_slice %add3A_363 {offsets = [15], sizes = [1], strides = [1]} : vector<16xi32> to vector<1xi32>
    %squeeze3A_367 = vector.extract %slice3A_366[0] : i32 from vector<1xi32>
    %lt3A_368 = arith.constant 256 : i32
    %lt3A_369 = vector.broadcast %lt3A_368 : i32 to vector<16xi32>
    %lt3A_370 = arith.cmpi slt, %add3A_363, %lt3A_369 : vector<16xi32>
    %all_reduce_population_count3A_371 = tpu.all_reduce %lt3A_370 {dim = 0 : i64, kind = #tpu.reduction_kind<sum>} : vector<16xi1> -> vector<16xi32>
    %add3A_372 = arith.addi %broadcast_in_dim3A_12, %all_reduce_population_count3A_371 : vector<16xi32>
    %get3A_373 = arith.constant 16 : index
    %get3A_374 = tpu.vector_load %arg8[%get3A_373] {strides = array<i32>} : memref<256xi32, #tpu.memory_space<vmem>>, vector<16xi32>,
    %broadcast_in_dim3A_375 = arith.constant true
    %broadcast_in_dim3A_376 = vector.broadcast %broadcast_in_dim3A_375 : i1 to vector<16xi1>
    %masked_cumsum3A_377 = tpu.scan <sum>, %get3A_374 masked %broadcast_in_dim3A_376 : vector<16xi32>, vector<16xi1> -> vector<16xi32>
    %add3A_378 = vector.broadcast %squeeze3A_367 : i32 to vector<16xi32>
    %add3A_379 = arith.addi %masked_cumsum3A_377, %add3A_378 : vector<16xi32>
    %swap3A_380 = arith.constant 16 : index
    %swap3A_381 = tpu.vector_load %arg8[%swap3A_380] {strides = array<i32>} : memref<256xi32, #tpu.memory_space<vmem>>, vector<16xi32>,
    tpu.vector_store %arg8[%swap3A_380], %add3A_379 {strides = array<i32>} : memref<256xi32, #tpu.memory_space<vmem>>, vector<16xi32>,
    %slice3A_382 = vector.extract_strided_slice %add3A_379 {offsets = [15], sizes = [1], strides = [1]} : vector<16xi32> to vector<1xi32>
    %squeeze3A_383 = vector.extract %slice3A_382[0] : i32 from vector<1xi32>
    %lt3A_384 = arith.constant 256 : i32
    %lt3A_385 = vector.broadcast %lt3A_384 : i32 to vector<16xi32>
    %lt3A_386 = arith.cmpi slt, %add3A_379, %lt3A_385 : vector<16xi32>
    %all_reduce_population_count3A_387 = tpu.all_reduce %lt3A_386 {dim = 0 : i64, kind = #tpu.reduction_kind<sum>} : vector<16xi1> -> vector<16xi32>
    %add3A_388 = arith.addi %add3A_372, %all_reduce_population_count3A_387 : vector<16xi32>
    %get3A_389 = arith.constant 32 : index
    %get3A_390 = tpu.vector_load %arg8[%get3A_389] {strides = array<i32>} : memref<256xi32, #tpu.memory_space<vmem>>, vector<16xi32>,
    %broadcast_in_dim3A_391 = arith.constant true
    %broadcast_in_dim3A_392 = vector.broadcast %broadcast_in_dim3A_391 : i1 to vector<16xi1>
    %masked_cumsum3A_393 = tpu.scan <sum>, %get3A_390 masked %broadcast_in_dim3A_392 : vector<16xi32>, vector<16xi1> -> vector<16xi32>
    %add3A_394 = vector.broadcast %squeeze3A_383 : i32 to vector<16xi32>
    %add3A_395 = arith.addi %masked_cumsum3A_393, %add3A_394 : vector<16xi32>
    %swap3A_396 = arith.constant 32 : index
    %swap3A_397 = tpu.vector_load %arg8[%swap3A_396] {strides = array<i32>} : memref<256xi32, #tpu.memory_space<vmem>>, vector<16xi32>,
    tpu.vector_store %arg8[%swap3A_396], %add3A_395 {strides = array<i32>} : memref<256xi32, #tpu.memory_space<vmem>>, vector<16xi32>,
    %slice3A_398 = vector.extract_strided_slice %add3A_395 {offsets = [15], sizes = [1], strides = [1]} : vector<16xi32> to vector<1xi32>
    %squeeze3A_399 = vector.extract %slice3A_398[0] : i32 from vector<1xi32>
    %lt3A_400 = arith.constant 256 : i32
    %lt3A_401 = vector.broadcast %lt3A_400 : i32 to vector<16xi32>
    %lt3A_402 = arith.cmpi slt, %add3A_395, %lt3A_401 : vector<16xi32>
    %all_reduce_population_count3A_403 = tpu.all_reduce %lt3A_402 {dim = 0 : i64, kind = #tpu.reduction_kind<sum>} : vector<16xi1> -> vector<16xi32>
    %add3A_404 = arith.addi %add3A_388, %all_reduce_population_count3A_403 : vector<16xi32>
    %get3A_405 = arith.constant 48 : index
    %get3A_406 = tpu.vector_load %arg8[%get3A_405] {strides = array<i32>} : memref<256xi32, #tpu.memory_space<vmem>>, vector<16xi32>,
    %broadcast_in_dim3A_407 = arith.constant true
    %broadcast_in_dim3A_408 = vector.broadcast %broadcast_in_dim3A_407 : i1 to vector<16xi1>
    %masked_cumsum3A_409 = tpu.scan <sum>, %get3A_406 masked %broadcast_in_dim3A_408 : vector<16xi32>, vector<16xi1> -> vector<16xi32>
    %add3A_410 = vector.broadcast %squeeze3A_399 : i32 to vector<16xi32>
    %add3A_411 = arith.addi %masked_cumsum3A_409, %add3A_410 : vector<16xi32>
    %swap3A_412 = arith.constant 48 : index
    %swap3A_413 = tpu.vector_load %arg8[%swap3A_412] {strides = array<i32>} : memref<256xi32, #tpu.memory_space<vmem>>, vector<16xi32>,
    tpu.vector_store %arg8[%swap3A_412], %add3A_411 {strides = array<i32>} : memref<256xi32, #tpu.memory_space<vmem>>, vector<16xi32>,
    %slice3A_414 = vector.extract_strided_slice %add3A_411 {offsets = [15], sizes = [1], strides = [1]} : vector<16xi32> to vector<1xi32>
    %squeeze3A_415 = vector.extract %slice3A_414[0] : i32 from vector<1xi32>
    %lt3A_416 = arith.constant 256 : i32
    %lt3A_417 = vector.broadcast %lt3A_416 : i32 to vector<16xi32>
    %lt3A_418 = arith.cmpi slt, %add3A_411, %lt3A_417 : vector<16xi32>
    %all_reduce_population_count3A_419 = tpu.all_reduce %lt3A_418 {dim = 0 : i64, kind = #tpu.reduction_kind<sum>} : vector<16xi1> -> vector<16xi32>
    %add3A_420 = arith.addi %add3A_404, %all_reduce_population_count3A_419 : vector<16xi32>
    %get3A_421 = arith.constant 64 : index
    %get3A_422 = tpu.vector_load %arg8[%get3A_421] {strides = array<i32>} : memref<256xi32, #tpu.memory_space<vmem>>, vector<16xi32>,
    %broadcast_in_dim3A_423 = arith.constant true
    %broadcast_in_dim3A_424 = vector.broadcast %broadcast_in_dim3A_423 : i1 to vector<16xi1>
    %masked_cumsum3A_425 = tpu.scan <sum>, %get3A_422 masked %broadcast_in_dim3A_424 : vector<16xi32>, vector<16xi1> -> vector<16xi32>
    %add3A_426 = vector.broadcast %squeeze3A_415 : i32 to vector<16xi32>
    %add3A_427 = arith.addi %masked_cumsum3A_425, %add3A_426 : vector<16xi32>
    %swap3A_428 = arith.constant 64 : index
    %swap3A_429 = tpu.vector_load %arg8[%swap3A_428] {strides = array<i32>} : memref<256xi32, #tpu.memory_space<vmem>>, vector<16xi32>,
    tpu.vector_store %arg8[%swap3A_428], %add3A_427 {strides = array<i32>} : memref<256xi32, #tpu.memory_space<vmem>>, vector<16xi32>,
    %slice3A_430 = vector.extract_strided_slice %add3A_427 {offsets = [15], sizes = [1], strides = [1]} : vector<16xi32> to vector<1xi32>
    %squeeze3A_431 = vector.extract %slice3A_430[0] : i32 from vector<1xi32>
    %lt3A_432 = arith.constant 256 : i32
    %lt3A_433 = vector.broadcast %lt3A_432 : i32 to vector<16xi32>
    %lt3A_434 = arith.cmpi slt, %add3A_427, %lt3A_433 : vector<16xi32>
    %all_reduce_population_count3A_435 = tpu.all_reduce %lt3A_434 {dim = 0 : i64, kind = #tpu.reduction_kind<sum>} : vector<16xi1> -> vector<16xi32>
    %add3A_436 = arith.addi %add3A_420, %all_reduce_population_count3A_435 : vector<16xi32>
    %get3A_437 = arith.constant 80 : index
    %get3A_438 = tpu.vector_load %arg8[%get3A_437] {strides = array<i32>} : memref<256xi32, #tpu.memory_space<vmem>>, vector<16xi32>,
    %broadcast_in_dim3A_439 = arith.constant true
    %broadcast_in_dim3A_440 = vector.broadcast %broadcast_in_dim3A_439 : i1 to vector<16xi1>
    %masked_cumsum3A_441 = tpu.scan <sum>, %get3A_438 masked %broadcast_in_dim3A_440 : vector<16xi32>, vector<16xi1> -> vector<16xi32>
    %add3A_442 = vector.broadcast %squeeze3A_431 : i32 to vector<16xi32>
    %add3A_443 = arith.addi %masked_cumsum3A_441, %add3A_442 : vector<16xi32>
    %swap3A_444 = arith.constant 80 : index
    %swap3A_445 = tpu.vector_load %arg8[%swap3A_444] {strides = array<i32>} : memref<256xi32, #tpu.memory_space<vmem>>, vector<16xi32>,
    tpu.vector_store %arg8[%swap3A_444], %add3A_443 {strides = array<i32>} : memref<256xi32, #tpu.memory_space<vmem>>, vector<16xi32>,
    %slice3A_446 = vector.extract_strided_slice %add3A_443 {offsets = [15], sizes = [1], strides = [1]} : vector<16xi32> to vector<1xi32>
    %squeeze3A_447 = vector.extract %slice3A_446[0] : i32 from vector<1xi32>
    %lt3A_448 = arith.constant 256 : i32
    %lt3A_449 = vector.broadcast %lt3A_448 : i32 to vector<16xi32>
    %lt3A_450 = arith.cmpi slt, %add3A_443, %lt3A_449 : vector<16xi32>
    %all_reduce_population_count3A_451 = tpu.all_reduce %lt3A_450 {dim = 0 : i64, kind = #tpu.reduction_kind<sum>} : vector<16xi1> -> vector<16xi32>
    %add3A_452 = arith.addi %add3A_436, %all_reduce_population_count3A_451 : vector<16xi32>
    %get3A_453 = arith.constant 96 : index
    %get3A_454 = tpu.vector_load %arg8[%get3A_453] {strides = array<i32>} : memref<256xi32, #tpu.memory_space<vmem>>, vector<16xi32>,
    %broadcast_in_dim3A_455 = arith.constant true
    %broadcast_in_dim3A_456 = vector.broadcast %broadcast_in_dim3A_455 : i1 to vector<16xi1>
    %masked_cumsum3A_457 = tpu.scan <sum>, %get3A_454 masked %broadcast_in_dim3A_456 : vector<16xi32>, vector<16xi1> -> vector<16xi32>
    %add3A_458 = vector.broadcast %squeeze3A_447 : i32 to vector<16xi32>
    %add3A_459 = arith.addi %masked_cumsum3A_457, %add3A_458 : vector<16xi32>
    %swap3A_460 = arith.constant 96 : index
    %swap3A_461 = tpu.vector_load %arg8[%swap3A_460] {strides = array<i32>} : memref<256xi32, #tpu.memory_space<vmem>>, vector<16xi32>,
    tpu.vector_store %arg8[%swap3A_460], %add3A_459 {strides = array<i32>} : memref<256xi32, #tpu.memory_space<vmem>>, vector<16xi32>,
    %slice3A_462 = vector.extract_strided_slice %add3A_459 {offsets = [15], sizes = [1], strides = [1]} : vector<16xi32> to vector<1xi32>
    %squeeze3A_463 = vector.extract %slice3A_462[0] : i32 from vector<1xi32>
    %lt3A_464 = arith.constant 256 : i32
    %lt3A_465 = vector.broadcast %lt3A_464 : i32 to vector<16xi32>
    %lt3A_466 = arith.cmpi slt, %add3A_459, %lt3A_465 : vector<16xi32>
    %all_reduce_population_count3A_467 = tpu.all_reduce %lt3A_466 {dim = 0 : i64, kind = #tpu.reduction_kind<sum>} : vector<16xi1> -> vector<16xi32>
    %add3A_468 = arith.addi %add3A_452, %all_reduce_population_count3A_467 : vector<16xi32>
    %get3A_469 = arith.constant 112 : index
    %get3A_470 = tpu.vector_load %arg8[%get3A_469] {strides = array<i32>} : memref<256xi32, #tpu.memory_space<vmem>>, vector<16xi32>,
    %broadcast_in_dim3A_471 = arith.constant true
    %broadcast_in_dim3A_472 = vector.broadcast %broadcast_in_dim3A_471 : i1 to vector<16xi1>
    %masked_cumsum3A_473 = tpu.scan <sum>, %get3A_470 masked %broadcast_in_dim3A_472 : vector<16xi32>, vector<16xi1> -> vector<16xi32>
    %add3A_474 = vector.broadcast %squeeze3A_463 : i32 to vector<16xi32>
    %add3A_475 = arith.addi %masked_cumsum3A_473, %add3A_474 : vector<16xi32>
    %swap3A_476 = arith.constant 112 : index
    %swap3A_477 = tpu.vector_load %arg8[%swap3A_476] {strides = array<i32>} : memref<256xi32, #tpu.memory_space<vmem>>, vector<16xi32>,
    tpu.vector_store %arg8[%swap3A_476], %add3A_475 {strides = array<i32>} : memref<256xi32, #tpu.memory_space<vmem>>, vector<16xi32>,
    %slice3A_478 = vector.extract_strided_slice %add3A_475 {offsets = [15], sizes = [1], strides = [1]} : vector<16xi32> to vector<1xi32>
    %squeeze3A_479 = vector.extract %slice3A_478[0] : i32 from vector<1xi32>
    %lt3A_480 = arith.constant 256 : i32
    %lt3A_481 = vector.broadcast %lt3A_480 : i32 to vector<16xi32>
    %lt3A_482 = arith.cmpi slt, %add3A_475, %lt3A_481 : vector<16xi32>
    %all_reduce_population_count3A_483 = tpu.all_reduce %lt3A_482 {dim = 0 : i64, kind = #tpu.reduction_kind<sum>} : vector<16xi1> -> vector<16xi32>
    %add3A_484 = arith.addi %add3A_468, %all_reduce_population_count3A_483 : vector<16xi32>
    %get3A_485 = arith.constant 128 : index
    %get3A_486 = tpu.vector_load %arg8[%get3A_485] {strides = array<i32>} : memref<256xi32, #tpu.memory_space<vmem>>, vector<16xi32>,
    %broadcast_in_dim3A_487 = arith.constant true
    %broadcast_in_dim3A_488 = vector.broadcast %broadcast_in_dim3A_487 : i1 to vector<16xi1>
    %masked_cumsum3A_489 = tpu.scan <sum>, %get3A_486 masked %broadcast_in_dim3A_488 : vector<16xi32>, vector<16xi1> -> vector<16xi32>
    %add3A_490 = vector.broadcast %squeeze3A_479 : i32 to vector<16xi32>
    %add3A_491 = arith.addi %masked_cumsum3A_489, %add3A_490 : vector<16xi32>
    %swap3A_492 = arith.constant 128 : index
    %swap3A_493 = tpu.vector_load %arg8[%swap3A_492] {strides = array<i32>} : memref<256xi32, #tpu.memory_space<vmem>>, vector<16xi32>,
    tpu.vector_store %arg8[%swap3A_492], %add3A_491 {strides = array<i32>} : memref<256xi32, #tpu.memory_space<vmem>>, vector<16xi32>,
    %slice3A_494 = vector.extract_strided_slice %add3A_491 {offsets = [15], sizes = [1], strides = [1]} : vector<16xi32> to vector<1xi32>
    %squeeze3A_495 = vector.extract %slice3A_494[0] : i32 from vector<1xi32>
    %lt3A_496 = arith.constant 256 : i32
    %lt3A_497 = vector.broadcast %lt3A_496 : i32 to vector<16xi32>
    %lt3A_498 = arith.cmpi slt, %add3A_491, %lt3A_497 : vector<16xi32>
    %all_reduce_population_count3A_499 = tpu.all_reduce %lt3A_498 {dim = 0 : i64, kind = #tpu.reduction_kind<sum>} : vector<16xi1> -> vector<16xi32>
    %add3A_500 = arith.addi %add3A_484, %all_reduce_population_count3A_499 : vector<16xi32>
    %get3A_501 = arith.constant 144 : index
    %get3A_502 = tpu.vector_load %arg8[%get3A_501] {strides = array<i32>} : memref<256xi32, #tpu.memory_space<vmem>>, vector<16xi32>,
    %broadcast_in_dim3A_503 = arith.constant true
    %broadcast_in_dim3A_504 = vector.broadcast %broadcast_in_dim3A_503 : i1 to vector<16xi1>
    %masked_cumsum3A_505 = tpu.scan <sum>, %get3A_502 masked %broadcast_in_dim3A_504 : vector<16xi32>, vector<16xi1> -> vector<16xi32>
    %add3A_506 = vector.broadcast %squeeze3A_495 : i32 to vector<16xi32>
    %add3A_507 = arith.addi %masked_cumsum3A_505, %add3A_506 : vector<16xi32>
    %swap3A_508 = arith.constant 144 : index
    %swap3A_509 = tpu.vector_load %arg8[%swap3A_508] {strides = array<i32>} : memref<256xi32, #tpu.memory_space<vmem>>, vector<16xi32>,
    tpu.vector_store %arg8[%swap3A_508], %add3A_507 {strides = array<i32>} : memref<256xi32, #tpu.memory_space<vmem>>, vector<16xi32>,
    %slice3A_510 = vector.extract_strided_slice %add3A_507 {offsets = [15], sizes = [1], strides = [1]} : vector<16xi32> to vector<1xi32>
    %squeeze3A_511 = vector.extract %slice3A_510[0] : i32 from vector<1xi32>
    %lt3A_512 = arith.constant 256 : i32
    %lt3A_513 = vector.broadcast %lt3A_512 : i32 to vector<16xi32>
    %lt3A_514 = arith.cmpi slt, %add3A_507, %lt3A_513 : vector<16xi32>
    %all_reduce_population_count3A_515 = tpu.all_reduce %lt3A_514 {dim = 0 : i64, kind = #tpu.reduction_kind<sum>} : vector<16xi1> -> vector<16xi32>
    %add3A_516 = arith.addi %add3A_500, %all_reduce_population_count3A_515 : vector<16xi32>
    %get3A_517 = arith.constant 160 : index
    %get3A_518 = tpu.vector_load %arg8[%get3A_517] {strides = array<i32>} : memref<256xi32, #tpu.memory_space<vmem>>, vector<16xi32>,
    %broadcast_in_dim3A_519 = arith.constant true
    %broadcast_in_dim3A_520 = vector.broadcast %broadcast_in_dim3A_519 : i1 to vector<16xi1>
    %masked_cumsum3A_521 = tpu.scan <sum>, %get3A_518 masked %broadcast_in_dim3A_520 : vector<16xi32>, vector<16xi1> -> vector<16xi32>
    %add3A_522 = vector.broadcast %squeeze3A_511 : i32 to vector<16xi32>
    %add3A_523 = arith.addi %masked_cumsum3A_521, %add3A_522 : vector<16xi32>
    %swap3A_524 = arith.constant 160 : index
    %swap3A_525 = tpu.vector_load %arg8[%swap3A_524] {strides = array<i32>} : memref<256xi32, #tpu.memory_space<vmem>>, vector<16xi32>,
    tpu.vector_store %arg8[%swap3A_524], %add3A_523 {strides = array<i32>} : memref<256xi32, #tpu.memory_space<vmem>>, vector<16xi32>,
    %slice3A_526 = vector.extract_strided_slice %add3A_523 {offsets = [15], sizes = [1], strides = [1]} : vector<16xi32> to vector<1xi32>
    %squeeze3A_527 = vector.extract %slice3A_526[0] : i32 from vector<1xi32>
    %lt3A_528 = arith.constant 256 : i32
    %lt3A_529 = vector.broadcast %lt3A_528 : i32 to vector<16xi32>
    %lt3A_530 = arith.cmpi slt, %add3A_523, %lt3A_529 : vector<16xi32>
    %all_reduce_population_count3A_531 = tpu.all_reduce %lt3A_530 {dim = 0 : i64, kind = #tpu.reduction_kind<sum>} : vector<16xi1> -> vector<16xi32>
    %add3A_532 = arith.addi %add3A_516, %all_reduce_population_count3A_531 : vector<16xi32>
    %get3A_533 = arith.constant 176 : index
    %get3A_534 = tpu.vector_load %arg8[%get3A_533] {strides = array<i32>} : memref<256xi32, #tpu.memory_space<vmem>>, vector<16xi32>,
    %broadcast_in_dim3A_535 = arith.constant true
    %broadcast_in_dim3A_536 = vector.broadcast %broadcast_in_dim3A_535 : i1 to vector<16xi1>
    %masked_cumsum3A_537 = tpu.scan <sum>, %get3A_534 masked %broadcast_in_dim3A_536 : vector<16xi32>, vector<16xi1> -> vector<16xi32>
    %add3A_538 = vector.broadcast %squeeze3A_527 : i32 to vector<16xi32>
    %add3A_539 = arith.addi %masked_cumsum3A_537, %add3A_538 : vector<16xi32>
    %swap3A_540 = arith.constant 176 : index
    %swap3A_541 = tpu.vector_load %arg8[%swap3A_540] {strides = array<i32>} : memref<256xi32, #tpu.memory_space<vmem>>, vector<16xi32>,
    tpu.vector_store %arg8[%swap3A_540], %add3A_539 {strides = array<i32>} : memref<256xi32, #tpu.memory_space<vmem>>, vector<16xi32>,
    %slice3A_542 = vector.extract_strided_slice %add3A_539 {offsets = [15], sizes = [1], strides = [1]} : vector<16xi32> to vector<1xi32>
    %squeeze3A_543 = vector.extract %slice3A_542[0] : i32 from vector<1xi32>
    %lt3A_544 = arith.constant 256 : i32
    %lt3A_545 = vector.broadcast %lt3A_544 : i32 to vector<16xi32>
    %lt3A_546 = arith.cmpi slt, %add3A_539, %lt3A_545 : vector<16xi32>
    %all_reduce_population_count3A_547 = tpu.all_reduce %lt3A_546 {dim = 0 : i64, kind = #tpu.reduction_kind<sum>} : vector<16xi1> -> vector<16xi32>
    %add3A_548 = arith.addi %add3A_532, %all_reduce_population_count3A_547 : vector<16xi32>
    %get3A_549 = arith.constant 192 : index
    %get3A_550 = tpu.vector_load %arg8[%get3A_549] {strides = array<i32>} : memref<256xi32, #tpu.memory_space<vmem>>, vector<16xi32>,
    %broadcast_in_dim3A_551 = arith.constant true
    %broadcast_in_dim3A_552 = vector.broadcast %broadcast_in_dim3A_551 : i1 to vector<16xi1>
    %masked_cumsum3A_553 = tpu.scan <sum>, %get3A_550 masked %broadcast_in_dim3A_552 : vector<16xi32>, vector<16xi1> -> vector<16xi32>
    %add3A_554 = vector.broadcast %squeeze3A_543 : i32 to vector<16xi32>
    %add3A_555 = arith.addi %masked_cumsum3A_553, %add3A_554 : vector<16xi32>
    %swap3A_556 = arith.constant 192 : index
    %swap3A_557 = tpu.vector_load %arg8[%swap3A_556] {strides = array<i32>} : memref<256xi32, #tpu.memory_space<vmem>>, vector<16xi32>,
    tpu.vector_store %arg8[%swap3A_556], %add3A_555 {strides = array<i32>} : memref<256xi32, #tpu.memory_space<vmem>>, vector<16xi32>,
    %slice3A_558 = vector.extract_strided_slice %add3A_555 {offsets = [15], sizes = [1], strides = [1]} : vector<16xi32> to vector<1xi32>
    %squeeze3A_559 = vector.extract %slice3A_558[0] : i32 from vector<1xi32>
    %lt3A_560 = arith.constant 256 : i32
    %lt3A_561 = vector.broadcast %lt3A_560 : i32 to vector<16xi32>
    %lt3A_562 = arith.cmpi slt, %add3A_555, %lt3A_561 : vector<16xi32>
    %all_reduce_population_count3A_563 = tpu.all_reduce %lt3A_562 {dim = 0 : i64, kind = #tpu.reduction_kind<sum>} : vector<16xi1> -> vector<16xi32>
    %add3A_564 = arith.addi %add3A_548, %all_reduce_population_count3A_563 : vector<16xi32>
    %get3A_565 = arith.constant 208 : index
    %get3A_566 = tpu.vector_load %arg8[%get3A_565] {strides = array<i32>} : memref<256xi32, #tpu.memory_space<vmem>>, vector<16xi32>,
    %broadcast_in_dim3A_567 = arith.constant true
    %broadcast_in_dim3A_568 = vector.broadcast %broadcast_in_dim3A_567 : i1 to vector<16xi1>
    %masked_cumsum3A_569 = tpu.scan <sum>, %get3A_566 masked %broadcast_in_dim3A_568 : vector<16xi32>, vector<16xi1> -> vector<16xi32>
    %add3A_570 = vector.broadcast %squeeze3A_559 : i32 to vector<16xi32>
    %add3A_571 = arith.addi %masked_cumsum3A_569, %add3A_570 : vector<16xi32>
    %swap3A_572 = arith.constant 208 : index
    %swap3A_573 = tpu.vector_load %arg8[%swap3A_572] {strides = array<i32>} : memref<256xi32, #tpu.memory_space<vmem>>, vector<16xi32>,
    tpu.vector_store %arg8[%swap3A_572], %add3A_571 {strides = array<i32>} : memref<256xi32, #tpu.memory_space<vmem>>, vector<16xi32>,
    %slice3A_574 = vector.extract_strided_slice %add3A_571 {offsets = [15], sizes = [1], strides = [1]} : vector<16xi32> to vector<1xi32>
    %squeeze3A_575 = vector.extract %slice3A_574[0] : i32 from vector<1xi32>
    %lt3A_576 = arith.constant 256 : i32
    %lt3A_577 = vector.broadcast %lt3A_576 : i32 to vector<16xi32>
    %lt3A_578 = arith.cmpi slt, %add3A_571, %lt3A_577 : vector<16xi32>
    %all_reduce_population_count3A_579 = tpu.all_reduce %lt3A_578 {dim = 0 : i64, kind = #tpu.reduction_kind<sum>} : vector<16xi1> -> vector<16xi32>
    %add3A_580 = arith.addi %add3A_564, %all_reduce_population_count3A_579 : vector<16xi32>
    %get3A_581 = arith.constant 224 : index
    %get3A_582 = tpu.vector_load %arg8[%get3A_581] {strides = array<i32>} : memref<256xi32, #tpu.memory_space<vmem>>, vector<16xi32>,
    %broadcast_in_dim3A_583 = arith.constant true
    %broadcast_in_dim3A_584 = vector.broadcast %broadcast_in_dim3A_583 : i1 to vector<16xi1>
    %masked_cumsum3A_585 = tpu.scan <sum>, %get3A_582 masked %broadcast_in_dim3A_584 : vector<16xi32>, vector<16xi1> -> vector<16xi32>
    %add3A_586 = vector.broadcast %squeeze3A_575 : i32 to vector<16xi32>
    %add3A_587 = arith.addi %masked_cumsum3A_585, %add3A_586 : vector<16xi32>
    %swap3A_588 = arith.constant 224 : index
    %swap3A_589 = tpu.vector_load %arg8[%swap3A_588] {strides = array<i32>} : memref<256xi32, #tpu.memory_space<vmem>>, vector<16xi32>,
    tpu.vector_store %arg8[%swap3A_588], %add3A_587 {strides = array<i32>} : memref<256xi32, #tpu.memory_space<vmem>>, vector<16xi32>,
    %slice3A_590 = vector.extract_strided_slice %add3A_587 {offsets = [15], sizes = [1], strides = [1]} : vector<16xi32> to vector<1xi32>
    %squeeze3A_591 = vector.extract %slice3A_590[0] : i32 from vector<1xi32>
    %lt3A_592 = arith.constant 256 : i32
    %lt3A_593 = vector.broadcast %lt3A_592 : i32 to vector<16xi32>
    %lt3A_594 = arith.cmpi slt, %add3A_587, %lt3A_593 : vector<16xi32>
    %all_reduce_population_count3A_595 = tpu.all_reduce %lt3A_594 {dim = 0 : i64, kind = #tpu.reduction_kind<sum>} : vector<16xi1> -> vector<16xi32>
    %add3A_596 = arith.addi %add3A_580, %all_reduce_population_count3A_595 : vector<16xi32>
    %get3A_597 = arith.constant 240 : index
    %get3A_598 = tpu.vector_load %arg8[%get3A_597] {strides = array<i32>} : memref<256xi32, #tpu.memory_space<vmem>>, vector<16xi32>,
    %broadcast_in_dim3A_599 = arith.constant true
    %broadcast_in_dim3A_600 = vector.broadcast %broadcast_in_dim3A_599 : i1 to vector<16xi1>
    %masked_cumsum3A_601 = tpu.scan <sum>, %get3A_598 masked %broadcast_in_dim3A_600 : vector<16xi32>, vector<16xi1> -> vector<16xi32>
    %add3A_602 = vector.broadcast %squeeze3A_591 : i32 to vector<16xi32>
    %add3A_603 = arith.addi %masked_cumsum3A_601, %add3A_602 : vector<16xi32>
    %swap3A_604 = arith.constant 240 : index
    %swap3A_605 = tpu.vector_load %arg8[%swap3A_604] {strides = array<i32>} : memref<256xi32, #tpu.memory_space<vmem>>, vector<16xi32>,
    tpu.vector_store %arg8[%swap3A_604], %add3A_603 {strides = array<i32>} : memref<256xi32, #tpu.memory_space<vmem>>, vector<16xi32>,
    %slice3A_606 = vector.extract_strided_slice %add3A_603 {offsets = [15], sizes = [1], strides = [1]} : vector<16xi32> to vector<1xi32>
    %squeeze3A_607 = vector.extract %slice3A_606[0] : i32 from vector<1xi32>
    %lt3A_608 = arith.constant 256 : i32
    %lt3A_609 = vector.broadcast %lt3A_608 : i32 to vector<16xi32>
    %lt3A_610 = arith.cmpi slt, %add3A_603, %lt3A_609 : vector<16xi32>
    %all_reduce_population_count3A_611 = tpu.all_reduce %lt3A_610 {dim = 0 : i64, kind = #tpu.reduction_kind<sum>} : vector<16xi1> -> vector<16xi32>
    %add3A_612 = arith.addi %add3A_596, %all_reduce_population_count3A_611 : vector<16xi32>
    %slice3A_613 = vector.extract_strided_slice %add3A_612 {offsets = [0], sizes = [1], strides = [1]} : vector<16xi32> to vector<1xi32>
    %squeeze3A_614 = vector.extract %slice3A_613[0] : i32 from vector<1xi32>
    %sub3A_615 = arith.constant 1 : i32
    %sub3A_616 = arith.subi %squeeze3A_614, %sub3A_615 : i32
    %max3A_617 = arith.constant 0 : i32
    %max3A_618 = arith.maxsi %sub3A_616, %max3A_617 : i32
    %broadcast_in_dim3A_619 = vector.broadcast %max3A_618 : i32 to vector<16xi32>
    %gather3A_620 = tpu.vector_load_idx %arg8[%broadcast_in_dim3A_619] : memref<256xi32, #tpu.memory_space<vmem>>[vector<16xi32>], vector<16xi32>,
    %eq3A_621 = arith.constant 0 : i32
    %eq3A_622 = arith.cmpi eq, %squeeze3A_614, %eq3A_621 : i32
    %slice3A_623 = vector.extract_strided_slice %gather3A_620 {offsets = [0], sizes = [1], strides = [1]} : vector<16xi32> to vector<1xi32>
    %squeeze3A_624 = vector.extract %slice3A_623[0] : i32 from vector<1xi32>
    %jit3A_625 = arith.constant 0 : i32
    %select_n3A_626 = arith.select %eq3A_622, %jit3A_625, %squeeze3A_624 : i32
    %broadcast_in_dim3A_627 = vector.broadcast %squeeze3A_614 : i32 to vector<16xi32>
    %gather3A_628 = tpu.vector_load_idx %arg8[%broadcast_in_dim3A_627] : memref<256xi32, #tpu.memory_space<vmem>>[vector<16xi32>], vector<16xi32>,
    %slice3A_629 = vector.extract_strided_slice %gather3A_628 {offsets = [0], sizes = [1], strides = [1]} : vector<16xi32> to vector<1xi32>
    %squeeze3A_630 = vector.extract %slice3A_629[0] : i32 from vector<1xi32>
    %sub3A_631 = arith.subi %squeeze3A_630, %select_n3A_626 : i32
    %sub3A_632 = arith.constant 256 : i32
    %sub3A_633 = arith.subi %sub3A_632, %select_n3A_626 : i32
    %swap3A_634 = arith.constant 0 : index
    %swap3A_635 = tpu.vector_load %arg7[%swap3A_634] {strides = array<i32>} : memref<256xi32, #tpu.memory_space<vmem>>, vector<16xi32>,
    tpu.vector_store %arg7[%swap3A_634], %broadcast_in_dim3A_12 {strides = array<i32>} : memref<256xi32, #tpu.memory_space<vmem>>, vector<16xi32>,
    %swap3A_636 = arith.constant 16 : index
    %swap3A_637 = tpu.vector_load %arg7[%swap3A_636] {strides = array<i32>} : memref<256xi32, #tpu.memory_space<vmem>>, vector<16xi32>,
    tpu.vector_store %arg7[%swap3A_636], %broadcast_in_dim3A_12 {strides = array<i32>} : memref<256xi32, #tpu.memory_space<vmem>>, vector<16xi32>,
    %swap3A_638 = arith.constant 32 : index
    %swap3A_639 = tpu.vector_load %arg7[%swap3A_638] {strides = array<i32>} : memref<256xi32, #tpu.memory_space<vmem>>, vector<16xi32>,
    tpu.vector_store %arg7[%swap3A_638], %broadcast_in_dim3A_12 {strides = array<i32>} : memref<256xi32, #tpu.memory_space<vmem>>, vector<16xi32>,
    %swap3A_640 = arith.constant 48 : index
    %swap3A_641 = tpu.vector_load %arg7[%swap3A_640] {strides = array<i32>} : memref<256xi32, #tpu.memory_space<vmem>>, vector<16xi32>,
    tpu.vector_store %arg7[%swap3A_640], %broadcast_in_dim3A_12 {strides = array<i32>} : memref<256xi32, #tpu.memory_space<vmem>>, vector<16xi32>,
    %swap3A_642 = arith.constant 64 : index
    %swap3A_643 = tpu.vector_load %arg7[%swap3A_642] {strides = array<i32>} : memref<256xi32, #tpu.memory_space<vmem>>, vector<16xi32>,
    tpu.vector_store %arg7[%swap3A_642], %broadcast_in_dim3A_12 {strides = array<i32>} : memref<256xi32, #tpu.memory_space<vmem>>, vector<16xi32>,
    %swap3A_644 = arith.constant 80 : index
    %swap3A_645 = tpu.vector_load %arg7[%swap3A_644] {strides = array<i32>} : memref<256xi32, #tpu.memory_space<vmem>>, vector<16xi32>,
    tpu.vector_store %arg7[%swap3A_644], %broadcast_in_dim3A_12 {strides = array<i32>} : memref<256xi32, #tpu.memory_space<vmem>>, vector<16xi32>,
    %swap3A_646 = arith.constant 96 : index
    %swap3A_647 = tpu.vector_load %arg7[%swap3A_646] {strides = array<i32>} : memref<256xi32, #tpu.memory_space<vmem>>, vector<16xi32>,
    tpu.vector_store %arg7[%swap3A_646], %broadcast_in_dim3A_12 {strides = array<i32>} : memref<256xi32, #tpu.memory_space<vmem>>, vector<16xi32>,
    %swap3A_648 = arith.constant 112 : index
    %swap3A_649 = tpu.vector_load %arg7[%swap3A_648] {strides = array<i32>} : memref<256xi32, #tpu.memory_space<vmem>>, vector<16xi32>,
    tpu.vector_store %arg7[%swap3A_648], %broadcast_in_dim3A_12 {strides = array<i32>} : memref<256xi32, #tpu.memory_space<vmem>>, vector<16xi32>,
    %swap3A_650 = arith.constant 128 : index
    %swap3A_651 = tpu.vector_load %arg7[%swap3A_650] {strides = array<i32>} : memref<256xi32, #tpu.memory_space<vmem>>, vector<16xi32>,
    tpu.vector_store %arg7[%swap3A_650], %broadcast_in_dim3A_12 {strides = array<i32>} : memref<256xi32, #tpu.memory_space<vmem>>, vector<16xi32>,
    %swap3A_652 = arith.constant 144 : index
    %swap3A_653 = tpu.vector_load %arg7[%swap3A_652] {strides = array<i32>} : memref<256xi32, #tpu.memory_space<vmem>>, vector<16xi32>,
    tpu.vector_store %arg7[%swap3A_652], %broadcast_in_dim3A_12 {strides = array<i32>} : memref<256xi32, #tpu.memory_space<vmem>>, vector<16xi32>,
    %swap3A_654 = arith.constant 160 : index
    %swap3A_655 = tpu.vector_load %arg7[%swap3A_654] {strides = array<i32>} : memref<256xi32, #tpu.memory_space<vmem>>, vector<16xi32>,
    tpu.vector_store %arg7[%swap3A_654], %broadcast_in_dim3A_12 {strides = array<i32>} : memref<256xi32, #tpu.memory_space<vmem>>, vector<16xi32>,
    %swap3A_656 = arith.constant 176 : index
    %swap3A_657 = tpu.vector_load %arg7[%swap3A_656] {strides = array<i32>} : memref<256xi32, #tpu.memory_space<vmem>>, vector<16xi32>,
    tpu.vector_store %arg7[%swap3A_656], %broadcast_in_dim3A_12 {strides = array<i32>} : memref<256xi32, #tpu.memory_space<vmem>>, vector<16xi32>,
    %swap3A_658 = arith.constant 192 : index
    %swap3A_659 = tpu.vector_load %arg7[%swap3A_658] {strides = array<i32>} : memref<256xi32, #tpu.memory_space<vmem>>, vector<16xi32>,
    tpu.vector_store %arg7[%swap3A_658], %broadcast_in_dim3A_12 {strides = array<i32>} : memref<256xi32, #tpu.memory_space<vmem>>, vector<16xi32>,
    %swap3A_660 = arith.constant 208 : index
    %swap3A_661 = tpu.vector_load %arg7[%swap3A_660] {strides = array<i32>} : memref<256xi32, #tpu.memory_space<vmem>>, vector<16xi32>,
    tpu.vector_store %arg7[%swap3A_660], %broadcast_in_dim3A_12 {strides = array<i32>} : memref<256xi32, #tpu.memory_space<vmem>>, vector<16xi32>,
    %swap3A_662 = arith.constant 224 : index
    %swap3A_663 = tpu.vector_load %arg7[%swap3A_662] {strides = array<i32>} : memref<256xi32, #tpu.memory_space<vmem>>, vector<16xi32>,
    tpu.vector_store %arg7[%swap3A_662], %broadcast_in_dim3A_12 {strides = array<i32>} : memref<256xi32, #tpu.memory_space<vmem>>, vector<16xi32>,
    %swap3A_664 = arith.constant 240 : index
    %swap3A_665 = tpu.vector_load %arg7[%swap3A_664] {strides = array<i32>} : memref<256xi32, #tpu.memory_space<vmem>>, vector<16xi32>,
    tpu.vector_store %arg7[%swap3A_664], %broadcast_in_dim3A_12 {strides = array<i32>} : memref<256xi32, #tpu.memory_space<vmem>>, vector<16xi32>,
    %swap3A_666 = arith.constant 0 : index
    %swap3A_667 = tpu.vector_load %arg8[%swap3A_666] {strides = array<i32>} : memref<256xi32, #tpu.memory_space<vmem>>, vector<16xi32>,
    tpu.vector_store %arg8[%swap3A_666], %broadcast_in_dim3A_12 {strides = array<i32>} : memref<256xi32, #tpu.memory_space<vmem>>, vector<16xi32>,
    %swap3A_668 = arith.constant 16 : index
    %swap3A_669 = tpu.vector_load %arg8[%swap3A_668] {strides = array<i32>} : memref<256xi32, #tpu.memory_space<vmem>>, vector<16xi32>,
    tpu.vector_store %arg8[%swap3A_668], %broadcast_in_dim3A_12 {strides = array<i32>} : memref<256xi32, #tpu.memory_space<vmem>>, vector<16xi32>,
    %swap3A_670 = arith.constant 32 : index
    %swap3A_671 = tpu.vector_load %arg8[%swap3A_670] {strides = array<i32>} : memref<256xi32, #tpu.memory_space<vmem>>, vector<16xi32>,
    tpu.vector_store %arg8[%swap3A_670], %broadcast_in_dim3A_12 {strides = array<i32>} : memref<256xi32, #tpu.memory_space<vmem>>, vector<16xi32>,
    %swap3A_672 = arith.constant 48 : index
    %swap3A_673 = tpu.vector_load %arg8[%swap3A_672] {strides = array<i32>} : memref<256xi32, #tpu.memory_space<vmem>>, vector<16xi32>,
    tpu.vector_store %arg8[%swap3A_672], %broadcast_in_dim3A_12 {strides = array<i32>} : memref<256xi32, #tpu.memory_space<vmem>>, vector<16xi32>,
    %swap3A_674 = arith.constant 64 : index
    %swap3A_675 = tpu.vector_load %arg8[%swap3A_674] {strides = array<i32>} : memref<256xi32, #tpu.memory_space<vmem>>, vector<16xi32>,
    tpu.vector_store %arg8[%swap3A_674], %broadcast_in_dim3A_12 {strides = array<i32>} : memref<256xi32, #tpu.memory_space<vmem>>, vector<16xi32>,
    %swap3A_676 = arith.constant 80 : index
    %swap3A_677 = tpu.vector_load %arg8[%swap3A_676] {strides = array<i32>} : memref<256xi32, #tpu.memory_space<vmem>>, vector<16xi32>,
    tpu.vector_store %arg8[%swap3A_676], %broadcast_in_dim3A_12 {strides = array<i32>} : memref<256xi32, #tpu.memory_space<vmem>>, vector<16xi32>,
    %swap3A_678 = arith.constant 96 : index
    %swap3A_679 = tpu.vector_load %arg8[%swap3A_678] {strides = array<i32>} : memref<256xi32, #tpu.memory_space<vmem>>, vector<16xi32>,
    tpu.vector_store %arg8[%swap3A_678], %broadcast_in_dim3A_12 {strides = array<i32>} : memref<256xi32, #tpu.memory_space<vmem>>, vector<16xi32>,
    %swap3A_680 = arith.constant 112 : index
    %swap3A_681 = tpu.vector_load %arg8[%swap3A_680] {strides = array<i32>} : memref<256xi32, #tpu.memory_space<vmem>>, vector<16xi32>,
    tpu.vector_store %arg8[%swap3A_680], %broadcast_in_dim3A_12 {strides = array<i32>} : memref<256xi32, #tpu.memory_space<vmem>>, vector<16xi32>,
    %swap3A_682 = arith.constant 128 : index
    %swap3A_683 = tpu.vector_load %arg8[%swap3A_682] {strides = array<i32>} : memref<256xi32, #tpu.memory_space<vmem>>, vector<16xi32>,
    tpu.vector_store %arg8[%swap3A_682], %broadcast_in_dim3A_12 {strides = array<i32>} : memref<256xi32, #tpu.memory_space<vmem>>, vector<16xi32>,
    %swap3A_684 = arith.constant 144 : index
    %swap3A_685 = tpu.vector_load %arg8[%swap3A_684] {strides = array<i32>} : memref<256xi32, #tpu.memory_space<vmem>>, vector<16xi32>,
    tpu.vector_store %arg8[%swap3A_684], %broadcast_in_dim3A_12 {strides = array<i32>} : memref<256xi32, #tpu.memory_space<vmem>>, vector<16xi32>,
    %swap3A_686 = arith.constant 160 : index
    %swap3A_687 = tpu.vector_load %arg8[%swap3A_686] {strides = array<i32>} : memref<256xi32, #tpu.memory_space<vmem>>, vector<16xi32>,
    tpu.vector_store %arg8[%swap3A_686], %broadcast_in_dim3A_12 {strides = array<i32>} : memref<256xi32, #tpu.memory_space<vmem>>, vector<16xi32>,
    %swap3A_688 = arith.constant 176 : index
    %swap3A_689 = tpu.vector_load %arg8[%swap3A_688] {strides = array<i32>} : memref<256xi32, #tpu.memory_space<vmem>>, vector<16xi32>,
    tpu.vector_store %arg8[%swap3A_688], %broadcast_in_dim3A_12 {strides = array<i32>} : memref<256xi32, #tpu.memory_space<vmem>>, vector<16xi32>,
    %swap3A_690 = arith.constant 192 : index
    %swap3A_691 = tpu.vector_load %arg8[%swap3A_690] {strides = array<i32>} : memref<256xi32, #tpu.memory_space<vmem>>, vector<16xi32>,
    tpu.vector_store %arg8[%swap3A_690], %broadcast_in_dim3A_12 {strides = array<i32>} : memref<256xi32, #tpu.memory_space<vmem>>, vector<16xi32>,
    %swap3A_692 = arith.constant 208 : index
    %swap3A_693 = tpu.vector_load %arg8[%swap3A_692] {strides = array<i32>} : memref<256xi32, #tpu.memory_space<vmem>>, vector<16xi32>,
    tpu.vector_store %arg8[%swap3A_692], %broadcast_in_dim3A_12 {strides = array<i32>} : memref<256xi32, #tpu.memory_space<vmem>>, vector<16xi32>,
    %swap3A_694 = arith.constant 224 : index
    %swap3A_695 = tpu.vector_load %arg8[%swap3A_694] {strides = array<i32>} : memref<256xi32, #tpu.memory_space<vmem>>, vector<16xi32>,
    tpu.vector_store %arg8[%swap3A_694], %broadcast_in_dim3A_12 {strides = array<i32>} : memref<256xi32, #tpu.memory_space<vmem>>, vector<16xi32>,
    %swap3A_696 = arith.constant 240 : index
    %swap3A_697 = tpu.vector_load %arg8[%swap3A_696] {strides = array<i32>} : memref<256xi32, #tpu.memory_space<vmem>>, vector<16xi32>,
    tpu.vector_store %arg8[%swap3A_696], %broadcast_in_dim3A_12 {strides = array<i32>} : memref<256xi32, #tpu.memory_space<vmem>>, vector<16xi32>,
    %parallel_loop3A_698 = arith.constant 0 : i32
    %parallel_loop3A_699 = arith.constant 512 : i32
    %parallel_loop3A_700 = arith.constant 1 : i32
    scf.for %parallel_loop3A_1926 = %parallel_loop3A_698 to %parallel_loop3A_699 step %parallel_loop3A_700  : i32 {
      %parallel_loop3A_1927 = arith.constant 16 : i32
      %parallel_loop3A_1928 = arith.muli %parallel_loop3A_1926, %parallel_loop3A_1927 : i32
      %parallel_loop3A_1929 = arith.index_cast %parallel_loop3A_1928 : i32 to index
      %parallel_loop3A_1930 = tpu.vector_load %arg5[%parallel_loop3A_1929] {strides = array<i32>} : memref<8192xi32, #tpu.memory_space<vmem>>, vector<16xi32>,
      %parallel_loop3A_1931 = arith.constant 24 : i32
      %parallel_loop3A_1932 = vector.broadcast %parallel_loop3A_1931 : i32 to vector<16xi32>
      %parallel_loop3A_1933 = arith.shrui %parallel_loop3A_1930, %parallel_loop3A_1932 : vector<16xi32>
      %parallel_loop3A_1934 = vector.broadcast %squeeze3A_342 : i32 to vector<16xi32>
      %parallel_loop3A_1935 = arith.cmpi eq, %parallel_loop3A_1933, %parallel_loop3A_1934 : vector<16xi32>
      %parallel_loop3A_1936 = arith.constant 16 : i32
      %parallel_loop3A_1937 = vector.broadcast %parallel_loop3A_1936 : i32 to vector<16xi32>
      %parallel_loop3A_1938 = arith.shrui %parallel_loop3A_1930, %parallel_loop3A_1937 : vector<16xi32>
      %parallel_loop3A_1939 = arith.constant 255 : i32
      %parallel_loop3A_1940 = vector.broadcast %parallel_loop3A_1939 : i32 to vector<16xi32>
      %parallel_loop3A_1941 = arith.andi %parallel_loop3A_1938, %parallel_loop3A_1940 : vector<16xi32>
      tpu.vector_store_idx %arg7[%parallel_loop3A_1941], %broadcast_in_dim3A_14 masked %parallel_loop3A_1935 {add = true} : memref<256xi32, #tpu.memory_space<vmem>>[vector<16xi32>], vector<16xi32>, vector<16xi1>
      %parallel_loop3A_1942 = arith.index_cast %parallel_loop3A_1928 : i32 to index
      %parallel_loop3A_1943 = tpu.vector_load %arg6[%parallel_loop3A_1942] {strides = array<i32>} : memref<8192xi32, #tpu.memory_space<vmem>>, vector<16xi32>,
      %parallel_loop3A_1944 = arith.constant 24 : i32
      %parallel_loop3A_1945 = vector.broadcast %parallel_loop3A_1944 : i32 to vector<16xi32>
      %parallel_loop3A_1946 = arith.shrui %parallel_loop3A_1943, %parallel_loop3A_1945 : vector<16xi32>
      %parallel_loop3A_1947 = vector.broadcast %squeeze3A_614 : i32 to vector<16xi32>
      %parallel_loop3A_1948 = arith.cmpi eq, %parallel_loop3A_1946, %parallel_loop3A_1947 : vector<16xi32>
      %parallel_loop3A_1949 = arith.constant 16 : i32
      %parallel_loop3A_1950 = vector.broadcast %parallel_loop3A_1949 : i32 to vector<16xi32>
      %parallel_loop3A_1951 = arith.shrui %parallel_loop3A_1943, %parallel_loop3A_1950 : vector<16xi32>
      %parallel_loop3A_1952 = arith.constant 255 : i32
      %parallel_loop3A_1953 = vector.broadcast %parallel_loop3A_1952 : i32 to vector<16xi32>
      %parallel_loop3A_1954 = arith.andi %parallel_loop3A_1951, %parallel_loop3A_1953 : vector<16xi32>
      tpu.vector_store_idx %arg8[%parallel_loop3A_1954], %broadcast_in_dim3A_14 masked %parallel_loop3A_1948 {add = true} : memref<256xi32, #tpu.memory_space<vmem>>[vector<16xi32>], vector<16xi32>, vector<16xi1>
    } {sc.loop_unroll_factor = 4 : i64, sc.parallel_access}
    %get3A_701 = arith.constant 0 : index
    %get3A_702 = tpu.vector_load %arg7[%get3A_701] {strides = array<i32>} : memref<256xi32, #tpu.memory_space<vmem>>, vector<16xi32>,
    %broadcast_in_dim3A_703 = arith.constant true
    %broadcast_in_dim3A_704 = vector.broadcast %broadcast_in_dim3A_703 : i1 to vector<16xi1>
    %masked_cumsum3A_705 = tpu.scan <sum>, %get3A_702 masked %broadcast_in_dim3A_704 : vector<16xi32>, vector<16xi1> -> vector<16xi32>
    %add3A_706 = arith.constant 0 : i32
    %add3A_707 = vector.broadcast %add3A_706 : i32 to vector<16xi32>
    %add3A_708 = arith.addi %masked_cumsum3A_705, %add3A_707 : vector<16xi32>
    %swap3A_709 = arith.constant 0 : index
    %swap3A_710 = tpu.vector_load %arg7[%swap3A_709] {strides = array<i32>} : memref<256xi32, #tpu.memory_space<vmem>>, vector<16xi32>,
    tpu.vector_store %arg7[%swap3A_709], %add3A_708 {strides = array<i32>} : memref<256xi32, #tpu.memory_space<vmem>>, vector<16xi32>,
    %slice3A_711 = vector.extract_strided_slice %add3A_708 {offsets = [15], sizes = [1], strides = [1]} : vector<16xi32> to vector<1xi32>
    %squeeze3A_712 = vector.extract %slice3A_711[0] : i32 from vector<1xi32>
    %lt3A_713 = vector.broadcast %sub3A_355 : i32 to vector<16xi32>
    %lt3A_714 = arith.cmpi slt, %add3A_708, %lt3A_713 : vector<16xi32>
    %all_reduce_population_count3A_715 = tpu.all_reduce %lt3A_714 {dim = 0 : i64, kind = #tpu.reduction_kind<sum>} : vector<16xi1> -> vector<16xi32>
    %add3A_716 = arith.addi %broadcast_in_dim3A_12, %all_reduce_population_count3A_715 : vector<16xi32>
    %get3A_717 = arith.constant 16 : index
    %get3A_718 = tpu.vector_load %arg7[%get3A_717] {strides = array<i32>} : memref<256xi32, #tpu.memory_space<vmem>>, vector<16xi32>,
    %broadcast_in_dim3A_719 = arith.constant true
    %broadcast_in_dim3A_720 = vector.broadcast %broadcast_in_dim3A_719 : i1 to vector<16xi1>
    %masked_cumsum3A_721 = tpu.scan <sum>, %get3A_718 masked %broadcast_in_dim3A_720 : vector<16xi32>, vector<16xi1> -> vector<16xi32>
    %add3A_722 = vector.broadcast %squeeze3A_712 : i32 to vector<16xi32>
    %add3A_723 = arith.addi %masked_cumsum3A_721, %add3A_722 : vector<16xi32>
    %swap3A_724 = arith.constant 16 : index
    %swap3A_725 = tpu.vector_load %arg7[%swap3A_724] {strides = array<i32>} : memref<256xi32, #tpu.memory_space<vmem>>, vector<16xi32>,
    tpu.vector_store %arg7[%swap3A_724], %add3A_723 {strides = array<i32>} : memref<256xi32, #tpu.memory_space<vmem>>, vector<16xi32>,
    %slice3A_726 = vector.extract_strided_slice %add3A_723 {offsets = [15], sizes = [1], strides = [1]} : vector<16xi32> to vector<1xi32>
    %squeeze3A_727 = vector.extract %slice3A_726[0] : i32 from vector<1xi32>
    %lt3A_728 = vector.broadcast %sub3A_355 : i32 to vector<16xi32>
    %lt3A_729 = arith.cmpi slt, %add3A_723, %lt3A_728 : vector<16xi32>
    %all_reduce_population_count3A_730 = tpu.all_reduce %lt3A_729 {dim = 0 : i64, kind = #tpu.reduction_kind<sum>} : vector<16xi1> -> vector<16xi32>
    %add3A_731 = arith.addi %add3A_716, %all_reduce_population_count3A_730 : vector<16xi32>
    %get3A_732 = arith.constant 32 : index
    %get3A_733 = tpu.vector_load %arg7[%get3A_732] {strides = array<i32>} : memref<256xi32, #tpu.memory_space<vmem>>, vector<16xi32>,
    %broadcast_in_dim3A_734 = arith.constant true
    %broadcast_in_dim3A_735 = vector.broadcast %broadcast_in_dim3A_734 : i1 to vector<16xi1>
    %masked_cumsum3A_736 = tpu.scan <sum>, %get3A_733 masked %broadcast_in_dim3A_735 : vector<16xi32>, vector<16xi1> -> vector<16xi32>
    %add3A_737 = vector.broadcast %squeeze3A_727 : i32 to vector<16xi32>
    %add3A_738 = arith.addi %masked_cumsum3A_736, %add3A_737 : vector<16xi32>
    %swap3A_739 = arith.constant 32 : index
    %swap3A_740 = tpu.vector_load %arg7[%swap3A_739] {strides = array<i32>} : memref<256xi32, #tpu.memory_space<vmem>>, vector<16xi32>,
    tpu.vector_store %arg7[%swap3A_739], %add3A_738 {strides = array<i32>} : memref<256xi32, #tpu.memory_space<vmem>>, vector<16xi32>,
    %slice3A_741 = vector.extract_strided_slice %add3A_738 {offsets = [15], sizes = [1], strides = [1]} : vector<16xi32> to vector<1xi32>
    %squeeze3A_742 = vector.extract %slice3A_741[0] : i32 from vector<1xi32>
    %lt3A_743 = vector.broadcast %sub3A_355 : i32 to vector<16xi32>
    %lt3A_744 = arith.cmpi slt, %add3A_738, %lt3A_743 : vector<16xi32>
    %all_reduce_population_count3A_745 = tpu.all_reduce %lt3A_744 {dim = 0 : i64, kind = #tpu.reduction_kind<sum>} : vector<16xi1> -> vector<16xi32>
    %add3A_746 = arith.addi %add3A_731, %all_reduce_population_count3A_745 : vector<16xi32>
    %get3A_747 = arith.constant 48 : index
    %get3A_748 = tpu.vector_load %arg7[%get3A_747] {strides = array<i32>} : memref<256xi32, #tpu.memory_space<vmem>>, vector<16xi32>,
    %broadcast_in_dim3A_749 = arith.constant true
    %broadcast_in_dim3A_750 = vector.broadcast %broadcast_in_dim3A_749 : i1 to vector<16xi1>
    %masked_cumsum3A_751 = tpu.scan <sum>, %get3A_748 masked %broadcast_in_dim3A_750 : vector<16xi32>, vector<16xi1> -> vector<16xi32>
    %add3A_752 = vector.broadcast %squeeze3A_742 : i32 to vector<16xi32>
    %add3A_753 = arith.addi %masked_cumsum3A_751, %add3A_752 : vector<16xi32>
    %swap3A_754 = arith.constant 48 : index
    %swap3A_755 = tpu.vector_load %arg7[%swap3A_754] {strides = array<i32>} : memref<256xi32, #tpu.memory_space<vmem>>, vector<16xi32>,
    tpu.vector_store %arg7[%swap3A_754], %add3A_753 {strides = array<i32>} : memref<256xi32, #tpu.memory_space<vmem>>, vector<16xi32>,
    %slice3A_756 = vector.extract_strided_slice %add3A_753 {offsets = [15], sizes = [1], strides = [1]} : vector<16xi32> to vector<1xi32>
    %squeeze3A_757 = vector.extract %slice3A_756[0] : i32 from vector<1xi32>
    %lt3A_758 = vector.broadcast %sub3A_355 : i32 to vector<16xi32>
    %lt3A_759 = arith.cmpi slt, %add3A_753, %lt3A_758 : vector<16xi32>
    %all_reduce_population_count3A_760 = tpu.all_reduce %lt3A_759 {dim = 0 : i64, kind = #tpu.reduction_kind<sum>} : vector<16xi1> -> vector<16xi32>
    %add3A_761 = arith.addi %add3A_746, %all_reduce_population_count3A_760 : vector<16xi32>
    %get3A_762 = arith.constant 64 : index
    %get3A_763 = tpu.vector_load %arg7[%get3A_762] {strides = array<i32>} : memref<256xi32, #tpu.memory_space<vmem>>, vector<16xi32>,
    %broadcast_in_dim3A_764 = arith.constant true
    %broadcast_in_dim3A_765 = vector.broadcast %broadcast_in_dim3A_764 : i1 to vector<16xi1>
    %masked_cumsum3A_766 = tpu.scan <sum>, %get3A_763 masked %broadcast_in_dim3A_765 : vector<16xi32>, vector<16xi1> -> vector<16xi32>
    %add3A_767 = vector.broadcast %squeeze3A_757 : i32 to vector<16xi32>
    %add3A_768 = arith.addi %masked_cumsum3A_766, %add3A_767 : vector<16xi32>
    %swap3A_769 = arith.constant 64 : index
    %swap3A_770 = tpu.vector_load %arg7[%swap3A_769] {strides = array<i32>} : memref<256xi32, #tpu.memory_space<vmem>>, vector<16xi32>,
    tpu.vector_store %arg7[%swap3A_769], %add3A_768 {strides = array<i32>} : memref<256xi32, #tpu.memory_space<vmem>>, vector<16xi32>,
    %slice3A_771 = vector.extract_strided_slice %add3A_768 {offsets = [15], sizes = [1], strides = [1]} : vector<16xi32> to vector<1xi32>
    %squeeze3A_772 = vector.extract %slice3A_771[0] : i32 from vector<1xi32>
    %lt3A_773 = vector.broadcast %sub3A_355 : i32 to vector<16xi32>
    %lt3A_774 = arith.cmpi slt, %add3A_768, %lt3A_773 : vector<16xi32>
    %all_reduce_population_count3A_775 = tpu.all_reduce %lt3A_774 {dim = 0 : i64, kind = #tpu.reduction_kind<sum>} : vector<16xi1> -> vector<16xi32>
    %add3A_776 = arith.addi %add3A_761, %all_reduce_population_count3A_775 : vector<16xi32>
    %get3A_777 = arith.constant 80 : index
    %get3A_778 = tpu.vector_load %arg7[%get3A_777] {strides = array<i32>} : memref<256xi32, #tpu.memory_space<vmem>>, vector<16xi32>,
    %broadcast_in_dim3A_779 = arith.constant true
    %broadcast_in_dim3A_780 = vector.broadcast %broadcast_in_dim3A_779 : i1 to vector<16xi1>
    %masked_cumsum3A_781 = tpu.scan <sum>, %get3A_778 masked %broadcast_in_dim3A_780 : vector<16xi32>, vector<16xi1> -> vector<16xi32>
    %add3A_782 = vector.broadcast %squeeze3A_772 : i32 to vector<16xi32>
    %add3A_783 = arith.addi %masked_cumsum3A_781, %add3A_782 : vector<16xi32>
    %swap3A_784 = arith.constant 80 : index
    %swap3A_785 = tpu.vector_load %arg7[%swap3A_784] {strides = array<i32>} : memref<256xi32, #tpu.memory_space<vmem>>, vector<16xi32>,
    tpu.vector_store %arg7[%swap3A_784], %add3A_783 {strides = array<i32>} : memref<256xi32, #tpu.memory_space<vmem>>, vector<16xi32>,
    %slice3A_786 = vector.extract_strided_slice %add3A_783 {offsets = [15], sizes = [1], strides = [1]} : vector<16xi32> to vector<1xi32>
    %squeeze3A_787 = vector.extract %slice3A_786[0] : i32 from vector<1xi32>
    %lt3A_788 = vector.broadcast %sub3A_355 : i32 to vector<16xi32>
    %lt3A_789 = arith.cmpi slt, %add3A_783, %lt3A_788 : vector<16xi32>
    %all_reduce_population_count3A_790 = tpu.all_reduce %lt3A_789 {dim = 0 : i64, kind = #tpu.reduction_kind<sum>} : vector<16xi1> -> vector<16xi32>
    %add3A_791 = arith.addi %add3A_776, %all_reduce_population_count3A_790 : vector<16xi32>
    %get3A_792 = arith.constant 96 : index
    %get3A_793 = tpu.vector_load %arg7[%get3A_792] {strides = array<i32>} : memref<256xi32, #tpu.memory_space<vmem>>, vector<16xi32>,
    %broadcast_in_dim3A_794 = arith.constant true
    %broadcast_in_dim3A_795 = vector.broadcast %broadcast_in_dim3A_794 : i1 to vector<16xi1>
    %masked_cumsum3A_796 = tpu.scan <sum>, %get3A_793 masked %broadcast_in_dim3A_795 : vector<16xi32>, vector<16xi1> -> vector<16xi32>
    %add3A_797 = vector.broadcast %squeeze3A_787 : i32 to vector<16xi32>
    %add3A_798 = arith.addi %masked_cumsum3A_796, %add3A_797 : vector<16xi32>
    %swap3A_799 = arith.constant 96 : index
    %swap3A_800 = tpu.vector_load %arg7[%swap3A_799] {strides = array<i32>} : memref<256xi32, #tpu.memory_space<vmem>>, vector<16xi32>,
    tpu.vector_store %arg7[%swap3A_799], %add3A_798 {strides = array<i32>} : memref<256xi32, #tpu.memory_space<vmem>>, vector<16xi32>,
    %slice3A_801 = vector.extract_strided_slice %add3A_798 {offsets = [15], sizes = [1], strides = [1]} : vector<16xi32> to vector<1xi32>
    %squeeze3A_802 = vector.extract %slice3A_801[0] : i32 from vector<1xi32>
    %lt3A_803 = vector.broadcast %sub3A_355 : i32 to vector<16xi32>
    %lt3A_804 = arith.cmpi slt, %add3A_798, %lt3A_803 : vector<16xi32>
    %all_reduce_population_count3A_805 = tpu.all_reduce %lt3A_804 {dim = 0 : i64, kind = #tpu.reduction_kind<sum>} : vector<16xi1> -> vector<16xi32>
    %add3A_806 = arith.addi %add3A_791, %all_reduce_population_count3A_805 : vector<16xi32>
    %get3A_807 = arith.constant 112 : index
    %get3A_808 = tpu.vector_load %arg7[%get3A_807] {strides = array<i32>} : memref<256xi32, #tpu.memory_space<vmem>>, vector<16xi32>,
    %broadcast_in_dim3A_809 = arith.constant true
    %broadcast_in_dim3A_810 = vector.broadcast %broadcast_in_dim3A_809 : i1 to vector<16xi1>
    %masked_cumsum3A_811 = tpu.scan <sum>, %get3A_808 masked %broadcast_in_dim3A_810 : vector<16xi32>, vector<16xi1> -> vector<16xi32>
    %add3A_812 = vector.broadcast %squeeze3A_802 : i32 to vector<16xi32>
    %add3A_813 = arith.addi %masked_cumsum3A_811, %add3A_812 : vector<16xi32>
    %swap3A_814 = arith.constant 112 : index
    %swap3A_815 = tpu.vector_load %arg7[%swap3A_814] {strides = array<i32>} : memref<256xi32, #tpu.memory_space<vmem>>, vector<16xi32>,
    tpu.vector_store %arg7[%swap3A_814], %add3A_813 {strides = array<i32>} : memref<256xi32, #tpu.memory_space<vmem>>, vector<16xi32>,
    %slice3A_816 = vector.extract_strided_slice %add3A_813 {offsets = [15], sizes = [1], strides = [1]} : vector<16xi32> to vector<1xi32>
    %squeeze3A_817 = vector.extract %slice3A_816[0] : i32 from vector<1xi32>
    %lt3A_818 = vector.broadcast %sub3A_355 : i32 to vector<16xi32>
    %lt3A_819 = arith.cmpi slt, %add3A_813, %lt3A_818 : vector<16xi32>
    %all_reduce_population_count3A_820 = tpu.all_reduce %lt3A_819 {dim = 0 : i64, kind = #tpu.reduction_kind<sum>} : vector<16xi1> -> vector<16xi32>
    %add3A_821 = arith.addi %add3A_806, %all_reduce_population_count3A_820 : vector<16xi32>
    %get3A_822 = arith.constant 128 : index
    %get3A_823 = tpu.vector_load %arg7[%get3A_822] {strides = array<i32>} : memref<256xi32, #tpu.memory_space<vmem>>, vector<16xi32>,
    %broadcast_in_dim3A_824 = arith.constant true
    %broadcast_in_dim3A_825 = vector.broadcast %broadcast_in_dim3A_824 : i1 to vector<16xi1>
    %masked_cumsum3A_826 = tpu.scan <sum>, %get3A_823 masked %broadcast_in_dim3A_825 : vector<16xi32>, vector<16xi1> -> vector<16xi32>
    %add3A_827 = vector.broadcast %squeeze3A_817 : i32 to vector<16xi32>
    %add3A_828 = arith.addi %masked_cumsum3A_826, %add3A_827 : vector<16xi32>
    %swap3A_829 = arith.constant 128 : index
    %swap3A_830 = tpu.vector_load %arg7[%swap3A_829] {strides = array<i32>} : memref<256xi32, #tpu.memory_space<vmem>>, vector<16xi32>,
    tpu.vector_store %arg7[%swap3A_829], %add3A_828 {strides = array<i32>} : memref<256xi32, #tpu.memory_space<vmem>>, vector<16xi32>,
    %slice3A_831 = vector.extract_strided_slice %add3A_828 {offsets = [15], sizes = [1], strides = [1]} : vector<16xi32> to vector<1xi32>
    %squeeze3A_832 = vector.extract %slice3A_831[0] : i32 from vector<1xi32>
    %lt3A_833 = vector.broadcast %sub3A_355 : i32 to vector<16xi32>
    %lt3A_834 = arith.cmpi slt, %add3A_828, %lt3A_833 : vector<16xi32>
    %all_reduce_population_count3A_835 = tpu.all_reduce %lt3A_834 {dim = 0 : i64, kind = #tpu.reduction_kind<sum>} : vector<16xi1> -> vector<16xi32>
    %add3A_836 = arith.addi %add3A_821, %all_reduce_population_count3A_835 : vector<16xi32>
    %get3A_837 = arith.constant 144 : index
    %get3A_838 = tpu.vector_load %arg7[%get3A_837] {strides = array<i32>} : memref<256xi32, #tpu.memory_space<vmem>>, vector<16xi32>,
    %broadcast_in_dim3A_839 = arith.constant true
    %broadcast_in_dim3A_840 = vector.broadcast %broadcast_in_dim3A_839 : i1 to vector<16xi1>
    %masked_cumsum3A_841 = tpu.scan <sum>, %get3A_838 masked %broadcast_in_dim3A_840 : vector<16xi32>, vector<16xi1> -> vector<16xi32>
    %add3A_842 = vector.broadcast %squeeze3A_832 : i32 to vector<16xi32>
    %add3A_843 = arith.addi %masked_cumsum3A_841, %add3A_842 : vector<16xi32>
    %swap3A_844 = arith.constant 144 : index
    %swap3A_845 = tpu.vector_load %arg7[%swap3A_844] {strides = array<i32>} : memref<256xi32, #tpu.memory_space<vmem>>, vector<16xi32>,
    tpu.vector_store %arg7[%swap3A_844], %add3A_843 {strides = array<i32>} : memref<256xi32, #tpu.memory_space<vmem>>, vector<16xi32>,
    %slice3A_846 = vector.extract_strided_slice %add3A_843 {offsets = [15], sizes = [1], strides = [1]} : vector<16xi32> to vector<1xi32>
    %squeeze3A_847 = vector.extract %slice3A_846[0] : i32 from vector<1xi32>
    %lt3A_848 = vector.broadcast %sub3A_355 : i32 to vector<16xi32>
    %lt3A_849 = arith.cmpi slt, %add3A_843, %lt3A_848 : vector<16xi32>
    %all_reduce_population_count3A_850 = tpu.all_reduce %lt3A_849 {dim = 0 : i64, kind = #tpu.reduction_kind<sum>} : vector<16xi1> -> vector<16xi32>
    %add3A_851 = arith.addi %add3A_836, %all_reduce_population_count3A_850 : vector<16xi32>
    %get3A_852 = arith.constant 160 : index
    %get3A_853 = tpu.vector_load %arg7[%get3A_852] {strides = array<i32>} : memref<256xi32, #tpu.memory_space<vmem>>, vector<16xi32>,
    %broadcast_in_dim3A_854 = arith.constant true
    %broadcast_in_dim3A_855 = vector.broadcast %broadcast_in_dim3A_854 : i1 to vector<16xi1>
    %masked_cumsum3A_856 = tpu.scan <sum>, %get3A_853 masked %broadcast_in_dim3A_855 : vector<16xi32>, vector<16xi1> -> vector<16xi32>
    %add3A_857 = vector.broadcast %squeeze3A_847 : i32 to vector<16xi32>
    %add3A_858 = arith.addi %masked_cumsum3A_856, %add3A_857 : vector<16xi32>
    %swap3A_859 = arith.constant 160 : index
    %swap3A_860 = tpu.vector_load %arg7[%swap3A_859] {strides = array<i32>} : memref<256xi32, #tpu.memory_space<vmem>>, vector<16xi32>,
    tpu.vector_store %arg7[%swap3A_859], %add3A_858 {strides = array<i32>} : memref<256xi32, #tpu.memory_space<vmem>>, vector<16xi32>,
    %slice3A_861 = vector.extract_strided_slice %add3A_858 {offsets = [15], sizes = [1], strides = [1]} : vector<16xi32> to vector<1xi32>
    %squeeze3A_862 = vector.extract %slice3A_861[0] : i32 from vector<1xi32>
    %lt3A_863 = vector.broadcast %sub3A_355 : i32 to vector<16xi32>
    %lt3A_864 = arith.cmpi slt, %add3A_858, %lt3A_863 : vector<16xi32>
    %all_reduce_population_count3A_865 = tpu.all_reduce %lt3A_864 {dim = 0 : i64, kind = #tpu.reduction_kind<sum>} : vector<16xi1> -> vector<16xi32>
    %add3A_866 = arith.addi %add3A_851, %all_reduce_population_count3A_865 : vector<16xi32>
    %get3A_867 = arith.constant 176 : index
    %get3A_868 = tpu.vector_load %arg7[%get3A_867] {strides = array<i32>} : memref<256xi32, #tpu.memory_space<vmem>>, vector<16xi32>,
    %broadcast_in_dim3A_869 = arith.constant true
    %broadcast_in_dim3A_870 = vector.broadcast %broadcast_in_dim3A_869 : i1 to vector<16xi1>
    %masked_cumsum3A_871 = tpu.scan <sum>, %get3A_868 masked %broadcast_in_dim3A_870 : vector<16xi32>, vector<16xi1> -> vector<16xi32>
    %add3A_872 = vector.broadcast %squeeze3A_862 : i32 to vector<16xi32>
    %add3A_873 = arith.addi %masked_cumsum3A_871, %add3A_872 : vector<16xi32>
    %swap3A_874 = arith.constant 176 : index
    %swap3A_875 = tpu.vector_load %arg7[%swap3A_874] {strides = array<i32>} : memref<256xi32, #tpu.memory_space<vmem>>, vector<16xi32>,
    tpu.vector_store %arg7[%swap3A_874], %add3A_873 {strides = array<i32>} : memref<256xi32, #tpu.memory_space<vmem>>, vector<16xi32>,
    %slice3A_876 = vector.extract_strided_slice %add3A_873 {offsets = [15], sizes = [1], strides = [1]} : vector<16xi32> to vector<1xi32>
    %squeeze3A_877 = vector.extract %slice3A_876[0] : i32 from vector<1xi32>
    %lt3A_878 = vector.broadcast %sub3A_355 : i32 to vector<16xi32>
    %lt3A_879 = arith.cmpi slt, %add3A_873, %lt3A_878 : vector<16xi32>
    %all_reduce_population_count3A_880 = tpu.all_reduce %lt3A_879 {dim = 0 : i64, kind = #tpu.reduction_kind<sum>} : vector<16xi1> -> vector<16xi32>
    %add3A_881 = arith.addi %add3A_866, %all_reduce_population_count3A_880 : vector<16xi32>
    %get3A_882 = arith.constant 192 : index
    %get3A_883 = tpu.vector_load %arg7[%get3A_882] {strides = array<i32>} : memref<256xi32, #tpu.memory_space<vmem>>, vector<16xi32>,
    %broadcast_in_dim3A_884 = arith.constant true
    %broadcast_in_dim3A_885 = vector.broadcast %broadcast_in_dim3A_884 : i1 to vector<16xi1>
    %masked_cumsum3A_886 = tpu.scan <sum>, %get3A_883 masked %broadcast_in_dim3A_885 : vector<16xi32>, vector<16xi1> -> vector<16xi32>
    %add3A_887 = vector.broadcast %squeeze3A_877 : i32 to vector<16xi32>
    %add3A_888 = arith.addi %masked_cumsum3A_886, %add3A_887 : vector<16xi32>
    %swap3A_889 = arith.constant 192 : index
    %swap3A_890 = tpu.vector_load %arg7[%swap3A_889] {strides = array<i32>} : memref<256xi32, #tpu.memory_space<vmem>>, vector<16xi32>,
    tpu.vector_store %arg7[%swap3A_889], %add3A_888 {strides = array<i32>} : memref<256xi32, #tpu.memory_space<vmem>>, vector<16xi32>,
    %slice3A_891 = vector.extract_strided_slice %add3A_888 {offsets = [15], sizes = [1], strides = [1]} : vector<16xi32> to vector<1xi32>
    %squeeze3A_892 = vector.extract %slice3A_891[0] : i32 from vector<1xi32>
    %lt3A_893 = vector.broadcast %sub3A_355 : i32 to vector<16xi32>
    %lt3A_894 = arith.cmpi slt, %add3A_888, %lt3A_893 : vector<16xi32>
    %all_reduce_population_count3A_895 = tpu.all_reduce %lt3A_894 {dim = 0 : i64, kind = #tpu.reduction_kind<sum>} : vector<16xi1> -> vector<16xi32>
    %add3A_896 = arith.addi %add3A_881, %all_reduce_population_count3A_895 : vector<16xi32>
    %get3A_897 = arith.constant 208 : index
    %get3A_898 = tpu.vector_load %arg7[%get3A_897] {strides = array<i32>} : memref<256xi32, #tpu.memory_space<vmem>>, vector<16xi32>,
    %broadcast_in_dim3A_899 = arith.constant true
    %broadcast_in_dim3A_900 = vector.broadcast %broadcast_in_dim3A_899 : i1 to vector<16xi1>
    %masked_cumsum3A_901 = tpu.scan <sum>, %get3A_898 masked %broadcast_in_dim3A_900 : vector<16xi32>, vector<16xi1> -> vector<16xi32>
    %add3A_902 = vector.broadcast %squeeze3A_892 : i32 to vector<16xi32>
    %add3A_903 = arith.addi %masked_cumsum3A_901, %add3A_902 : vector<16xi32>
    %swap3A_904 = arith.constant 208 : index
    %swap3A_905 = tpu.vector_load %arg7[%swap3A_904] {strides = array<i32>} : memref<256xi32, #tpu.memory_space<vmem>>, vector<16xi32>,
    tpu.vector_store %arg7[%swap3A_904], %add3A_903 {strides = array<i32>} : memref<256xi32, #tpu.memory_space<vmem>>, vector<16xi32>,
    %slice3A_906 = vector.extract_strided_slice %add3A_903 {offsets = [15], sizes = [1], strides = [1]} : vector<16xi32> to vector<1xi32>
    %squeeze3A_907 = vector.extract %slice3A_906[0] : i32 from vector<1xi32>
    %lt3A_908 = vector.broadcast %sub3A_355 : i32 to vector<16xi32>
    %lt3A_909 = arith.cmpi slt, %add3A_903, %lt3A_908 : vector<16xi32>
    %all_reduce_population_count3A_910 = tpu.all_reduce %lt3A_909 {dim = 0 : i64, kind = #tpu.reduction_kind<sum>} : vector<16xi1> -> vector<16xi32>
    %add3A_911 = arith.addi %add3A_896, %all_reduce_population_count3A_910 : vector<16xi32>
    %get3A_912 = arith.constant 224 : index
    %get3A_913 = tpu.vector_load %arg7[%get3A_912] {strides = array<i32>} : memref<256xi32, #tpu.memory_space<vmem>>, vector<16xi32>,
    %broadcast_in_dim3A_914 = arith.constant true
    %broadcast_in_dim3A_915 = vector.broadcast %broadcast_in_dim3A_914 : i1 to vector<16xi1>
    %masked_cumsum3A_916 = tpu.scan <sum>, %get3A_913 masked %broadcast_in_dim3A_915 : vector<16xi32>, vector<16xi1> -> vector<16xi32>
    %add3A_917 = vector.broadcast %squeeze3A_907 : i32 to vector<16xi32>
    %add3A_918 = arith.addi %masked_cumsum3A_916, %add3A_917 : vector<16xi32>
    %swap3A_919 = arith.constant 224 : index
    %swap3A_920 = tpu.vector_load %arg7[%swap3A_919] {strides = array<i32>} : memref<256xi32, #tpu.memory_space<vmem>>, vector<16xi32>,
    tpu.vector_store %arg7[%swap3A_919], %add3A_918 {strides = array<i32>} : memref<256xi32, #tpu.memory_space<vmem>>, vector<16xi32>,
    %slice3A_921 = vector.extract_strided_slice %add3A_918 {offsets = [15], sizes = [1], strides = [1]} : vector<16xi32> to vector<1xi32>
    %squeeze3A_922 = vector.extract %slice3A_921[0] : i32 from vector<1xi32>
    %lt3A_923 = vector.broadcast %sub3A_355 : i32 to vector<16xi32>
    %lt3A_924 = arith.cmpi slt, %add3A_918, %lt3A_923 : vector<16xi32>
    %all_reduce_population_count3A_925 = tpu.all_reduce %lt3A_924 {dim = 0 : i64, kind = #tpu.reduction_kind<sum>} : vector<16xi1> -> vector<16xi32>
    %add3A_926 = arith.addi %add3A_911, %all_reduce_population_count3A_925 : vector<16xi32>
    %get3A_927 = arith.constant 240 : index
    %get3A_928 = tpu.vector_load %arg7[%get3A_927] {strides = array<i32>} : memref<256xi32, #tpu.memory_space<vmem>>, vector<16xi32>,
    %broadcast_in_dim3A_929 = arith.constant true
    %broadcast_in_dim3A_930 = vector.broadcast %broadcast_in_dim3A_929 : i1 to vector<16xi1>
    %masked_cumsum3A_931 = tpu.scan <sum>, %get3A_928 masked %broadcast_in_dim3A_930 : vector<16xi32>, vector<16xi1> -> vector<16xi32>
    %add3A_932 = vector.broadcast %squeeze3A_922 : i32 to vector<16xi32>
    %add3A_933 = arith.addi %masked_cumsum3A_931, %add3A_932 : vector<16xi32>
    %swap3A_934 = arith.constant 240 : index
    %swap3A_935 = tpu.vector_load %arg7[%swap3A_934] {strides = array<i32>} : memref<256xi32, #tpu.memory_space<vmem>>, vector<16xi32>,
    tpu.vector_store %arg7[%swap3A_934], %add3A_933 {strides = array<i32>} : memref<256xi32, #tpu.memory_space<vmem>>, vector<16xi32>,
    %slice3A_936 = vector.extract_strided_slice %add3A_933 {offsets = [15], sizes = [1], strides = [1]} : vector<16xi32> to vector<1xi32>
    %squeeze3A_937 = vector.extract %slice3A_936[0] : i32 from vector<1xi32>
    %lt3A_938 = vector.broadcast %sub3A_355 : i32 to vector<16xi32>
    %lt3A_939 = arith.cmpi slt, %add3A_933, %lt3A_938 : vector<16xi32>
    %all_reduce_population_count3A_940 = tpu.all_reduce %lt3A_939 {dim = 0 : i64, kind = #tpu.reduction_kind<sum>} : vector<16xi1> -> vector<16xi32>
    %add3A_941 = arith.addi %add3A_926, %all_reduce_population_count3A_940 : vector<16xi32>
    %slice3A_942 = vector.extract_strided_slice %add3A_941 {offsets = [0], sizes = [1], strides = [1]} : vector<16xi32> to vector<1xi32>
    %squeeze3A_943 = vector.extract %slice3A_942[0] : i32 from vector<1xi32>
    %sub3A_944 = arith.constant 1 : i32
    %sub3A_945 = arith.subi %squeeze3A_943, %sub3A_944 : i32
    %max3A_946 = arith.constant 0 : i32
    %max3A_947 = arith.maxsi %sub3A_945, %max3A_946 : i32
    %broadcast_in_dim3A_948 = vector.broadcast %max3A_947 : i32 to vector<16xi32>
    %gather3A_949 = tpu.vector_load_idx %arg7[%broadcast_in_dim3A_948] : memref<256xi32, #tpu.memory_space<vmem>>[vector<16xi32>], vector<16xi32>,
    %eq3A_950 = arith.constant 0 : i32
    %eq3A_951 = arith.cmpi eq, %squeeze3A_943, %eq3A_950 : i32
    %slice3A_952 = vector.extract_strided_slice %gather3A_949 {offsets = [0], sizes = [1], strides = [1]} : vector<16xi32> to vector<1xi32>
    %squeeze3A_953 = vector.extract %slice3A_952[0] : i32 from vector<1xi32>
    %jit3A_954 = arith.constant 0 : i32
    %select_n3A_955 = arith.select %eq3A_951, %jit3A_954, %squeeze3A_953 : i32
    %broadcast_in_dim3A_956 = vector.broadcast %squeeze3A_943 : i32 to vector<16xi32>
    %gather3A_957 = tpu.vector_load_idx %arg7[%broadcast_in_dim3A_956] : memref<256xi32, #tpu.memory_space<vmem>>[vector<16xi32>], vector<16xi32>,
    %slice3A_958 = vector.extract_strided_slice %gather3A_957 {offsets = [0], sizes = [1], strides = [1]} : vector<16xi32> to vector<1xi32>
    %squeeze3A_959 = vector.extract %slice3A_958[0] : i32 from vector<1xi32>
    %sub3A_960 = arith.subi %squeeze3A_959, %select_n3A_955 : i32
    %sub3A_961 = arith.subi %sub3A_355, %select_n3A_955 : i32
    %shift_left3A = arith.constant 8 : i32
    %shift_left3A_962 = arith.shli %squeeze3A_342, %shift_left3A : i32
    %or3A = arith.ori %shift_left3A_962, %squeeze3A_943 : i32
    %get3A_963 = arith.constant 0 : index
    %get3A_964 = tpu.vector_load %arg8[%get3A_963] {strides = array<i32>} : memref<256xi32, #tpu.memory_space<vmem>>, vector<16xi32>,
    %broadcast_in_dim3A_965 = arith.constant true
    %broadcast_in_dim3A_966 = vector.broadcast %broadcast_in_dim3A_965 : i1 to vector<16xi1>
    %masked_cumsum3A_967 = tpu.scan <sum>, %get3A_964 masked %broadcast_in_dim3A_966 : vector<16xi32>, vector<16xi1> -> vector<16xi32>
    %add3A_968 = arith.constant 0 : i32
    %add3A_969 = vector.broadcast %add3A_968 : i32 to vector<16xi32>
    %add3A_970 = arith.addi %masked_cumsum3A_967, %add3A_969 : vector<16xi32>
    %swap3A_971 = arith.constant 0 : index
    %swap3A_972 = tpu.vector_load %arg8[%swap3A_971] {strides = array<i32>} : memref<256xi32, #tpu.memory_space<vmem>>, vector<16xi32>,
    tpu.vector_store %arg8[%swap3A_971], %add3A_970 {strides = array<i32>} : memref<256xi32, #tpu.memory_space<vmem>>, vector<16xi32>,
    %slice3A_973 = vector.extract_strided_slice %add3A_970 {offsets = [15], sizes = [1], strides = [1]} : vector<16xi32> to vector<1xi32>
    %squeeze3A_974 = vector.extract %slice3A_973[0] : i32 from vector<1xi32>
    %lt3A_975 = vector.broadcast %sub3A_633 : i32 to vector<16xi32>
    %lt3A_976 = arith.cmpi slt, %add3A_970, %lt3A_975 : vector<16xi32>
    %all_reduce_population_count3A_977 = tpu.all_reduce %lt3A_976 {dim = 0 : i64, kind = #tpu.reduction_kind<sum>} : vector<16xi1> -> vector<16xi32>
    %add3A_978 = arith.addi %broadcast_in_dim3A_12, %all_reduce_population_count3A_977 : vector<16xi32>
    %get3A_979 = arith.constant 16 : index
    %get3A_980 = tpu.vector_load %arg8[%get3A_979] {strides = array<i32>} : memref<256xi32, #tpu.memory_space<vmem>>, vector<16xi32>,
    %broadcast_in_dim3A_981 = arith.constant true
    %broadcast_in_dim3A_982 = vector.broadcast %broadcast_in_dim3A_981 : i1 to vector<16xi1>
    %masked_cumsum3A_983 = tpu.scan <sum>, %get3A_980 masked %broadcast_in_dim3A_982 : vector<16xi32>, vector<16xi1> -> vector<16xi32>
    %add3A_984 = vector.broadcast %squeeze3A_974 : i32 to vector<16xi32>
    %add3A_985 = arith.addi %masked_cumsum3A_983, %add3A_984 : vector<16xi32>
    %swap3A_986 = arith.constant 16 : index
    %swap3A_987 = tpu.vector_load %arg8[%swap3A_986] {strides = array<i32>} : memref<256xi32, #tpu.memory_space<vmem>>, vector<16xi32>,
    tpu.vector_store %arg8[%swap3A_986], %add3A_985 {strides = array<i32>} : memref<256xi32, #tpu.memory_space<vmem>>, vector<16xi32>,
    %slice3A_988 = vector.extract_strided_slice %add3A_985 {offsets = [15], sizes = [1], strides = [1]} : vector<16xi32> to vector<1xi32>
    %squeeze3A_989 = vector.extract %slice3A_988[0] : i32 from vector<1xi32>
    %lt3A_990 = vector.broadcast %sub3A_633 : i32 to vector<16xi32>
    %lt3A_991 = arith.cmpi slt, %add3A_985, %lt3A_990 : vector<16xi32>
    %all_reduce_population_count3A_992 = tpu.all_reduce %lt3A_991 {dim = 0 : i64, kind = #tpu.reduction_kind<sum>} : vector<16xi1> -> vector<16xi32>
    %add3A_993 = arith.addi %add3A_978, %all_reduce_population_count3A_992 : vector<16xi32>
    %get3A_994 = arith.constant 32 : index
    %get3A_995 = tpu.vector_load %arg8[%get3A_994] {strides = array<i32>} : memref<256xi32, #tpu.memory_space<vmem>>, vector<16xi32>,
    %broadcast_in_dim3A_996 = arith.constant true
    %broadcast_in_dim3A_997 = vector.broadcast %broadcast_in_dim3A_996 : i1 to vector<16xi1>
    %masked_cumsum3A_998 = tpu.scan <sum>, %get3A_995 masked %broadcast_in_dim3A_997 : vector<16xi32>, vector<16xi1> -> vector<16xi32>
    %add3A_999 = vector.broadcast %squeeze3A_989 : i32 to vector<16xi32>
    %add3A_1000 = arith.addi %masked_cumsum3A_998, %add3A_999 : vector<16xi32>
    %swap3A_1001 = arith.constant 32 : index
    %swap3A_1002 = tpu.vector_load %arg8[%swap3A_1001] {strides = array<i32>} : memref<256xi32, #tpu.memory_space<vmem>>, vector<16xi32>,
    tpu.vector_store %arg8[%swap3A_1001], %add3A_1000 {strides = array<i32>} : memref<256xi32, #tpu.memory_space<vmem>>, vector<16xi32>,
    %slice3A_1003 = vector.extract_strided_slice %add3A_1000 {offsets = [15], sizes = [1], strides = [1]} : vector<16xi32> to vector<1xi32>
    %squeeze3A_1004 = vector.extract %slice3A_1003[0] : i32 from vector<1xi32>
    %lt3A_1005 = vector.broadcast %sub3A_633 : i32 to vector<16xi32>
    %lt3A_1006 = arith.cmpi slt, %add3A_1000, %lt3A_1005 : vector<16xi32>
    %all_reduce_population_count3A_1007 = tpu.all_reduce %lt3A_1006 {dim = 0 : i64, kind = #tpu.reduction_kind<sum>} : vector<16xi1> -> vector<16xi32>
    %add3A_1008 = arith.addi %add3A_993, %all_reduce_population_count3A_1007 : vector<16xi32>
    %get3A_1009 = arith.constant 48 : index
    %get3A_1010 = tpu.vector_load %arg8[%get3A_1009] {strides = array<i32>} : memref<256xi32, #tpu.memory_space<vmem>>, vector<16xi32>,
    %broadcast_in_dim3A_1011 = arith.constant true
    %broadcast_in_dim3A_1012 = vector.broadcast %broadcast_in_dim3A_1011 : i1 to vector<16xi1>
    %masked_cumsum3A_1013 = tpu.scan <sum>, %get3A_1010 masked %broadcast_in_dim3A_1012 : vector<16xi32>, vector<16xi1> -> vector<16xi32>
    %add3A_1014 = vector.broadcast %squeeze3A_1004 : i32 to vector<16xi32>
    %add3A_1015 = arith.addi %masked_cumsum3A_1013, %add3A_1014 : vector<16xi32>
    %swap3A_1016 = arith.constant 48 : index
    %swap3A_1017 = tpu.vector_load %arg8[%swap3A_1016] {strides = array<i32>} : memref<256xi32, #tpu.memory_space<vmem>>, vector<16xi32>,
    tpu.vector_store %arg8[%swap3A_1016], %add3A_1015 {strides = array<i32>} : memref<256xi32, #tpu.memory_space<vmem>>, vector<16xi32>,
    %slice3A_1018 = vector.extract_strided_slice %add3A_1015 {offsets = [15], sizes = [1], strides = [1]} : vector<16xi32> to vector<1xi32>
    %squeeze3A_1019 = vector.extract %slice3A_1018[0] : i32 from vector<1xi32>
    %lt3A_1020 = vector.broadcast %sub3A_633 : i32 to vector<16xi32>
    %lt3A_1021 = arith.cmpi slt, %add3A_1015, %lt3A_1020 : vector<16xi32>
    %all_reduce_population_count3A_1022 = tpu.all_reduce %lt3A_1021 {dim = 0 : i64, kind = #tpu.reduction_kind<sum>} : vector<16xi1> -> vector<16xi32>
    %add3A_1023 = arith.addi %add3A_1008, %all_reduce_population_count3A_1022 : vector<16xi32>
    %get3A_1024 = arith.constant 64 : index
    %get3A_1025 = tpu.vector_load %arg8[%get3A_1024] {strides = array<i32>} : memref<256xi32, #tpu.memory_space<vmem>>, vector<16xi32>,
    %broadcast_in_dim3A_1026 = arith.constant true
    %broadcast_in_dim3A_1027 = vector.broadcast %broadcast_in_dim3A_1026 : i1 to vector<16xi1>
    %masked_cumsum3A_1028 = tpu.scan <sum>, %get3A_1025 masked %broadcast_in_dim3A_1027 : vector<16xi32>, vector<16xi1> -> vector<16xi32>
    %add3A_1029 = vector.broadcast %squeeze3A_1019 : i32 to vector<16xi32>
    %add3A_1030 = arith.addi %masked_cumsum3A_1028, %add3A_1029 : vector<16xi32>
    %swap3A_1031 = arith.constant 64 : index
    %swap3A_1032 = tpu.vector_load %arg8[%swap3A_1031] {strides = array<i32>} : memref<256xi32, #tpu.memory_space<vmem>>, vector<16xi32>,
    tpu.vector_store %arg8[%swap3A_1031], %add3A_1030 {strides = array<i32>} : memref<256xi32, #tpu.memory_space<vmem>>, vector<16xi32>,
    %slice3A_1033 = vector.extract_strided_slice %add3A_1030 {offsets = [15], sizes = [1], strides = [1]} : vector<16xi32> to vector<1xi32>
    %squeeze3A_1034 = vector.extract %slice3A_1033[0] : i32 from vector<1xi32>
    %lt3A_1035 = vector.broadcast %sub3A_633 : i32 to vector<16xi32>
    %lt3A_1036 = arith.cmpi slt, %add3A_1030, %lt3A_1035 : vector<16xi32>
    %all_reduce_population_count3A_1037 = tpu.all_reduce %lt3A_1036 {dim = 0 : i64, kind = #tpu.reduction_kind<sum>} : vector<16xi1> -> vector<16xi32>
    %add3A_1038 = arith.addi %add3A_1023, %all_reduce_population_count3A_1037 : vector<16xi32>
    %get3A_1039 = arith.constant 80 : index
    %get3A_1040 = tpu.vector_load %arg8[%get3A_1039] {strides = array<i32>} : memref<256xi32, #tpu.memory_space<vmem>>, vector<16xi32>,
    %broadcast_in_dim3A_1041 = arith.constant true
    %broadcast_in_dim3A_1042 = vector.broadcast %broadcast_in_dim3A_1041 : i1 to vector<16xi1>
    %masked_cumsum3A_1043 = tpu.scan <sum>, %get3A_1040 masked %broadcast_in_dim3A_1042 : vector<16xi32>, vector<16xi1> -> vector<16xi32>
    %add3A_1044 = vector.broadcast %squeeze3A_1034 : i32 to vector<16xi32>
    %add3A_1045 = arith.addi %masked_cumsum3A_1043, %add3A_1044 : vector<16xi32>
    %swap3A_1046 = arith.constant 80 : index
    %swap3A_1047 = tpu.vector_load %arg8[%swap3A_1046] {strides = array<i32>} : memref<256xi32, #tpu.memory_space<vmem>>, vector<16xi32>,
    tpu.vector_store %arg8[%swap3A_1046], %add3A_1045 {strides = array<i32>} : memref<256xi32, #tpu.memory_space<vmem>>, vector<16xi32>,
    %slice3A_1048 = vector.extract_strided_slice %add3A_1045 {offsets = [15], sizes = [1], strides = [1]} : vector<16xi32> to vector<1xi32>
    %squeeze3A_1049 = vector.extract %slice3A_1048[0] : i32 from vector<1xi32>
    %lt3A_1050 = vector.broadcast %sub3A_633 : i32 to vector<16xi32>
    %lt3A_1051 = arith.cmpi slt, %add3A_1045, %lt3A_1050 : vector<16xi32>
    %all_reduce_population_count3A_1052 = tpu.all_reduce %lt3A_1051 {dim = 0 : i64, kind = #tpu.reduction_kind<sum>} : vector<16xi1> -> vector<16xi32>
    %add3A_1053 = arith.addi %add3A_1038, %all_reduce_population_count3A_1052 : vector<16xi32>
    %get3A_1054 = arith.constant 96 : index
    %get3A_1055 = tpu.vector_load %arg8[%get3A_1054] {strides = array<i32>} : memref<256xi32, #tpu.memory_space<vmem>>, vector<16xi32>,
    %broadcast_in_dim3A_1056 = arith.constant true
    %broadcast_in_dim3A_1057 = vector.broadcast %broadcast_in_dim3A_1056 : i1 to vector<16xi1>
    %masked_cumsum3A_1058 = tpu.scan <sum>, %get3A_1055 masked %broadcast_in_dim3A_1057 : vector<16xi32>, vector<16xi1> -> vector<16xi32>
    %add3A_1059 = vector.broadcast %squeeze3A_1049 : i32 to vector<16xi32>
    %add3A_1060 = arith.addi %masked_cumsum3A_1058, %add3A_1059 : vector<16xi32>
    %swap3A_1061 = arith.constant 96 : index
    %swap3A_1062 = tpu.vector_load %arg8[%swap3A_1061] {strides = array<i32>} : memref<256xi32, #tpu.memory_space<vmem>>, vector<16xi32>,
    tpu.vector_store %arg8[%swap3A_1061], %add3A_1060 {strides = array<i32>} : memref<256xi32, #tpu.memory_space<vmem>>, vector<16xi32>,
    %slice3A_1063 = vector.extract_strided_slice %add3A_1060 {offsets = [15], sizes = [1], strides = [1]} : vector<16xi32> to vector<1xi32>
    %squeeze3A_1064 = vector.extract %slice3A_1063[0] : i32 from vector<1xi32>
    %lt3A_1065 = vector.broadcast %sub3A_633 : i32 to vector<16xi32>
    %lt3A_1066 = arith.cmpi slt, %add3A_1060, %lt3A_1065 : vector<16xi32>
    %all_reduce_population_count3A_1067 = tpu.all_reduce %lt3A_1066 {dim = 0 : i64, kind = #tpu.reduction_kind<sum>} : vector<16xi1> -> vector<16xi32>
    %add3A_1068 = arith.addi %add3A_1053, %all_reduce_population_count3A_1067 : vector<16xi32>
    %get3A_1069 = arith.constant 112 : index
    %get3A_1070 = tpu.vector_load %arg8[%get3A_1069] {strides = array<i32>} : memref<256xi32, #tpu.memory_space<vmem>>, vector<16xi32>,
    %broadcast_in_dim3A_1071 = arith.constant true
    %broadcast_in_dim3A_1072 = vector.broadcast %broadcast_in_dim3A_1071 : i1 to vector<16xi1>
    %masked_cumsum3A_1073 = tpu.scan <sum>, %get3A_1070 masked %broadcast_in_dim3A_1072 : vector<16xi32>, vector<16xi1> -> vector<16xi32>
    %add3A_1074 = vector.broadcast %squeeze3A_1064 : i32 to vector<16xi32>
    %add3A_1075 = arith.addi %masked_cumsum3A_1073, %add3A_1074 : vector<16xi32>
    %swap3A_1076 = arith.constant 112 : index
    %swap3A_1077 = tpu.vector_load %arg8[%swap3A_1076] {strides = array<i32>} : memref<256xi32, #tpu.memory_space<vmem>>, vector<16xi32>,
    tpu.vector_store %arg8[%swap3A_1076], %add3A_1075 {strides = array<i32>} : memref<256xi32, #tpu.memory_space<vmem>>, vector<16xi32>,
    %slice3A_1078 = vector.extract_strided_slice %add3A_1075 {offsets = [15], sizes = [1], strides = [1]} : vector<16xi32> to vector<1xi32>
    %squeeze3A_1079 = vector.extract %slice3A_1078[0] : i32 from vector<1xi32>
    %lt3A_1080 = vector.broadcast %sub3A_633 : i32 to vector<16xi32>
    %lt3A_1081 = arith.cmpi slt, %add3A_1075, %lt3A_1080 : vector<16xi32>
    %all_reduce_population_count3A_1082 = tpu.all_reduce %lt3A_1081 {dim = 0 : i64, kind = #tpu.reduction_kind<sum>} : vector<16xi1> -> vector<16xi32>
    %add3A_1083 = arith.addi %add3A_1068, %all_reduce_population_count3A_1082 : vector<16xi32>
    %get3A_1084 = arith.constant 128 : index
    %get3A_1085 = tpu.vector_load %arg8[%get3A_1084] {strides = array<i32>} : memref<256xi32, #tpu.memory_space<vmem>>, vector<16xi32>,
    %broadcast_in_dim3A_1086 = arith.constant true
    %broadcast_in_dim3A_1087 = vector.broadcast %broadcast_in_dim3A_1086 : i1 to vector<16xi1>
    %masked_cumsum3A_1088 = tpu.scan <sum>, %get3A_1085 masked %broadcast_in_dim3A_1087 : vector<16xi32>, vector<16xi1> -> vector<16xi32>
    %add3A_1089 = vector.broadcast %squeeze3A_1079 : i32 to vector<16xi32>
    %add3A_1090 = arith.addi %masked_cumsum3A_1088, %add3A_1089 : vector<16xi32>
    %swap3A_1091 = arith.constant 128 : index
    %swap3A_1092 = tpu.vector_load %arg8[%swap3A_1091] {strides = array<i32>} : memref<256xi32, #tpu.memory_space<vmem>>, vector<16xi32>,
    tpu.vector_store %arg8[%swap3A_1091], %add3A_1090 {strides = array<i32>} : memref<256xi32, #tpu.memory_space<vmem>>, vector<16xi32>,
    %slice3A_1093 = vector.extract_strided_slice %add3A_1090 {offsets = [15], sizes = [1], strides = [1]} : vector<16xi32> to vector<1xi32>
    %squeeze3A_1094 = vector.extract %slice3A_1093[0] : i32 from vector<1xi32>
    %lt3A_1095 = vector.broadcast %sub3A_633 : i32 to vector<16xi32>
    %lt3A_1096 = arith.cmpi slt, %add3A_1090, %lt3A_1095 : vector<16xi32>
    %all_reduce_population_count3A_1097 = tpu.all_reduce %lt3A_1096 {dim = 0 : i64, kind = #tpu.reduction_kind<sum>} : vector<16xi1> -> vector<16xi32>
    %add3A_1098 = arith.addi %add3A_1083, %all_reduce_population_count3A_1097 : vector<16xi32>
    %get3A_1099 = arith.constant 144 : index
    %get3A_1100 = tpu.vector_load %arg8[%get3A_1099] {strides = array<i32>} : memref<256xi32, #tpu.memory_space<vmem>>, vector<16xi32>,
    %broadcast_in_dim3A_1101 = arith.constant true
    %broadcast_in_dim3A_1102 = vector.broadcast %broadcast_in_dim3A_1101 : i1 to vector<16xi1>
    %masked_cumsum3A_1103 = tpu.scan <sum>, %get3A_1100 masked %broadcast_in_dim3A_1102 : vector<16xi32>, vector<16xi1> -> vector<16xi32>
    %add3A_1104 = vector.broadcast %squeeze3A_1094 : i32 to vector<16xi32>
    %add3A_1105 = arith.addi %masked_cumsum3A_1103, %add3A_1104 : vector<16xi32>
    %swap3A_1106 = arith.constant 144 : index
    %swap3A_1107 = tpu.vector_load %arg8[%swap3A_1106] {strides = array<i32>} : memref<256xi32, #tpu.memory_space<vmem>>, vector<16xi32>,
    tpu.vector_store %arg8[%swap3A_1106], %add3A_1105 {strides = array<i32>} : memref<256xi32, #tpu.memory_space<vmem>>, vector<16xi32>,
    %slice3A_1108 = vector.extract_strided_slice %add3A_1105 {offsets = [15], sizes = [1], strides = [1]} : vector<16xi32> to vector<1xi32>
    %squeeze3A_1109 = vector.extract %slice3A_1108[0] : i32 from vector<1xi32>
    %lt3A_1110 = vector.broadcast %sub3A_633 : i32 to vector<16xi32>
    %lt3A_1111 = arith.cmpi slt, %add3A_1105, %lt3A_1110 : vector<16xi32>
    %all_reduce_population_count3A_1112 = tpu.all_reduce %lt3A_1111 {dim = 0 : i64, kind = #tpu.reduction_kind<sum>} : vector<16xi1> -> vector<16xi32>
    %add3A_1113 = arith.addi %add3A_1098, %all_reduce_population_count3A_1112 : vector<16xi32>
    %get3A_1114 = arith.constant 160 : index
    %get3A_1115 = tpu.vector_load %arg8[%get3A_1114] {strides = array<i32>} : memref<256xi32, #tpu.memory_space<vmem>>, vector<16xi32>,
    %broadcast_in_dim3A_1116 = arith.constant true
    %broadcast_in_dim3A_1117 = vector.broadcast %broadcast_in_dim3A_1116 : i1 to vector<16xi1>
    %masked_cumsum3A_1118 = tpu.scan <sum>, %get3A_1115 masked %broadcast_in_dim3A_1117 : vector<16xi32>, vector<16xi1> -> vector<16xi32>
    %add3A_1119 = vector.broadcast %squeeze3A_1109 : i32 to vector<16xi32>
    %add3A_1120 = arith.addi %masked_cumsum3A_1118, %add3A_1119 : vector<16xi32>
    %swap3A_1121 = arith.constant 160 : index
    %swap3A_1122 = tpu.vector_load %arg8[%swap3A_1121] {strides = array<i32>} : memref<256xi32, #tpu.memory_space<vmem>>, vector<16xi32>,
    tpu.vector_store %arg8[%swap3A_1121], %add3A_1120 {strides = array<i32>} : memref<256xi32, #tpu.memory_space<vmem>>, vector<16xi32>,
    %slice3A_1123 = vector.extract_strided_slice %add3A_1120 {offsets = [15], sizes = [1], strides = [1]} : vector<16xi32> to vector<1xi32>
    %squeeze3A_1124 = vector.extract %slice3A_1123[0] : i32 from vector<1xi32>
    %lt3A_1125 = vector.broadcast %sub3A_633 : i32 to vector<16xi32>
    %lt3A_1126 = arith.cmpi slt, %add3A_1120, %lt3A_1125 : vector<16xi32>
    %all_reduce_population_count3A_1127 = tpu.all_reduce %lt3A_1126 {dim = 0 : i64, kind = #tpu.reduction_kind<sum>} : vector<16xi1> -> vector<16xi32>
    %add3A_1128 = arith.addi %add3A_1113, %all_reduce_population_count3A_1127 : vector<16xi32>
    %get3A_1129 = arith.constant 176 : index
    %get3A_1130 = tpu.vector_load %arg8[%get3A_1129] {strides = array<i32>} : memref<256xi32, #tpu.memory_space<vmem>>, vector<16xi32>,
    %broadcast_in_dim3A_1131 = arith.constant true
    %broadcast_in_dim3A_1132 = vector.broadcast %broadcast_in_dim3A_1131 : i1 to vector<16xi1>
    %masked_cumsum3A_1133 = tpu.scan <sum>, %get3A_1130 masked %broadcast_in_dim3A_1132 : vector<16xi32>, vector<16xi1> -> vector<16xi32>
    %add3A_1134 = vector.broadcast %squeeze3A_1124 : i32 to vector<16xi32>
    %add3A_1135 = arith.addi %masked_cumsum3A_1133, %add3A_1134 : vector<16xi32>
    %swap3A_1136 = arith.constant 176 : index
    %swap3A_1137 = tpu.vector_load %arg8[%swap3A_1136] {strides = array<i32>} : memref<256xi32, #tpu.memory_space<vmem>>, vector<16xi32>,
    tpu.vector_store %arg8[%swap3A_1136], %add3A_1135 {strides = array<i32>} : memref<256xi32, #tpu.memory_space<vmem>>, vector<16xi32>,
    %slice3A_1138 = vector.extract_strided_slice %add3A_1135 {offsets = [15], sizes = [1], strides = [1]} : vector<16xi32> to vector<1xi32>
    %squeeze3A_1139 = vector.extract %slice3A_1138[0] : i32 from vector<1xi32>
    %lt3A_1140 = vector.broadcast %sub3A_633 : i32 to vector<16xi32>
    %lt3A_1141 = arith.cmpi slt, %add3A_1135, %lt3A_1140 : vector<16xi32>
    %all_reduce_population_count3A_1142 = tpu.all_reduce %lt3A_1141 {dim = 0 : i64, kind = #tpu.reduction_kind<sum>} : vector<16xi1> -> vector<16xi32>
    %add3A_1143 = arith.addi %add3A_1128, %all_reduce_population_count3A_1142 : vector<16xi32>
    %get3A_1144 = arith.constant 192 : index
    %get3A_1145 = tpu.vector_load %arg8[%get3A_1144] {strides = array<i32>} : memref<256xi32, #tpu.memory_space<vmem>>, vector<16xi32>,
    %broadcast_in_dim3A_1146 = arith.constant true
    %broadcast_in_dim3A_1147 = vector.broadcast %broadcast_in_dim3A_1146 : i1 to vector<16xi1>
    %masked_cumsum3A_1148 = tpu.scan <sum>, %get3A_1145 masked %broadcast_in_dim3A_1147 : vector<16xi32>, vector<16xi1> -> vector<16xi32>
    %add3A_1149 = vector.broadcast %squeeze3A_1139 : i32 to vector<16xi32>
    %add3A_1150 = arith.addi %masked_cumsum3A_1148, %add3A_1149 : vector<16xi32>
    %swap3A_1151 = arith.constant 192 : index
    %swap3A_1152 = tpu.vector_load %arg8[%swap3A_1151] {strides = array<i32>} : memref<256xi32, #tpu.memory_space<vmem>>, vector<16xi32>,
    tpu.vector_store %arg8[%swap3A_1151], %add3A_1150 {strides = array<i32>} : memref<256xi32, #tpu.memory_space<vmem>>, vector<16xi32>,
    %slice3A_1153 = vector.extract_strided_slice %add3A_1150 {offsets = [15], sizes = [1], strides = [1]} : vector<16xi32> to vector<1xi32>
    %squeeze3A_1154 = vector.extract %slice3A_1153[0] : i32 from vector<1xi32>
    %lt3A_1155 = vector.broadcast %sub3A_633 : i32 to vector<16xi32>
    %lt3A_1156 = arith.cmpi slt, %add3A_1150, %lt3A_1155 : vector<16xi32>
    %all_reduce_population_count3A_1157 = tpu.all_reduce %lt3A_1156 {dim = 0 : i64, kind = #tpu.reduction_kind<sum>} : vector<16xi1> -> vector<16xi32>
    %add3A_1158 = arith.addi %add3A_1143, %all_reduce_population_count3A_1157 : vector<16xi32>
    %get3A_1159 = arith.constant 208 : index
    %get3A_1160 = tpu.vector_load %arg8[%get3A_1159] {strides = array<i32>} : memref<256xi32, #tpu.memory_space<vmem>>, vector<16xi32>,
    %broadcast_in_dim3A_1161 = arith.constant true
    %broadcast_in_dim3A_1162 = vector.broadcast %broadcast_in_dim3A_1161 : i1 to vector<16xi1>
    %masked_cumsum3A_1163 = tpu.scan <sum>, %get3A_1160 masked %broadcast_in_dim3A_1162 : vector<16xi32>, vector<16xi1> -> vector<16xi32>
    %add3A_1164 = vector.broadcast %squeeze3A_1154 : i32 to vector<16xi32>
    %add3A_1165 = arith.addi %masked_cumsum3A_1163, %add3A_1164 : vector<16xi32>
    %swap3A_1166 = arith.constant 208 : index
    %swap3A_1167 = tpu.vector_load %arg8[%swap3A_1166] {strides = array<i32>} : memref<256xi32, #tpu.memory_space<vmem>>, vector<16xi32>,
    tpu.vector_store %arg8[%swap3A_1166], %add3A_1165 {strides = array<i32>} : memref<256xi32, #tpu.memory_space<vmem>>, vector<16xi32>,
    %slice3A_1168 = vector.extract_strided_slice %add3A_1165 {offsets = [15], sizes = [1], strides = [1]} : vector<16xi32> to vector<1xi32>
    %squeeze3A_1169 = vector.extract %slice3A_1168[0] : i32 from vector<1xi32>
    %lt3A_1170 = vector.broadcast %sub3A_633 : i32 to vector<16xi32>
    %lt3A_1171 = arith.cmpi slt, %add3A_1165, %lt3A_1170 : vector<16xi32>
    %all_reduce_population_count3A_1172 = tpu.all_reduce %lt3A_1171 {dim = 0 : i64, kind = #tpu.reduction_kind<sum>} : vector<16xi1> -> vector<16xi32>
    %add3A_1173 = arith.addi %add3A_1158, %all_reduce_population_count3A_1172 : vector<16xi32>
    %get3A_1174 = arith.constant 224 : index
    %get3A_1175 = tpu.vector_load %arg8[%get3A_1174] {strides = array<i32>} : memref<256xi32, #tpu.memory_space<vmem>>, vector<16xi32>,
    %broadcast_in_dim3A_1176 = arith.constant true
    %broadcast_in_dim3A_1177 = vector.broadcast %broadcast_in_dim3A_1176 : i1 to vector<16xi1>
    %masked_cumsum3A_1178 = tpu.scan <sum>, %get3A_1175 masked %broadcast_in_dim3A_1177 : vector<16xi32>, vector<16xi1> -> vector<16xi32>
    %add3A_1179 = vector.broadcast %squeeze3A_1169 : i32 to vector<16xi32>
    %add3A_1180 = arith.addi %masked_cumsum3A_1178, %add3A_1179 : vector<16xi32>
    %swap3A_1181 = arith.constant 224 : index
    %swap3A_1182 = tpu.vector_load %arg8[%swap3A_1181] {strides = array<i32>} : memref<256xi32, #tpu.memory_space<vmem>>, vector<16xi32>,
    tpu.vector_store %arg8[%swap3A_1181], %add3A_1180 {strides = array<i32>} : memref<256xi32, #tpu.memory_space<vmem>>, vector<16xi32>,
    %slice3A_1183 = vector.extract_strided_slice %add3A_1180 {offsets = [15], sizes = [1], strides = [1]} : vector<16xi32> to vector<1xi32>
    %squeeze3A_1184 = vector.extract %slice3A_1183[0] : i32 from vector<1xi32>
    %lt3A_1185 = vector.broadcast %sub3A_633 : i32 to vector<16xi32>
    %lt3A_1186 = arith.cmpi slt, %add3A_1180, %lt3A_1185 : vector<16xi32>
    %all_reduce_population_count3A_1187 = tpu.all_reduce %lt3A_1186 {dim = 0 : i64, kind = #tpu.reduction_kind<sum>} : vector<16xi1> -> vector<16xi32>
    %add3A_1188 = arith.addi %add3A_1173, %all_reduce_population_count3A_1187 : vector<16xi32>
    %get3A_1189 = arith.constant 240 : index
    %get3A_1190 = tpu.vector_load %arg8[%get3A_1189] {strides = array<i32>} : memref<256xi32, #tpu.memory_space<vmem>>, vector<16xi32>,
    %broadcast_in_dim3A_1191 = arith.constant true
    %broadcast_in_dim3A_1192 = vector.broadcast %broadcast_in_dim3A_1191 : i1 to vector<16xi1>
    %masked_cumsum3A_1193 = tpu.scan <sum>, %get3A_1190 masked %broadcast_in_dim3A_1192 : vector<16xi32>, vector<16xi1> -> vector<16xi32>
    %add3A_1194 = vector.broadcast %squeeze3A_1184 : i32 to vector<16xi32>
    %add3A_1195 = arith.addi %masked_cumsum3A_1193, %add3A_1194 : vector<16xi32>
    %swap3A_1196 = arith.constant 240 : index
    %swap3A_1197 = tpu.vector_load %arg8[%swap3A_1196] {strides = array<i32>} : memref<256xi32, #tpu.memory_space<vmem>>, vector<16xi32>,
    tpu.vector_store %arg8[%swap3A_1196], %add3A_1195 {strides = array<i32>} : memref<256xi32, #tpu.memory_space<vmem>>, vector<16xi32>,
    %slice3A_1198 = vector.extract_strided_slice %add3A_1195 {offsets = [15], sizes = [1], strides = [1]} : vector<16xi32> to vector<1xi32>
    %squeeze3A_1199 = vector.extract %slice3A_1198[0] : i32 from vector<1xi32>
    %lt3A_1200 = vector.broadcast %sub3A_633 : i32 to vector<16xi32>
    %lt3A_1201 = arith.cmpi slt, %add3A_1195, %lt3A_1200 : vector<16xi32>
    %all_reduce_population_count3A_1202 = tpu.all_reduce %lt3A_1201 {dim = 0 : i64, kind = #tpu.reduction_kind<sum>} : vector<16xi1> -> vector<16xi32>
    %add3A_1203 = arith.addi %add3A_1188, %all_reduce_population_count3A_1202 : vector<16xi32>
    %slice3A_1204 = vector.extract_strided_slice %add3A_1203 {offsets = [0], sizes = [1], strides = [1]} : vector<16xi32> to vector<1xi32>
    %squeeze3A_1205 = vector.extract %slice3A_1204[0] : i32 from vector<1xi32>
    %sub3A_1206 = arith.constant 1 : i32
    %sub3A_1207 = arith.subi %squeeze3A_1205, %sub3A_1206 : i32
    %max3A_1208 = arith.constant 0 : i32
    %max3A_1209 = arith.maxsi %sub3A_1207, %max3A_1208 : i32
    %broadcast_in_dim3A_1210 = vector.broadcast %max3A_1209 : i32 to vector<16xi32>
    %gather3A_1211 = tpu.vector_load_idx %arg8[%broadcast_in_dim3A_1210] : memref<256xi32, #tpu.memory_space<vmem>>[vector<16xi32>], vector<16xi32>,
    %eq3A_1212 = arith.constant 0 : i32
    %eq3A_1213 = arith.cmpi eq, %squeeze3A_1205, %eq3A_1212 : i32
    %slice3A_1214 = vector.extract_strided_slice %gather3A_1211 {offsets = [0], sizes = [1], strides = [1]} : vector<16xi32> to vector<1xi32>
    %squeeze3A_1215 = vector.extract %slice3A_1214[0] : i32 from vector<1xi32>
    %jit3A_1216 = arith.constant 0 : i32
    %select_n3A_1217 = arith.select %eq3A_1213, %jit3A_1216, %squeeze3A_1215 : i32
    %broadcast_in_dim3A_1218 = vector.broadcast %squeeze3A_1205 : i32 to vector<16xi32>
    %gather3A_1219 = tpu.vector_load_idx %arg8[%broadcast_in_dim3A_1218] : memref<256xi32, #tpu.memory_space<vmem>>[vector<16xi32>], vector<16xi32>,
    %slice3A_1220 = vector.extract_strided_slice %gather3A_1219 {offsets = [0], sizes = [1], strides = [1]} : vector<16xi32> to vector<1xi32>
    %squeeze3A_1221 = vector.extract %slice3A_1220[0] : i32 from vector<1xi32>
    %sub3A_1222 = arith.subi %squeeze3A_1221, %select_n3A_1217 : i32
    %sub3A_1223 = arith.subi %sub3A_633, %select_n3A_1217 : i32
    %shift_left3A_1224 = arith.constant 8 : i32
    %shift_left3A_1225 = arith.shli %squeeze3A_614, %shift_left3A_1224 : i32
    %or3A_1226 = arith.ori %shift_left3A_1225, %squeeze3A_1205 : i32
    %swap3A_1227 = arith.constant 0 : index
    %swap3A_1228 = tpu.vector_load %arg7[%swap3A_1227] {strides = array<i32>} : memref<256xi32, #tpu.memory_space<vmem>>, vector<16xi32>,
    tpu.vector_store %arg7[%swap3A_1227], %broadcast_in_dim3A_12 {strides = array<i32>} : memref<256xi32, #tpu.memory_space<vmem>>, vector<16xi32>,
    %swap3A_1229 = arith.constant 16 : index
    %swap3A_1230 = tpu.vector_load %arg7[%swap3A_1229] {strides = array<i32>} : memref<256xi32, #tpu.memory_space<vmem>>, vector<16xi32>,
    tpu.vector_store %arg7[%swap3A_1229], %broadcast_in_dim3A_12 {strides = array<i32>} : memref<256xi32, #tpu.memory_space<vmem>>, vector<16xi32>,
    %swap3A_1231 = arith.constant 32 : index
    %swap3A_1232 = tpu.vector_load %arg7[%swap3A_1231] {strides = array<i32>} : memref<256xi32, #tpu.memory_space<vmem>>, vector<16xi32>,
    tpu.vector_store %arg7[%swap3A_1231], %broadcast_in_dim3A_12 {strides = array<i32>} : memref<256xi32, #tpu.memory_space<vmem>>, vector<16xi32>,
    %swap3A_1233 = arith.constant 48 : index
    %swap3A_1234 = tpu.vector_load %arg7[%swap3A_1233] {strides = array<i32>} : memref<256xi32, #tpu.memory_space<vmem>>, vector<16xi32>,
    tpu.vector_store %arg7[%swap3A_1233], %broadcast_in_dim3A_12 {strides = array<i32>} : memref<256xi32, #tpu.memory_space<vmem>>, vector<16xi32>,
    %swap3A_1235 = arith.constant 64 : index
    %swap3A_1236 = tpu.vector_load %arg7[%swap3A_1235] {strides = array<i32>} : memref<256xi32, #tpu.memory_space<vmem>>, vector<16xi32>,
    tpu.vector_store %arg7[%swap3A_1235], %broadcast_in_dim3A_12 {strides = array<i32>} : memref<256xi32, #tpu.memory_space<vmem>>, vector<16xi32>,
    %swap3A_1237 = arith.constant 80 : index
    %swap3A_1238 = tpu.vector_load %arg7[%swap3A_1237] {strides = array<i32>} : memref<256xi32, #tpu.memory_space<vmem>>, vector<16xi32>,
    tpu.vector_store %arg7[%swap3A_1237], %broadcast_in_dim3A_12 {strides = array<i32>} : memref<256xi32, #tpu.memory_space<vmem>>, vector<16xi32>,
    %swap3A_1239 = arith.constant 96 : index
    %swap3A_1240 = tpu.vector_load %arg7[%swap3A_1239] {strides = array<i32>} : memref<256xi32, #tpu.memory_space<vmem>>, vector<16xi32>,
    tpu.vector_store %arg7[%swap3A_1239], %broadcast_in_dim3A_12 {strides = array<i32>} : memref<256xi32, #tpu.memory_space<vmem>>, vector<16xi32>,
    %swap3A_1241 = arith.constant 112 : index
    %swap3A_1242 = tpu.vector_load %arg7[%swap3A_1241] {strides = array<i32>} : memref<256xi32, #tpu.memory_space<vmem>>, vector<16xi32>,
    tpu.vector_store %arg7[%swap3A_1241], %broadcast_in_dim3A_12 {strides = array<i32>} : memref<256xi32, #tpu.memory_space<vmem>>, vector<16xi32>,
    %swap3A_1243 = arith.constant 128 : index
    %swap3A_1244 = tpu.vector_load %arg7[%swap3A_1243] {strides = array<i32>} : memref<256xi32, #tpu.memory_space<vmem>>, vector<16xi32>,
    tpu.vector_store %arg7[%swap3A_1243], %broadcast_in_dim3A_12 {strides = array<i32>} : memref<256xi32, #tpu.memory_space<vmem>>, vector<16xi32>,
    %swap3A_1245 = arith.constant 144 : index
    %swap3A_1246 = tpu.vector_load %arg7[%swap3A_1245] {strides = array<i32>} : memref<256xi32, #tpu.memory_space<vmem>>, vector<16xi32>,
    tpu.vector_store %arg7[%swap3A_1245], %broadcast_in_dim3A_12 {strides = array<i32>} : memref<256xi32, #tpu.memory_space<vmem>>, vector<16xi32>,
    %swap3A_1247 = arith.constant 160 : index
    %swap3A_1248 = tpu.vector_load %arg7[%swap3A_1247] {strides = array<i32>} : memref<256xi32, #tpu.memory_space<vmem>>, vector<16xi32>,
    tpu.vector_store %arg7[%swap3A_1247], %broadcast_in_dim3A_12 {strides = array<i32>} : memref<256xi32, #tpu.memory_space<vmem>>, vector<16xi32>,
    %swap3A_1249 = arith.constant 176 : index
    %swap3A_1250 = tpu.vector_load %arg7[%swap3A_1249] {strides = array<i32>} : memref<256xi32, #tpu.memory_space<vmem>>, vector<16xi32>,
    tpu.vector_store %arg7[%swap3A_1249], %broadcast_in_dim3A_12 {strides = array<i32>} : memref<256xi32, #tpu.memory_space<vmem>>, vector<16xi32>,
    %swap3A_1251 = arith.constant 192 : index
    %swap3A_1252 = tpu.vector_load %arg7[%swap3A_1251] {strides = array<i32>} : memref<256xi32, #tpu.memory_space<vmem>>, vector<16xi32>,
    tpu.vector_store %arg7[%swap3A_1251], %broadcast_in_dim3A_12 {strides = array<i32>} : memref<256xi32, #tpu.memory_space<vmem>>, vector<16xi32>,
    %swap3A_1253 = arith.constant 208 : index
    %swap3A_1254 = tpu.vector_load %arg7[%swap3A_1253] {strides = array<i32>} : memref<256xi32, #tpu.memory_space<vmem>>, vector<16xi32>,
    tpu.vector_store %arg7[%swap3A_1253], %broadcast_in_dim3A_12 {strides = array<i32>} : memref<256xi32, #tpu.memory_space<vmem>>, vector<16xi32>,
    %swap3A_1255 = arith.constant 224 : index
    %swap3A_1256 = tpu.vector_load %arg7[%swap3A_1255] {strides = array<i32>} : memref<256xi32, #tpu.memory_space<vmem>>, vector<16xi32>,
    tpu.vector_store %arg7[%swap3A_1255], %broadcast_in_dim3A_12 {strides = array<i32>} : memref<256xi32, #tpu.memory_space<vmem>>, vector<16xi32>,
    %swap3A_1257 = arith.constant 240 : index
    %swap3A_1258 = tpu.vector_load %arg7[%swap3A_1257] {strides = array<i32>} : memref<256xi32, #tpu.memory_space<vmem>>, vector<16xi32>,
    tpu.vector_store %arg7[%swap3A_1257], %broadcast_in_dim3A_12 {strides = array<i32>} : memref<256xi32, #tpu.memory_space<vmem>>, vector<16xi32>,
    %swap3A_1259 = arith.constant 0 : index
    %swap3A_1260 = tpu.vector_load %arg8[%swap3A_1259] {strides = array<i32>} : memref<256xi32, #tpu.memory_space<vmem>>, vector<16xi32>,
    tpu.vector_store %arg8[%swap3A_1259], %broadcast_in_dim3A_12 {strides = array<i32>} : memref<256xi32, #tpu.memory_space<vmem>>, vector<16xi32>,
    %swap3A_1261 = arith.constant 16 : index
    %swap3A_1262 = tpu.vector_load %arg8[%swap3A_1261] {strides = array<i32>} : memref<256xi32, #tpu.memory_space<vmem>>, vector<16xi32>,
    tpu.vector_store %arg8[%swap3A_1261], %broadcast_in_dim3A_12 {strides = array<i32>} : memref<256xi32, #tpu.memory_space<vmem>>, vector<16xi32>,
    %swap3A_1263 = arith.constant 32 : index
    %swap3A_1264 = tpu.vector_load %arg8[%swap3A_1263] {strides = array<i32>} : memref<256xi32, #tpu.memory_space<vmem>>, vector<16xi32>,
    tpu.vector_store %arg8[%swap3A_1263], %broadcast_in_dim3A_12 {strides = array<i32>} : memref<256xi32, #tpu.memory_space<vmem>>, vector<16xi32>,
    %swap3A_1265 = arith.constant 48 : index
    %swap3A_1266 = tpu.vector_load %arg8[%swap3A_1265] {strides = array<i32>} : memref<256xi32, #tpu.memory_space<vmem>>, vector<16xi32>,
    tpu.vector_store %arg8[%swap3A_1265], %broadcast_in_dim3A_12 {strides = array<i32>} : memref<256xi32, #tpu.memory_space<vmem>>, vector<16xi32>,
    %swap3A_1267 = arith.constant 64 : index
    %swap3A_1268 = tpu.vector_load %arg8[%swap3A_1267] {strides = array<i32>} : memref<256xi32, #tpu.memory_space<vmem>>, vector<16xi32>,
    tpu.vector_store %arg8[%swap3A_1267], %broadcast_in_dim3A_12 {strides = array<i32>} : memref<256xi32, #tpu.memory_space<vmem>>, vector<16xi32>,
    %swap3A_1269 = arith.constant 80 : index
    %swap3A_1270 = tpu.vector_load %arg8[%swap3A_1269] {strides = array<i32>} : memref<256xi32, #tpu.memory_space<vmem>>, vector<16xi32>,
    tpu.vector_store %arg8[%swap3A_1269], %broadcast_in_dim3A_12 {strides = array<i32>} : memref<256xi32, #tpu.memory_space<vmem>>, vector<16xi32>,
    %swap3A_1271 = arith.constant 96 : index
    %swap3A_1272 = tpu.vector_load %arg8[%swap3A_1271] {strides = array<i32>} : memref<256xi32, #tpu.memory_space<vmem>>, vector<16xi32>,
    tpu.vector_store %arg8[%swap3A_1271], %broadcast_in_dim3A_12 {strides = array<i32>} : memref<256xi32, #tpu.memory_space<vmem>>, vector<16xi32>,
    %swap3A_1273 = arith.constant 112 : index
    %swap3A_1274 = tpu.vector_load %arg8[%swap3A_1273] {strides = array<i32>} : memref<256xi32, #tpu.memory_space<vmem>>, vector<16xi32>,
    tpu.vector_store %arg8[%swap3A_1273], %broadcast_in_dim3A_12 {strides = array<i32>} : memref<256xi32, #tpu.memory_space<vmem>>, vector<16xi32>,
    %swap3A_1275 = arith.constant 128 : index
    %swap3A_1276 = tpu.vector_load %arg8[%swap3A_1275] {strides = array<i32>} : memref<256xi32, #tpu.memory_space<vmem>>, vector<16xi32>,
    tpu.vector_store %arg8[%swap3A_1275], %broadcast_in_dim3A_12 {strides = array<i32>} : memref<256xi32, #tpu.memory_space<vmem>>, vector<16xi32>,
    %swap3A_1277 = arith.constant 144 : index
    %swap3A_1278 = tpu.vector_load %arg8[%swap3A_1277] {strides = array<i32>} : memref<256xi32, #tpu.memory_space<vmem>>, vector<16xi32>,
    tpu.vector_store %arg8[%swap3A_1277], %broadcast_in_dim3A_12 {strides = array<i32>} : memref<256xi32, #tpu.memory_space<vmem>>, vector<16xi32>,
    %swap3A_1279 = arith.constant 160 : index
    %swap3A_1280 = tpu.vector_load %arg8[%swap3A_1279] {strides = array<i32>} : memref<256xi32, #tpu.memory_space<vmem>>, vector<16xi32>,
    tpu.vector_store %arg8[%swap3A_1279], %broadcast_in_dim3A_12 {strides = array<i32>} : memref<256xi32, #tpu.memory_space<vmem>>, vector<16xi32>,
    %swap3A_1281 = arith.constant 176 : index
    %swap3A_1282 = tpu.vector_load %arg8[%swap3A_1281] {strides = array<i32>} : memref<256xi32, #tpu.memory_space<vmem>>, vector<16xi32>,
    tpu.vector_store %arg8[%swap3A_1281], %broadcast_in_dim3A_12 {strides = array<i32>} : memref<256xi32, #tpu.memory_space<vmem>>, vector<16xi32>,
    %swap3A_1283 = arith.constant 192 : index
    %swap3A_1284 = tpu.vector_load %arg8[%swap3A_1283] {strides = array<i32>} : memref<256xi32, #tpu.memory_space<vmem>>, vector<16xi32>,
    tpu.vector_store %arg8[%swap3A_1283], %broadcast_in_dim3A_12 {strides = array<i32>} : memref<256xi32, #tpu.memory_space<vmem>>, vector<16xi32>,
    %swap3A_1285 = arith.constant 208 : index
    %swap3A_1286 = tpu.vector_load %arg8[%swap3A_1285] {strides = array<i32>} : memref<256xi32, #tpu.memory_space<vmem>>, vector<16xi32>,
    tpu.vector_store %arg8[%swap3A_1285], %broadcast_in_dim3A_12 {strides = array<i32>} : memref<256xi32, #tpu.memory_space<vmem>>, vector<16xi32>,
    %swap3A_1287 = arith.constant 224 : index
    %swap3A_1288 = tpu.vector_load %arg8[%swap3A_1287] {strides = array<i32>} : memref<256xi32, #tpu.memory_space<vmem>>, vector<16xi32>,
    tpu.vector_store %arg8[%swap3A_1287], %broadcast_in_dim3A_12 {strides = array<i32>} : memref<256xi32, #tpu.memory_space<vmem>>, vector<16xi32>,
    %swap3A_1289 = arith.constant 240 : index
    %swap3A_1290 = tpu.vector_load %arg8[%swap3A_1289] {strides = array<i32>} : memref<256xi32, #tpu.memory_space<vmem>>, vector<16xi32>,
    tpu.vector_store %arg8[%swap3A_1289], %broadcast_in_dim3A_12 {strides = array<i32>} : memref<256xi32, #tpu.memory_space<vmem>>, vector<16xi32>,
    %swap3A_1291 = arith.constant 0 : index
    %swap3A_1292 = tpu.vector_load %arg9[%swap3A_1291] {strides = array<i32>} : memref<256xi32, #tpu.memory_space<vmem>>, vector<16xi32>,
    tpu.vector_store %arg9[%swap3A_1291], %broadcast_in_dim3A_12 {strides = array<i32>} : memref<256xi32, #tpu.memory_space<vmem>>, vector<16xi32>,
    %swap3A_1293 = arith.constant 16 : index
    %swap3A_1294 = tpu.vector_load %arg9[%swap3A_1293] {strides = array<i32>} : memref<256xi32, #tpu.memory_space<vmem>>, vector<16xi32>,
    tpu.vector_store %arg9[%swap3A_1293], %broadcast_in_dim3A_12 {strides = array<i32>} : memref<256xi32, #tpu.memory_space<vmem>>, vector<16xi32>,
    %swap3A_1295 = arith.constant 32 : index
    %swap3A_1296 = tpu.vector_load %arg9[%swap3A_1295] {strides = array<i32>} : memref<256xi32, #tpu.memory_space<vmem>>, vector<16xi32>,
    tpu.vector_store %arg9[%swap3A_1295], %broadcast_in_dim3A_12 {strides = array<i32>} : memref<256xi32, #tpu.memory_space<vmem>>, vector<16xi32>,
    %swap3A_1297 = arith.constant 48 : index
    %swap3A_1298 = tpu.vector_load %arg9[%swap3A_1297] {strides = array<i32>} : memref<256xi32, #tpu.memory_space<vmem>>, vector<16xi32>,
    tpu.vector_store %arg9[%swap3A_1297], %broadcast_in_dim3A_12 {strides = array<i32>} : memref<256xi32, #tpu.memory_space<vmem>>, vector<16xi32>,
    %swap3A_1299 = arith.constant 64 : index
    %swap3A_1300 = tpu.vector_load %arg9[%swap3A_1299] {strides = array<i32>} : memref<256xi32, #tpu.memory_space<vmem>>, vector<16xi32>,
    tpu.vector_store %arg9[%swap3A_1299], %broadcast_in_dim3A_12 {strides = array<i32>} : memref<256xi32, #tpu.memory_space<vmem>>, vector<16xi32>,
    %swap3A_1301 = arith.constant 80 : index
    %swap3A_1302 = tpu.vector_load %arg9[%swap3A_1301] {strides = array<i32>} : memref<256xi32, #tpu.memory_space<vmem>>, vector<16xi32>,
    tpu.vector_store %arg9[%swap3A_1301], %broadcast_in_dim3A_12 {strides = array<i32>} : memref<256xi32, #tpu.memory_space<vmem>>, vector<16xi32>,
    %swap3A_1303 = arith.constant 96 : index
    %swap3A_1304 = tpu.vector_load %arg9[%swap3A_1303] {strides = array<i32>} : memref<256xi32, #tpu.memory_space<vmem>>, vector<16xi32>,
    tpu.vector_store %arg9[%swap3A_1303], %broadcast_in_dim3A_12 {strides = array<i32>} : memref<256xi32, #tpu.memory_space<vmem>>, vector<16xi32>,
    %swap3A_1305 = arith.constant 112 : index
    %swap3A_1306 = tpu.vector_load %arg9[%swap3A_1305] {strides = array<i32>} : memref<256xi32, #tpu.memory_space<vmem>>, vector<16xi32>,
    tpu.vector_store %arg9[%swap3A_1305], %broadcast_in_dim3A_12 {strides = array<i32>} : memref<256xi32, #tpu.memory_space<vmem>>, vector<16xi32>,
    %swap3A_1307 = arith.constant 128 : index
    %swap3A_1308 = tpu.vector_load %arg9[%swap3A_1307] {strides = array<i32>} : memref<256xi32, #tpu.memory_space<vmem>>, vector<16xi32>,
    tpu.vector_store %arg9[%swap3A_1307], %broadcast_in_dim3A_12 {strides = array<i32>} : memref<256xi32, #tpu.memory_space<vmem>>, vector<16xi32>,
    %swap3A_1309 = arith.constant 144 : index
    %swap3A_1310 = tpu.vector_load %arg9[%swap3A_1309] {strides = array<i32>} : memref<256xi32, #tpu.memory_space<vmem>>, vector<16xi32>,
    tpu.vector_store %arg9[%swap3A_1309], %broadcast_in_dim3A_12 {strides = array<i32>} : memref<256xi32, #tpu.memory_space<vmem>>, vector<16xi32>,
    %swap3A_1311 = arith.constant 160 : index
    %swap3A_1312 = tpu.vector_load %arg9[%swap3A_1311] {strides = array<i32>} : memref<256xi32, #tpu.memory_space<vmem>>, vector<16xi32>,
    tpu.vector_store %arg9[%swap3A_1311], %broadcast_in_dim3A_12 {strides = array<i32>} : memref<256xi32, #tpu.memory_space<vmem>>, vector<16xi32>,
    %swap3A_1313 = arith.constant 176 : index
    %swap3A_1314 = tpu.vector_load %arg9[%swap3A_1313] {strides = array<i32>} : memref<256xi32, #tpu.memory_space<vmem>>, vector<16xi32>,
    tpu.vector_store %arg9[%swap3A_1313], %broadcast_in_dim3A_12 {strides = array<i32>} : memref<256xi32, #tpu.memory_space<vmem>>, vector<16xi32>,
    %swap3A_1315 = arith.constant 192 : index
    %swap3A_1316 = tpu.vector_load %arg9[%swap3A_1315] {strides = array<i32>} : memref<256xi32, #tpu.memory_space<vmem>>, vector<16xi32>,
    tpu.vector_store %arg9[%swap3A_1315], %broadcast_in_dim3A_12 {strides = array<i32>} : memref<256xi32, #tpu.memory_space<vmem>>, vector<16xi32>,
    %swap3A_1317 = arith.constant 208 : index
    %swap3A_1318 = tpu.vector_load %arg9[%swap3A_1317] {strides = array<i32>} : memref<256xi32, #tpu.memory_space<vmem>>, vector<16xi32>,
    tpu.vector_store %arg9[%swap3A_1317], %broadcast_in_dim3A_12 {strides = array<i32>} : memref<256xi32, #tpu.memory_space<vmem>>, vector<16xi32>,
    %swap3A_1319 = arith.constant 224 : index
    %swap3A_1320 = tpu.vector_load %arg9[%swap3A_1319] {strides = array<i32>} : memref<256xi32, #tpu.memory_space<vmem>>, vector<16xi32>,
    tpu.vector_store %arg9[%swap3A_1319], %broadcast_in_dim3A_12 {strides = array<i32>} : memref<256xi32, #tpu.memory_space<vmem>>, vector<16xi32>,
    %swap3A_1321 = arith.constant 240 : index
    %swap3A_1322 = tpu.vector_load %arg9[%swap3A_1321] {strides = array<i32>} : memref<256xi32, #tpu.memory_space<vmem>>, vector<16xi32>,
    tpu.vector_store %arg9[%swap3A_1321], %broadcast_in_dim3A_12 {strides = array<i32>} : memref<256xi32, #tpu.memory_space<vmem>>, vector<16xi32>,
    %swap3A_1323 = arith.constant 0 : index
    %swap3A_1324 = tpu.vector_load %arg10[%swap3A_1323] {strides = array<i32>} : memref<256xi32, #tpu.memory_space<vmem>>, vector<16xi32>,
    tpu.vector_store %arg10[%swap3A_1323], %broadcast_in_dim3A_12 {strides = array<i32>} : memref<256xi32, #tpu.memory_space<vmem>>, vector<16xi32>,
    %swap3A_1325 = arith.constant 16 : index
    %swap3A_1326 = tpu.vector_load %arg10[%swap3A_1325] {strides = array<i32>} : memref<256xi32, #tpu.memory_space<vmem>>, vector<16xi32>,
    tpu.vector_store %arg10[%swap3A_1325], %broadcast_in_dim3A_12 {strides = array<i32>} : memref<256xi32, #tpu.memory_space<vmem>>, vector<16xi32>,
    %swap3A_1327 = arith.constant 32 : index
    %swap3A_1328 = tpu.vector_load %arg10[%swap3A_1327] {strides = array<i32>} : memref<256xi32, #tpu.memory_space<vmem>>, vector<16xi32>,
    tpu.vector_store %arg10[%swap3A_1327], %broadcast_in_dim3A_12 {strides = array<i32>} : memref<256xi32, #tpu.memory_space<vmem>>, vector<16xi32>,
    %swap3A_1329 = arith.constant 48 : index
    %swap3A_1330 = tpu.vector_load %arg10[%swap3A_1329] {strides = array<i32>} : memref<256xi32, #tpu.memory_space<vmem>>, vector<16xi32>,
    tpu.vector_store %arg10[%swap3A_1329], %broadcast_in_dim3A_12 {strides = array<i32>} : memref<256xi32, #tpu.memory_space<vmem>>, vector<16xi32>,
    %swap3A_1331 = arith.constant 64 : index
    %swap3A_1332 = tpu.vector_load %arg10[%swap3A_1331] {strides = array<i32>} : memref<256xi32, #tpu.memory_space<vmem>>, vector<16xi32>,
    tpu.vector_store %arg10[%swap3A_1331], %broadcast_in_dim3A_12 {strides = array<i32>} : memref<256xi32, #tpu.memory_space<vmem>>, vector<16xi32>,
    %swap3A_1333 = arith.constant 80 : index
    %swap3A_1334 = tpu.vector_load %arg10[%swap3A_1333] {strides = array<i32>} : memref<256xi32, #tpu.memory_space<vmem>>, vector<16xi32>,
    tpu.vector_store %arg10[%swap3A_1333], %broadcast_in_dim3A_12 {strides = array<i32>} : memref<256xi32, #tpu.memory_space<vmem>>, vector<16xi32>,
    %swap3A_1335 = arith.constant 96 : index
    %swap3A_1336 = tpu.vector_load %arg10[%swap3A_1335] {strides = array<i32>} : memref<256xi32, #tpu.memory_space<vmem>>, vector<16xi32>,
    tpu.vector_store %arg10[%swap3A_1335], %broadcast_in_dim3A_12 {strides = array<i32>} : memref<256xi32, #tpu.memory_space<vmem>>, vector<16xi32>,
    %swap3A_1337 = arith.constant 112 : index
    %swap3A_1338 = tpu.vector_load %arg10[%swap3A_1337] {strides = array<i32>} : memref<256xi32, #tpu.memory_space<vmem>>, vector<16xi32>,
    tpu.vector_store %arg10[%swap3A_1337], %broadcast_in_dim3A_12 {strides = array<i32>} : memref<256xi32, #tpu.memory_space<vmem>>, vector<16xi32>,
    %swap3A_1339 = arith.constant 128 : index
    %swap3A_1340 = tpu.vector_load %arg10[%swap3A_1339] {strides = array<i32>} : memref<256xi32, #tpu.memory_space<vmem>>, vector<16xi32>,
    tpu.vector_store %arg10[%swap3A_1339], %broadcast_in_dim3A_12 {strides = array<i32>} : memref<256xi32, #tpu.memory_space<vmem>>, vector<16xi32>,
    %swap3A_1341 = arith.constant 144 : index
    %swap3A_1342 = tpu.vector_load %arg10[%swap3A_1341] {strides = array<i32>} : memref<256xi32, #tpu.memory_space<vmem>>, vector<16xi32>,
    tpu.vector_store %arg10[%swap3A_1341], %broadcast_in_dim3A_12 {strides = array<i32>} : memref<256xi32, #tpu.memory_space<vmem>>, vector<16xi32>,
    %swap3A_1343 = arith.constant 160 : index
    %swap3A_1344 = tpu.vector_load %arg10[%swap3A_1343] {strides = array<i32>} : memref<256xi32, #tpu.memory_space<vmem>>, vector<16xi32>,
    tpu.vector_store %arg10[%swap3A_1343], %broadcast_in_dim3A_12 {strides = array<i32>} : memref<256xi32, #tpu.memory_space<vmem>>, vector<16xi32>,
    %swap3A_1345 = arith.constant 176 : index
    %swap3A_1346 = tpu.vector_load %arg10[%swap3A_1345] {strides = array<i32>} : memref<256xi32, #tpu.memory_space<vmem>>, vector<16xi32>,
    tpu.vector_store %arg10[%swap3A_1345], %broadcast_in_dim3A_12 {strides = array<i32>} : memref<256xi32, #tpu.memory_space<vmem>>, vector<16xi32>,
    %swap3A_1347 = arith.constant 192 : index
    %swap3A_1348 = tpu.vector_load %arg10[%swap3A_1347] {strides = array<i32>} : memref<256xi32, #tpu.memory_space<vmem>>, vector<16xi32>,
    tpu.vector_store %arg10[%swap3A_1347], %broadcast_in_dim3A_12 {strides = array<i32>} : memref<256xi32, #tpu.memory_space<vmem>>, vector<16xi32>,
    %swap3A_1349 = arith.constant 208 : index
    %swap3A_1350 = tpu.vector_load %arg10[%swap3A_1349] {strides = array<i32>} : memref<256xi32, #tpu.memory_space<vmem>>, vector<16xi32>,
    tpu.vector_store %arg10[%swap3A_1349], %broadcast_in_dim3A_12 {strides = array<i32>} : memref<256xi32, #tpu.memory_space<vmem>>, vector<16xi32>,
    %swap3A_1351 = arith.constant 224 : index
    %swap3A_1352 = tpu.vector_load %arg10[%swap3A_1351] {strides = array<i32>} : memref<256xi32, #tpu.memory_space<vmem>>, vector<16xi32>,
    tpu.vector_store %arg10[%swap3A_1351], %broadcast_in_dim3A_12 {strides = array<i32>} : memref<256xi32, #tpu.memory_space<vmem>>, vector<16xi32>,
    %swap3A_1353 = arith.constant 240 : index
    %swap3A_1354 = tpu.vector_load %arg10[%swap3A_1353] {strides = array<i32>} : memref<256xi32, #tpu.memory_space<vmem>>, vector<16xi32>,
    tpu.vector_store %arg10[%swap3A_1353], %broadcast_in_dim3A_12 {strides = array<i32>} : memref<256xi32, #tpu.memory_space<vmem>>, vector<16xi32>,
    %parallel_loop3A_1355 = arith.constant 0 : i32
    %parallel_loop3A_1356 = arith.constant 512 : i32
    %parallel_loop3A_1357 = arith.constant 1 : i32
    scf.for %parallel_loop3A_1926 = %parallel_loop3A_1355 to %parallel_loop3A_1356 step %parallel_loop3A_1357  : i32 {
      %parallel_loop3A_1927 = arith.constant 16 : i32
      %parallel_loop3A_1928 = arith.muli %parallel_loop3A_1926, %parallel_loop3A_1927 : i32
      %parallel_loop3A_1929 = arith.index_cast %parallel_loop3A_1928 : i32 to index
      %parallel_loop3A_1930 = tpu.vector_load %arg5[%parallel_loop3A_1929] {strides = array<i32>} : memref<8192xi32, #tpu.memory_space<vmem>>, vector<16xi32>,
      %parallel_loop3A_1931 = arith.constant 16 : i32
      %parallel_loop3A_1932 = vector.broadcast %parallel_loop3A_1931 : i32 to vector<16xi32>
      %parallel_loop3A_1933 = arith.shrui %parallel_loop3A_1930, %parallel_loop3A_1932 : vector<16xi32>
      %parallel_loop3A_1934 = vector.broadcast %or3A : i32 to vector<16xi32>
      %parallel_loop3A_1935 = arith.cmpi eq, %parallel_loop3A_1933, %parallel_loop3A_1934 : vector<16xi32>
      %parallel_loop3A_1936 = arith.constant 8 : i32
      %parallel_loop3A_1937 = vector.broadcast %parallel_loop3A_1936 : i32 to vector<16xi32>
      %parallel_loop3A_1938 = arith.shrui %parallel_loop3A_1930, %parallel_loop3A_1937 : vector<16xi32>
      %parallel_loop3A_1939 = arith.constant 255 : i32
      %parallel_loop3A_1940 = vector.broadcast %parallel_loop3A_1939 : i32 to vector<16xi32>
      %parallel_loop3A_1941 = arith.andi %parallel_loop3A_1938, %parallel_loop3A_1940 : vector<16xi32>
      tpu.vector_store_idx %arg7[%parallel_loop3A_1941], %broadcast_in_dim3A_14 masked %parallel_loop3A_1935 {add = true} : memref<256xi32, #tpu.memory_space<vmem>>[vector<16xi32>], vector<16xi32>, vector<16xi1>
      %parallel_loop3A_1942 = vector.broadcast %parallel_loop3A_1928 : i32 to vector<16xi32>
      %parallel_loop3A_1943 = arith.addi %iota3A, %parallel_loop3A_1942 : vector<16xi32>
      tpu.vector_store_idx %arg9[%parallel_loop3A_1941], %parallel_loop3A_1943 masked %parallel_loop3A_1935 {add = true} : memref<256xi32, #tpu.memory_space<vmem>>[vector<16xi32>], vector<16xi32>, vector<16xi1>
      %parallel_loop3A_1944 = arith.index_cast %parallel_loop3A_1928 : i32 to index
      %parallel_loop3A_1945 = tpu.vector_load %arg6[%parallel_loop3A_1944] {strides = array<i32>} : memref<8192xi32, #tpu.memory_space<vmem>>, vector<16xi32>,
      %parallel_loop3A_1946 = arith.constant 16 : i32
      %parallel_loop3A_1947 = vector.broadcast %parallel_loop3A_1946 : i32 to vector<16xi32>
      %parallel_loop3A_1948 = arith.shrui %parallel_loop3A_1945, %parallel_loop3A_1947 : vector<16xi32>
      %parallel_loop3A_1949 = vector.broadcast %or3A_1226 : i32 to vector<16xi32>
      %parallel_loop3A_1950 = arith.cmpi eq, %parallel_loop3A_1948, %parallel_loop3A_1949 : vector<16xi32>
      %parallel_loop3A_1951 = arith.constant 8 : i32
      %parallel_loop3A_1952 = vector.broadcast %parallel_loop3A_1951 : i32 to vector<16xi32>
      %parallel_loop3A_1953 = arith.shrui %parallel_loop3A_1945, %parallel_loop3A_1952 : vector<16xi32>
      %parallel_loop3A_1954 = arith.constant 255 : i32
      %parallel_loop3A_1955 = vector.broadcast %parallel_loop3A_1954 : i32 to vector<16xi32>
      %parallel_loop3A_1956 = arith.andi %parallel_loop3A_1953, %parallel_loop3A_1955 : vector<16xi32>
      tpu.vector_store_idx %arg8[%parallel_loop3A_1956], %broadcast_in_dim3A_14 masked %parallel_loop3A_1950 {add = true} : memref<256xi32, #tpu.memory_space<vmem>>[vector<16xi32>], vector<16xi32>, vector<16xi1>
      %parallel_loop3A_1957 = vector.broadcast %parallel_loop3A_1928 : i32 to vector<16xi32>
      %parallel_loop3A_1958 = arith.addi %iota3A, %parallel_loop3A_1957 : vector<16xi32>
      tpu.vector_store_idx %arg10[%parallel_loop3A_1956], %parallel_loop3A_1958 masked %parallel_loop3A_1950 {add = true} : memref<256xi32, #tpu.memory_space<vmem>>[vector<16xi32>], vector<16xi32>, vector<16xi1>
    } {sc.loop_unroll_factor = 4 : i64, sc.parallel_access}
    %get3A_1358 = arith.constant 0 : index
    %get3A_1359 = tpu.vector_load %arg7[%get3A_1358] {strides = array<i32>} : memref<256xi32, #tpu.memory_space<vmem>>, vector<16xi32>,
    %broadcast_in_dim3A_1360 = arith.constant true
    %broadcast_in_dim3A_1361 = vector.broadcast %broadcast_in_dim3A_1360 : i1 to vector<16xi1>
    %masked_cumsum3A_1362 = tpu.scan <sum>, %get3A_1359 masked %broadcast_in_dim3A_1361 : vector<16xi32>, vector<16xi1> -> vector<16xi32>
    %add3A_1363 = arith.constant 0 : i32
    %add3A_1364 = vector.broadcast %add3A_1363 : i32 to vector<16xi32>
    %add3A_1365 = arith.addi %masked_cumsum3A_1362, %add3A_1364 : vector<16xi32>
    %swap3A_1366 = arith.constant 0 : index
    %swap3A_1367 = tpu.vector_load %arg7[%swap3A_1366] {strides = array<i32>} : memref<256xi32, #tpu.memory_space<vmem>>, vector<16xi32>,
    tpu.vector_store %arg7[%swap3A_1366], %add3A_1365 {strides = array<i32>} : memref<256xi32, #tpu.memory_space<vmem>>, vector<16xi32>,
    %slice3A_1368 = vector.extract_strided_slice %add3A_1365 {offsets = [15], sizes = [1], strides = [1]} : vector<16xi32> to vector<1xi32>
    %squeeze3A_1369 = vector.extract %slice3A_1368[0] : i32 from vector<1xi32>
    %lt3A_1370 = vector.broadcast %sub3A_961 : i32 to vector<16xi32>
    %lt3A_1371 = arith.cmpi slt, %add3A_1365, %lt3A_1370 : vector<16xi32>
    %all_reduce_population_count3A_1372 = tpu.all_reduce %lt3A_1371 {dim = 0 : i64, kind = #tpu.reduction_kind<sum>} : vector<16xi1> -> vector<16xi32>
    %add3A_1373 = arith.addi %broadcast_in_dim3A_12, %all_reduce_population_count3A_1372 : vector<16xi32>
    %get3A_1374 = arith.constant 16 : index
    %get3A_1375 = tpu.vector_load %arg7[%get3A_1374] {strides = array<i32>} : memref<256xi32, #tpu.memory_space<vmem>>, vector<16xi32>,
    %broadcast_in_dim3A_1376 = arith.constant true
    %broadcast_in_dim3A_1377 = vector.broadcast %broadcast_in_dim3A_1376 : i1 to vector<16xi1>
    %masked_cumsum3A_1378 = tpu.scan <sum>, %get3A_1375 masked %broadcast_in_dim3A_1377 : vector<16xi32>, vector<16xi1> -> vector<16xi32>
    %add3A_1379 = vector.broadcast %squeeze3A_1369 : i32 to vector<16xi32>
    %add3A_1380 = arith.addi %masked_cumsum3A_1378, %add3A_1379 : vector<16xi32>
    %swap3A_1381 = arith.constant 16 : index
    %swap3A_1382 = tpu.vector_load %arg7[%swap3A_1381] {strides = array<i32>} : memref<256xi32, #tpu.memory_space<vmem>>, vector<16xi32>,
    tpu.vector_store %arg7[%swap3A_1381], %add3A_1380 {strides = array<i32>} : memref<256xi32, #tpu.memory_space<vmem>>, vector<16xi32>,
    %slice3A_1383 = vector.extract_strided_slice %add3A_1380 {offsets = [15], sizes = [1], strides = [1]} : vector<16xi32> to vector<1xi32>
    %squeeze3A_1384 = vector.extract %slice3A_1383[0] : i32 from vector<1xi32>
    %lt3A_1385 = vector.broadcast %sub3A_961 : i32 to vector<16xi32>
    %lt3A_1386 = arith.cmpi slt, %add3A_1380, %lt3A_1385 : vector<16xi32>
    %all_reduce_population_count3A_1387 = tpu.all_reduce %lt3A_1386 {dim = 0 : i64, kind = #tpu.reduction_kind<sum>} : vector<16xi1> -> vector<16xi32>
    %add3A_1388 = arith.addi %add3A_1373, %all_reduce_population_count3A_1387 : vector<16xi32>
    %get3A_1389 = arith.constant 32 : index
    %get3A_1390 = tpu.vector_load %arg7[%get3A_1389] {strides = array<i32>} : memref<256xi32, #tpu.memory_space<vmem>>, vector<16xi32>,
    %broadcast_in_dim3A_1391 = arith.constant true
    %broadcast_in_dim3A_1392 = vector.broadcast %broadcast_in_dim3A_1391 : i1 to vector<16xi1>
    %masked_cumsum3A_1393 = tpu.scan <sum>, %get3A_1390 masked %broadcast_in_dim3A_1392 : vector<16xi32>, vector<16xi1> -> vector<16xi32>
    %add3A_1394 = vector.broadcast %squeeze3A_1384 : i32 to vector<16xi32>
    %add3A_1395 = arith.addi %masked_cumsum3A_1393, %add3A_1394 : vector<16xi32>
    %swap3A_1396 = arith.constant 32 : index
    %swap3A_1397 = tpu.vector_load %arg7[%swap3A_1396] {strides = array<i32>} : memref<256xi32, #tpu.memory_space<vmem>>, vector<16xi32>,
    tpu.vector_store %arg7[%swap3A_1396], %add3A_1395 {strides = array<i32>} : memref<256xi32, #tpu.memory_space<vmem>>, vector<16xi32>,
    %slice3A_1398 = vector.extract_strided_slice %add3A_1395 {offsets = [15], sizes = [1], strides = [1]} : vector<16xi32> to vector<1xi32>
    %squeeze3A_1399 = vector.extract %slice3A_1398[0] : i32 from vector<1xi32>
    %lt3A_1400 = vector.broadcast %sub3A_961 : i32 to vector<16xi32>
    %lt3A_1401 = arith.cmpi slt, %add3A_1395, %lt3A_1400 : vector<16xi32>
    %all_reduce_population_count3A_1402 = tpu.all_reduce %lt3A_1401 {dim = 0 : i64, kind = #tpu.reduction_kind<sum>} : vector<16xi1> -> vector<16xi32>
    %add3A_1403 = arith.addi %add3A_1388, %all_reduce_population_count3A_1402 : vector<16xi32>
    %get3A_1404 = arith.constant 48 : index
    %get3A_1405 = tpu.vector_load %arg7[%get3A_1404] {strides = array<i32>} : memref<256xi32, #tpu.memory_space<vmem>>, vector<16xi32>,
    %broadcast_in_dim3A_1406 = arith.constant true
    %broadcast_in_dim3A_1407 = vector.broadcast %broadcast_in_dim3A_1406 : i1 to vector<16xi1>
    %masked_cumsum3A_1408 = tpu.scan <sum>, %get3A_1405 masked %broadcast_in_dim3A_1407 : vector<16xi32>, vector<16xi1> -> vector<16xi32>
    %add3A_1409 = vector.broadcast %squeeze3A_1399 : i32 to vector<16xi32>
    %add3A_1410 = arith.addi %masked_cumsum3A_1408, %add3A_1409 : vector<16xi32>
    %swap3A_1411 = arith.constant 48 : index
    %swap3A_1412 = tpu.vector_load %arg7[%swap3A_1411] {strides = array<i32>} : memref<256xi32, #tpu.memory_space<vmem>>, vector<16xi32>,
    tpu.vector_store %arg7[%swap3A_1411], %add3A_1410 {strides = array<i32>} : memref<256xi32, #tpu.memory_space<vmem>>, vector<16xi32>,
    %slice3A_1413 = vector.extract_strided_slice %add3A_1410 {offsets = [15], sizes = [1], strides = [1]} : vector<16xi32> to vector<1xi32>
    %squeeze3A_1414 = vector.extract %slice3A_1413[0] : i32 from vector<1xi32>
    %lt3A_1415 = vector.broadcast %sub3A_961 : i32 to vector<16xi32>
    %lt3A_1416 = arith.cmpi slt, %add3A_1410, %lt3A_1415 : vector<16xi32>
    %all_reduce_population_count3A_1417 = tpu.all_reduce %lt3A_1416 {dim = 0 : i64, kind = #tpu.reduction_kind<sum>} : vector<16xi1> -> vector<16xi32>
    %add3A_1418 = arith.addi %add3A_1403, %all_reduce_population_count3A_1417 : vector<16xi32>
    %get3A_1419 = arith.constant 64 : index
    %get3A_1420 = tpu.vector_load %arg7[%get3A_1419] {strides = array<i32>} : memref<256xi32, #tpu.memory_space<vmem>>, vector<16xi32>,
    %broadcast_in_dim3A_1421 = arith.constant true
    %broadcast_in_dim3A_1422 = vector.broadcast %broadcast_in_dim3A_1421 : i1 to vector<16xi1>
    %masked_cumsum3A_1423 = tpu.scan <sum>, %get3A_1420 masked %broadcast_in_dim3A_1422 : vector<16xi32>, vector<16xi1> -> vector<16xi32>
    %add3A_1424 = vector.broadcast %squeeze3A_1414 : i32 to vector<16xi32>
    %add3A_1425 = arith.addi %masked_cumsum3A_1423, %add3A_1424 : vector<16xi32>
    %swap3A_1426 = arith.constant 64 : index
    %swap3A_1427 = tpu.vector_load %arg7[%swap3A_1426] {strides = array<i32>} : memref<256xi32, #tpu.memory_space<vmem>>, vector<16xi32>,
    tpu.vector_store %arg7[%swap3A_1426], %add3A_1425 {strides = array<i32>} : memref<256xi32, #tpu.memory_space<vmem>>, vector<16xi32>,
    %slice3A_1428 = vector.extract_strided_slice %add3A_1425 {offsets = [15], sizes = [1], strides = [1]} : vector<16xi32> to vector<1xi32>
    %squeeze3A_1429 = vector.extract %slice3A_1428[0] : i32 from vector<1xi32>
    %lt3A_1430 = vector.broadcast %sub3A_961 : i32 to vector<16xi32>
    %lt3A_1431 = arith.cmpi slt, %add3A_1425, %lt3A_1430 : vector<16xi32>
    %all_reduce_population_count3A_1432 = tpu.all_reduce %lt3A_1431 {dim = 0 : i64, kind = #tpu.reduction_kind<sum>} : vector<16xi1> -> vector<16xi32>
    %add3A_1433 = arith.addi %add3A_1418, %all_reduce_population_count3A_1432 : vector<16xi32>
    %get3A_1434 = arith.constant 80 : index
    %get3A_1435 = tpu.vector_load %arg7[%get3A_1434] {strides = array<i32>} : memref<256xi32, #tpu.memory_space<vmem>>, vector<16xi32>,
    %broadcast_in_dim3A_1436 = arith.constant true
    %broadcast_in_dim3A_1437 = vector.broadcast %broadcast_in_dim3A_1436 : i1 to vector<16xi1>
    %masked_cumsum3A_1438 = tpu.scan <sum>, %get3A_1435 masked %broadcast_in_dim3A_1437 : vector<16xi32>, vector<16xi1> -> vector<16xi32>
    %add3A_1439 = vector.broadcast %squeeze3A_1429 : i32 to vector<16xi32>
    %add3A_1440 = arith.addi %masked_cumsum3A_1438, %add3A_1439 : vector<16xi32>
    %swap3A_1441 = arith.constant 80 : index
    %swap3A_1442 = tpu.vector_load %arg7[%swap3A_1441] {strides = array<i32>} : memref<256xi32, #tpu.memory_space<vmem>>, vector<16xi32>,
    tpu.vector_store %arg7[%swap3A_1441], %add3A_1440 {strides = array<i32>} : memref<256xi32, #tpu.memory_space<vmem>>, vector<16xi32>,
    %slice3A_1443 = vector.extract_strided_slice %add3A_1440 {offsets = [15], sizes = [1], strides = [1]} : vector<16xi32> to vector<1xi32>
    %squeeze3A_1444 = vector.extract %slice3A_1443[0] : i32 from vector<1xi32>
    %lt3A_1445 = vector.broadcast %sub3A_961 : i32 to vector<16xi32>
    %lt3A_1446 = arith.cmpi slt, %add3A_1440, %lt3A_1445 : vector<16xi32>
    %all_reduce_population_count3A_1447 = tpu.all_reduce %lt3A_1446 {dim = 0 : i64, kind = #tpu.reduction_kind<sum>} : vector<16xi1> -> vector<16xi32>
    %add3A_1448 = arith.addi %add3A_1433, %all_reduce_population_count3A_1447 : vector<16xi32>
    %get3A_1449 = arith.constant 96 : index
    %get3A_1450 = tpu.vector_load %arg7[%get3A_1449] {strides = array<i32>} : memref<256xi32, #tpu.memory_space<vmem>>, vector<16xi32>,
    %broadcast_in_dim3A_1451 = arith.constant true
    %broadcast_in_dim3A_1452 = vector.broadcast %broadcast_in_dim3A_1451 : i1 to vector<16xi1>
    %masked_cumsum3A_1453 = tpu.scan <sum>, %get3A_1450 masked %broadcast_in_dim3A_1452 : vector<16xi32>, vector<16xi1> -> vector<16xi32>
    %add3A_1454 = vector.broadcast %squeeze3A_1444 : i32 to vector<16xi32>
    %add3A_1455 = arith.addi %masked_cumsum3A_1453, %add3A_1454 : vector<16xi32>
    %swap3A_1456 = arith.constant 96 : index
    %swap3A_1457 = tpu.vector_load %arg7[%swap3A_1456] {strides = array<i32>} : memref<256xi32, #tpu.memory_space<vmem>>, vector<16xi32>,
    tpu.vector_store %arg7[%swap3A_1456], %add3A_1455 {strides = array<i32>} : memref<256xi32, #tpu.memory_space<vmem>>, vector<16xi32>,
    %slice3A_1458 = vector.extract_strided_slice %add3A_1455 {offsets = [15], sizes = [1], strides = [1]} : vector<16xi32> to vector<1xi32>
    %squeeze3A_1459 = vector.extract %slice3A_1458[0] : i32 from vector<1xi32>
    %lt3A_1460 = vector.broadcast %sub3A_961 : i32 to vector<16xi32>
    %lt3A_1461 = arith.cmpi slt, %add3A_1455, %lt3A_1460 : vector<16xi32>
    %all_reduce_population_count3A_1462 = tpu.all_reduce %lt3A_1461 {dim = 0 : i64, kind = #tpu.reduction_kind<sum>} : vector<16xi1> -> vector<16xi32>
    %add3A_1463 = arith.addi %add3A_1448, %all_reduce_population_count3A_1462 : vector<16xi32>
    %get3A_1464 = arith.constant 112 : index
    %get3A_1465 = tpu.vector_load %arg7[%get3A_1464] {strides = array<i32>} : memref<256xi32, #tpu.memory_space<vmem>>, vector<16xi32>,
    %broadcast_in_dim3A_1466 = arith.constant true
    %broadcast_in_dim3A_1467 = vector.broadcast %broadcast_in_dim3A_1466 : i1 to vector<16xi1>
    %masked_cumsum3A_1468 = tpu.scan <sum>, %get3A_1465 masked %broadcast_in_dim3A_1467 : vector<16xi32>, vector<16xi1> -> vector<16xi32>
    %add3A_1469 = vector.broadcast %squeeze3A_1459 : i32 to vector<16xi32>
    %add3A_1470 = arith.addi %masked_cumsum3A_1468, %add3A_1469 : vector<16xi32>
    %swap3A_1471 = arith.constant 112 : index
    %swap3A_1472 = tpu.vector_load %arg7[%swap3A_1471] {strides = array<i32>} : memref<256xi32, #tpu.memory_space<vmem>>, vector<16xi32>,
    tpu.vector_store %arg7[%swap3A_1471], %add3A_1470 {strides = array<i32>} : memref<256xi32, #tpu.memory_space<vmem>>, vector<16xi32>,
    %slice3A_1473 = vector.extract_strided_slice %add3A_1470 {offsets = [15], sizes = [1], strides = [1]} : vector<16xi32> to vector<1xi32>
    %squeeze3A_1474 = vector.extract %slice3A_1473[0] : i32 from vector<1xi32>
    %lt3A_1475 = vector.broadcast %sub3A_961 : i32 to vector<16xi32>
    %lt3A_1476 = arith.cmpi slt, %add3A_1470, %lt3A_1475 : vector<16xi32>
    %all_reduce_population_count3A_1477 = tpu.all_reduce %lt3A_1476 {dim = 0 : i64, kind = #tpu.reduction_kind<sum>} : vector<16xi1> -> vector<16xi32>
    %add3A_1478 = arith.addi %add3A_1463, %all_reduce_population_count3A_1477 : vector<16xi32>
    %get3A_1479 = arith.constant 128 : index
    %get3A_1480 = tpu.vector_load %arg7[%get3A_1479] {strides = array<i32>} : memref<256xi32, #tpu.memory_space<vmem>>, vector<16xi32>,
    %broadcast_in_dim3A_1481 = arith.constant true
    %broadcast_in_dim3A_1482 = vector.broadcast %broadcast_in_dim3A_1481 : i1 to vector<16xi1>
    %masked_cumsum3A_1483 = tpu.scan <sum>, %get3A_1480 masked %broadcast_in_dim3A_1482 : vector<16xi32>, vector<16xi1> -> vector<16xi32>
    %add3A_1484 = vector.broadcast %squeeze3A_1474 : i32 to vector<16xi32>
    %add3A_1485 = arith.addi %masked_cumsum3A_1483, %add3A_1484 : vector<16xi32>
    %swap3A_1486 = arith.constant 128 : index
    %swap3A_1487 = tpu.vector_load %arg7[%swap3A_1486] {strides = array<i32>} : memref<256xi32, #tpu.memory_space<vmem>>, vector<16xi32>,
    tpu.vector_store %arg7[%swap3A_1486], %add3A_1485 {strides = array<i32>} : memref<256xi32, #tpu.memory_space<vmem>>, vector<16xi32>,
    %slice3A_1488 = vector.extract_strided_slice %add3A_1485 {offsets = [15], sizes = [1], strides = [1]} : vector<16xi32> to vector<1xi32>
    %squeeze3A_1489 = vector.extract %slice3A_1488[0] : i32 from vector<1xi32>
    %lt3A_1490 = vector.broadcast %sub3A_961 : i32 to vector<16xi32>
    %lt3A_1491 = arith.cmpi slt, %add3A_1485, %lt3A_1490 : vector<16xi32>
    %all_reduce_population_count3A_1492 = tpu.all_reduce %lt3A_1491 {dim = 0 : i64, kind = #tpu.reduction_kind<sum>} : vector<16xi1> -> vector<16xi32>
    %add3A_1493 = arith.addi %add3A_1478, %all_reduce_population_count3A_1492 : vector<16xi32>
    %get3A_1494 = arith.constant 144 : index
    %get3A_1495 = tpu.vector_load %arg7[%get3A_1494] {strides = array<i32>} : memref<256xi32, #tpu.memory_space<vmem>>, vector<16xi32>,
    %broadcast_in_dim3A_1496 = arith.constant true
    %broadcast_in_dim3A_1497 = vector.broadcast %broadcast_in_dim3A_1496 : i1 to vector<16xi1>
    %masked_cumsum3A_1498 = tpu.scan <sum>, %get3A_1495 masked %broadcast_in_dim3A_1497 : vector<16xi32>, vector<16xi1> -> vector<16xi32>
    %add3A_1499 = vector.broadcast %squeeze3A_1489 : i32 to vector<16xi32>
    %add3A_1500 = arith.addi %masked_cumsum3A_1498, %add3A_1499 : vector<16xi32>
    %swap3A_1501 = arith.constant 144 : index
    %swap3A_1502 = tpu.vector_load %arg7[%swap3A_1501] {strides = array<i32>} : memref<256xi32, #tpu.memory_space<vmem>>, vector<16xi32>,
    tpu.vector_store %arg7[%swap3A_1501], %add3A_1500 {strides = array<i32>} : memref<256xi32, #tpu.memory_space<vmem>>, vector<16xi32>,
    %slice3A_1503 = vector.extract_strided_slice %add3A_1500 {offsets = [15], sizes = [1], strides = [1]} : vector<16xi32> to vector<1xi32>
    %squeeze3A_1504 = vector.extract %slice3A_1503[0] : i32 from vector<1xi32>
    %lt3A_1505 = vector.broadcast %sub3A_961 : i32 to vector<16xi32>
    %lt3A_1506 = arith.cmpi slt, %add3A_1500, %lt3A_1505 : vector<16xi32>
    %all_reduce_population_count3A_1507 = tpu.all_reduce %lt3A_1506 {dim = 0 : i64, kind = #tpu.reduction_kind<sum>} : vector<16xi1> -> vector<16xi32>
    %add3A_1508 = arith.addi %add3A_1493, %all_reduce_population_count3A_1507 : vector<16xi32>
    %get3A_1509 = arith.constant 160 : index
    %get3A_1510 = tpu.vector_load %arg7[%get3A_1509] {strides = array<i32>} : memref<256xi32, #tpu.memory_space<vmem>>, vector<16xi32>,
    %broadcast_in_dim3A_1511 = arith.constant true
    %broadcast_in_dim3A_1512 = vector.broadcast %broadcast_in_dim3A_1511 : i1 to vector<16xi1>
    %masked_cumsum3A_1513 = tpu.scan <sum>, %get3A_1510 masked %broadcast_in_dim3A_1512 : vector<16xi32>, vector<16xi1> -> vector<16xi32>
    %add3A_1514 = vector.broadcast %squeeze3A_1504 : i32 to vector<16xi32>
    %add3A_1515 = arith.addi %masked_cumsum3A_1513, %add3A_1514 : vector<16xi32>
    %swap3A_1516 = arith.constant 160 : index
    %swap3A_1517 = tpu.vector_load %arg7[%swap3A_1516] {strides = array<i32>} : memref<256xi32, #tpu.memory_space<vmem>>, vector<16xi32>,
    tpu.vector_store %arg7[%swap3A_1516], %add3A_1515 {strides = array<i32>} : memref<256xi32, #tpu.memory_space<vmem>>, vector<16xi32>,
    %slice3A_1518 = vector.extract_strided_slice %add3A_1515 {offsets = [15], sizes = [1], strides = [1]} : vector<16xi32> to vector<1xi32>
    %squeeze3A_1519 = vector.extract %slice3A_1518[0] : i32 from vector<1xi32>
    %lt3A_1520 = vector.broadcast %sub3A_961 : i32 to vector<16xi32>
    %lt3A_1521 = arith.cmpi slt, %add3A_1515, %lt3A_1520 : vector<16xi32>
    %all_reduce_population_count3A_1522 = tpu.all_reduce %lt3A_1521 {dim = 0 : i64, kind = #tpu.reduction_kind<sum>} : vector<16xi1> -> vector<16xi32>
    %add3A_1523 = arith.addi %add3A_1508, %all_reduce_population_count3A_1522 : vector<16xi32>
    %get3A_1524 = arith.constant 176 : index
    %get3A_1525 = tpu.vector_load %arg7[%get3A_1524] {strides = array<i32>} : memref<256xi32, #tpu.memory_space<vmem>>, vector<16xi32>,
    %broadcast_in_dim3A_1526 = arith.constant true
    %broadcast_in_dim3A_1527 = vector.broadcast %broadcast_in_dim3A_1526 : i1 to vector<16xi1>
    %masked_cumsum3A_1528 = tpu.scan <sum>, %get3A_1525 masked %broadcast_in_dim3A_1527 : vector<16xi32>, vector<16xi1> -> vector<16xi32>
    %add3A_1529 = vector.broadcast %squeeze3A_1519 : i32 to vector<16xi32>
    %add3A_1530 = arith.addi %masked_cumsum3A_1528, %add3A_1529 : vector<16xi32>
    %swap3A_1531 = arith.constant 176 : index
    %swap3A_1532 = tpu.vector_load %arg7[%swap3A_1531] {strides = array<i32>} : memref<256xi32, #tpu.memory_space<vmem>>, vector<16xi32>,
    tpu.vector_store %arg7[%swap3A_1531], %add3A_1530 {strides = array<i32>} : memref<256xi32, #tpu.memory_space<vmem>>, vector<16xi32>,
    %slice3A_1533 = vector.extract_strided_slice %add3A_1530 {offsets = [15], sizes = [1], strides = [1]} : vector<16xi32> to vector<1xi32>
    %squeeze3A_1534 = vector.extract %slice3A_1533[0] : i32 from vector<1xi32>
    %lt3A_1535 = vector.broadcast %sub3A_961 : i32 to vector<16xi32>
    %lt3A_1536 = arith.cmpi slt, %add3A_1530, %lt3A_1535 : vector<16xi32>
    %all_reduce_population_count3A_1537 = tpu.all_reduce %lt3A_1536 {dim = 0 : i64, kind = #tpu.reduction_kind<sum>} : vector<16xi1> -> vector<16xi32>
    %add3A_1538 = arith.addi %add3A_1523, %all_reduce_population_count3A_1537 : vector<16xi32>
    %get3A_1539 = arith.constant 192 : index
    %get3A_1540 = tpu.vector_load %arg7[%get3A_1539] {strides = array<i32>} : memref<256xi32, #tpu.memory_space<vmem>>, vector<16xi32>,
    %broadcast_in_dim3A_1541 = arith.constant true
    %broadcast_in_dim3A_1542 = vector.broadcast %broadcast_in_dim3A_1541 : i1 to vector<16xi1>
    %masked_cumsum3A_1543 = tpu.scan <sum>, %get3A_1540 masked %broadcast_in_dim3A_1542 : vector<16xi32>, vector<16xi1> -> vector<16xi32>
    %add3A_1544 = vector.broadcast %squeeze3A_1534 : i32 to vector<16xi32>
    %add3A_1545 = arith.addi %masked_cumsum3A_1543, %add3A_1544 : vector<16xi32>
    %swap3A_1546 = arith.constant 192 : index
    %swap3A_1547 = tpu.vector_load %arg7[%swap3A_1546] {strides = array<i32>} : memref<256xi32, #tpu.memory_space<vmem>>, vector<16xi32>,
    tpu.vector_store %arg7[%swap3A_1546], %add3A_1545 {strides = array<i32>} : memref<256xi32, #tpu.memory_space<vmem>>, vector<16xi32>,
    %slice3A_1548 = vector.extract_strided_slice %add3A_1545 {offsets = [15], sizes = [1], strides = [1]} : vector<16xi32> to vector<1xi32>
    %squeeze3A_1549 = vector.extract %slice3A_1548[0] : i32 from vector<1xi32>
    %lt3A_1550 = vector.broadcast %sub3A_961 : i32 to vector<16xi32>
    %lt3A_1551 = arith.cmpi slt, %add3A_1545, %lt3A_1550 : vector<16xi32>
    %all_reduce_population_count3A_1552 = tpu.all_reduce %lt3A_1551 {dim = 0 : i64, kind = #tpu.reduction_kind<sum>} : vector<16xi1> -> vector<16xi32>
    %add3A_1553 = arith.addi %add3A_1538, %all_reduce_population_count3A_1552 : vector<16xi32>
    %get3A_1554 = arith.constant 208 : index
    %get3A_1555 = tpu.vector_load %arg7[%get3A_1554] {strides = array<i32>} : memref<256xi32, #tpu.memory_space<vmem>>, vector<16xi32>,
    %broadcast_in_dim3A_1556 = arith.constant true
    %broadcast_in_dim3A_1557 = vector.broadcast %broadcast_in_dim3A_1556 : i1 to vector<16xi1>
    %masked_cumsum3A_1558 = tpu.scan <sum>, %get3A_1555 masked %broadcast_in_dim3A_1557 : vector<16xi32>, vector<16xi1> -> vector<16xi32>
    %add3A_1559 = vector.broadcast %squeeze3A_1549 : i32 to vector<16xi32>
    %add3A_1560 = arith.addi %masked_cumsum3A_1558, %add3A_1559 : vector<16xi32>
    %swap3A_1561 = arith.constant 208 : index
    %swap3A_1562 = tpu.vector_load %arg7[%swap3A_1561] {strides = array<i32>} : memref<256xi32, #tpu.memory_space<vmem>>, vector<16xi32>,
    tpu.vector_store %arg7[%swap3A_1561], %add3A_1560 {strides = array<i32>} : memref<256xi32, #tpu.memory_space<vmem>>, vector<16xi32>,
    %slice3A_1563 = vector.extract_strided_slice %add3A_1560 {offsets = [15], sizes = [1], strides = [1]} : vector<16xi32> to vector<1xi32>
    %squeeze3A_1564 = vector.extract %slice3A_1563[0] : i32 from vector<1xi32>
    %lt3A_1565 = vector.broadcast %sub3A_961 : i32 to vector<16xi32>
    %lt3A_1566 = arith.cmpi slt, %add3A_1560, %lt3A_1565 : vector<16xi32>
    %all_reduce_population_count3A_1567 = tpu.all_reduce %lt3A_1566 {dim = 0 : i64, kind = #tpu.reduction_kind<sum>} : vector<16xi1> -> vector<16xi32>
    %add3A_1568 = arith.addi %add3A_1553, %all_reduce_population_count3A_1567 : vector<16xi32>
    %get3A_1569 = arith.constant 224 : index
    %get3A_1570 = tpu.vector_load %arg7[%get3A_1569] {strides = array<i32>} : memref<256xi32, #tpu.memory_space<vmem>>, vector<16xi32>,
    %broadcast_in_dim3A_1571 = arith.constant true
    %broadcast_in_dim3A_1572 = vector.broadcast %broadcast_in_dim3A_1571 : i1 to vector<16xi1>
    %masked_cumsum3A_1573 = tpu.scan <sum>, %get3A_1570 masked %broadcast_in_dim3A_1572 : vector<16xi32>, vector<16xi1> -> vector<16xi32>
    %add3A_1574 = vector.broadcast %squeeze3A_1564 : i32 to vector<16xi32>
    %add3A_1575 = arith.addi %masked_cumsum3A_1573, %add3A_1574 : vector<16xi32>
    %swap3A_1576 = arith.constant 224 : index
    %swap3A_1577 = tpu.vector_load %arg7[%swap3A_1576] {strides = array<i32>} : memref<256xi32, #tpu.memory_space<vmem>>, vector<16xi32>,
    tpu.vector_store %arg7[%swap3A_1576], %add3A_1575 {strides = array<i32>} : memref<256xi32, #tpu.memory_space<vmem>>, vector<16xi32>,
    %slice3A_1578 = vector.extract_strided_slice %add3A_1575 {offsets = [15], sizes = [1], strides = [1]} : vector<16xi32> to vector<1xi32>
    %squeeze3A_1579 = vector.extract %slice3A_1578[0] : i32 from vector<1xi32>
    %lt3A_1580 = vector.broadcast %sub3A_961 : i32 to vector<16xi32>
    %lt3A_1581 = arith.cmpi slt, %add3A_1575, %lt3A_1580 : vector<16xi32>
    %all_reduce_population_count3A_1582 = tpu.all_reduce %lt3A_1581 {dim = 0 : i64, kind = #tpu.reduction_kind<sum>} : vector<16xi1> -> vector<16xi32>
    %add3A_1583 = arith.addi %add3A_1568, %all_reduce_population_count3A_1582 : vector<16xi32>
    %get3A_1584 = arith.constant 240 : index
    %get3A_1585 = tpu.vector_load %arg7[%get3A_1584] {strides = array<i32>} : memref<256xi32, #tpu.memory_space<vmem>>, vector<16xi32>,
    %broadcast_in_dim3A_1586 = arith.constant true
    %broadcast_in_dim3A_1587 = vector.broadcast %broadcast_in_dim3A_1586 : i1 to vector<16xi1>
    %masked_cumsum3A_1588 = tpu.scan <sum>, %get3A_1585 masked %broadcast_in_dim3A_1587 : vector<16xi32>, vector<16xi1> -> vector<16xi32>
    %add3A_1589 = vector.broadcast %squeeze3A_1579 : i32 to vector<16xi32>
    %add3A_1590 = arith.addi %masked_cumsum3A_1588, %add3A_1589 : vector<16xi32>
    %swap3A_1591 = arith.constant 240 : index
    %swap3A_1592 = tpu.vector_load %arg7[%swap3A_1591] {strides = array<i32>} : memref<256xi32, #tpu.memory_space<vmem>>, vector<16xi32>,
    tpu.vector_store %arg7[%swap3A_1591], %add3A_1590 {strides = array<i32>} : memref<256xi32, #tpu.memory_space<vmem>>, vector<16xi32>,
    %slice3A_1593 = vector.extract_strided_slice %add3A_1590 {offsets = [15], sizes = [1], strides = [1]} : vector<16xi32> to vector<1xi32>
    %squeeze3A_1594 = vector.extract %slice3A_1593[0] : i32 from vector<1xi32>
    %lt3A_1595 = vector.broadcast %sub3A_961 : i32 to vector<16xi32>
    %lt3A_1596 = arith.cmpi slt, %add3A_1590, %lt3A_1595 : vector<16xi32>
    %all_reduce_population_count3A_1597 = tpu.all_reduce %lt3A_1596 {dim = 0 : i64, kind = #tpu.reduction_kind<sum>} : vector<16xi1> -> vector<16xi32>
    %add3A_1598 = arith.addi %add3A_1583, %all_reduce_population_count3A_1597 : vector<16xi32>
    %slice3A_1599 = vector.extract_strided_slice %add3A_1598 {offsets = [0], sizes = [1], strides = [1]} : vector<16xi32> to vector<1xi32>
    %squeeze3A_1600 = vector.extract %slice3A_1599[0] : i32 from vector<1xi32>
    %sub3A_1601 = arith.constant 1 : i32
    %sub3A_1602 = arith.subi %squeeze3A_1600, %sub3A_1601 : i32
    %max3A_1603 = arith.constant 0 : i32
    %max3A_1604 = arith.maxsi %sub3A_1602, %max3A_1603 : i32
    %broadcast_in_dim3A_1605 = vector.broadcast %max3A_1604 : i32 to vector<16xi32>
    %gather3A_1606 = tpu.vector_load_idx %arg7[%broadcast_in_dim3A_1605] : memref<256xi32, #tpu.memory_space<vmem>>[vector<16xi32>], vector<16xi32>,
    %eq3A_1607 = arith.constant 0 : i32
    %eq3A_1608 = arith.cmpi eq, %squeeze3A_1600, %eq3A_1607 : i32
    %slice3A_1609 = vector.extract_strided_slice %gather3A_1606 {offsets = [0], sizes = [1], strides = [1]} : vector<16xi32> to vector<1xi32>
    %squeeze3A_1610 = vector.extract %slice3A_1609[0] : i32 from vector<1xi32>
    %jit3A_1611 = arith.constant 0 : i32
    %select_n3A_1612 = arith.select %eq3A_1608, %jit3A_1611, %squeeze3A_1610 : i32
    %broadcast_in_dim3A_1613 = vector.broadcast %squeeze3A_1600 : i32 to vector<16xi32>
    %gather3A_1614 = tpu.vector_load_idx %arg7[%broadcast_in_dim3A_1613] : memref<256xi32, #tpu.memory_space<vmem>>[vector<16xi32>], vector<16xi32>,
    %slice3A_1615 = vector.extract_strided_slice %gather3A_1614 {offsets = [0], sizes = [1], strides = [1]} : vector<16xi32> to vector<1xi32>
    %squeeze3A_1616 = vector.extract %slice3A_1615[0] : i32 from vector<1xi32>
    %sub3A_1617 = arith.subi %squeeze3A_1616, %select_n3A_1612 : i32
    %sub3A_1618 = arith.subi %sub3A_961, %select_n3A_1612 : i32
    %shift_left3A_1619 = arith.constant 8 : i32
    %shift_left3A_1620 = arith.shli %or3A, %shift_left3A_1619 : i32
    %or3A_1621 = arith.ori %shift_left3A_1620, %squeeze3A_1600 : i32
    %eq3A_1622 = arith.constant 1 : i32
    %eq3A_1623 = arith.cmpi eq, %sub3A_1617, %eq3A_1622 : i32
    %convert_element_type3A = arith.extui %eq3A_1623 : i1 to i32
    %cond3A = arith.constant 0 : i32
    %cond3A_1624 = arith.constant 1 : i32
    %cond3A_1625 = arith.constant 0 : i32
    %cond3A_1626 = arith.constant 0 : i32
    %cond3A_1627 = arith.cmpi ne, %convert_element_type3A, %cond3A_1626 : i32
    %cond3A_1628:2 = scf.if %cond3A_1627 -> (vector<16xi32>, vector<16xi32>) {
      %broadcast_in_dim3A_1926 = vector.broadcast %squeeze3A_1600 : i32 to vector<16xi32>
      %gather3A_1927 = tpu.vector_load_idx %arg9[%broadcast_in_dim3A_1926] : memref<256xi32, #tpu.memory_space<vmem>>[vector<16xi32>], vector<16xi32>,
      %gather3A_1928 = tpu.vector_load_idx %arg5[%gather3A_1927] : memref<8192xi32, #tpu.memory_space<vmem>>[vector<16xi32>], vector<16xi32>,
      scf.yield %gather3A_1928, %gather3A_1927 : vector<16xi32>, vector<16xi32>
    } else {
      %swap3A_1926 = arith.constant 0 : index
      %swap3A_1927 = tpu.vector_load %arg7[%swap3A_1926] {strides = array<i32>} : memref<256xi32, #tpu.memory_space<vmem>>, vector<16xi32>,
      tpu.vector_store %arg7[%swap3A_1926], %broadcast_in_dim3A_12 {strides = array<i32>} : memref<256xi32, #tpu.memory_space<vmem>>, vector<16xi32>,
      %swap3A_1928 = arith.constant 16 : index
      %swap3A_1929 = tpu.vector_load %arg7[%swap3A_1928] {strides = array<i32>} : memref<256xi32, #tpu.memory_space<vmem>>, vector<16xi32>,
      tpu.vector_store %arg7[%swap3A_1928], %broadcast_in_dim3A_12 {strides = array<i32>} : memref<256xi32, #tpu.memory_space<vmem>>, vector<16xi32>,
      %swap3A_1930 = arith.constant 32 : index
      %swap3A_1931 = tpu.vector_load %arg7[%swap3A_1930] {strides = array<i32>} : memref<256xi32, #tpu.memory_space<vmem>>, vector<16xi32>,
      tpu.vector_store %arg7[%swap3A_1930], %broadcast_in_dim3A_12 {strides = array<i32>} : memref<256xi32, #tpu.memory_space<vmem>>, vector<16xi32>,
      %swap3A_1932 = arith.constant 48 : index
      %swap3A_1933 = tpu.vector_load %arg7[%swap3A_1932] {strides = array<i32>} : memref<256xi32, #tpu.memory_space<vmem>>, vector<16xi32>,
      tpu.vector_store %arg7[%swap3A_1932], %broadcast_in_dim3A_12 {strides = array<i32>} : memref<256xi32, #tpu.memory_space<vmem>>, vector<16xi32>,
      %swap3A_1934 = arith.constant 64 : index
      %swap3A_1935 = tpu.vector_load %arg7[%swap3A_1934] {strides = array<i32>} : memref<256xi32, #tpu.memory_space<vmem>>, vector<16xi32>,
      tpu.vector_store %arg7[%swap3A_1934], %broadcast_in_dim3A_12 {strides = array<i32>} : memref<256xi32, #tpu.memory_space<vmem>>, vector<16xi32>,
      %swap3A_1936 = arith.constant 80 : index
      %swap3A_1937 = tpu.vector_load %arg7[%swap3A_1936] {strides = array<i32>} : memref<256xi32, #tpu.memory_space<vmem>>, vector<16xi32>,
      tpu.vector_store %arg7[%swap3A_1936], %broadcast_in_dim3A_12 {strides = array<i32>} : memref<256xi32, #tpu.memory_space<vmem>>, vector<16xi32>,
      %swap3A_1938 = arith.constant 96 : index
      %swap3A_1939 = tpu.vector_load %arg7[%swap3A_1938] {strides = array<i32>} : memref<256xi32, #tpu.memory_space<vmem>>, vector<16xi32>,
      tpu.vector_store %arg7[%swap3A_1938], %broadcast_in_dim3A_12 {strides = array<i32>} : memref<256xi32, #tpu.memory_space<vmem>>, vector<16xi32>,
      %swap3A_1940 = arith.constant 112 : index
      %swap3A_1941 = tpu.vector_load %arg7[%swap3A_1940] {strides = array<i32>} : memref<256xi32, #tpu.memory_space<vmem>>, vector<16xi32>,
      tpu.vector_store %arg7[%swap3A_1940], %broadcast_in_dim3A_12 {strides = array<i32>} : memref<256xi32, #tpu.memory_space<vmem>>, vector<16xi32>,
      %swap3A_1942 = arith.constant 128 : index
      %swap3A_1943 = tpu.vector_load %arg7[%swap3A_1942] {strides = array<i32>} : memref<256xi32, #tpu.memory_space<vmem>>, vector<16xi32>,
      tpu.vector_store %arg7[%swap3A_1942], %broadcast_in_dim3A_12 {strides = array<i32>} : memref<256xi32, #tpu.memory_space<vmem>>, vector<16xi32>,
      %swap3A_1944 = arith.constant 144 : index
      %swap3A_1945 = tpu.vector_load %arg7[%swap3A_1944] {strides = array<i32>} : memref<256xi32, #tpu.memory_space<vmem>>, vector<16xi32>,
      tpu.vector_store %arg7[%swap3A_1944], %broadcast_in_dim3A_12 {strides = array<i32>} : memref<256xi32, #tpu.memory_space<vmem>>, vector<16xi32>,
      %swap3A_1946 = arith.constant 160 : index
      %swap3A_1947 = tpu.vector_load %arg7[%swap3A_1946] {strides = array<i32>} : memref<256xi32, #tpu.memory_space<vmem>>, vector<16xi32>,
      tpu.vector_store %arg7[%swap3A_1946], %broadcast_in_dim3A_12 {strides = array<i32>} : memref<256xi32, #tpu.memory_space<vmem>>, vector<16xi32>,
      %swap3A_1948 = arith.constant 176 : index
      %swap3A_1949 = tpu.vector_load %arg7[%swap3A_1948] {strides = array<i32>} : memref<256xi32, #tpu.memory_space<vmem>>, vector<16xi32>,
      tpu.vector_store %arg7[%swap3A_1948], %broadcast_in_dim3A_12 {strides = array<i32>} : memref<256xi32, #tpu.memory_space<vmem>>, vector<16xi32>,
      %swap3A_1950 = arith.constant 192 : index
      %swap3A_1951 = tpu.vector_load %arg7[%swap3A_1950] {strides = array<i32>} : memref<256xi32, #tpu.memory_space<vmem>>, vector<16xi32>,
      tpu.vector_store %arg7[%swap3A_1950], %broadcast_in_dim3A_12 {strides = array<i32>} : memref<256xi32, #tpu.memory_space<vmem>>, vector<16xi32>,
      %swap3A_1952 = arith.constant 208 : index
      %swap3A_1953 = tpu.vector_load %arg7[%swap3A_1952] {strides = array<i32>} : memref<256xi32, #tpu.memory_space<vmem>>, vector<16xi32>,
      tpu.vector_store %arg7[%swap3A_1952], %broadcast_in_dim3A_12 {strides = array<i32>} : memref<256xi32, #tpu.memory_space<vmem>>, vector<16xi32>,
      %swap3A_1954 = arith.constant 224 : index
      %swap3A_1955 = tpu.vector_load %arg7[%swap3A_1954] {strides = array<i32>} : memref<256xi32, #tpu.memory_space<vmem>>, vector<16xi32>,
      tpu.vector_store %arg7[%swap3A_1954], %broadcast_in_dim3A_12 {strides = array<i32>} : memref<256xi32, #tpu.memory_space<vmem>>, vector<16xi32>,
      %swap3A_1956 = arith.constant 240 : index
      %swap3A_1957 = tpu.vector_load %arg7[%swap3A_1956] {strides = array<i32>} : memref<256xi32, #tpu.memory_space<vmem>>, vector<16xi32>,
      tpu.vector_store %arg7[%swap3A_1956], %broadcast_in_dim3A_12 {strides = array<i32>} : memref<256xi32, #tpu.memory_space<vmem>>, vector<16xi32>,
      %swap3A_1958 = arith.constant 0 : index
      %swap3A_1959 = tpu.vector_load %arg9[%swap3A_1958] {strides = array<i32>} : memref<256xi32, #tpu.memory_space<vmem>>, vector<16xi32>,
      tpu.vector_store %arg9[%swap3A_1958], %broadcast_in_dim3A_12 {strides = array<i32>} : memref<256xi32, #tpu.memory_space<vmem>>, vector<16xi32>,
      %swap3A_1960 = arith.constant 16 : index
      %swap3A_1961 = tpu.vector_load %arg9[%swap3A_1960] {strides = array<i32>} : memref<256xi32, #tpu.memory_space<vmem>>, vector<16xi32>,
      tpu.vector_store %arg9[%swap3A_1960], %broadcast_in_dim3A_12 {strides = array<i32>} : memref<256xi32, #tpu.memory_space<vmem>>, vector<16xi32>,
      %swap3A_1962 = arith.constant 32 : index
      %swap3A_1963 = tpu.vector_load %arg9[%swap3A_1962] {strides = array<i32>} : memref<256xi32, #tpu.memory_space<vmem>>, vector<16xi32>,
      tpu.vector_store %arg9[%swap3A_1962], %broadcast_in_dim3A_12 {strides = array<i32>} : memref<256xi32, #tpu.memory_space<vmem>>, vector<16xi32>,
      %swap3A_1964 = arith.constant 48 : index
      %swap3A_1965 = tpu.vector_load %arg9[%swap3A_1964] {strides = array<i32>} : memref<256xi32, #tpu.memory_space<vmem>>, vector<16xi32>,
      tpu.vector_store %arg9[%swap3A_1964], %broadcast_in_dim3A_12 {strides = array<i32>} : memref<256xi32, #tpu.memory_space<vmem>>, vector<16xi32>,
      %swap3A_1966 = arith.constant 64 : index
      %swap3A_1967 = tpu.vector_load %arg9[%swap3A_1966] {strides = array<i32>} : memref<256xi32, #tpu.memory_space<vmem>>, vector<16xi32>,
      tpu.vector_store %arg9[%swap3A_1966], %broadcast_in_dim3A_12 {strides = array<i32>} : memref<256xi32, #tpu.memory_space<vmem>>, vector<16xi32>,
      %swap3A_1968 = arith.constant 80 : index
      %swap3A_1969 = tpu.vector_load %arg9[%swap3A_1968] {strides = array<i32>} : memref<256xi32, #tpu.memory_space<vmem>>, vector<16xi32>,
      tpu.vector_store %arg9[%swap3A_1968], %broadcast_in_dim3A_12 {strides = array<i32>} : memref<256xi32, #tpu.memory_space<vmem>>, vector<16xi32>,
      %swap3A_1970 = arith.constant 96 : index
      %swap3A_1971 = tpu.vector_load %arg9[%swap3A_1970] {strides = array<i32>} : memref<256xi32, #tpu.memory_space<vmem>>, vector<16xi32>,
      tpu.vector_store %arg9[%swap3A_1970], %broadcast_in_dim3A_12 {strides = array<i32>} : memref<256xi32, #tpu.memory_space<vmem>>, vector<16xi32>,
      %swap3A_1972 = arith.constant 112 : index
      %swap3A_1973 = tpu.vector_load %arg9[%swap3A_1972] {strides = array<i32>} : memref<256xi32, #tpu.memory_space<vmem>>, vector<16xi32>,
      tpu.vector_store %arg9[%swap3A_1972], %broadcast_in_dim3A_12 {strides = array<i32>} : memref<256xi32, #tpu.memory_space<vmem>>, vector<16xi32>,
      %swap3A_1974 = arith.constant 128 : index
      %swap3A_1975 = tpu.vector_load %arg9[%swap3A_1974] {strides = array<i32>} : memref<256xi32, #tpu.memory_space<vmem>>, vector<16xi32>,
      tpu.vector_store %arg9[%swap3A_1974], %broadcast_in_dim3A_12 {strides = array<i32>} : memref<256xi32, #tpu.memory_space<vmem>>, vector<16xi32>,
      %swap3A_1976 = arith.constant 144 : index
      %swap3A_1977 = tpu.vector_load %arg9[%swap3A_1976] {strides = array<i32>} : memref<256xi32, #tpu.memory_space<vmem>>, vector<16xi32>,
      tpu.vector_store %arg9[%swap3A_1976], %broadcast_in_dim3A_12 {strides = array<i32>} : memref<256xi32, #tpu.memory_space<vmem>>, vector<16xi32>,
      %swap3A_1978 = arith.constant 160 : index
      %swap3A_1979 = tpu.vector_load %arg9[%swap3A_1978] {strides = array<i32>} : memref<256xi32, #tpu.memory_space<vmem>>, vector<16xi32>,
      tpu.vector_store %arg9[%swap3A_1978], %broadcast_in_dim3A_12 {strides = array<i32>} : memref<256xi32, #tpu.memory_space<vmem>>, vector<16xi32>,
      %swap3A_1980 = arith.constant 176 : index
      %swap3A_1981 = tpu.vector_load %arg9[%swap3A_1980] {strides = array<i32>} : memref<256xi32, #tpu.memory_space<vmem>>, vector<16xi32>,
      tpu.vector_store %arg9[%swap3A_1980], %broadcast_in_dim3A_12 {strides = array<i32>} : memref<256xi32, #tpu.memory_space<vmem>>, vector<16xi32>,
      %swap3A_1982 = arith.constant 192 : index
      %swap3A_1983 = tpu.vector_load %arg9[%swap3A_1982] {strides = array<i32>} : memref<256xi32, #tpu.memory_space<vmem>>, vector<16xi32>,
      tpu.vector_store %arg9[%swap3A_1982], %broadcast_in_dim3A_12 {strides = array<i32>} : memref<256xi32, #tpu.memory_space<vmem>>, vector<16xi32>,
      %swap3A_1984 = arith.constant 208 : index
      %swap3A_1985 = tpu.vector_load %arg9[%swap3A_1984] {strides = array<i32>} : memref<256xi32, #tpu.memory_space<vmem>>, vector<16xi32>,
      tpu.vector_store %arg9[%swap3A_1984], %broadcast_in_dim3A_12 {strides = array<i32>} : memref<256xi32, #tpu.memory_space<vmem>>, vector<16xi32>,
      %swap3A_1986 = arith.constant 224 : index
      %swap3A_1987 = tpu.vector_load %arg9[%swap3A_1986] {strides = array<i32>} : memref<256xi32, #tpu.memory_space<vmem>>, vector<16xi32>,
      tpu.vector_store %arg9[%swap3A_1986], %broadcast_in_dim3A_12 {strides = array<i32>} : memref<256xi32, #tpu.memory_space<vmem>>, vector<16xi32>,
      %swap3A_1988 = arith.constant 240 : index
      %swap3A_1989 = tpu.vector_load %arg9[%swap3A_1988] {strides = array<i32>} : memref<256xi32, #tpu.memory_space<vmem>>, vector<16xi32>,
      tpu.vector_store %arg9[%swap3A_1988], %broadcast_in_dim3A_12 {strides = array<i32>} : memref<256xi32, #tpu.memory_space<vmem>>, vector<16xi32>,
      %parallel_loop3A_1990 = arith.constant 0 : i32
      %parallel_loop3A_1991 = arith.constant 512 : i32
      %parallel_loop3A_1992 = arith.constant 1 : i32
      scf.for %parallel_loop3A_2262 = %parallel_loop3A_1990 to %parallel_loop3A_1991 step %parallel_loop3A_1992  : i32 {
        %parallel_loop3A_2263 = arith.constant 16 : i32
        %parallel_loop3A_2264 = arith.muli %parallel_loop3A_2262, %parallel_loop3A_2263 : i32
        %parallel_loop3A_2265 = arith.index_cast %parallel_loop3A_2264 : i32 to index
        %parallel_loop3A_2266 = tpu.vector_load %arg5[%parallel_loop3A_2265] {strides = array<i32>} : memref<8192xi32, #tpu.memory_space<vmem>>, vector<16xi32>,
        %parallel_loop3A_2267 = arith.constant 8 : i32
        %parallel_loop3A_2268 = vector.broadcast %parallel_loop3A_2267 : i32 to vector<16xi32>
        %parallel_loop3A_2269 = arith.shrui %parallel_loop3A_2266, %parallel_loop3A_2268 : vector<16xi32>
        %parallel_loop3A_2270 = vector.broadcast %or3A_1621 : i32 to vector<16xi32>
        %parallel_loop3A_2271 = arith.cmpi eq, %parallel_loop3A_2269, %parallel_loop3A_2270 : vector<16xi32>
        %parallel_loop3A_2272 = arith.constant 255 : i32
        %parallel_loop3A_2273 = vector.broadcast %parallel_loop3A_2272 : i32 to vector<16xi32>
        %parallel_loop3A_2274 = arith.andi %parallel_loop3A_2266, %parallel_loop3A_2273 : vector<16xi32>
        tpu.vector_store_idx %arg7[%parallel_loop3A_2274], %broadcast_in_dim3A_14 masked %parallel_loop3A_2271 {add = true} : memref<256xi32, #tpu.memory_space<vmem>>[vector<16xi32>], vector<16xi32>, vector<16xi1>
        %parallel_loop3A_2275 = vector.broadcast %parallel_loop3A_2264 : i32 to vector<16xi32>
        %parallel_loop3A_2276 = arith.addi %iota3A, %parallel_loop3A_2275 : vector<16xi32>
        tpu.vector_store_idx %arg9[%parallel_loop3A_2274], %parallel_loop3A_2276 masked %parallel_loop3A_2271 {add = true} : memref<256xi32, #tpu.memory_space<vmem>>[vector<16xi32>], vector<16xi32>, vector<16xi1>
      } {sc.loop_unroll_factor = 4 : i64, sc.parallel_access}
      %get3A_1993 = arith.constant 0 : index
      %get3A_1994 = tpu.vector_load %arg7[%get3A_1993] {strides = array<i32>} : memref<256xi32, #tpu.memory_space<vmem>>, vector<16xi32>,
      %broadcast_in_dim3A_1995 = arith.constant true
      %broadcast_in_dim3A_1996 = vector.broadcast %broadcast_in_dim3A_1995 : i1 to vector<16xi1>
      %masked_cumsum3A_1997 = tpu.scan <sum>, %get3A_1994 masked %broadcast_in_dim3A_1996 : vector<16xi32>, vector<16xi1> -> vector<16xi32>
      %add3A_1998 = vector.broadcast %cond3A : i32 to vector<16xi32>
      %add3A_1999 = arith.addi %masked_cumsum3A_1997, %add3A_1998 : vector<16xi32>
      %swap3A_2000 = arith.constant 0 : index
      %swap3A_2001 = tpu.vector_load %arg7[%swap3A_2000] {strides = array<i32>} : memref<256xi32, #tpu.memory_space<vmem>>, vector<16xi32>,
      tpu.vector_store %arg7[%swap3A_2000], %add3A_1999 {strides = array<i32>} : memref<256xi32, #tpu.memory_space<vmem>>, vector<16xi32>,
      %slice3A_2002 = vector.extract_strided_slice %add3A_1999 {offsets = [15], sizes = [1], strides = [1]} : vector<16xi32> to vector<1xi32>
      %squeeze3A_2003 = vector.extract %slice3A_2002[0] : i32 from vector<1xi32>
      %lt3A_2004 = vector.broadcast %sub3A_1618 : i32 to vector<16xi32>
      %lt3A_2005 = arith.cmpi slt, %add3A_1999, %lt3A_2004 : vector<16xi32>
      %all_reduce_population_count3A_2006 = tpu.all_reduce %lt3A_2005 {dim = 0 : i64, kind = #tpu.reduction_kind<sum>} : vector<16xi1> -> vector<16xi32>
      %add3A_2007 = arith.addi %broadcast_in_dim3A_12, %all_reduce_population_count3A_2006 : vector<16xi32>
      %get3A_2008 = arith.constant 16 : index
      %get3A_2009 = tpu.vector_load %arg7[%get3A_2008] {strides = array<i32>} : memref<256xi32, #tpu.memory_space<vmem>>, vector<16xi32>,
      %broadcast_in_dim3A_2010 = arith.constant true
      %broadcast_in_dim3A_2011 = vector.broadcast %broadcast_in_dim3A_2010 : i1 to vector<16xi1>
      %masked_cumsum3A_2012 = tpu.scan <sum>, %get3A_2009 masked %broadcast_in_dim3A_2011 : vector<16xi32>, vector<16xi1> -> vector<16xi32>
      %add3A_2013 = vector.broadcast %squeeze3A_2003 : i32 to vector<16xi32>
      %add3A_2014 = arith.addi %masked_cumsum3A_2012, %add3A_2013 : vector<16xi32>
      %swap3A_2015 = arith.constant 16 : index
      %swap3A_2016 = tpu.vector_load %arg7[%swap3A_2015] {strides = array<i32>} : memref<256xi32, #tpu.memory_space<vmem>>, vector<16xi32>,
      tpu.vector_store %arg7[%swap3A_2015], %add3A_2014 {strides = array<i32>} : memref<256xi32, #tpu.memory_space<vmem>>, vector<16xi32>,
      %slice3A_2017 = vector.extract_strided_slice %add3A_2014 {offsets = [15], sizes = [1], strides = [1]} : vector<16xi32> to vector<1xi32>
      %squeeze3A_2018 = vector.extract %slice3A_2017[0] : i32 from vector<1xi32>
      %lt3A_2019 = vector.broadcast %sub3A_1618 : i32 to vector<16xi32>
      %lt3A_2020 = arith.cmpi slt, %add3A_2014, %lt3A_2019 : vector<16xi32>
      %all_reduce_population_count3A_2021 = tpu.all_reduce %lt3A_2020 {dim = 0 : i64, kind = #tpu.reduction_kind<sum>} : vector<16xi1> -> vector<16xi32>
      %add3A_2022 = arith.addi %add3A_2007, %all_reduce_population_count3A_2021 : vector<16xi32>
      %get3A_2023 = arith.constant 32 : index
      %get3A_2024 = tpu.vector_load %arg7[%get3A_2023] {strides = array<i32>} : memref<256xi32, #tpu.memory_space<vmem>>, vector<16xi32>,
      %broadcast_in_dim3A_2025 = arith.constant true
      %broadcast_in_dim3A_2026 = vector.broadcast %broadcast_in_dim3A_2025 : i1 to vector<16xi1>
      %masked_cumsum3A_2027 = tpu.scan <sum>, %get3A_2024 masked %broadcast_in_dim3A_2026 : vector<16xi32>, vector<16xi1> -> vector<16xi32>
      %add3A_2028 = vector.broadcast %squeeze3A_2018 : i32 to vector<16xi32>
      %add3A_2029 = arith.addi %masked_cumsum3A_2027, %add3A_2028 : vector<16xi32>
      %swap3A_2030 = arith.constant 32 : index
      %swap3A_2031 = tpu.vector_load %arg7[%swap3A_2030] {strides = array<i32>} : memref<256xi32, #tpu.memory_space<vmem>>, vector<16xi32>,
      tpu.vector_store %arg7[%swap3A_2030], %add3A_2029 {strides = array<i32>} : memref<256xi32, #tpu.memory_space<vmem>>, vector<16xi32>,
      %slice3A_2032 = vector.extract_strided_slice %add3A_2029 {offsets = [15], sizes = [1], strides = [1]} : vector<16xi32> to vector<1xi32>
      %squeeze3A_2033 = vector.extract %slice3A_2032[0] : i32 from vector<1xi32>
      %lt3A_2034 = vector.broadcast %sub3A_1618 : i32 to vector<16xi32>
      %lt3A_2035 = arith.cmpi slt, %add3A_2029, %lt3A_2034 : vector<16xi32>
      %all_reduce_population_count3A_2036 = tpu.all_reduce %lt3A_2035 {dim = 0 : i64, kind = #tpu.reduction_kind<sum>} : vector<16xi1> -> vector<16xi32>
      %add3A_2037 = arith.addi %add3A_2022, %all_reduce_population_count3A_2036 : vector<16xi32>
      %get3A_2038 = arith.constant 48 : index
      %get3A_2039 = tpu.vector_load %arg7[%get3A_2038] {strides = array<i32>} : memref<256xi32, #tpu.memory_space<vmem>>, vector<16xi32>,
      %broadcast_in_dim3A_2040 = arith.constant true
      %broadcast_in_dim3A_2041 = vector.broadcast %broadcast_in_dim3A_2040 : i1 to vector<16xi1>
      %masked_cumsum3A_2042 = tpu.scan <sum>, %get3A_2039 masked %broadcast_in_dim3A_2041 : vector<16xi32>, vector<16xi1> -> vector<16xi32>
      %add3A_2043 = vector.broadcast %squeeze3A_2033 : i32 to vector<16xi32>
      %add3A_2044 = arith.addi %masked_cumsum3A_2042, %add3A_2043 : vector<16xi32>
      %swap3A_2045 = arith.constant 48 : index
      %swap3A_2046 = tpu.vector_load %arg7[%swap3A_2045] {strides = array<i32>} : memref<256xi32, #tpu.memory_space<vmem>>, vector<16xi32>,
      tpu.vector_store %arg7[%swap3A_2045], %add3A_2044 {strides = array<i32>} : memref<256xi32, #tpu.memory_space<vmem>>, vector<16xi32>,
      %slice3A_2047 = vector.extract_strided_slice %add3A_2044 {offsets = [15], sizes = [1], strides = [1]} : vector<16xi32> to vector<1xi32>
      %squeeze3A_2048 = vector.extract %slice3A_2047[0] : i32 from vector<1xi32>
      %lt3A_2049 = vector.broadcast %sub3A_1618 : i32 to vector<16xi32>
      %lt3A_2050 = arith.cmpi slt, %add3A_2044, %lt3A_2049 : vector<16xi32>
      %all_reduce_population_count3A_2051 = tpu.all_reduce %lt3A_2050 {dim = 0 : i64, kind = #tpu.reduction_kind<sum>} : vector<16xi1> -> vector<16xi32>
      %add3A_2052 = arith.addi %add3A_2037, %all_reduce_population_count3A_2051 : vector<16xi32>
      %get3A_2053 = arith.constant 64 : index
      %get3A_2054 = tpu.vector_load %arg7[%get3A_2053] {strides = array<i32>} : memref<256xi32, #tpu.memory_space<vmem>>, vector<16xi32>,
      %broadcast_in_dim3A_2055 = arith.constant true
      %broadcast_in_dim3A_2056 = vector.broadcast %broadcast_in_dim3A_2055 : i1 to vector<16xi1>
      %masked_cumsum3A_2057 = tpu.scan <sum>, %get3A_2054 masked %broadcast_in_dim3A_2056 : vector<16xi32>, vector<16xi1> -> vector<16xi32>
      %add3A_2058 = vector.broadcast %squeeze3A_2048 : i32 to vector<16xi32>
      %add3A_2059 = arith.addi %masked_cumsum3A_2057, %add3A_2058 : vector<16xi32>
      %swap3A_2060 = arith.constant 64 : index
      %swap3A_2061 = tpu.vector_load %arg7[%swap3A_2060] {strides = array<i32>} : memref<256xi32, #tpu.memory_space<vmem>>, vector<16xi32>,
      tpu.vector_store %arg7[%swap3A_2060], %add3A_2059 {strides = array<i32>} : memref<256xi32, #tpu.memory_space<vmem>>, vector<16xi32>,
      %slice3A_2062 = vector.extract_strided_slice %add3A_2059 {offsets = [15], sizes = [1], strides = [1]} : vector<16xi32> to vector<1xi32>
      %squeeze3A_2063 = vector.extract %slice3A_2062[0] : i32 from vector<1xi32>
      %lt3A_2064 = vector.broadcast %sub3A_1618 : i32 to vector<16xi32>
      %lt3A_2065 = arith.cmpi slt, %add3A_2059, %lt3A_2064 : vector<16xi32>
      %all_reduce_population_count3A_2066 = tpu.all_reduce %lt3A_2065 {dim = 0 : i64, kind = #tpu.reduction_kind<sum>} : vector<16xi1> -> vector<16xi32>
      %add3A_2067 = arith.addi %add3A_2052, %all_reduce_population_count3A_2066 : vector<16xi32>
      %get3A_2068 = arith.constant 80 : index
      %get3A_2069 = tpu.vector_load %arg7[%get3A_2068] {strides = array<i32>} : memref<256xi32, #tpu.memory_space<vmem>>, vector<16xi32>,
      %broadcast_in_dim3A_2070 = arith.constant true
      %broadcast_in_dim3A_2071 = vector.broadcast %broadcast_in_dim3A_2070 : i1 to vector<16xi1>
      %masked_cumsum3A_2072 = tpu.scan <sum>, %get3A_2069 masked %broadcast_in_dim3A_2071 : vector<16xi32>, vector<16xi1> -> vector<16xi32>
      %add3A_2073 = vector.broadcast %squeeze3A_2063 : i32 to vector<16xi32>
      %add3A_2074 = arith.addi %masked_cumsum3A_2072, %add3A_2073 : vector<16xi32>
      %swap3A_2075 = arith.constant 80 : index
      %swap3A_2076 = tpu.vector_load %arg7[%swap3A_2075] {strides = array<i32>} : memref<256xi32, #tpu.memory_space<vmem>>, vector<16xi32>,
      tpu.vector_store %arg7[%swap3A_2075], %add3A_2074 {strides = array<i32>} : memref<256xi32, #tpu.memory_space<vmem>>, vector<16xi32>,
      %slice3A_2077 = vector.extract_strided_slice %add3A_2074 {offsets = [15], sizes = [1], strides = [1]} : vector<16xi32> to vector<1xi32>
      %squeeze3A_2078 = vector.extract %slice3A_2077[0] : i32 from vector<1xi32>
      %lt3A_2079 = vector.broadcast %sub3A_1618 : i32 to vector<16xi32>
      %lt3A_2080 = arith.cmpi slt, %add3A_2074, %lt3A_2079 : vector<16xi32>
      %all_reduce_population_count3A_2081 = tpu.all_reduce %lt3A_2080 {dim = 0 : i64, kind = #tpu.reduction_kind<sum>} : vector<16xi1> -> vector<16xi32>
      %add3A_2082 = arith.addi %add3A_2067, %all_reduce_population_count3A_2081 : vector<16xi32>
      %get3A_2083 = arith.constant 96 : index
      %get3A_2084 = tpu.vector_load %arg7[%get3A_2083] {strides = array<i32>} : memref<256xi32, #tpu.memory_space<vmem>>, vector<16xi32>,
      %broadcast_in_dim3A_2085 = arith.constant true
      %broadcast_in_dim3A_2086 = vector.broadcast %broadcast_in_dim3A_2085 : i1 to vector<16xi1>
      %masked_cumsum3A_2087 = tpu.scan <sum>, %get3A_2084 masked %broadcast_in_dim3A_2086 : vector<16xi32>, vector<16xi1> -> vector<16xi32>
      %add3A_2088 = vector.broadcast %squeeze3A_2078 : i32 to vector<16xi32>
      %add3A_2089 = arith.addi %masked_cumsum3A_2087, %add3A_2088 : vector<16xi32>
      %swap3A_2090 = arith.constant 96 : index
      %swap3A_2091 = tpu.vector_load %arg7[%swap3A_2090] {strides = array<i32>} : memref<256xi32, #tpu.memory_space<vmem>>, vector<16xi32>,
      tpu.vector_store %arg7[%swap3A_2090], %add3A_2089 {strides = array<i32>} : memref<256xi32, #tpu.memory_space<vmem>>, vector<16xi32>,
      %slice3A_2092 = vector.extract_strided_slice %add3A_2089 {offsets = [15], sizes = [1], strides = [1]} : vector<16xi32> to vector<1xi32>
      %squeeze3A_2093 = vector.extract %slice3A_2092[0] : i32 from vector<1xi32>
      %lt3A_2094 = vector.broadcast %sub3A_1618 : i32 to vector<16xi32>
      %lt3A_2095 = arith.cmpi slt, %add3A_2089, %lt3A_2094 : vector<16xi32>
      %all_reduce_population_count3A_2096 = tpu.all_reduce %lt3A_2095 {dim = 0 : i64, kind = #tpu.reduction_kind<sum>} : vector<16xi1> -> vector<16xi32>
      %add3A_2097 = arith.addi %add3A_2082, %all_reduce_population_count3A_2096 : vector<16xi32>
      %get3A_2098 = arith.constant 112 : index
      %get3A_2099 = tpu.vector_load %arg7[%get3A_2098] {strides = array<i32>} : memref<256xi32, #tpu.memory_space<vmem>>, vector<16xi32>,
      %broadcast_in_dim3A_2100 = arith.constant true
      %broadcast_in_dim3A_2101 = vector.broadcast %broadcast_in_dim3A_2100 : i1 to vector<16xi1>
      %masked_cumsum3A_2102 = tpu.scan <sum>, %get3A_2099 masked %broadcast_in_dim3A_2101 : vector<16xi32>, vector<16xi1> -> vector<16xi32>
      %add3A_2103 = vector.broadcast %squeeze3A_2093 : i32 to vector<16xi32>
      %add3A_2104 = arith.addi %masked_cumsum3A_2102, %add3A_2103 : vector<16xi32>
      %swap3A_2105 = arith.constant 112 : index
      %swap3A_2106 = tpu.vector_load %arg7[%swap3A_2105] {strides = array<i32>} : memref<256xi32, #tpu.memory_space<vmem>>, vector<16xi32>,
      tpu.vector_store %arg7[%swap3A_2105], %add3A_2104 {strides = array<i32>} : memref<256xi32, #tpu.memory_space<vmem>>, vector<16xi32>,
      %slice3A_2107 = vector.extract_strided_slice %add3A_2104 {offsets = [15], sizes = [1], strides = [1]} : vector<16xi32> to vector<1xi32>
      %squeeze3A_2108 = vector.extract %slice3A_2107[0] : i32 from vector<1xi32>
      %lt3A_2109 = vector.broadcast %sub3A_1618 : i32 to vector<16xi32>
      %lt3A_2110 = arith.cmpi slt, %add3A_2104, %lt3A_2109 : vector<16xi32>
      %all_reduce_population_count3A_2111 = tpu.all_reduce %lt3A_2110 {dim = 0 : i64, kind = #tpu.reduction_kind<sum>} : vector<16xi1> -> vector<16xi32>
      %add3A_2112 = arith.addi %add3A_2097, %all_reduce_population_count3A_2111 : vector<16xi32>
      %get3A_2113 = arith.constant 128 : index
      %get3A_2114 = tpu.vector_load %arg7[%get3A_2113] {strides = array<i32>} : memref<256xi32, #tpu.memory_space<vmem>>, vector<16xi32>,
      %broadcast_in_dim3A_2115 = arith.constant true
      %broadcast_in_dim3A_2116 = vector.broadcast %broadcast_in_dim3A_2115 : i1 to vector<16xi1>
      %masked_cumsum3A_2117 = tpu.scan <sum>, %get3A_2114 masked %broadcast_in_dim3A_2116 : vector<16xi32>, vector<16xi1> -> vector<16xi32>
      %add3A_2118 = vector.broadcast %squeeze3A_2108 : i32 to vector<16xi32>
      %add3A_2119 = arith.addi %masked_cumsum3A_2117, %add3A_2118 : vector<16xi32>
      %swap3A_2120 = arith.constant 128 : index
      %swap3A_2121 = tpu.vector_load %arg7[%swap3A_2120] {strides = array<i32>} : memref<256xi32, #tpu.memory_space<vmem>>, vector<16xi32>,
      tpu.vector_store %arg7[%swap3A_2120], %add3A_2119 {strides = array<i32>} : memref<256xi32, #tpu.memory_space<vmem>>, vector<16xi32>,
      %slice3A_2122 = vector.extract_strided_slice %add3A_2119 {offsets = [15], sizes = [1], strides = [1]} : vector<16xi32> to vector<1xi32>
      %squeeze3A_2123 = vector.extract %slice3A_2122[0] : i32 from vector<1xi32>
      %lt3A_2124 = vector.broadcast %sub3A_1618 : i32 to vector<16xi32>
      %lt3A_2125 = arith.cmpi slt, %add3A_2119, %lt3A_2124 : vector<16xi32>
      %all_reduce_population_count3A_2126 = tpu.all_reduce %lt3A_2125 {dim = 0 : i64, kind = #tpu.reduction_kind<sum>} : vector<16xi1> -> vector<16xi32>
      %add3A_2127 = arith.addi %add3A_2112, %all_reduce_population_count3A_2126 : vector<16xi32>
      %get3A_2128 = arith.constant 144 : index
      %get3A_2129 = tpu.vector_load %arg7[%get3A_2128] {strides = array<i32>} : memref<256xi32, #tpu.memory_space<vmem>>, vector<16xi32>,
      %broadcast_in_dim3A_2130 = arith.constant true
      %broadcast_in_dim3A_2131 = vector.broadcast %broadcast_in_dim3A_2130 : i1 to vector<16xi1>
      %masked_cumsum3A_2132 = tpu.scan <sum>, %get3A_2129 masked %broadcast_in_dim3A_2131 : vector<16xi32>, vector<16xi1> -> vector<16xi32>
      %add3A_2133 = vector.broadcast %squeeze3A_2123 : i32 to vector<16xi32>
      %add3A_2134 = arith.addi %masked_cumsum3A_2132, %add3A_2133 : vector<16xi32>
      %swap3A_2135 = arith.constant 144 : index
      %swap3A_2136 = tpu.vector_load %arg7[%swap3A_2135] {strides = array<i32>} : memref<256xi32, #tpu.memory_space<vmem>>, vector<16xi32>,
      tpu.vector_store %arg7[%swap3A_2135], %add3A_2134 {strides = array<i32>} : memref<256xi32, #tpu.memory_space<vmem>>, vector<16xi32>,
      %slice3A_2137 = vector.extract_strided_slice %add3A_2134 {offsets = [15], sizes = [1], strides = [1]} : vector<16xi32> to vector<1xi32>
      %squeeze3A_2138 = vector.extract %slice3A_2137[0] : i32 from vector<1xi32>
      %lt3A_2139 = vector.broadcast %sub3A_1618 : i32 to vector<16xi32>
      %lt3A_2140 = arith.cmpi slt, %add3A_2134, %lt3A_2139 : vector<16xi32>
      %all_reduce_population_count3A_2141 = tpu.all_reduce %lt3A_2140 {dim = 0 : i64, kind = #tpu.reduction_kind<sum>} : vector<16xi1> -> vector<16xi32>
      %add3A_2142 = arith.addi %add3A_2127, %all_reduce_population_count3A_2141 : vector<16xi32>
      %get3A_2143 = arith.constant 160 : index
      %get3A_2144 = tpu.vector_load %arg7[%get3A_2143] {strides = array<i32>} : memref<256xi32, #tpu.memory_space<vmem>>, vector<16xi32>,
      %broadcast_in_dim3A_2145 = arith.constant true
      %broadcast_in_dim3A_2146 = vector.broadcast %broadcast_in_dim3A_2145 : i1 to vector<16xi1>
      %masked_cumsum3A_2147 = tpu.scan <sum>, %get3A_2144 masked %broadcast_in_dim3A_2146 : vector<16xi32>, vector<16xi1> -> vector<16xi32>
      %add3A_2148 = vector.broadcast %squeeze3A_2138 : i32 to vector<16xi32>
      %add3A_2149 = arith.addi %masked_cumsum3A_2147, %add3A_2148 : vector<16xi32>
      %swap3A_2150 = arith.constant 160 : index
      %swap3A_2151 = tpu.vector_load %arg7[%swap3A_2150] {strides = array<i32>} : memref<256xi32, #tpu.memory_space<vmem>>, vector<16xi32>,
      tpu.vector_store %arg7[%swap3A_2150], %add3A_2149 {strides = array<i32>} : memref<256xi32, #tpu.memory_space<vmem>>, vector<16xi32>,
      %slice3A_2152 = vector.extract_strided_slice %add3A_2149 {offsets = [15], sizes = [1], strides = [1]} : vector<16xi32> to vector<1xi32>
      %squeeze3A_2153 = vector.extract %slice3A_2152[0] : i32 from vector<1xi32>
      %lt3A_2154 = vector.broadcast %sub3A_1618 : i32 to vector<16xi32>
      %lt3A_2155 = arith.cmpi slt, %add3A_2149, %lt3A_2154 : vector<16xi32>
      %all_reduce_population_count3A_2156 = tpu.all_reduce %lt3A_2155 {dim = 0 : i64, kind = #tpu.reduction_kind<sum>} : vector<16xi1> -> vector<16xi32>
      %add3A_2157 = arith.addi %add3A_2142, %all_reduce_population_count3A_2156 : vector<16xi32>
      %get3A_2158 = arith.constant 176 : index
      %get3A_2159 = tpu.vector_load %arg7[%get3A_2158] {strides = array<i32>} : memref<256xi32, #tpu.memory_space<vmem>>, vector<16xi32>,
      %broadcast_in_dim3A_2160 = arith.constant true
      %broadcast_in_dim3A_2161 = vector.broadcast %broadcast_in_dim3A_2160 : i1 to vector<16xi1>
      %masked_cumsum3A_2162 = tpu.scan <sum>, %get3A_2159 masked %broadcast_in_dim3A_2161 : vector<16xi32>, vector<16xi1> -> vector<16xi32>
      %add3A_2163 = vector.broadcast %squeeze3A_2153 : i32 to vector<16xi32>
      %add3A_2164 = arith.addi %masked_cumsum3A_2162, %add3A_2163 : vector<16xi32>
      %swap3A_2165 = arith.constant 176 : index
      %swap3A_2166 = tpu.vector_load %arg7[%swap3A_2165] {strides = array<i32>} : memref<256xi32, #tpu.memory_space<vmem>>, vector<16xi32>,
      tpu.vector_store %arg7[%swap3A_2165], %add3A_2164 {strides = array<i32>} : memref<256xi32, #tpu.memory_space<vmem>>, vector<16xi32>,
      %slice3A_2167 = vector.extract_strided_slice %add3A_2164 {offsets = [15], sizes = [1], strides = [1]} : vector<16xi32> to vector<1xi32>
      %squeeze3A_2168 = vector.extract %slice3A_2167[0] : i32 from vector<1xi32>
      %lt3A_2169 = vector.broadcast %sub3A_1618 : i32 to vector<16xi32>
      %lt3A_2170 = arith.cmpi slt, %add3A_2164, %lt3A_2169 : vector<16xi32>
      %all_reduce_population_count3A_2171 = tpu.all_reduce %lt3A_2170 {dim = 0 : i64, kind = #tpu.reduction_kind<sum>} : vector<16xi1> -> vector<16xi32>
      %add3A_2172 = arith.addi %add3A_2157, %all_reduce_population_count3A_2171 : vector<16xi32>
      %get3A_2173 = arith.constant 192 : index
      %get3A_2174 = tpu.vector_load %arg7[%get3A_2173] {strides = array<i32>} : memref<256xi32, #tpu.memory_space<vmem>>, vector<16xi32>,
      %broadcast_in_dim3A_2175 = arith.constant true
      %broadcast_in_dim3A_2176 = vector.broadcast %broadcast_in_dim3A_2175 : i1 to vector<16xi1>
      %masked_cumsum3A_2177 = tpu.scan <sum>, %get3A_2174 masked %broadcast_in_dim3A_2176 : vector<16xi32>, vector<16xi1> -> vector<16xi32>
      %add3A_2178 = vector.broadcast %squeeze3A_2168 : i32 to vector<16xi32>
      %add3A_2179 = arith.addi %masked_cumsum3A_2177, %add3A_2178 : vector<16xi32>
      %swap3A_2180 = arith.constant 192 : index
      %swap3A_2181 = tpu.vector_load %arg7[%swap3A_2180] {strides = array<i32>} : memref<256xi32, #tpu.memory_space<vmem>>, vector<16xi32>,
      tpu.vector_store %arg7[%swap3A_2180], %add3A_2179 {strides = array<i32>} : memref<256xi32, #tpu.memory_space<vmem>>, vector<16xi32>,
      %slice3A_2182 = vector.extract_strided_slice %add3A_2179 {offsets = [15], sizes = [1], strides = [1]} : vector<16xi32> to vector<1xi32>
      %squeeze3A_2183 = vector.extract %slice3A_2182[0] : i32 from vector<1xi32>
      %lt3A_2184 = vector.broadcast %sub3A_1618 : i32 to vector<16xi32>
      %lt3A_2185 = arith.cmpi slt, %add3A_2179, %lt3A_2184 : vector<16xi32>
      %all_reduce_population_count3A_2186 = tpu.all_reduce %lt3A_2185 {dim = 0 : i64, kind = #tpu.reduction_kind<sum>} : vector<16xi1> -> vector<16xi32>
      %add3A_2187 = arith.addi %add3A_2172, %all_reduce_population_count3A_2186 : vector<16xi32>
      %get3A_2188 = arith.constant 208 : index
      %get3A_2189 = tpu.vector_load %arg7[%get3A_2188] {strides = array<i32>} : memref<256xi32, #tpu.memory_space<vmem>>, vector<16xi32>,
      %broadcast_in_dim3A_2190 = arith.constant true
      %broadcast_in_dim3A_2191 = vector.broadcast %broadcast_in_dim3A_2190 : i1 to vector<16xi1>
      %masked_cumsum3A_2192 = tpu.scan <sum>, %get3A_2189 masked %broadcast_in_dim3A_2191 : vector<16xi32>, vector<16xi1> -> vector<16xi32>
      %add3A_2193 = vector.broadcast %squeeze3A_2183 : i32 to vector<16xi32>
      %add3A_2194 = arith.addi %masked_cumsum3A_2192, %add3A_2193 : vector<16xi32>
      %swap3A_2195 = arith.constant 208 : index
      %swap3A_2196 = tpu.vector_load %arg7[%swap3A_2195] {strides = array<i32>} : memref<256xi32, #tpu.memory_space<vmem>>, vector<16xi32>,
      tpu.vector_store %arg7[%swap3A_2195], %add3A_2194 {strides = array<i32>} : memref<256xi32, #tpu.memory_space<vmem>>, vector<16xi32>,
      %slice3A_2197 = vector.extract_strided_slice %add3A_2194 {offsets = [15], sizes = [1], strides = [1]} : vector<16xi32> to vector<1xi32>
      %squeeze3A_2198 = vector.extract %slice3A_2197[0] : i32 from vector<1xi32>
      %lt3A_2199 = vector.broadcast %sub3A_1618 : i32 to vector<16xi32>
      %lt3A_2200 = arith.cmpi slt, %add3A_2194, %lt3A_2199 : vector<16xi32>
      %all_reduce_population_count3A_2201 = tpu.all_reduce %lt3A_2200 {dim = 0 : i64, kind = #tpu.reduction_kind<sum>} : vector<16xi1> -> vector<16xi32>
      %add3A_2202 = arith.addi %add3A_2187, %all_reduce_population_count3A_2201 : vector<16xi32>
      %get3A_2203 = arith.constant 224 : index
      %get3A_2204 = tpu.vector_load %arg7[%get3A_2203] {strides = array<i32>} : memref<256xi32, #tpu.memory_space<vmem>>, vector<16xi32>,
      %broadcast_in_dim3A_2205 = arith.constant true
      %broadcast_in_dim3A_2206 = vector.broadcast %broadcast_in_dim3A_2205 : i1 to vector<16xi1>
      %masked_cumsum3A_2207 = tpu.scan <sum>, %get3A_2204 masked %broadcast_in_dim3A_2206 : vector<16xi32>, vector<16xi1> -> vector<16xi32>
      %add3A_2208 = vector.broadcast %squeeze3A_2198 : i32 to vector<16xi32>
      %add3A_2209 = arith.addi %masked_cumsum3A_2207, %add3A_2208 : vector<16xi32>
      %swap3A_2210 = arith.constant 224 : index
      %swap3A_2211 = tpu.vector_load %arg7[%swap3A_2210] {strides = array<i32>} : memref<256xi32, #tpu.memory_space<vmem>>, vector<16xi32>,
      tpu.vector_store %arg7[%swap3A_2210], %add3A_2209 {strides = array<i32>} : memref<256xi32, #tpu.memory_space<vmem>>, vector<16xi32>,
      %slice3A_2212 = vector.extract_strided_slice %add3A_2209 {offsets = [15], sizes = [1], strides = [1]} : vector<16xi32> to vector<1xi32>
      %squeeze3A_2213 = vector.extract %slice3A_2212[0] : i32 from vector<1xi32>
      %lt3A_2214 = vector.broadcast %sub3A_1618 : i32 to vector<16xi32>
      %lt3A_2215 = arith.cmpi slt, %add3A_2209, %lt3A_2214 : vector<16xi32>
      %all_reduce_population_count3A_2216 = tpu.all_reduce %lt3A_2215 {dim = 0 : i64, kind = #tpu.reduction_kind<sum>} : vector<16xi1> -> vector<16xi32>
      %add3A_2217 = arith.addi %add3A_2202, %all_reduce_population_count3A_2216 : vector<16xi32>
      %get3A_2218 = arith.constant 240 : index
      %get3A_2219 = tpu.vector_load %arg7[%get3A_2218] {strides = array<i32>} : memref<256xi32, #tpu.memory_space<vmem>>, vector<16xi32>,
      %broadcast_in_dim3A_2220 = arith.constant true
      %broadcast_in_dim3A_2221 = vector.broadcast %broadcast_in_dim3A_2220 : i1 to vector<16xi1>
      %masked_cumsum3A_2222 = tpu.scan <sum>, %get3A_2219 masked %broadcast_in_dim3A_2221 : vector<16xi32>, vector<16xi1> -> vector<16xi32>
      %add3A_2223 = vector.broadcast %squeeze3A_2213 : i32 to vector<16xi32>
      %add3A_2224 = arith.addi %masked_cumsum3A_2222, %add3A_2223 : vector<16xi32>
      %swap3A_2225 = arith.constant 240 : index
      %swap3A_2226 = tpu.vector_load %arg7[%swap3A_2225] {strides = array<i32>} : memref<256xi32, #tpu.memory_space<vmem>>, vector<16xi32>,
      tpu.vector_store %arg7[%swap3A_2225], %add3A_2224 {strides = array<i32>} : memref<256xi32, #tpu.memory_space<vmem>>, vector<16xi32>,
      %slice3A_2227 = vector.extract_strided_slice %add3A_2224 {offsets = [15], sizes = [1], strides = [1]} : vector<16xi32> to vector<1xi32>
      %squeeze3A_2228 = vector.extract %slice3A_2227[0] : i32 from vector<1xi32>
      %lt3A_2229 = vector.broadcast %sub3A_1618 : i32 to vector<16xi32>
      %lt3A_2230 = arith.cmpi slt, %add3A_2224, %lt3A_2229 : vector<16xi32>
      %all_reduce_population_count3A_2231 = tpu.all_reduce %lt3A_2230 {dim = 0 : i64, kind = #tpu.reduction_kind<sum>} : vector<16xi1> -> vector<16xi32>
      %add3A_2232 = arith.addi %add3A_2217, %all_reduce_population_count3A_2231 : vector<16xi32>
      %slice3A_2233 = vector.extract_strided_slice %add3A_2232 {offsets = [0], sizes = [1], strides = [1]} : vector<16xi32> to vector<1xi32>
      %squeeze3A_2234 = vector.extract %slice3A_2233[0] : i32 from vector<1xi32>
      %sub3A_2235 = arith.constant 1 : i32
      %sub3A_2236 = arith.subi %squeeze3A_2234, %sub3A_2235 : i32
      %max3A_2237 = arith.maxsi %sub3A_2236, %cond3A : i32
      %broadcast_in_dim3A_2238 = vector.broadcast %max3A_2237 : i32 to vector<16xi32>
      %gather3A_2239 = tpu.vector_load_idx %arg7[%broadcast_in_dim3A_2238] : memref<256xi32, #tpu.memory_space<vmem>>[vector<16xi32>], vector<16xi32>,
      %eq3A_2240 = arith.constant 0 : i32
      %eq3A_2241 = arith.cmpi eq, %squeeze3A_2234, %eq3A_2240 : i32
      %slice3A_2242 = vector.extract_strided_slice %gather3A_2239 {offsets = [0], sizes = [1], strides = [1]} : vector<16xi32> to vector<1xi32>
      %squeeze3A_2243 = vector.extract %slice3A_2242[0] : i32 from vector<1xi32>
      %select_n3A_2244 = arith.select %eq3A_2241, %cond3A, %squeeze3A_2243 : i32
      %broadcast_in_dim3A_2245 = vector.broadcast %squeeze3A_2234 : i32 to vector<16xi32>
      %gather3A_2246 = tpu.vector_load_idx %arg7[%broadcast_in_dim3A_2245] : memref<256xi32, #tpu.memory_space<vmem>>[vector<16xi32>], vector<16xi32>,
      %slice3A_2247 = vector.extract_strided_slice %gather3A_2246 {offsets = [0], sizes = [1], strides = [1]} : vector<16xi32> to vector<1xi32>
      %squeeze3A_2248 = vector.extract %slice3A_2247[0] : i32 from vector<1xi32>
      %sub3A_2249 = arith.subi %squeeze3A_2248, %select_n3A_2244 : i32
      %sub3A_2250 = arith.subi %sub3A_1618, %select_n3A_2244 : i32
      %shift_left3A_2251 = arith.constant 8 : i32
      %shift_left3A_2252 = arith.shli %or3A_1621, %shift_left3A_2251 : i32
      %or3A_2253 = arith.ori %shift_left3A_2252, %squeeze3A_2234 : i32
      %eq3A_2254 = arith.constant 1 : i32
      %eq3A_2255 = arith.cmpi eq, %sub3A_2249, %eq3A_2254 : i32
      %convert_element_type3A_2256 = arith.extui %eq3A_2255 : i1 to i32
      %cond3A_2257 = arith.constant 0 : i32
      %cond3A_2258 = arith.cmpi ne, %convert_element_type3A_2256, %cond3A_2257 : i32
      %cond3A_2259 = scf.if %cond3A_2258 -> (vector<16xi32>) {
        %broadcast_in_dim3A_2262 = vector.broadcast %squeeze3A_2234 : i32 to vector<16xi32>
        %gather3A_2263 = tpu.vector_load_idx %arg9[%broadcast_in_dim3A_2262] : memref<256xi32, #tpu.memory_space<vmem>>[vector<16xi32>], vector<16xi32>,
        scf.yield %gather3A_2263 : vector<16xi32>
      } else {
        %parallel_loop3A_2262 = arith.constant 0 : i32
        %parallel_loop3A_2263 = arith.constant 512 : i32
        %parallel_loop3A_2264 = arith.constant 1 : i32
        %parallel_loop3A_2265:2 = scf.for %parallel_loop3A_2282 = %parallel_loop3A_2262 to %parallel_loop3A_2263 step %parallel_loop3A_2264 iter_args(%parallel_loop3A_2283 = %broadcast_in_dim3A_12, %parallel_loop3A_2284 = %broadcast_in_dim3A_12) -> (vector<16xi32>, vector<16xi32>)  : i32 {
          %parallel_loop3A_2285 = arith.constant 16 : i32
          %parallel_loop3A_2286 = arith.muli %parallel_loop3A_2282, %parallel_loop3A_2285 : i32
          %parallel_loop3A_2287 = arith.index_cast %parallel_loop3A_2286 : i32 to index
          %parallel_loop3A_2288 = tpu.vector_load %arg5[%parallel_loop3A_2287] {strides = array<i32>} : memref<8192xi32, #tpu.memory_space<vmem>>, vector<16xi32>,
          %parallel_loop3A_2289 = vector.broadcast %or3A_2253 : i32 to vector<16xi32>
          %parallel_loop3A_2290 = arith.cmpi eq, %parallel_loop3A_2288, %parallel_loop3A_2289 : vector<16xi32>
          %parallel_loop3A_2291 = vector.broadcast %cond3A_1624 : i32 to vector<16xi32>
          %parallel_loop3A_2292 = vector.broadcast %cond3A : i32 to vector<16xi32>
          %parallel_loop3A_2293 = arith.select %parallel_loop3A_2290, %parallel_loop3A_2291, %parallel_loop3A_2292 : vector<16xi1>, vector<16xi32>
          %parallel_loop3A_2294 = arith.constant true
          %parallel_loop3A_2295 = vector.broadcast %parallel_loop3A_2294 : i1 to vector<16xi1>
          %parallel_loop3A_2296 = tpu.scan <sum>, %parallel_loop3A_2293 masked %parallel_loop3A_2295 : vector<16xi32>, vector<16xi1> -> vector<16xi32>
          %parallel_loop3A_2297 = arith.addi %parallel_loop3A_2296, %parallel_loop3A_2283 : vector<16xi32>
          %parallel_loop3A_2298 = vector.broadcast %sub3A_2250 : i32 to vector<16xi32>
          %parallel_loop3A_2299 = arith.cmpi eq, %parallel_loop3A_2297, %parallel_loop3A_2298 : vector<16xi32>
          %parallel_loop3A_2300 = arith.andi %parallel_loop3A_2290, %parallel_loop3A_2299 : vector<16xi1>
          %parallel_loop3A_2301 = vector.broadcast %parallel_loop3A_2286 : i32 to vector<16xi32>
          %parallel_loop3A_2302 = arith.addi %iota3A, %parallel_loop3A_2301 : vector<16xi32>
          %parallel_loop3A_2303 = vector.broadcast %cond3A : i32 to vector<16xi32>
          %parallel_loop3A_2304 = arith.select %parallel_loop3A_2300, %parallel_loop3A_2302, %parallel_loop3A_2303 : vector<16xi1>, vector<16xi32>
          %parallel_loop3A_2305 = arith.addi %parallel_loop3A_2284, %parallel_loop3A_2304 : vector<16xi32>
          %parallel_loop3A_2306 = tpu.all_reduce %parallel_loop3A_2290 {dim = 0 : i64, kind = #tpu.reduction_kind<sum>} : vector<16xi1> -> vector<16xi32>
          %parallel_loop3A_2307 = arith.addi %parallel_loop3A_2283, %parallel_loop3A_2306 : vector<16xi32>
          scf.yield %parallel_loop3A_2307, %parallel_loop3A_2305 : vector<16xi32>, vector<16xi32>
        } {sc.loop_unroll_factor = 4 : i64, sc.parallel_access}
        %swap3A_2266 = arith.constant 0 : index
        %swap3A_2267 = tpu.vector_load %arg11[%swap3A_2266] {strides = array<i32>} : memref<16xi32, #tpu.memory_space<vmem>>, vector<16xi32>,
        tpu.vector_store %arg11[%swap3A_2266], %parallel_loop3A_2265#1 {strides = array<i32>} : memref<16xi32, #tpu.memory_space<vmem>>, vector<16xi32>,
        %gather3A_2268 = tpu.vector_load_idx %arg11[%xor3A_2] : memref<16xi32, #tpu.memory_space<vmem>>[vector<16xi32>], vector<16xi32>,
        %add3A_2269 = arith.addi %parallel_loop3A_2265#1, %gather3A_2268 : vector<16xi32>
        %swap3A_2270 = arith.constant 0 : index
        %swap3A_2271 = tpu.vector_load %arg11[%swap3A_2270] {strides = array<i32>} : memref<16xi32, #tpu.memory_space<vmem>>, vector<16xi32>,
        tpu.vector_store %arg11[%swap3A_2270], %add3A_2269 {strides = array<i32>} : memref<16xi32, #tpu.memory_space<vmem>>, vector<16xi32>,
        %gather3A_2272 = tpu.vector_load_idx %arg11[%xor3A_5] : memref<16xi32, #tpu.memory_space<vmem>>[vector<16xi32>], vector<16xi32>,
        %add3A_2273 = arith.addi %add3A_2269, %gather3A_2272 : vector<16xi32>
        %swap3A_2274 = arith.constant 0 : index
        %swap3A_2275 = tpu.vector_load %arg11[%swap3A_2274] {strides = array<i32>} : memref<16xi32, #tpu.memory_space<vmem>>, vector<16xi32>,
        tpu.vector_store %arg11[%swap3A_2274], %add3A_2273 {strides = array<i32>} : memref<16xi32, #tpu.memory_space<vmem>>, vector<16xi32>,
        %gather3A_2276 = tpu.vector_load_idx %arg11[%xor3A_8] : memref<16xi32, #tpu.memory_space<vmem>>[vector<16xi32>], vector<16xi32>,
        %add3A_2277 = arith.addi %add3A_2273, %gather3A_2276 : vector<16xi32>
        %swap3A_2278 = arith.constant 0 : index
        %swap3A_2279 = tpu.vector_load %arg11[%swap3A_2278] {strides = array<i32>} : memref<16xi32, #tpu.memory_space<vmem>>, vector<16xi32>,
        tpu.vector_store %arg11[%swap3A_2278], %add3A_2277 {strides = array<i32>} : memref<16xi32, #tpu.memory_space<vmem>>, vector<16xi32>,
        %gather3A_2280 = tpu.vector_load_idx %arg11[%xor3A_11] : memref<16xi32, #tpu.memory_space<vmem>>[vector<16xi32>], vector<16xi32>,
        %add3A_2281 = arith.addi %add3A_2277, %gather3A_2280 : vector<16xi32>
        scf.yield %add3A_2281 : vector<16xi32>
      }
      %add3A_2260 = vector.broadcast %or3A_2253 : i32 to vector<16xi32>
      %add3A_2261 = arith.addi %broadcast_in_dim3A_12, %add3A_2260 : vector<16xi32>
      scf.yield %add3A_2261, %cond3A_2259 : vector<16xi32>, vector<16xi32>
    }
    %eq3A_1629 = arith.constant 0 : i32
    %eq3A_1630 = vector.broadcast %eq3A_1629 : i32 to vector<16xi32>
    %eq3A_1631 = arith.cmpi eq, %iota3A, %eq3A_1630 : vector<16xi32>
    %select_n3A_1632 = arith.select %eq3A_1631, %cond3A_1628#0, %broadcast_in_dim3A_12 : vector<16xi1>, vector<16xi32>
    %select_n3A_1633 = arith.select %eq3A_1631, %cond3A_1628#1, %broadcast_in_dim3A_12 : vector<16xi1>, vector<16xi32>
    %get3A_1634 = arith.constant 0 : index
    %get3A_1635 = tpu.vector_load %arg8[%get3A_1634] {strides = array<i32>} : memref<256xi32, #tpu.memory_space<vmem>>, vector<16xi32>,
    %broadcast_in_dim3A_1636 = arith.constant true
    %broadcast_in_dim3A_1637 = vector.broadcast %broadcast_in_dim3A_1636 : i1 to vector<16xi1>
    %masked_cumsum3A_1638 = tpu.scan <sum>, %get3A_1635 masked %broadcast_in_dim3A_1637 : vector<16xi32>, vector<16xi1> -> vector<16xi32>
    %add3A_1639 = arith.constant 0 : i32
    %add3A_1640 = vector.broadcast %add3A_1639 : i32 to vector<16xi32>
    %add3A_1641 = arith.addi %masked_cumsum3A_1638, %add3A_1640 : vector<16xi32>
    %swap3A_1642 = arith.constant 0 : index
    %swap3A_1643 = tpu.vector_load %arg8[%swap3A_1642] {strides = array<i32>} : memref<256xi32, #tpu.memory_space<vmem>>, vector<16xi32>,
    tpu.vector_store %arg8[%swap3A_1642], %add3A_1641 {strides = array<i32>} : memref<256xi32, #tpu.memory_space<vmem>>, vector<16xi32>,
    %slice3A_1644 = vector.extract_strided_slice %add3A_1641 {offsets = [15], sizes = [1], strides = [1]} : vector<16xi32> to vector<1xi32>
    %squeeze3A_1645 = vector.extract %slice3A_1644[0] : i32 from vector<1xi32>
    %lt3A_1646 = vector.broadcast %sub3A_1223 : i32 to vector<16xi32>
    %lt3A_1647 = arith.cmpi slt, %add3A_1641, %lt3A_1646 : vector<16xi32>
    %all_reduce_population_count3A_1648 = tpu.all_reduce %lt3A_1647 {dim = 0 : i64, kind = #tpu.reduction_kind<sum>} : vector<16xi1> -> vector<16xi32>
    %add3A_1649 = arith.addi %broadcast_in_dim3A_12, %all_reduce_population_count3A_1648 : vector<16xi32>
    %get3A_1650 = arith.constant 16 : index
    %get3A_1651 = tpu.vector_load %arg8[%get3A_1650] {strides = array<i32>} : memref<256xi32, #tpu.memory_space<vmem>>, vector<16xi32>,
    %broadcast_in_dim3A_1652 = arith.constant true
    %broadcast_in_dim3A_1653 = vector.broadcast %broadcast_in_dim3A_1652 : i1 to vector<16xi1>
    %masked_cumsum3A_1654 = tpu.scan <sum>, %get3A_1651 masked %broadcast_in_dim3A_1653 : vector<16xi32>, vector<16xi1> -> vector<16xi32>
    %add3A_1655 = vector.broadcast %squeeze3A_1645 : i32 to vector<16xi32>
    %add3A_1656 = arith.addi %masked_cumsum3A_1654, %add3A_1655 : vector<16xi32>
    %swap3A_1657 = arith.constant 16 : index
    %swap3A_1658 = tpu.vector_load %arg8[%swap3A_1657] {strides = array<i32>} : memref<256xi32, #tpu.memory_space<vmem>>, vector<16xi32>,
    tpu.vector_store %arg8[%swap3A_1657], %add3A_1656 {strides = array<i32>} : memref<256xi32, #tpu.memory_space<vmem>>, vector<16xi32>,
    %slice3A_1659 = vector.extract_strided_slice %add3A_1656 {offsets = [15], sizes = [1], strides = [1]} : vector<16xi32> to vector<1xi32>
    %squeeze3A_1660 = vector.extract %slice3A_1659[0] : i32 from vector<1xi32>
    %lt3A_1661 = vector.broadcast %sub3A_1223 : i32 to vector<16xi32>
    %lt3A_1662 = arith.cmpi slt, %add3A_1656, %lt3A_1661 : vector<16xi32>
    %all_reduce_population_count3A_1663 = tpu.all_reduce %lt3A_1662 {dim = 0 : i64, kind = #tpu.reduction_kind<sum>} : vector<16xi1> -> vector<16xi32>
    %add3A_1664 = arith.addi %add3A_1649, %all_reduce_population_count3A_1663 : vector<16xi32>
    %get3A_1665 = arith.constant 32 : index
    %get3A_1666 = tpu.vector_load %arg8[%get3A_1665] {strides = array<i32>} : memref<256xi32, #tpu.memory_space<vmem>>, vector<16xi32>,
    %broadcast_in_dim3A_1667 = arith.constant true
    %broadcast_in_dim3A_1668 = vector.broadcast %broadcast_in_dim3A_1667 : i1 to vector<16xi1>
    %masked_cumsum3A_1669 = tpu.scan <sum>, %get3A_1666 masked %broadcast_in_dim3A_1668 : vector<16xi32>, vector<16xi1> -> vector<16xi32>
    %add3A_1670 = vector.broadcast %squeeze3A_1660 : i32 to vector<16xi32>
    %add3A_1671 = arith.addi %masked_cumsum3A_1669, %add3A_1670 : vector<16xi32>
    %swap3A_1672 = arith.constant 32 : index
    %swap3A_1673 = tpu.vector_load %arg8[%swap3A_1672] {strides = array<i32>} : memref<256xi32, #tpu.memory_space<vmem>>, vector<16xi32>,
    tpu.vector_store %arg8[%swap3A_1672], %add3A_1671 {strides = array<i32>} : memref<256xi32, #tpu.memory_space<vmem>>, vector<16xi32>,
    %slice3A_1674 = vector.extract_strided_slice %add3A_1671 {offsets = [15], sizes = [1], strides = [1]} : vector<16xi32> to vector<1xi32>
    %squeeze3A_1675 = vector.extract %slice3A_1674[0] : i32 from vector<1xi32>
    %lt3A_1676 = vector.broadcast %sub3A_1223 : i32 to vector<16xi32>
    %lt3A_1677 = arith.cmpi slt, %add3A_1671, %lt3A_1676 : vector<16xi32>
    %all_reduce_population_count3A_1678 = tpu.all_reduce %lt3A_1677 {dim = 0 : i64, kind = #tpu.reduction_kind<sum>} : vector<16xi1> -> vector<16xi32>
    %add3A_1679 = arith.addi %add3A_1664, %all_reduce_population_count3A_1678 : vector<16xi32>
    %get3A_1680 = arith.constant 48 : index
    %get3A_1681 = tpu.vector_load %arg8[%get3A_1680] {strides = array<i32>} : memref<256xi32, #tpu.memory_space<vmem>>, vector<16xi32>,
    %broadcast_in_dim3A_1682 = arith.constant true
    %broadcast_in_dim3A_1683 = vector.broadcast %broadcast_in_dim3A_1682 : i1 to vector<16xi1>
    %masked_cumsum3A_1684 = tpu.scan <sum>, %get3A_1681 masked %broadcast_in_dim3A_1683 : vector<16xi32>, vector<16xi1> -> vector<16xi32>
    %add3A_1685 = vector.broadcast %squeeze3A_1675 : i32 to vector<16xi32>
    %add3A_1686 = arith.addi %masked_cumsum3A_1684, %add3A_1685 : vector<16xi32>
    %swap3A_1687 = arith.constant 48 : index
    %swap3A_1688 = tpu.vector_load %arg8[%swap3A_1687] {strides = array<i32>} : memref<256xi32, #tpu.memory_space<vmem>>, vector<16xi32>,
    tpu.vector_store %arg8[%swap3A_1687], %add3A_1686 {strides = array<i32>} : memref<256xi32, #tpu.memory_space<vmem>>, vector<16xi32>,
    %slice3A_1689 = vector.extract_strided_slice %add3A_1686 {offsets = [15], sizes = [1], strides = [1]} : vector<16xi32> to vector<1xi32>
    %squeeze3A_1690 = vector.extract %slice3A_1689[0] : i32 from vector<1xi32>
    %lt3A_1691 = vector.broadcast %sub3A_1223 : i32 to vector<16xi32>
    %lt3A_1692 = arith.cmpi slt, %add3A_1686, %lt3A_1691 : vector<16xi32>
    %all_reduce_population_count3A_1693 = tpu.all_reduce %lt3A_1692 {dim = 0 : i64, kind = #tpu.reduction_kind<sum>} : vector<16xi1> -> vector<16xi32>
    %add3A_1694 = arith.addi %add3A_1679, %all_reduce_population_count3A_1693 : vector<16xi32>
    %get3A_1695 = arith.constant 64 : index
    %get3A_1696 = tpu.vector_load %arg8[%get3A_1695] {strides = array<i32>} : memref<256xi32, #tpu.memory_space<vmem>>, vector<16xi32>,
    %broadcast_in_dim3A_1697 = arith.constant true
    %broadcast_in_dim3A_1698 = vector.broadcast %broadcast_in_dim3A_1697 : i1 to vector<16xi1>
    %masked_cumsum3A_1699 = tpu.scan <sum>, %get3A_1696 masked %broadcast_in_dim3A_1698 : vector<16xi32>, vector<16xi1> -> vector<16xi32>
    %add3A_1700 = vector.broadcast %squeeze3A_1690 : i32 to vector<16xi32>
    %add3A_1701 = arith.addi %masked_cumsum3A_1699, %add3A_1700 : vector<16xi32>
    %swap3A_1702 = arith.constant 64 : index
    %swap3A_1703 = tpu.vector_load %arg8[%swap3A_1702] {strides = array<i32>} : memref<256xi32, #tpu.memory_space<vmem>>, vector<16xi32>,
    tpu.vector_store %arg8[%swap3A_1702], %add3A_1701 {strides = array<i32>} : memref<256xi32, #tpu.memory_space<vmem>>, vector<16xi32>,
    %slice3A_1704 = vector.extract_strided_slice %add3A_1701 {offsets = [15], sizes = [1], strides = [1]} : vector<16xi32> to vector<1xi32>
    %squeeze3A_1705 = vector.extract %slice3A_1704[0] : i32 from vector<1xi32>
    %lt3A_1706 = vector.broadcast %sub3A_1223 : i32 to vector<16xi32>
    %lt3A_1707 = arith.cmpi slt, %add3A_1701, %lt3A_1706 : vector<16xi32>
    %all_reduce_population_count3A_1708 = tpu.all_reduce %lt3A_1707 {dim = 0 : i64, kind = #tpu.reduction_kind<sum>} : vector<16xi1> -> vector<16xi32>
    %add3A_1709 = arith.addi %add3A_1694, %all_reduce_population_count3A_1708 : vector<16xi32>
    %get3A_1710 = arith.constant 80 : index
    %get3A_1711 = tpu.vector_load %arg8[%get3A_1710] {strides = array<i32>} : memref<256xi32, #tpu.memory_space<vmem>>, vector<16xi32>,
    %broadcast_in_dim3A_1712 = arith.constant true
    %broadcast_in_dim3A_1713 = vector.broadcast %broadcast_in_dim3A_1712 : i1 to vector<16xi1>
    %masked_cumsum3A_1714 = tpu.scan <sum>, %get3A_1711 masked %broadcast_in_dim3A_1713 : vector<16xi32>, vector<16xi1> -> vector<16xi32>
    %add3A_1715 = vector.broadcast %squeeze3A_1705 : i32 to vector<16xi32>
    %add3A_1716 = arith.addi %masked_cumsum3A_1714, %add3A_1715 : vector<16xi32>
    %swap3A_1717 = arith.constant 80 : index
    %swap3A_1718 = tpu.vector_load %arg8[%swap3A_1717] {strides = array<i32>} : memref<256xi32, #tpu.memory_space<vmem>>, vector<16xi32>,
    tpu.vector_store %arg8[%swap3A_1717], %add3A_1716 {strides = array<i32>} : memref<256xi32, #tpu.memory_space<vmem>>, vector<16xi32>,
    %slice3A_1719 = vector.extract_strided_slice %add3A_1716 {offsets = [15], sizes = [1], strides = [1]} : vector<16xi32> to vector<1xi32>
    %squeeze3A_1720 = vector.extract %slice3A_1719[0] : i32 from vector<1xi32>
    %lt3A_1721 = vector.broadcast %sub3A_1223 : i32 to vector<16xi32>
    %lt3A_1722 = arith.cmpi slt, %add3A_1716, %lt3A_1721 : vector<16xi32>
    %all_reduce_population_count3A_1723 = tpu.all_reduce %lt3A_1722 {dim = 0 : i64, kind = #tpu.reduction_kind<sum>} : vector<16xi1> -> vector<16xi32>
    %add3A_1724 = arith.addi %add3A_1709, %all_reduce_population_count3A_1723 : vector<16xi32>
    %get3A_1725 = arith.constant 96 : index
    %get3A_1726 = tpu.vector_load %arg8[%get3A_1725] {strides = array<i32>} : memref<256xi32, #tpu.memory_space<vmem>>, vector<16xi32>,
    %broadcast_in_dim3A_1727 = arith.constant true
    %broadcast_in_dim3A_1728 = vector.broadcast %broadcast_in_dim3A_1727 : i1 to vector<16xi1>
    %masked_cumsum3A_1729 = tpu.scan <sum>, %get3A_1726 masked %broadcast_in_dim3A_1728 : vector<16xi32>, vector<16xi1> -> vector<16xi32>
    %add3A_1730 = vector.broadcast %squeeze3A_1720 : i32 to vector<16xi32>
    %add3A_1731 = arith.addi %masked_cumsum3A_1729, %add3A_1730 : vector<16xi32>
    %swap3A_1732 = arith.constant 96 : index
    %swap3A_1733 = tpu.vector_load %arg8[%swap3A_1732] {strides = array<i32>} : memref<256xi32, #tpu.memory_space<vmem>>, vector<16xi32>,
    tpu.vector_store %arg8[%swap3A_1732], %add3A_1731 {strides = array<i32>} : memref<256xi32, #tpu.memory_space<vmem>>, vector<16xi32>,
    %slice3A_1734 = vector.extract_strided_slice %add3A_1731 {offsets = [15], sizes = [1], strides = [1]} : vector<16xi32> to vector<1xi32>
    %squeeze3A_1735 = vector.extract %slice3A_1734[0] : i32 from vector<1xi32>
    %lt3A_1736 = vector.broadcast %sub3A_1223 : i32 to vector<16xi32>
    %lt3A_1737 = arith.cmpi slt, %add3A_1731, %lt3A_1736 : vector<16xi32>
    %all_reduce_population_count3A_1738 = tpu.all_reduce %lt3A_1737 {dim = 0 : i64, kind = #tpu.reduction_kind<sum>} : vector<16xi1> -> vector<16xi32>
    %add3A_1739 = arith.addi %add3A_1724, %all_reduce_population_count3A_1738 : vector<16xi32>
    %get3A_1740 = arith.constant 112 : index
    %get3A_1741 = tpu.vector_load %arg8[%get3A_1740] {strides = array<i32>} : memref<256xi32, #tpu.memory_space<vmem>>, vector<16xi32>,
    %broadcast_in_dim3A_1742 = arith.constant true
    %broadcast_in_dim3A_1743 = vector.broadcast %broadcast_in_dim3A_1742 : i1 to vector<16xi1>
    %masked_cumsum3A_1744 = tpu.scan <sum>, %get3A_1741 masked %broadcast_in_dim3A_1743 : vector<16xi32>, vector<16xi1> -> vector<16xi32>
    %add3A_1745 = vector.broadcast %squeeze3A_1735 : i32 to vector<16xi32>
    %add3A_1746 = arith.addi %masked_cumsum3A_1744, %add3A_1745 : vector<16xi32>
    %swap3A_1747 = arith.constant 112 : index
    %swap3A_1748 = tpu.vector_load %arg8[%swap3A_1747] {strides = array<i32>} : memref<256xi32, #tpu.memory_space<vmem>>, vector<16xi32>,
    tpu.vector_store %arg8[%swap3A_1747], %add3A_1746 {strides = array<i32>} : memref<256xi32, #tpu.memory_space<vmem>>, vector<16xi32>,
    %slice3A_1749 = vector.extract_strided_slice %add3A_1746 {offsets = [15], sizes = [1], strides = [1]} : vector<16xi32> to vector<1xi32>
    %squeeze3A_1750 = vector.extract %slice3A_1749[0] : i32 from vector<1xi32>
    %lt3A_1751 = vector.broadcast %sub3A_1223 : i32 to vector<16xi32>
    %lt3A_1752 = arith.cmpi slt, %add3A_1746, %lt3A_1751 : vector<16xi32>
    %all_reduce_population_count3A_1753 = tpu.all_reduce %lt3A_1752 {dim = 0 : i64, kind = #tpu.reduction_kind<sum>} : vector<16xi1> -> vector<16xi32>
    %add3A_1754 = arith.addi %add3A_1739, %all_reduce_population_count3A_1753 : vector<16xi32>
    %get3A_1755 = arith.constant 128 : index
    %get3A_1756 = tpu.vector_load %arg8[%get3A_1755] {strides = array<i32>} : memref<256xi32, #tpu.memory_space<vmem>>, vector<16xi32>,
    %broadcast_in_dim3A_1757 = arith.constant true
    %broadcast_in_dim3A_1758 = vector.broadcast %broadcast_in_dim3A_1757 : i1 to vector<16xi1>
    %masked_cumsum3A_1759 = tpu.scan <sum>, %get3A_1756 masked %broadcast_in_dim3A_1758 : vector<16xi32>, vector<16xi1> -> vector<16xi32>
    %add3A_1760 = vector.broadcast %squeeze3A_1750 : i32 to vector<16xi32>
    %add3A_1761 = arith.addi %masked_cumsum3A_1759, %add3A_1760 : vector<16xi32>
    %swap3A_1762 = arith.constant 128 : index
    %swap3A_1763 = tpu.vector_load %arg8[%swap3A_1762] {strides = array<i32>} : memref<256xi32, #tpu.memory_space<vmem>>, vector<16xi32>,
    tpu.vector_store %arg8[%swap3A_1762], %add3A_1761 {strides = array<i32>} : memref<256xi32, #tpu.memory_space<vmem>>, vector<16xi32>,
    %slice3A_1764 = vector.extract_strided_slice %add3A_1761 {offsets = [15], sizes = [1], strides = [1]} : vector<16xi32> to vector<1xi32>
    %squeeze3A_1765 = vector.extract %slice3A_1764[0] : i32 from vector<1xi32>
    %lt3A_1766 = vector.broadcast %sub3A_1223 : i32 to vector<16xi32>
    %lt3A_1767 = arith.cmpi slt, %add3A_1761, %lt3A_1766 : vector<16xi32>
    %all_reduce_population_count3A_1768 = tpu.all_reduce %lt3A_1767 {dim = 0 : i64, kind = #tpu.reduction_kind<sum>} : vector<16xi1> -> vector<16xi32>
    %add3A_1769 = arith.addi %add3A_1754, %all_reduce_population_count3A_1768 : vector<16xi32>
    %get3A_1770 = arith.constant 144 : index
    %get3A_1771 = tpu.vector_load %arg8[%get3A_1770] {strides = array<i32>} : memref<256xi32, #tpu.memory_space<vmem>>, vector<16xi32>,
    %broadcast_in_dim3A_1772 = arith.constant true
    %broadcast_in_dim3A_1773 = vector.broadcast %broadcast_in_dim3A_1772 : i1 to vector<16xi1>
    %masked_cumsum3A_1774 = tpu.scan <sum>, %get3A_1771 masked %broadcast_in_dim3A_1773 : vector<16xi32>, vector<16xi1> -> vector<16xi32>
    %add3A_1775 = vector.broadcast %squeeze3A_1765 : i32 to vector<16xi32>
    %add3A_1776 = arith.addi %masked_cumsum3A_1774, %add3A_1775 : vector<16xi32>
    %swap3A_1777 = arith.constant 144 : index
    %swap3A_1778 = tpu.vector_load %arg8[%swap3A_1777] {strides = array<i32>} : memref<256xi32, #tpu.memory_space<vmem>>, vector<16xi32>,
    tpu.vector_store %arg8[%swap3A_1777], %add3A_1776 {strides = array<i32>} : memref<256xi32, #tpu.memory_space<vmem>>, vector<16xi32>,
    %slice3A_1779 = vector.extract_strided_slice %add3A_1776 {offsets = [15], sizes = [1], strides = [1]} : vector<16xi32> to vector<1xi32>
    %squeeze3A_1780 = vector.extract %slice3A_1779[0] : i32 from vector<1xi32>
    %lt3A_1781 = vector.broadcast %sub3A_1223 : i32 to vector<16xi32>
    %lt3A_1782 = arith.cmpi slt, %add3A_1776, %lt3A_1781 : vector<16xi32>
    %all_reduce_population_count3A_1783 = tpu.all_reduce %lt3A_1782 {dim = 0 : i64, kind = #tpu.reduction_kind<sum>} : vector<16xi1> -> vector<16xi32>
    %add3A_1784 = arith.addi %add3A_1769, %all_reduce_population_count3A_1783 : vector<16xi32>
    %get3A_1785 = arith.constant 160 : index
    %get3A_1786 = tpu.vector_load %arg8[%get3A_1785] {strides = array<i32>} : memref<256xi32, #tpu.memory_space<vmem>>, vector<16xi32>,
    %broadcast_in_dim3A_1787 = arith.constant true
    %broadcast_in_dim3A_1788 = vector.broadcast %broadcast_in_dim3A_1787 : i1 to vector<16xi1>
    %masked_cumsum3A_1789 = tpu.scan <sum>, %get3A_1786 masked %broadcast_in_dim3A_1788 : vector<16xi32>, vector<16xi1> -> vector<16xi32>
    %add3A_1790 = vector.broadcast %squeeze3A_1780 : i32 to vector<16xi32>
    %add3A_1791 = arith.addi %masked_cumsum3A_1789, %add3A_1790 : vector<16xi32>
    %swap3A_1792 = arith.constant 160 : index
    %swap3A_1793 = tpu.vector_load %arg8[%swap3A_1792] {strides = array<i32>} : memref<256xi32, #tpu.memory_space<vmem>>, vector<16xi32>,
    tpu.vector_store %arg8[%swap3A_1792], %add3A_1791 {strides = array<i32>} : memref<256xi32, #tpu.memory_space<vmem>>, vector<16xi32>,
    %slice3A_1794 = vector.extract_strided_slice %add3A_1791 {offsets = [15], sizes = [1], strides = [1]} : vector<16xi32> to vector<1xi32>
    %squeeze3A_1795 = vector.extract %slice3A_1794[0] : i32 from vector<1xi32>
    %lt3A_1796 = vector.broadcast %sub3A_1223 : i32 to vector<16xi32>
    %lt3A_1797 = arith.cmpi slt, %add3A_1791, %lt3A_1796 : vector<16xi32>
    %all_reduce_population_count3A_1798 = tpu.all_reduce %lt3A_1797 {dim = 0 : i64, kind = #tpu.reduction_kind<sum>} : vector<16xi1> -> vector<16xi32>
    %add3A_1799 = arith.addi %add3A_1784, %all_reduce_population_count3A_1798 : vector<16xi32>
    %get3A_1800 = arith.constant 176 : index
    %get3A_1801 = tpu.vector_load %arg8[%get3A_1800] {strides = array<i32>} : memref<256xi32, #tpu.memory_space<vmem>>, vector<16xi32>,
    %broadcast_in_dim3A_1802 = arith.constant true
    %broadcast_in_dim3A_1803 = vector.broadcast %broadcast_in_dim3A_1802 : i1 to vector<16xi1>
    %masked_cumsum3A_1804 = tpu.scan <sum>, %get3A_1801 masked %broadcast_in_dim3A_1803 : vector<16xi32>, vector<16xi1> -> vector<16xi32>
    %add3A_1805 = vector.broadcast %squeeze3A_1795 : i32 to vector<16xi32>
    %add3A_1806 = arith.addi %masked_cumsum3A_1804, %add3A_1805 : vector<16xi32>
    %swap3A_1807 = arith.constant 176 : index
    %swap3A_1808 = tpu.vector_load %arg8[%swap3A_1807] {strides = array<i32>} : memref<256xi32, #tpu.memory_space<vmem>>, vector<16xi32>,
    tpu.vector_store %arg8[%swap3A_1807], %add3A_1806 {strides = array<i32>} : memref<256xi32, #tpu.memory_space<vmem>>, vector<16xi32>,
    %slice3A_1809 = vector.extract_strided_slice %add3A_1806 {offsets = [15], sizes = [1], strides = [1]} : vector<16xi32> to vector<1xi32>
    %squeeze3A_1810 = vector.extract %slice3A_1809[0] : i32 from vector<1xi32>
    %lt3A_1811 = vector.broadcast %sub3A_1223 : i32 to vector<16xi32>
    %lt3A_1812 = arith.cmpi slt, %add3A_1806, %lt3A_1811 : vector<16xi32>
    %all_reduce_population_count3A_1813 = tpu.all_reduce %lt3A_1812 {dim = 0 : i64, kind = #tpu.reduction_kind<sum>} : vector<16xi1> -> vector<16xi32>
    %add3A_1814 = arith.addi %add3A_1799, %all_reduce_population_count3A_1813 : vector<16xi32>
    %get3A_1815 = arith.constant 192 : index
    %get3A_1816 = tpu.vector_load %arg8[%get3A_1815] {strides = array<i32>} : memref<256xi32, #tpu.memory_space<vmem>>, vector<16xi32>,
    %broadcast_in_dim3A_1817 = arith.constant true
    %broadcast_in_dim3A_1818 = vector.broadcast %broadcast_in_dim3A_1817 : i1 to vector<16xi1>
    %masked_cumsum3A_1819 = tpu.scan <sum>, %get3A_1816 masked %broadcast_in_dim3A_1818 : vector<16xi32>, vector<16xi1> -> vector<16xi32>
    %add3A_1820 = vector.broadcast %squeeze3A_1810 : i32 to vector<16xi32>
    %add3A_1821 = arith.addi %masked_cumsum3A_1819, %add3A_1820 : vector<16xi32>
    %swap3A_1822 = arith.constant 192 : index
    %swap3A_1823 = tpu.vector_load %arg8[%swap3A_1822] {strides = array<i32>} : memref<256xi32, #tpu.memory_space<vmem>>, vector<16xi32>,
    tpu.vector_store %arg8[%swap3A_1822], %add3A_1821 {strides = array<i32>} : memref<256xi32, #tpu.memory_space<vmem>>, vector<16xi32>,
    %slice3A_1824 = vector.extract_strided_slice %add3A_1821 {offsets = [15], sizes = [1], strides = [1]} : vector<16xi32> to vector<1xi32>
    %squeeze3A_1825 = vector.extract %slice3A_1824[0] : i32 from vector<1xi32>
    %lt3A_1826 = vector.broadcast %sub3A_1223 : i32 to vector<16xi32>
    %lt3A_1827 = arith.cmpi slt, %add3A_1821, %lt3A_1826 : vector<16xi32>
    %all_reduce_population_count3A_1828 = tpu.all_reduce %lt3A_1827 {dim = 0 : i64, kind = #tpu.reduction_kind<sum>} : vector<16xi1> -> vector<16xi32>
    %add3A_1829 = arith.addi %add3A_1814, %all_reduce_population_count3A_1828 : vector<16xi32>
    %get3A_1830 = arith.constant 208 : index
    %get3A_1831 = tpu.vector_load %arg8[%get3A_1830] {strides = array<i32>} : memref<256xi32, #tpu.memory_space<vmem>>, vector<16xi32>,
    %broadcast_in_dim3A_1832 = arith.constant true
    %broadcast_in_dim3A_1833 = vector.broadcast %broadcast_in_dim3A_1832 : i1 to vector<16xi1>
    %masked_cumsum3A_1834 = tpu.scan <sum>, %get3A_1831 masked %broadcast_in_dim3A_1833 : vector<16xi32>, vector<16xi1> -> vector<16xi32>
    %add3A_1835 = vector.broadcast %squeeze3A_1825 : i32 to vector<16xi32>
    %add3A_1836 = arith.addi %masked_cumsum3A_1834, %add3A_1835 : vector<16xi32>
    %swap3A_1837 = arith.constant 208 : index
    %swap3A_1838 = tpu.vector_load %arg8[%swap3A_1837] {strides = array<i32>} : memref<256xi32, #tpu.memory_space<vmem>>, vector<16xi32>,
    tpu.vector_store %arg8[%swap3A_1837], %add3A_1836 {strides = array<i32>} : memref<256xi32, #tpu.memory_space<vmem>>, vector<16xi32>,
    %slice3A_1839 = vector.extract_strided_slice %add3A_1836 {offsets = [15], sizes = [1], strides = [1]} : vector<16xi32> to vector<1xi32>
    %squeeze3A_1840 = vector.extract %slice3A_1839[0] : i32 from vector<1xi32>
    %lt3A_1841 = vector.broadcast %sub3A_1223 : i32 to vector<16xi32>
    %lt3A_1842 = arith.cmpi slt, %add3A_1836, %lt3A_1841 : vector<16xi32>
    %all_reduce_population_count3A_1843 = tpu.all_reduce %lt3A_1842 {dim = 0 : i64, kind = #tpu.reduction_kind<sum>} : vector<16xi1> -> vector<16xi32>
    %add3A_1844 = arith.addi %add3A_1829, %all_reduce_population_count3A_1843 : vector<16xi32>
    %get3A_1845 = arith.constant 224 : index
    %get3A_1846 = tpu.vector_load %arg8[%get3A_1845] {strides = array<i32>} : memref<256xi32, #tpu.memory_space<vmem>>, vector<16xi32>,
    %broadcast_in_dim3A_1847 = arith.constant true
    %broadcast_in_dim3A_1848 = vector.broadcast %broadcast_in_dim3A_1847 : i1 to vector<16xi1>
    %masked_cumsum3A_1849 = tpu.scan <sum>, %get3A_1846 masked %broadcast_in_dim3A_1848 : vector<16xi32>, vector<16xi1> -> vector<16xi32>
    %add3A_1850 = vector.broadcast %squeeze3A_1840 : i32 to vector<16xi32>
    %add3A_1851 = arith.addi %masked_cumsum3A_1849, %add3A_1850 : vector<16xi32>
    %swap3A_1852 = arith.constant 224 : index
    %swap3A_1853 = tpu.vector_load %arg8[%swap3A_1852] {strides = array<i32>} : memref<256xi32, #tpu.memory_space<vmem>>, vector<16xi32>,
    tpu.vector_store %arg8[%swap3A_1852], %add3A_1851 {strides = array<i32>} : memref<256xi32, #tpu.memory_space<vmem>>, vector<16xi32>,
    %slice3A_1854 = vector.extract_strided_slice %add3A_1851 {offsets = [15], sizes = [1], strides = [1]} : vector<16xi32> to vector<1xi32>
    %squeeze3A_1855 = vector.extract %slice3A_1854[0] : i32 from vector<1xi32>
    %lt3A_1856 = vector.broadcast %sub3A_1223 : i32 to vector<16xi32>
    %lt3A_1857 = arith.cmpi slt, %add3A_1851, %lt3A_1856 : vector<16xi32>
    %all_reduce_population_count3A_1858 = tpu.all_reduce %lt3A_1857 {dim = 0 : i64, kind = #tpu.reduction_kind<sum>} : vector<16xi1> -> vector<16xi32>
    %add3A_1859 = arith.addi %add3A_1844, %all_reduce_population_count3A_1858 : vector<16xi32>
    %get3A_1860 = arith.constant 240 : index
    %get3A_1861 = tpu.vector_load %arg8[%get3A_1860] {strides = array<i32>} : memref<256xi32, #tpu.memory_space<vmem>>, vector<16xi32>,
    %broadcast_in_dim3A_1862 = arith.constant true
    %broadcast_in_dim3A_1863 = vector.broadcast %broadcast_in_dim3A_1862 : i1 to vector<16xi1>
    %masked_cumsum3A_1864 = tpu.scan <sum>, %get3A_1861 masked %broadcast_in_dim3A_1863 : vector<16xi32>, vector<16xi1> -> vector<16xi32>
    %add3A_1865 = vector.broadcast %squeeze3A_1855 : i32 to vector<16xi32>
    %add3A_1866 = arith.addi %masked_cumsum3A_1864, %add3A_1865 : vector<16xi32>
    %swap3A_1867 = arith.constant 240 : index
    %swap3A_1868 = tpu.vector_load %arg8[%swap3A_1867] {strides = array<i32>} : memref<256xi32, #tpu.memory_space<vmem>>, vector<16xi32>,
    tpu.vector_store %arg8[%swap3A_1867], %add3A_1866 {strides = array<i32>} : memref<256xi32, #tpu.memory_space<vmem>>, vector<16xi32>,
    %slice3A_1869 = vector.extract_strided_slice %add3A_1866 {offsets = [15], sizes = [1], strides = [1]} : vector<16xi32> to vector<1xi32>
    %squeeze3A_1870 = vector.extract %slice3A_1869[0] : i32 from vector<1xi32>
    %lt3A_1871 = vector.broadcast %sub3A_1223 : i32 to vector<16xi32>
    %lt3A_1872 = arith.cmpi slt, %add3A_1866, %lt3A_1871 : vector<16xi32>
    %all_reduce_population_count3A_1873 = tpu.all_reduce %lt3A_1872 {dim = 0 : i64, kind = #tpu.reduction_kind<sum>} : vector<16xi1> -> vector<16xi32>
    %add3A_1874 = arith.addi %add3A_1859, %all_reduce_population_count3A_1873 : vector<16xi32>
    %slice3A_1875 = vector.extract_strided_slice %add3A_1874 {offsets = [0], sizes = [1], strides = [1]} : vector<16xi32> to vector<1xi32>
    %squeeze3A_1876 = vector.extract %slice3A_1875[0] : i32 from vector<1xi32>
    %sub3A_1877 = arith.constant 1 : i32
    %sub3A_1878 = arith.subi %squeeze3A_1876, %sub3A_1877 : i32
    %max3A_1879 = arith.constant 0 : i32
    %max3A_1880 = arith.maxsi %sub3A_1878, %max3A_1879 : i32
    %broadcast_in_dim3A_1881 = vector.broadcast %max3A_1880 : i32 to vector<16xi32>
    %gather3A_1882 = tpu.vector_load_idx %arg8[%broadcast_in_dim3A_1881] : memref<256xi32, #tpu.memory_space<vmem>>[vector<16xi32>], vector<16xi32>,
    %eq3A_1883 = arith.constant 0 : i32
    %eq3A_1884 = arith.cmpi eq, %squeeze3A_1876, %eq3A_1883 : i32
    %slice3A_1885 = vector.extract_strided_slice %gather3A_1882 {offsets = [0], sizes = [1], strides = [1]} : vector<16xi32> to vector<1xi32>
    %squeeze3A_1886 = vector.extract %slice3A_1885[0] : i32 from vector<1xi32>
    %jit3A_1887 = arith.constant 0 : i32
    %select_n3A_1888 = arith.select %eq3A_1884, %jit3A_1887, %squeeze3A_1886 : i32
    %broadcast_in_dim3A_1889 = vector.broadcast %squeeze3A_1876 : i32 to vector<16xi32>
    %gather3A_1890 = tpu.vector_load_idx %arg8[%broadcast_in_dim3A_1889] : memref<256xi32, #tpu.memory_space<vmem>>[vector<16xi32>], vector<16xi32>,
    %slice3A_1891 = vector.extract_strided_slice %gather3A_1890 {offsets = [0], sizes = [1], strides = [1]} : vector<16xi32> to vector<1xi32>
    %squeeze3A_1892 = vector.extract %slice3A_1891[0] : i32 from vector<1xi32>
    %sub3A_1893 = arith.subi %squeeze3A_1892, %select_n3A_1888 : i32
    %sub3A_1894 = arith.subi %sub3A_1223, %select_n3A_1888 : i32
    %shift_left3A_1895 = arith.constant 8 : i32
    %shift_left3A_1896 = arith.shli %or3A_1226, %shift_left3A_1895 : i32
    %or3A_1897 = arith.ori %shift_left3A_1896, %squeeze3A_1876 : i32
    %eq3A_1898 = arith.constant 1 : i32
    %eq3A_1899 = arith.cmpi eq, %sub3A_1893, %eq3A_1898 : i32
    %convert_element_type3A_1900 = arith.extui %eq3A_1899 : i1 to i32
    %cond3A_1901 = arith.constant 0 : i32
    %cond3A_1902 = arith.constant 1 : i32
    %cond3A_1903 = arith.constant 0 : i32
    %cond3A_1904 = arith.constant 0 : i32
    %cond3A_1905 = arith.cmpi ne, %convert_element_type3A_1900, %cond3A_1904 : i32
    %cond3A_1906:2 = scf.if %cond3A_1905 -> (vector<16xi32>, vector<16xi32>) {
      %broadcast_in_dim3A_1926 = vector.broadcast %squeeze3A_1876 : i32 to vector<16xi32>
      %gather3A_1927 = tpu.vector_load_idx %arg10[%broadcast_in_dim3A_1926] : memref<256xi32, #tpu.memory_space<vmem>>[vector<16xi32>], vector<16xi32>,
      %gather3A_1928 = tpu.vector_load_idx %arg6[%gather3A_1927] : memref<8192xi32, #tpu.memory_space<vmem>>[vector<16xi32>], vector<16xi32>,
      scf.yield %gather3A_1928, %gather3A_1927 : vector<16xi32>, vector<16xi32>
    } else {
      %swap3A_1926 = arith.constant 0 : index
      %swap3A_1927 = tpu.vector_load %arg8[%swap3A_1926] {strides = array<i32>} : memref<256xi32, #tpu.memory_space<vmem>>, vector<16xi32>,
      tpu.vector_store %arg8[%swap3A_1926], %broadcast_in_dim3A_12 {strides = array<i32>} : memref<256xi32, #tpu.memory_space<vmem>>, vector<16xi32>,
      %swap3A_1928 = arith.constant 16 : index
      %swap3A_1929 = tpu.vector_load %arg8[%swap3A_1928] {strides = array<i32>} : memref<256xi32, #tpu.memory_space<vmem>>, vector<16xi32>,
      tpu.vector_store %arg8[%swap3A_1928], %broadcast_in_dim3A_12 {strides = array<i32>} : memref<256xi32, #tpu.memory_space<vmem>>, vector<16xi32>,
      %swap3A_1930 = arith.constant 32 : index
      %swap3A_1931 = tpu.vector_load %arg8[%swap3A_1930] {strides = array<i32>} : memref<256xi32, #tpu.memory_space<vmem>>, vector<16xi32>,
      tpu.vector_store %arg8[%swap3A_1930], %broadcast_in_dim3A_12 {strides = array<i32>} : memref<256xi32, #tpu.memory_space<vmem>>, vector<16xi32>,
      %swap3A_1932 = arith.constant 48 : index
      %swap3A_1933 = tpu.vector_load %arg8[%swap3A_1932] {strides = array<i32>} : memref<256xi32, #tpu.memory_space<vmem>>, vector<16xi32>,
      tpu.vector_store %arg8[%swap3A_1932], %broadcast_in_dim3A_12 {strides = array<i32>} : memref<256xi32, #tpu.memory_space<vmem>>, vector<16xi32>,
      %swap3A_1934 = arith.constant 64 : index
      %swap3A_1935 = tpu.vector_load %arg8[%swap3A_1934] {strides = array<i32>} : memref<256xi32, #tpu.memory_space<vmem>>, vector<16xi32>,
      tpu.vector_store %arg8[%swap3A_1934], %broadcast_in_dim3A_12 {strides = array<i32>} : memref<256xi32, #tpu.memory_space<vmem>>, vector<16xi32>,
      %swap3A_1936 = arith.constant 80 : index
      %swap3A_1937 = tpu.vector_load %arg8[%swap3A_1936] {strides = array<i32>} : memref<256xi32, #tpu.memory_space<vmem>>, vector<16xi32>,
      tpu.vector_store %arg8[%swap3A_1936], %broadcast_in_dim3A_12 {strides = array<i32>} : memref<256xi32, #tpu.memory_space<vmem>>, vector<16xi32>,
      %swap3A_1938 = arith.constant 96 : index
      %swap3A_1939 = tpu.vector_load %arg8[%swap3A_1938] {strides = array<i32>} : memref<256xi32, #tpu.memory_space<vmem>>, vector<16xi32>,
      tpu.vector_store %arg8[%swap3A_1938], %broadcast_in_dim3A_12 {strides = array<i32>} : memref<256xi32, #tpu.memory_space<vmem>>, vector<16xi32>,
      %swap3A_1940 = arith.constant 112 : index
      %swap3A_1941 = tpu.vector_load %arg8[%swap3A_1940] {strides = array<i32>} : memref<256xi32, #tpu.memory_space<vmem>>, vector<16xi32>,
      tpu.vector_store %arg8[%swap3A_1940], %broadcast_in_dim3A_12 {strides = array<i32>} : memref<256xi32, #tpu.memory_space<vmem>>, vector<16xi32>,
      %swap3A_1942 = arith.constant 128 : index
      %swap3A_1943 = tpu.vector_load %arg8[%swap3A_1942] {strides = array<i32>} : memref<256xi32, #tpu.memory_space<vmem>>, vector<16xi32>,
      tpu.vector_store %arg8[%swap3A_1942], %broadcast_in_dim3A_12 {strides = array<i32>} : memref<256xi32, #tpu.memory_space<vmem>>, vector<16xi32>,
      %swap3A_1944 = arith.constant 144 : index
      %swap3A_1945 = tpu.vector_load %arg8[%swap3A_1944] {strides = array<i32>} : memref<256xi32, #tpu.memory_space<vmem>>, vector<16xi32>,
      tpu.vector_store %arg8[%swap3A_1944], %broadcast_in_dim3A_12 {strides = array<i32>} : memref<256xi32, #tpu.memory_space<vmem>>, vector<16xi32>,
      %swap3A_1946 = arith.constant 160 : index
      %swap3A_1947 = tpu.vector_load %arg8[%swap3A_1946] {strides = array<i32>} : memref<256xi32, #tpu.memory_space<vmem>>, vector<16xi32>,
      tpu.vector_store %arg8[%swap3A_1946], %broadcast_in_dim3A_12 {strides = array<i32>} : memref<256xi32, #tpu.memory_space<vmem>>, vector<16xi32>,
      %swap3A_1948 = arith.constant 176 : index
      %swap3A_1949 = tpu.vector_load %arg8[%swap3A_1948] {strides = array<i32>} : memref<256xi32, #tpu.memory_space<vmem>>, vector<16xi32>,
      tpu.vector_store %arg8[%swap3A_1948], %broadcast_in_dim3A_12 {strides = array<i32>} : memref<256xi32, #tpu.memory_space<vmem>>, vector<16xi32>,
      %swap3A_1950 = arith.constant 192 : index
      %swap3A_1951 = tpu.vector_load %arg8[%swap3A_1950] {strides = array<i32>} : memref<256xi32, #tpu.memory_space<vmem>>, vector<16xi32>,
      tpu.vector_store %arg8[%swap3A_1950], %broadcast_in_dim3A_12 {strides = array<i32>} : memref<256xi32, #tpu.memory_space<vmem>>, vector<16xi32>,
      %swap3A_1952 = arith.constant 208 : index
      %swap3A_1953 = tpu.vector_load %arg8[%swap3A_1952] {strides = array<i32>} : memref<256xi32, #tpu.memory_space<vmem>>, vector<16xi32>,
      tpu.vector_store %arg8[%swap3A_1952], %broadcast_in_dim3A_12 {strides = array<i32>} : memref<256xi32, #tpu.memory_space<vmem>>, vector<16xi32>,
      %swap3A_1954 = arith.constant 224 : index
      %swap3A_1955 = tpu.vector_load %arg8[%swap3A_1954] {strides = array<i32>} : memref<256xi32, #tpu.memory_space<vmem>>, vector<16xi32>,
      tpu.vector_store %arg8[%swap3A_1954], %broadcast_in_dim3A_12 {strides = array<i32>} : memref<256xi32, #tpu.memory_space<vmem>>, vector<16xi32>,
      %swap3A_1956 = arith.constant 240 : index
      %swap3A_1957 = tpu.vector_load %arg8[%swap3A_1956] {strides = array<i32>} : memref<256xi32, #tpu.memory_space<vmem>>, vector<16xi32>,
      tpu.vector_store %arg8[%swap3A_1956], %broadcast_in_dim3A_12 {strides = array<i32>} : memref<256xi32, #tpu.memory_space<vmem>>, vector<16xi32>,
      %swap3A_1958 = arith.constant 0 : index
      %swap3A_1959 = tpu.vector_load %arg10[%swap3A_1958] {strides = array<i32>} : memref<256xi32, #tpu.memory_space<vmem>>, vector<16xi32>,
      tpu.vector_store %arg10[%swap3A_1958], %broadcast_in_dim3A_12 {strides = array<i32>} : memref<256xi32, #tpu.memory_space<vmem>>, vector<16xi32>,
      %swap3A_1960 = arith.constant 16 : index
      %swap3A_1961 = tpu.vector_load %arg10[%swap3A_1960] {strides = array<i32>} : memref<256xi32, #tpu.memory_space<vmem>>, vector<16xi32>,
      tpu.vector_store %arg10[%swap3A_1960], %broadcast_in_dim3A_12 {strides = array<i32>} : memref<256xi32, #tpu.memory_space<vmem>>, vector<16xi32>,
      %swap3A_1962 = arith.constant 32 : index
      %swap3A_1963 = tpu.vector_load %arg10[%swap3A_1962] {strides = array<i32>} : memref<256xi32, #tpu.memory_space<vmem>>, vector<16xi32>,
      tpu.vector_store %arg10[%swap3A_1962], %broadcast_in_dim3A_12 {strides = array<i32>} : memref<256xi32, #tpu.memory_space<vmem>>, vector<16xi32>,
      %swap3A_1964 = arith.constant 48 : index
      %swap3A_1965 = tpu.vector_load %arg10[%swap3A_1964] {strides = array<i32>} : memref<256xi32, #tpu.memory_space<vmem>>, vector<16xi32>,
      tpu.vector_store %arg10[%swap3A_1964], %broadcast_in_dim3A_12 {strides = array<i32>} : memref<256xi32, #tpu.memory_space<vmem>>, vector<16xi32>,
      %swap3A_1966 = arith.constant 64 : index
      %swap3A_1967 = tpu.vector_load %arg10[%swap3A_1966] {strides = array<i32>} : memref<256xi32, #tpu.memory_space<vmem>>, vector<16xi32>,
      tpu.vector_store %arg10[%swap3A_1966], %broadcast_in_dim3A_12 {strides = array<i32>} : memref<256xi32, #tpu.memory_space<vmem>>, vector<16xi32>,
      %swap3A_1968 = arith.constant 80 : index
      %swap3A_1969 = tpu.vector_load %arg10[%swap3A_1968] {strides = array<i32>} : memref<256xi32, #tpu.memory_space<vmem>>, vector<16xi32>,
      tpu.vector_store %arg10[%swap3A_1968], %broadcast_in_dim3A_12 {strides = array<i32>} : memref<256xi32, #tpu.memory_space<vmem>>, vector<16xi32>,
      %swap3A_1970 = arith.constant 96 : index
      %swap3A_1971 = tpu.vector_load %arg10[%swap3A_1970] {strides = array<i32>} : memref<256xi32, #tpu.memory_space<vmem>>, vector<16xi32>,
      tpu.vector_store %arg10[%swap3A_1970], %broadcast_in_dim3A_12 {strides = array<i32>} : memref<256xi32, #tpu.memory_space<vmem>>, vector<16xi32>,
      %swap3A_1972 = arith.constant 112 : index
      %swap3A_1973 = tpu.vector_load %arg10[%swap3A_1972] {strides = array<i32>} : memref<256xi32, #tpu.memory_space<vmem>>, vector<16xi32>,
      tpu.vector_store %arg10[%swap3A_1972], %broadcast_in_dim3A_12 {strides = array<i32>} : memref<256xi32, #tpu.memory_space<vmem>>, vector<16xi32>,
      %swap3A_1974 = arith.constant 128 : index
      %swap3A_1975 = tpu.vector_load %arg10[%swap3A_1974] {strides = array<i32>} : memref<256xi32, #tpu.memory_space<vmem>>, vector<16xi32>,
      tpu.vector_store %arg10[%swap3A_1974], %broadcast_in_dim3A_12 {strides = array<i32>} : memref<256xi32, #tpu.memory_space<vmem>>, vector<16xi32>,
      %swap3A_1976 = arith.constant 144 : index
      %swap3A_1977 = tpu.vector_load %arg10[%swap3A_1976] {strides = array<i32>} : memref<256xi32, #tpu.memory_space<vmem>>, vector<16xi32>,
      tpu.vector_store %arg10[%swap3A_1976], %broadcast_in_dim3A_12 {strides = array<i32>} : memref<256xi32, #tpu.memory_space<vmem>>, vector<16xi32>,
      %swap3A_1978 = arith.constant 160 : index
      %swap3A_1979 = tpu.vector_load %arg10[%swap3A_1978] {strides = array<i32>} : memref<256xi32, #tpu.memory_space<vmem>>, vector<16xi32>,
      tpu.vector_store %arg10[%swap3A_1978], %broadcast_in_dim3A_12 {strides = array<i32>} : memref<256xi32, #tpu.memory_space<vmem>>, vector<16xi32>,
      %swap3A_1980 = arith.constant 176 : index
      %swap3A_1981 = tpu.vector_load %arg10[%swap3A_1980] {strides = array<i32>} : memref<256xi32, #tpu.memory_space<vmem>>, vector<16xi32>,
      tpu.vector_store %arg10[%swap3A_1980], %broadcast_in_dim3A_12 {strides = array<i32>} : memref<256xi32, #tpu.memory_space<vmem>>, vector<16xi32>,
      %swap3A_1982 = arith.constant 192 : index
      %swap3A_1983 = tpu.vector_load %arg10[%swap3A_1982] {strides = array<i32>} : memref<256xi32, #tpu.memory_space<vmem>>, vector<16xi32>,
      tpu.vector_store %arg10[%swap3A_1982], %broadcast_in_dim3A_12 {strides = array<i32>} : memref<256xi32, #tpu.memory_space<vmem>>, vector<16xi32>,
      %swap3A_1984 = arith.constant 208 : index
      %swap3A_1985 = tpu.vector_load %arg10[%swap3A_1984] {strides = array<i32>} : memref<256xi32, #tpu.memory_space<vmem>>, vector<16xi32>,
      tpu.vector_store %arg10[%swap3A_1984], %broadcast_in_dim3A_12 {strides = array<i32>} : memref<256xi32, #tpu.memory_space<vmem>>, vector<16xi32>,
      %swap3A_1986 = arith.constant 224 : index
      %swap3A_1987 = tpu.vector_load %arg10[%swap3A_1986] {strides = array<i32>} : memref<256xi32, #tpu.memory_space<vmem>>, vector<16xi32>,
      tpu.vector_store %arg10[%swap3A_1986], %broadcast_in_dim3A_12 {strides = array<i32>} : memref<256xi32, #tpu.memory_space<vmem>>, vector<16xi32>,
      %swap3A_1988 = arith.constant 240 : index
      %swap3A_1989 = tpu.vector_load %arg10[%swap3A_1988] {strides = array<i32>} : memref<256xi32, #tpu.memory_space<vmem>>, vector<16xi32>,
      tpu.vector_store %arg10[%swap3A_1988], %broadcast_in_dim3A_12 {strides = array<i32>} : memref<256xi32, #tpu.memory_space<vmem>>, vector<16xi32>,
      %parallel_loop3A_1990 = arith.constant 0 : i32
      %parallel_loop3A_1991 = arith.constant 512 : i32
      %parallel_loop3A_1992 = arith.constant 1 : i32
      scf.for %parallel_loop3A_2262 = %parallel_loop3A_1990 to %parallel_loop3A_1991 step %parallel_loop3A_1992  : i32 {
        %parallel_loop3A_2263 = arith.constant 16 : i32
        %parallel_loop3A_2264 = arith.muli %parallel_loop3A_2262, %parallel_loop3A_2263 : i32
        %parallel_loop3A_2265 = arith.index_cast %parallel_loop3A_2264 : i32 to index
        %parallel_loop3A_2266 = tpu.vector_load %arg6[%parallel_loop3A_2265] {strides = array<i32>} : memref<8192xi32, #tpu.memory_space<vmem>>, vector<16xi32>,
        %parallel_loop3A_2267 = arith.constant 8 : i32
        %parallel_loop3A_2268 = vector.broadcast %parallel_loop3A_2267 : i32 to vector<16xi32>
        %parallel_loop3A_2269 = arith.shrui %parallel_loop3A_2266, %parallel_loop3A_2268 : vector<16xi32>
        %parallel_loop3A_2270 = vector.broadcast %or3A_1897 : i32 to vector<16xi32>
        %parallel_loop3A_2271 = arith.cmpi eq, %parallel_loop3A_2269, %parallel_loop3A_2270 : vector<16xi32>
        %parallel_loop3A_2272 = arith.constant 255 : i32
        %parallel_loop3A_2273 = vector.broadcast %parallel_loop3A_2272 : i32 to vector<16xi32>
        %parallel_loop3A_2274 = arith.andi %parallel_loop3A_2266, %parallel_loop3A_2273 : vector<16xi32>
        tpu.vector_store_idx %arg8[%parallel_loop3A_2274], %broadcast_in_dim3A_14 masked %parallel_loop3A_2271 {add = true} : memref<256xi32, #tpu.memory_space<vmem>>[vector<16xi32>], vector<16xi32>, vector<16xi1>
        %parallel_loop3A_2275 = vector.broadcast %parallel_loop3A_2264 : i32 to vector<16xi32>
        %parallel_loop3A_2276 = arith.addi %iota3A, %parallel_loop3A_2275 : vector<16xi32>
        tpu.vector_store_idx %arg10[%parallel_loop3A_2274], %parallel_loop3A_2276 masked %parallel_loop3A_2271 {add = true} : memref<256xi32, #tpu.memory_space<vmem>>[vector<16xi32>], vector<16xi32>, vector<16xi1>
      } {sc.loop_unroll_factor = 4 : i64, sc.parallel_access}
      %get3A_1993 = arith.constant 0 : index
      %get3A_1994 = tpu.vector_load %arg8[%get3A_1993] {strides = array<i32>} : memref<256xi32, #tpu.memory_space<vmem>>, vector<16xi32>,
      %broadcast_in_dim3A_1995 = arith.constant true
      %broadcast_in_dim3A_1996 = vector.broadcast %broadcast_in_dim3A_1995 : i1 to vector<16xi1>
      %masked_cumsum3A_1997 = tpu.scan <sum>, %get3A_1994 masked %broadcast_in_dim3A_1996 : vector<16xi32>, vector<16xi1> -> vector<16xi32>
      %add3A_1998 = vector.broadcast %cond3A_1901 : i32 to vector<16xi32>
      %add3A_1999 = arith.addi %masked_cumsum3A_1997, %add3A_1998 : vector<16xi32>
      %swap3A_2000 = arith.constant 0 : index
      %swap3A_2001 = tpu.vector_load %arg8[%swap3A_2000] {strides = array<i32>} : memref<256xi32, #tpu.memory_space<vmem>>, vector<16xi32>,
      tpu.vector_store %arg8[%swap3A_2000], %add3A_1999 {strides = array<i32>} : memref<256xi32, #tpu.memory_space<vmem>>, vector<16xi32>,
      %slice3A_2002 = vector.extract_strided_slice %add3A_1999 {offsets = [15], sizes = [1], strides = [1]} : vector<16xi32> to vector<1xi32>
      %squeeze3A_2003 = vector.extract %slice3A_2002[0] : i32 from vector<1xi32>
      %lt3A_2004 = vector.broadcast %sub3A_1894 : i32 to vector<16xi32>
      %lt3A_2005 = arith.cmpi slt, %add3A_1999, %lt3A_2004 : vector<16xi32>
      %all_reduce_population_count3A_2006 = tpu.all_reduce %lt3A_2005 {dim = 0 : i64, kind = #tpu.reduction_kind<sum>} : vector<16xi1> -> vector<16xi32>
      %add3A_2007 = arith.addi %broadcast_in_dim3A_12, %all_reduce_population_count3A_2006 : vector<16xi32>
      %get3A_2008 = arith.constant 16 : index
      %get3A_2009 = tpu.vector_load %arg8[%get3A_2008] {strides = array<i32>} : memref<256xi32, #tpu.memory_space<vmem>>, vector<16xi32>,
      %broadcast_in_dim3A_2010 = arith.constant true
      %broadcast_in_dim3A_2011 = vector.broadcast %broadcast_in_dim3A_2010 : i1 to vector<16xi1>
      %masked_cumsum3A_2012 = tpu.scan <sum>, %get3A_2009 masked %broadcast_in_dim3A_2011 : vector<16xi32>, vector<16xi1> -> vector<16xi32>
      %add3A_2013 = vector.broadcast %squeeze3A_2003 : i32 to vector<16xi32>
      %add3A_2014 = arith.addi %masked_cumsum3A_2012, %add3A_2013 : vector<16xi32>
      %swap3A_2015 = arith.constant 16 : index
      %swap3A_2016 = tpu.vector_load %arg8[%swap3A_2015] {strides = array<i32>} : memref<256xi32, #tpu.memory_space<vmem>>, vector<16xi32>,
      tpu.vector_store %arg8[%swap3A_2015], %add3A_2014 {strides = array<i32>} : memref<256xi32, #tpu.memory_space<vmem>>, vector<16xi32>,
      %slice3A_2017 = vector.extract_strided_slice %add3A_2014 {offsets = [15], sizes = [1], strides = [1]} : vector<16xi32> to vector<1xi32>
      %squeeze3A_2018 = vector.extract %slice3A_2017[0] : i32 from vector<1xi32>
      %lt3A_2019 = vector.broadcast %sub3A_1894 : i32 to vector<16xi32>
      %lt3A_2020 = arith.cmpi slt, %add3A_2014, %lt3A_2019 : vector<16xi32>
      %all_reduce_population_count3A_2021 = tpu.all_reduce %lt3A_2020 {dim = 0 : i64, kind = #tpu.reduction_kind<sum>} : vector<16xi1> -> vector<16xi32>
      %add3A_2022 = arith.addi %add3A_2007, %all_reduce_population_count3A_2021 : vector<16xi32>
      %get3A_2023 = arith.constant 32 : index
      %get3A_2024 = tpu.vector_load %arg8[%get3A_2023] {strides = array<i32>} : memref<256xi32, #tpu.memory_space<vmem>>, vector<16xi32>,
      %broadcast_in_dim3A_2025 = arith.constant true
      %broadcast_in_dim3A_2026 = vector.broadcast %broadcast_in_dim3A_2025 : i1 to vector<16xi1>
      %masked_cumsum3A_2027 = tpu.scan <sum>, %get3A_2024 masked %broadcast_in_dim3A_2026 : vector<16xi32>, vector<16xi1> -> vector<16xi32>
      %add3A_2028 = vector.broadcast %squeeze3A_2018 : i32 to vector<16xi32>
      %add3A_2029 = arith.addi %masked_cumsum3A_2027, %add3A_2028 : vector<16xi32>
      %swap3A_2030 = arith.constant 32 : index
      %swap3A_2031 = tpu.vector_load %arg8[%swap3A_2030] {strides = array<i32>} : memref<256xi32, #tpu.memory_space<vmem>>, vector<16xi32>,
      tpu.vector_store %arg8[%swap3A_2030], %add3A_2029 {strides = array<i32>} : memref<256xi32, #tpu.memory_space<vmem>>, vector<16xi32>,
      %slice3A_2032 = vector.extract_strided_slice %add3A_2029 {offsets = [15], sizes = [1], strides = [1]} : vector<16xi32> to vector<1xi32>
      %squeeze3A_2033 = vector.extract %slice3A_2032[0] : i32 from vector<1xi32>
      %lt3A_2034 = vector.broadcast %sub3A_1894 : i32 to vector<16xi32>
      %lt3A_2035 = arith.cmpi slt, %add3A_2029, %lt3A_2034 : vector<16xi32>
      %all_reduce_population_count3A_2036 = tpu.all_reduce %lt3A_2035 {dim = 0 : i64, kind = #tpu.reduction_kind<sum>} : vector<16xi1> -> vector<16xi32>
      %add3A_2037 = arith.addi %add3A_2022, %all_reduce_population_count3A_2036 : vector<16xi32>
      %get3A_2038 = arith.constant 48 : index
      %get3A_2039 = tpu.vector_load %arg8[%get3A_2038] {strides = array<i32>} : memref<256xi32, #tpu.memory_space<vmem>>, vector<16xi32>,
      %broadcast_in_dim3A_2040 = arith.constant true
      %broadcast_in_dim3A_2041 = vector.broadcast %broadcast_in_dim3A_2040 : i1 to vector<16xi1>
      %masked_cumsum3A_2042 = tpu.scan <sum>, %get3A_2039 masked %broadcast_in_dim3A_2041 : vector<16xi32>, vector<16xi1> -> vector<16xi32>
      %add3A_2043 = vector.broadcast %squeeze3A_2033 : i32 to vector<16xi32>
      %add3A_2044 = arith.addi %masked_cumsum3A_2042, %add3A_2043 : vector<16xi32>
      %swap3A_2045 = arith.constant 48 : index
      %swap3A_2046 = tpu.vector_load %arg8[%swap3A_2045] {strides = array<i32>} : memref<256xi32, #tpu.memory_space<vmem>>, vector<16xi32>,
      tpu.vector_store %arg8[%swap3A_2045], %add3A_2044 {strides = array<i32>} : memref<256xi32, #tpu.memory_space<vmem>>, vector<16xi32>,
      %slice3A_2047 = vector.extract_strided_slice %add3A_2044 {offsets = [15], sizes = [1], strides = [1]} : vector<16xi32> to vector<1xi32>
      %squeeze3A_2048 = vector.extract %slice3A_2047[0] : i32 from vector<1xi32>
      %lt3A_2049 = vector.broadcast %sub3A_1894 : i32 to vector<16xi32>
      %lt3A_2050 = arith.cmpi slt, %add3A_2044, %lt3A_2049 : vector<16xi32>
      %all_reduce_population_count3A_2051 = tpu.all_reduce %lt3A_2050 {dim = 0 : i64, kind = #tpu.reduction_kind<sum>} : vector<16xi1> -> vector<16xi32>
      %add3A_2052 = arith.addi %add3A_2037, %all_reduce_population_count3A_2051 : vector<16xi32>
      %get3A_2053 = arith.constant 64 : index
      %get3A_2054 = tpu.vector_load %arg8[%get3A_2053] {strides = array<i32>} : memref<256xi32, #tpu.memory_space<vmem>>, vector<16xi32>,
      %broadcast_in_dim3A_2055 = arith.constant true
      %broadcast_in_dim3A_2056 = vector.broadcast %broadcast_in_dim3A_2055 : i1 to vector<16xi1>
      %masked_cumsum3A_2057 = tpu.scan <sum>, %get3A_2054 masked %broadcast_in_dim3A_2056 : vector<16xi32>, vector<16xi1> -> vector<16xi32>
      %add3A_2058 = vector.broadcast %squeeze3A_2048 : i32 to vector<16xi32>
      %add3A_2059 = arith.addi %masked_cumsum3A_2057, %add3A_2058 : vector<16xi32>
      %swap3A_2060 = arith.constant 64 : index
      %swap3A_2061 = tpu.vector_load %arg8[%swap3A_2060] {strides = array<i32>} : memref<256xi32, #tpu.memory_space<vmem>>, vector<16xi32>,
      tpu.vector_store %arg8[%swap3A_2060], %add3A_2059 {strides = array<i32>} : memref<256xi32, #tpu.memory_space<vmem>>, vector<16xi32>,
      %slice3A_2062 = vector.extract_strided_slice %add3A_2059 {offsets = [15], sizes = [1], strides = [1]} : vector<16xi32> to vector<1xi32>
      %squeeze3A_2063 = vector.extract %slice3A_2062[0] : i32 from vector<1xi32>
      %lt3A_2064 = vector.broadcast %sub3A_1894 : i32 to vector<16xi32>
      %lt3A_2065 = arith.cmpi slt, %add3A_2059, %lt3A_2064 : vector<16xi32>
      %all_reduce_population_count3A_2066 = tpu.all_reduce %lt3A_2065 {dim = 0 : i64, kind = #tpu.reduction_kind<sum>} : vector<16xi1> -> vector<16xi32>
      %add3A_2067 = arith.addi %add3A_2052, %all_reduce_population_count3A_2066 : vector<16xi32>
      %get3A_2068 = arith.constant 80 : index
      %get3A_2069 = tpu.vector_load %arg8[%get3A_2068] {strides = array<i32>} : memref<256xi32, #tpu.memory_space<vmem>>, vector<16xi32>,
      %broadcast_in_dim3A_2070 = arith.constant true
      %broadcast_in_dim3A_2071 = vector.broadcast %broadcast_in_dim3A_2070 : i1 to vector<16xi1>
      %masked_cumsum3A_2072 = tpu.scan <sum>, %get3A_2069 masked %broadcast_in_dim3A_2071 : vector<16xi32>, vector<16xi1> -> vector<16xi32>
      %add3A_2073 = vector.broadcast %squeeze3A_2063 : i32 to vector<16xi32>
      %add3A_2074 = arith.addi %masked_cumsum3A_2072, %add3A_2073 : vector<16xi32>
      %swap3A_2075 = arith.constant 80 : index
      %swap3A_2076 = tpu.vector_load %arg8[%swap3A_2075] {strides = array<i32>} : memref<256xi32, #tpu.memory_space<vmem>>, vector<16xi32>,
      tpu.vector_store %arg8[%swap3A_2075], %add3A_2074 {strides = array<i32>} : memref<256xi32, #tpu.memory_space<vmem>>, vector<16xi32>,
      %slice3A_2077 = vector.extract_strided_slice %add3A_2074 {offsets = [15], sizes = [1], strides = [1]} : vector<16xi32> to vector<1xi32>
      %squeeze3A_2078 = vector.extract %slice3A_2077[0] : i32 from vector<1xi32>
      %lt3A_2079 = vector.broadcast %sub3A_1894 : i32 to vector<16xi32>
      %lt3A_2080 = arith.cmpi slt, %add3A_2074, %lt3A_2079 : vector<16xi32>
      %all_reduce_population_count3A_2081 = tpu.all_reduce %lt3A_2080 {dim = 0 : i64, kind = #tpu.reduction_kind<sum>} : vector<16xi1> -> vector<16xi32>
      %add3A_2082 = arith.addi %add3A_2067, %all_reduce_population_count3A_2081 : vector<16xi32>
      %get3A_2083 = arith.constant 96 : index
      %get3A_2084 = tpu.vector_load %arg8[%get3A_2083] {strides = array<i32>} : memref<256xi32, #tpu.memory_space<vmem>>, vector<16xi32>,
      %broadcast_in_dim3A_2085 = arith.constant true
      %broadcast_in_dim3A_2086 = vector.broadcast %broadcast_in_dim3A_2085 : i1 to vector<16xi1>
      %masked_cumsum3A_2087 = tpu.scan <sum>, %get3A_2084 masked %broadcast_in_dim3A_2086 : vector<16xi32>, vector<16xi1> -> vector<16xi32>
      %add3A_2088 = vector.broadcast %squeeze3A_2078 : i32 to vector<16xi32>
      %add3A_2089 = arith.addi %masked_cumsum3A_2087, %add3A_2088 : vector<16xi32>
      %swap3A_2090 = arith.constant 96 : index
      %swap3A_2091 = tpu.vector_load %arg8[%swap3A_2090] {strides = array<i32>} : memref<256xi32, #tpu.memory_space<vmem>>, vector<16xi32>,
      tpu.vector_store %arg8[%swap3A_2090], %add3A_2089 {strides = array<i32>} : memref<256xi32, #tpu.memory_space<vmem>>, vector<16xi32>,
      %slice3A_2092 = vector.extract_strided_slice %add3A_2089 {offsets = [15], sizes = [1], strides = [1]} : vector<16xi32> to vector<1xi32>
      %squeeze3A_2093 = vector.extract %slice3A_2092[0] : i32 from vector<1xi32>
      %lt3A_2094 = vector.broadcast %sub3A_1894 : i32 to vector<16xi32>
      %lt3A_2095 = arith.cmpi slt, %add3A_2089, %lt3A_2094 : vector<16xi32>
      %all_reduce_population_count3A_2096 = tpu.all_reduce %lt3A_2095 {dim = 0 : i64, kind = #tpu.reduction_kind<sum>} : vector<16xi1> -> vector<16xi32>
      %add3A_2097 = arith.addi %add3A_2082, %all_reduce_population_count3A_2096 : vector<16xi32>
      %get3A_2098 = arith.constant 112 : index
      %get3A_2099 = tpu.vector_load %arg8[%get3A_2098] {strides = array<i32>} : memref<256xi32, #tpu.memory_space<vmem>>, vector<16xi32>,
      %broadcast_in_dim3A_2100 = arith.constant true
      %broadcast_in_dim3A_2101 = vector.broadcast %broadcast_in_dim3A_2100 : i1 to vector<16xi1>
      %masked_cumsum3A_2102 = tpu.scan <sum>, %get3A_2099 masked %broadcast_in_dim3A_2101 : vector<16xi32>, vector<16xi1> -> vector<16xi32>
      %add3A_2103 = vector.broadcast %squeeze3A_2093 : i32 to vector<16xi32>
      %add3A_2104 = arith.addi %masked_cumsum3A_2102, %add3A_2103 : vector<16xi32>
      %swap3A_2105 = arith.constant 112 : index
      %swap3A_2106 = tpu.vector_load %arg8[%swap3A_2105] {strides = array<i32>} : memref<256xi32, #tpu.memory_space<vmem>>, vector<16xi32>,
      tpu.vector_store %arg8[%swap3A_2105], %add3A_2104 {strides = array<i32>} : memref<256xi32, #tpu.memory_space<vmem>>, vector<16xi32>,
      %slice3A_2107 = vector.extract_strided_slice %add3A_2104 {offsets = [15], sizes = [1], strides = [1]} : vector<16xi32> to vector<1xi32>
      %squeeze3A_2108 = vector.extract %slice3A_2107[0] : i32 from vector<1xi32>
      %lt3A_2109 = vector.broadcast %sub3A_1894 : i32 to vector<16xi32>
      %lt3A_2110 = arith.cmpi slt, %add3A_2104, %lt3A_2109 : vector<16xi32>
      %all_reduce_population_count3A_2111 = tpu.all_reduce %lt3A_2110 {dim = 0 : i64, kind = #tpu.reduction_kind<sum>} : vector<16xi1> -> vector<16xi32>
      %add3A_2112 = arith.addi %add3A_2097, %all_reduce_population_count3A_2111 : vector<16xi32>
      %get3A_2113 = arith.constant 128 : index
      %get3A_2114 = tpu.vector_load %arg8[%get3A_2113] {strides = array<i32>} : memref<256xi32, #tpu.memory_space<vmem>>, vector<16xi32>,
      %broadcast_in_dim3A_2115 = arith.constant true
      %broadcast_in_dim3A_2116 = vector.broadcast %broadcast_in_dim3A_2115 : i1 to vector<16xi1>
      %masked_cumsum3A_2117 = tpu.scan <sum>, %get3A_2114 masked %broadcast_in_dim3A_2116 : vector<16xi32>, vector<16xi1> -> vector<16xi32>
      %add3A_2118 = vector.broadcast %squeeze3A_2108 : i32 to vector<16xi32>
      %add3A_2119 = arith.addi %masked_cumsum3A_2117, %add3A_2118 : vector<16xi32>
      %swap3A_2120 = arith.constant 128 : index
      %swap3A_2121 = tpu.vector_load %arg8[%swap3A_2120] {strides = array<i32>} : memref<256xi32, #tpu.memory_space<vmem>>, vector<16xi32>,
      tpu.vector_store %arg8[%swap3A_2120], %add3A_2119 {strides = array<i32>} : memref<256xi32, #tpu.memory_space<vmem>>, vector<16xi32>,
      %slice3A_2122 = vector.extract_strided_slice %add3A_2119 {offsets = [15], sizes = [1], strides = [1]} : vector<16xi32> to vector<1xi32>
      %squeeze3A_2123 = vector.extract %slice3A_2122[0] : i32 from vector<1xi32>
      %lt3A_2124 = vector.broadcast %sub3A_1894 : i32 to vector<16xi32>
      %lt3A_2125 = arith.cmpi slt, %add3A_2119, %lt3A_2124 : vector<16xi32>
      %all_reduce_population_count3A_2126 = tpu.all_reduce %lt3A_2125 {dim = 0 : i64, kind = #tpu.reduction_kind<sum>} : vector<16xi1> -> vector<16xi32>
      %add3A_2127 = arith.addi %add3A_2112, %all_reduce_population_count3A_2126 : vector<16xi32>
      %get3A_2128 = arith.constant 144 : index
      %get3A_2129 = tpu.vector_load %arg8[%get3A_2128] {strides = array<i32>} : memref<256xi32, #tpu.memory_space<vmem>>, vector<16xi32>,
      %broadcast_in_dim3A_2130 = arith.constant true
      %broadcast_in_dim3A_2131 = vector.broadcast %broadcast_in_dim3A_2130 : i1 to vector<16xi1>
      %masked_cumsum3A_2132 = tpu.scan <sum>, %get3A_2129 masked %broadcast_in_dim3A_2131 : vector<16xi32>, vector<16xi1> -> vector<16xi32>
      %add3A_2133 = vector.broadcast %squeeze3A_2123 : i32 to vector<16xi32>
      %add3A_2134 = arith.addi %masked_cumsum3A_2132, %add3A_2133 : vector<16xi32>
      %swap3A_2135 = arith.constant 144 : index
      %swap3A_2136 = tpu.vector_load %arg8[%swap3A_2135] {strides = array<i32>} : memref<256xi32, #tpu.memory_space<vmem>>, vector<16xi32>,
      tpu.vector_store %arg8[%swap3A_2135], %add3A_2134 {strides = array<i32>} : memref<256xi32, #tpu.memory_space<vmem>>, vector<16xi32>,
      %slice3A_2137 = vector.extract_strided_slice %add3A_2134 {offsets = [15], sizes = [1], strides = [1]} : vector<16xi32> to vector<1xi32>
      %squeeze3A_2138 = vector.extract %slice3A_2137[0] : i32 from vector<1xi32>
      %lt3A_2139 = vector.broadcast %sub3A_1894 : i32 to vector<16xi32>
      %lt3A_2140 = arith.cmpi slt, %add3A_2134, %lt3A_2139 : vector<16xi32>
      %all_reduce_population_count3A_2141 = tpu.all_reduce %lt3A_2140 {dim = 0 : i64, kind = #tpu.reduction_kind<sum>} : vector<16xi1> -> vector<16xi32>
      %add3A_2142 = arith.addi %add3A_2127, %all_reduce_population_count3A_2141 : vector<16xi32>
      %get3A_2143 = arith.constant 160 : index
      %get3A_2144 = tpu.vector_load %arg8[%get3A_2143] {strides = array<i32>} : memref<256xi32, #tpu.memory_space<vmem>>, vector<16xi32>,
      %broadcast_in_dim3A_2145 = arith.constant true
      %broadcast_in_dim3A_2146 = vector.broadcast %broadcast_in_dim3A_2145 : i1 to vector<16xi1>
      %masked_cumsum3A_2147 = tpu.scan <sum>, %get3A_2144 masked %broadcast_in_dim3A_2146 : vector<16xi32>, vector<16xi1> -> vector<16xi32>
      %add3A_2148 = vector.broadcast %squeeze3A_2138 : i32 to vector<16xi32>
      %add3A_2149 = arith.addi %masked_cumsum3A_2147, %add3A_2148 : vector<16xi32>
      %swap3A_2150 = arith.constant 160 : index
      %swap3A_2151 = tpu.vector_load %arg8[%swap3A_2150] {strides = array<i32>} : memref<256xi32, #tpu.memory_space<vmem>>, vector<16xi32>,
      tpu.vector_store %arg8[%swap3A_2150], %add3A_2149 {strides = array<i32>} : memref<256xi32, #tpu.memory_space<vmem>>, vector<16xi32>,
      %slice3A_2152 = vector.extract_strided_slice %add3A_2149 {offsets = [15], sizes = [1], strides = [1]} : vector<16xi32> to vector<1xi32>
      %squeeze3A_2153 = vector.extract %slice3A_2152[0] : i32 from vector<1xi32>
      %lt3A_2154 = vector.broadcast %sub3A_1894 : i32 to vector<16xi32>
      %lt3A_2155 = arith.cmpi slt, %add3A_2149, %lt3A_2154 : vector<16xi32>
      %all_reduce_population_count3A_2156 = tpu.all_reduce %lt3A_2155 {dim = 0 : i64, kind = #tpu.reduction_kind<sum>} : vector<16xi1> -> vector<16xi32>
      %add3A_2157 = arith.addi %add3A_2142, %all_reduce_population_count3A_2156 : vector<16xi32>
      %get3A_2158 = arith.constant 176 : index
      %get3A_2159 = tpu.vector_load %arg8[%get3A_2158] {strides = array<i32>} : memref<256xi32, #tpu.memory_space<vmem>>, vector<16xi32>,
      %broadcast_in_dim3A_2160 = arith.constant true
      %broadcast_in_dim3A_2161 = vector.broadcast %broadcast_in_dim3A_2160 : i1 to vector<16xi1>
      %masked_cumsum3A_2162 = tpu.scan <sum>, %get3A_2159 masked %broadcast_in_dim3A_2161 : vector<16xi32>, vector<16xi1> -> vector<16xi32>
      %add3A_2163 = vector.broadcast %squeeze3A_2153 : i32 to vector<16xi32>
      %add3A_2164 = arith.addi %masked_cumsum3A_2162, %add3A_2163 : vector<16xi32>
      %swap3A_2165 = arith.constant 176 : index
      %swap3A_2166 = tpu.vector_load %arg8[%swap3A_2165] {strides = array<i32>} : memref<256xi32, #tpu.memory_space<vmem>>, vector<16xi32>,
      tpu.vector_store %arg8[%swap3A_2165], %add3A_2164 {strides = array<i32>} : memref<256xi32, #tpu.memory_space<vmem>>, vector<16xi32>,
      %slice3A_2167 = vector.extract_strided_slice %add3A_2164 {offsets = [15], sizes = [1], strides = [1]} : vector<16xi32> to vector<1xi32>
      %squeeze3A_2168 = vector.extract %slice3A_2167[0] : i32 from vector<1xi32>
      %lt3A_2169 = vector.broadcast %sub3A_1894 : i32 to vector<16xi32>
      %lt3A_2170 = arith.cmpi slt, %add3A_2164, %lt3A_2169 : vector<16xi32>
      %all_reduce_population_count3A_2171 = tpu.all_reduce %lt3A_2170 {dim = 0 : i64, kind = #tpu.reduction_kind<sum>} : vector<16xi1> -> vector<16xi32>
      %add3A_2172 = arith.addi %add3A_2157, %all_reduce_population_count3A_2171 : vector<16xi32>
      %get3A_2173 = arith.constant 192 : index
      %get3A_2174 = tpu.vector_load %arg8[%get3A_2173] {strides = array<i32>} : memref<256xi32, #tpu.memory_space<vmem>>, vector<16xi32>,
      %broadcast_in_dim3A_2175 = arith.constant true
      %broadcast_in_dim3A_2176 = vector.broadcast %broadcast_in_dim3A_2175 : i1 to vector<16xi1>
      %masked_cumsum3A_2177 = tpu.scan <sum>, %get3A_2174 masked %broadcast_in_dim3A_2176 : vector<16xi32>, vector<16xi1> -> vector<16xi32>
      %add3A_2178 = vector.broadcast %squeeze3A_2168 : i32 to vector<16xi32>
      %add3A_2179 = arith.addi %masked_cumsum3A_2177, %add3A_2178 : vector<16xi32>
      %swap3A_2180 = arith.constant 192 : index
      %swap3A_2181 = tpu.vector_load %arg8[%swap3A_2180] {strides = array<i32>} : memref<256xi32, #tpu.memory_space<vmem>>, vector<16xi32>,
      tpu.vector_store %arg8[%swap3A_2180], %add3A_2179 {strides = array<i32>} : memref<256xi32, #tpu.memory_space<vmem>>, vector<16xi32>,
      %slice3A_2182 = vector.extract_strided_slice %add3A_2179 {offsets = [15], sizes = [1], strides = [1]} : vector<16xi32> to vector<1xi32>
      %squeeze3A_2183 = vector.extract %slice3A_2182[0] : i32 from vector<1xi32>
      %lt3A_2184 = vector.broadcast %sub3A_1894 : i32 to vector<16xi32>
      %lt3A_2185 = arith.cmpi slt, %add3A_2179, %lt3A_2184 : vector<16xi32>
      %all_reduce_population_count3A_2186 = tpu.all_reduce %lt3A_2185 {dim = 0 : i64, kind = #tpu.reduction_kind<sum>} : vector<16xi1> -> vector<16xi32>
      %add3A_2187 = arith.addi %add3A_2172, %all_reduce_population_count3A_2186 : vector<16xi32>
      %get3A_2188 = arith.constant 208 : index
      %get3A_2189 = tpu.vector_load %arg8[%get3A_2188] {strides = array<i32>} : memref<256xi32, #tpu.memory_space<vmem>>, vector<16xi32>,
      %broadcast_in_dim3A_2190 = arith.constant true
      %broadcast_in_dim3A_2191 = vector.broadcast %broadcast_in_dim3A_2190 : i1 to vector<16xi1>
      %masked_cumsum3A_2192 = tpu.scan <sum>, %get3A_2189 masked %broadcast_in_dim3A_2191 : vector<16xi32>, vector<16xi1> -> vector<16xi32>
      %add3A_2193 = vector.broadcast %squeeze3A_2183 : i32 to vector<16xi32>
      %add3A_2194 = arith.addi %masked_cumsum3A_2192, %add3A_2193 : vector<16xi32>
      %swap3A_2195 = arith.constant 208 : index
      %swap3A_2196 = tpu.vector_load %arg8[%swap3A_2195] {strides = array<i32>} : memref<256xi32, #tpu.memory_space<vmem>>, vector<16xi32>,
      tpu.vector_store %arg8[%swap3A_2195], %add3A_2194 {strides = array<i32>} : memref<256xi32, #tpu.memory_space<vmem>>, vector<16xi32>,
      %slice3A_2197 = vector.extract_strided_slice %add3A_2194 {offsets = [15], sizes = [1], strides = [1]} : vector<16xi32> to vector<1xi32>
      %squeeze3A_2198 = vector.extract %slice3A_2197[0] : i32 from vector<1xi32>
      %lt3A_2199 = vector.broadcast %sub3A_1894 : i32 to vector<16xi32>
      %lt3A_2200 = arith.cmpi slt, %add3A_2194, %lt3A_2199 : vector<16xi32>
      %all_reduce_population_count3A_2201 = tpu.all_reduce %lt3A_2200 {dim = 0 : i64, kind = #tpu.reduction_kind<sum>} : vector<16xi1> -> vector<16xi32>
      %add3A_2202 = arith.addi %add3A_2187, %all_reduce_population_count3A_2201 : vector<16xi32>
      %get3A_2203 = arith.constant 224 : index
      %get3A_2204 = tpu.vector_load %arg8[%get3A_2203] {strides = array<i32>} : memref<256xi32, #tpu.memory_space<vmem>>, vector<16xi32>,
      %broadcast_in_dim3A_2205 = arith.constant true
      %broadcast_in_dim3A_2206 = vector.broadcast %broadcast_in_dim3A_2205 : i1 to vector<16xi1>
      %masked_cumsum3A_2207 = tpu.scan <sum>, %get3A_2204 masked %broadcast_in_dim3A_2206 : vector<16xi32>, vector<16xi1> -> vector<16xi32>
      %add3A_2208 = vector.broadcast %squeeze3A_2198 : i32 to vector<16xi32>
      %add3A_2209 = arith.addi %masked_cumsum3A_2207, %add3A_2208 : vector<16xi32>
      %swap3A_2210 = arith.constant 224 : index
      %swap3A_2211 = tpu.vector_load %arg8[%swap3A_2210] {strides = array<i32>} : memref<256xi32, #tpu.memory_space<vmem>>, vector<16xi32>,
      tpu.vector_store %arg8[%swap3A_2210], %add3A_2209 {strides = array<i32>} : memref<256xi32, #tpu.memory_space<vmem>>, vector<16xi32>,
      %slice3A_2212 = vector.extract_strided_slice %add3A_2209 {offsets = [15], sizes = [1], strides = [1]} : vector<16xi32> to vector<1xi32>
      %squeeze3A_2213 = vector.extract %slice3A_2212[0] : i32 from vector<1xi32>
      %lt3A_2214 = vector.broadcast %sub3A_1894 : i32 to vector<16xi32>
      %lt3A_2215 = arith.cmpi slt, %add3A_2209, %lt3A_2214 : vector<16xi32>
      %all_reduce_population_count3A_2216 = tpu.all_reduce %lt3A_2215 {dim = 0 : i64, kind = #tpu.reduction_kind<sum>} : vector<16xi1> -> vector<16xi32>
      %add3A_2217 = arith.addi %add3A_2202, %all_reduce_population_count3A_2216 : vector<16xi32>
      %get3A_2218 = arith.constant 240 : index
      %get3A_2219 = tpu.vector_load %arg8[%get3A_2218] {strides = array<i32>} : memref<256xi32, #tpu.memory_space<vmem>>, vector<16xi32>,
      %broadcast_in_dim3A_2220 = arith.constant true
      %broadcast_in_dim3A_2221 = vector.broadcast %broadcast_in_dim3A_2220 : i1 to vector<16xi1>
      %masked_cumsum3A_2222 = tpu.scan <sum>, %get3A_2219 masked %broadcast_in_dim3A_2221 : vector<16xi32>, vector<16xi1> -> vector<16xi32>
      %add3A_2223 = vector.broadcast %squeeze3A_2213 : i32 to vector<16xi32>
      %add3A_2224 = arith.addi %masked_cumsum3A_2222, %add3A_2223 : vector<16xi32>
      %swap3A_2225 = arith.constant 240 : index
      %swap3A_2226 = tpu.vector_load %arg8[%swap3A_2225] {strides = array<i32>} : memref<256xi32, #tpu.memory_space<vmem>>, vector<16xi32>,
      tpu.vector_store %arg8[%swap3A_2225], %add3A_2224 {strides = array<i32>} : memref<256xi32, #tpu.memory_space<vmem>>, vector<16xi32>,
      %slice3A_2227 = vector.extract_strided_slice %add3A_2224 {offsets = [15], sizes = [1], strides = [1]} : vector<16xi32> to vector<1xi32>
      %squeeze3A_2228 = vector.extract %slice3A_2227[0] : i32 from vector<1xi32>
      %lt3A_2229 = vector.broadcast %sub3A_1894 : i32 to vector<16xi32>
      %lt3A_2230 = arith.cmpi slt, %add3A_2224, %lt3A_2229 : vector<16xi32>
      %all_reduce_population_count3A_2231 = tpu.all_reduce %lt3A_2230 {dim = 0 : i64, kind = #tpu.reduction_kind<sum>} : vector<16xi1> -> vector<16xi32>
      %add3A_2232 = arith.addi %add3A_2217, %all_reduce_population_count3A_2231 : vector<16xi32>
      %slice3A_2233 = vector.extract_strided_slice %add3A_2232 {offsets = [0], sizes = [1], strides = [1]} : vector<16xi32> to vector<1xi32>
      %squeeze3A_2234 = vector.extract %slice3A_2233[0] : i32 from vector<1xi32>
      %sub3A_2235 = arith.constant 1 : i32
      %sub3A_2236 = arith.subi %squeeze3A_2234, %sub3A_2235 : i32
      %max3A_2237 = arith.maxsi %sub3A_2236, %cond3A_1901 : i32
      %broadcast_in_dim3A_2238 = vector.broadcast %max3A_2237 : i32 to vector<16xi32>
      %gather3A_2239 = tpu.vector_load_idx %arg8[%broadcast_in_dim3A_2238] : memref<256xi32, #tpu.memory_space<vmem>>[vector<16xi32>], vector<16xi32>,
      %eq3A_2240 = arith.constant 0 : i32
      %eq3A_2241 = arith.cmpi eq, %squeeze3A_2234, %eq3A_2240 : i32
      %slice3A_2242 = vector.extract_strided_slice %gather3A_2239 {offsets = [0], sizes = [1], strides = [1]} : vector<16xi32> to vector<1xi32>
      %squeeze3A_2243 = vector.extract %slice3A_2242[0] : i32 from vector<1xi32>
      %select_n3A_2244 = arith.select %eq3A_2241, %cond3A_1901, %squeeze3A_2243 : i32
      %broadcast_in_dim3A_2245 = vector.broadcast %squeeze3A_2234 : i32 to vector<16xi32>
      %gather3A_2246 = tpu.vector_load_idx %arg8[%broadcast_in_dim3A_2245] : memref<256xi32, #tpu.memory_space<vmem>>[vector<16xi32>], vector<16xi32>,
      %slice3A_2247 = vector.extract_strided_slice %gather3A_2246 {offsets = [0], sizes = [1], strides = [1]} : vector<16xi32> to vector<1xi32>
      %squeeze3A_2248 = vector.extract %slice3A_2247[0] : i32 from vector<1xi32>
      %sub3A_2249 = arith.subi %squeeze3A_2248, %select_n3A_2244 : i32
      %sub3A_2250 = arith.subi %sub3A_1894, %select_n3A_2244 : i32
      %shift_left3A_2251 = arith.constant 8 : i32
      %shift_left3A_2252 = arith.shli %or3A_1897, %shift_left3A_2251 : i32
      %or3A_2253 = arith.ori %shift_left3A_2252, %squeeze3A_2234 : i32
      %eq3A_2254 = arith.constant 1 : i32
      %eq3A_2255 = arith.cmpi eq, %sub3A_2249, %eq3A_2254 : i32
      %convert_element_type3A_2256 = arith.extui %eq3A_2255 : i1 to i32
      %cond3A_2257 = arith.constant 0 : i32
      %cond3A_2258 = arith.cmpi ne, %convert_element_type3A_2256, %cond3A_2257 : i32
      %cond3A_2259 = scf.if %cond3A_2258 -> (vector<16xi32>) {
        %broadcast_in_dim3A_2262 = vector.broadcast %squeeze3A_2234 : i32 to vector<16xi32>
        %gather3A_2263 = tpu.vector_load_idx %arg10[%broadcast_in_dim3A_2262] : memref<256xi32, #tpu.memory_space<vmem>>[vector<16xi32>], vector<16xi32>,
        scf.yield %gather3A_2263 : vector<16xi32>
      } else {
        %parallel_loop3A_2262 = arith.constant 0 : i32
        %parallel_loop3A_2263 = arith.constant 512 : i32
        %parallel_loop3A_2264 = arith.constant 1 : i32
        %parallel_loop3A_2265:2 = scf.for %parallel_loop3A_2282 = %parallel_loop3A_2262 to %parallel_loop3A_2263 step %parallel_loop3A_2264 iter_args(%parallel_loop3A_2283 = %broadcast_in_dim3A_12, %parallel_loop3A_2284 = %broadcast_in_dim3A_12) -> (vector<16xi32>, vector<16xi32>)  : i32 {
          %parallel_loop3A_2285 = arith.constant 16 : i32
          %parallel_loop3A_2286 = arith.muli %parallel_loop3A_2282, %parallel_loop3A_2285 : i32
          %parallel_loop3A_2287 = arith.index_cast %parallel_loop3A_2286 : i32 to index
          %parallel_loop3A_2288 = tpu.vector_load %arg6[%parallel_loop3A_2287] {strides = array<i32>} : memref<8192xi32, #tpu.memory_space<vmem>>, vector<16xi32>,
          %parallel_loop3A_2289 = vector.broadcast %or3A_2253 : i32 to vector<16xi32>
          %parallel_loop3A_2290 = arith.cmpi eq, %parallel_loop3A_2288, %parallel_loop3A_2289 : vector<16xi32>
          %parallel_loop3A_2291 = vector.broadcast %cond3A_1902 : i32 to vector<16xi32>
          %parallel_loop3A_2292 = vector.broadcast %cond3A_1901 : i32 to vector<16xi32>
          %parallel_loop3A_2293 = arith.select %parallel_loop3A_2290, %parallel_loop3A_2291, %parallel_loop3A_2292 : vector<16xi1>, vector<16xi32>
          %parallel_loop3A_2294 = arith.constant true
          %parallel_loop3A_2295 = vector.broadcast %parallel_loop3A_2294 : i1 to vector<16xi1>
          %parallel_loop3A_2296 = tpu.scan <sum>, %parallel_loop3A_2293 masked %parallel_loop3A_2295 : vector<16xi32>, vector<16xi1> -> vector<16xi32>
          %parallel_loop3A_2297 = arith.addi %parallel_loop3A_2296, %parallel_loop3A_2283 : vector<16xi32>
          %parallel_loop3A_2298 = vector.broadcast %sub3A_2250 : i32 to vector<16xi32>
          %parallel_loop3A_2299 = arith.cmpi eq, %parallel_loop3A_2297, %parallel_loop3A_2298 : vector<16xi32>
          %parallel_loop3A_2300 = arith.andi %parallel_loop3A_2290, %parallel_loop3A_2299 : vector<16xi1>
          %parallel_loop3A_2301 = vector.broadcast %parallel_loop3A_2286 : i32 to vector<16xi32>
          %parallel_loop3A_2302 = arith.addi %iota3A, %parallel_loop3A_2301 : vector<16xi32>
          %parallel_loop3A_2303 = vector.broadcast %cond3A_1901 : i32 to vector<16xi32>
          %parallel_loop3A_2304 = arith.select %parallel_loop3A_2300, %parallel_loop3A_2302, %parallel_loop3A_2303 : vector<16xi1>, vector<16xi32>
          %parallel_loop3A_2305 = arith.addi %parallel_loop3A_2284, %parallel_loop3A_2304 : vector<16xi32>
          %parallel_loop3A_2306 = tpu.all_reduce %parallel_loop3A_2290 {dim = 0 : i64, kind = #tpu.reduction_kind<sum>} : vector<16xi1> -> vector<16xi32>
          %parallel_loop3A_2307 = arith.addi %parallel_loop3A_2283, %parallel_loop3A_2306 : vector<16xi32>
          scf.yield %parallel_loop3A_2307, %parallel_loop3A_2305 : vector<16xi32>, vector<16xi32>
        } {sc.loop_unroll_factor = 4 : i64, sc.parallel_access}
        %swap3A_2266 = arith.constant 0 : index
        %swap3A_2267 = tpu.vector_load %arg11[%swap3A_2266] {strides = array<i32>} : memref<16xi32, #tpu.memory_space<vmem>>, vector<16xi32>,
        tpu.vector_store %arg11[%swap3A_2266], %parallel_loop3A_2265#1 {strides = array<i32>} : memref<16xi32, #tpu.memory_space<vmem>>, vector<16xi32>,
        %gather3A_2268 = tpu.vector_load_idx %arg11[%xor3A_2] : memref<16xi32, #tpu.memory_space<vmem>>[vector<16xi32>], vector<16xi32>,
        %add3A_2269 = arith.addi %parallel_loop3A_2265#1, %gather3A_2268 : vector<16xi32>
        %swap3A_2270 = arith.constant 0 : index
        %swap3A_2271 = tpu.vector_load %arg11[%swap3A_2270] {strides = array<i32>} : memref<16xi32, #tpu.memory_space<vmem>>, vector<16xi32>,
        tpu.vector_store %arg11[%swap3A_2270], %add3A_2269 {strides = array<i32>} : memref<16xi32, #tpu.memory_space<vmem>>, vector<16xi32>,
        %gather3A_2272 = tpu.vector_load_idx %arg11[%xor3A_5] : memref<16xi32, #tpu.memory_space<vmem>>[vector<16xi32>], vector<16xi32>,
        %add3A_2273 = arith.addi %add3A_2269, %gather3A_2272 : vector<16xi32>
        %swap3A_2274 = arith.constant 0 : index
        %swap3A_2275 = tpu.vector_load %arg11[%swap3A_2274] {strides = array<i32>} : memref<16xi32, #tpu.memory_space<vmem>>, vector<16xi32>,
        tpu.vector_store %arg11[%swap3A_2274], %add3A_2273 {strides = array<i32>} : memref<16xi32, #tpu.memory_space<vmem>>, vector<16xi32>,
        %gather3A_2276 = tpu.vector_load_idx %arg11[%xor3A_8] : memref<16xi32, #tpu.memory_space<vmem>>[vector<16xi32>], vector<16xi32>,
        %add3A_2277 = arith.addi %add3A_2273, %gather3A_2276 : vector<16xi32>
        %swap3A_2278 = arith.constant 0 : index
        %swap3A_2279 = tpu.vector_load %arg11[%swap3A_2278] {strides = array<i32>} : memref<16xi32, #tpu.memory_space<vmem>>, vector<16xi32>,
        tpu.vector_store %arg11[%swap3A_2278], %add3A_2277 {strides = array<i32>} : memref<16xi32, #tpu.memory_space<vmem>>, vector<16xi32>,
        %gather3A_2280 = tpu.vector_load_idx %arg11[%xor3A_11] : memref<16xi32, #tpu.memory_space<vmem>>[vector<16xi32>], vector<16xi32>,
        %add3A_2281 = arith.addi %add3A_2277, %gather3A_2280 : vector<16xi32>
        scf.yield %add3A_2281 : vector<16xi32>
      }
      %add3A_2260 = vector.broadcast %or3A_2253 : i32 to vector<16xi32>
      %add3A_2261 = arith.addi %broadcast_in_dim3A_12, %add3A_2260 : vector<16xi32>
      scf.yield %add3A_2261, %cond3A_2259 : vector<16xi32>, vector<16xi32>
    }
    %eq3A_1907 = arith.constant 1 : i32
    %eq3A_1908 = vector.broadcast %eq3A_1907 : i32 to vector<16xi32>
    %eq3A_1909 = arith.cmpi eq, %iota3A, %eq3A_1908 : vector<16xi32>
    %select_n3A_1910 = arith.select %eq3A_1909, %cond3A_1906#0, %select_n3A_1632 : vector<16xi1>, vector<16xi32>
    %select_n3A_1911 = arith.select %eq3A_1909, %cond3A_1906#1, %select_n3A_1633 : vector<16xi1>, vector<16xi32>
    %lt3A_1912 = arith.constant 0 : i32
    %lt3A_1913 = vector.broadcast %lt3A_1912 : i32 to vector<16xi32>
    %lt3A_1914 = arith.cmpi slt, %select_n3A_1910, %lt3A_1913 : vector<16xi32>
    %xor3A_1915 = arith.constant -2147483648 : i32
    %xor3A_1916 = vector.broadcast %xor3A_1915 : i32 to vector<16xi32>
    %xor3A_1917 = arith.xori %select_n3A_1910, %xor3A_1916 : vector<16xi32>
    %xor3A_1918 = arith.constant -1 : i32
    %xor3A_1919 = vector.broadcast %xor3A_1918 : i32 to vector<16xi32>
    %xor3A_1920 = arith.xori %select_n3A_1910, %xor3A_1919 : vector<16xi32>
    %select_n3A_1921 = arith.select %lt3A_1914, %xor3A_1917, %xor3A_1920 : vector<16xi1>, vector<16xi32>
    %swap3A_1922 = arith.constant 0 : index
    %swap3A_1923 = tpu.vector_load %arg12[%swap3A_1922] {strides = array<i32>} : memref<16xi32, #tpu.memory_space<vmem>>, vector<16xi32>,
    tpu.vector_store %arg12[%swap3A_1922], %select_n3A_1921 {strides = array<i32>} : memref<16xi32, #tpu.memory_space<vmem>>, vector<16xi32>,
    %swap3A_1924 = arith.constant 0 : index
    %swap3A_1925 = tpu.vector_load %arg13[%swap3A_1924] {strides = array<i32>} : memref<16xi32, #tpu.memory_space<vmem>>, vector<16xi32>,
    tpu.vector_store %arg13[%swap3A_1924], %select_n3A_1911 {strides = array<i32>} : memref<16xi32, #tpu.memory_space<vmem>>, vector<16xi32>,
    "tpu.region"() ({
      %run_scoped3A = tpu.sem_alloc : memref<!tpu.dma_semaphore, #tpu.memory_space<semaphore_mem>>
      %dma_start3A = arith.constant 0 : i32
      %dma_start3A_1926 = tpu.memref_slice %arg3[%add3A, %dma_start3A] : memref<32x16xi32, #tpu.memory_space<hbm>> -> memref<1x16xi32, #tpu.memory_space<hbm>>
      %dma_start3A_1927 = tpu.memref_squeeze %dma_start3A_1926 : memref<1x16xi32, #tpu.memory_space<hbm>> -> memref<16xi32, #tpu.memory_space<hbm>>
      %dma_start3A_1928 = arith.constant 0 : i32
      %dma_start3A_1929 = tpu.memref_slice %arg3[%add3A, %dma_start3A_1928] : memref<32x16xi32, #tpu.memory_space<hbm>> -> memref<1x16xi32, #tpu.memory_space<hbm>>
      %dma_start3A_1930 = tpu.memref_squeeze %dma_start3A_1929 : memref<1x16xi32, #tpu.memory_space<hbm>> -> memref<16xi32, #tpu.memory_space<hbm>>
      tpu.enqueue_dma source(%arg12 : memref<16xi32, #tpu.memory_space<vmem>>) target(%dma_start3A_1930 : memref<16xi32, #tpu.memory_space<hbm>>) target_semaphore(%run_scoped3A : memref<!tpu.dma_semaphore, #tpu.memory_space<semaphore_mem>>)
      %dma_wait3A = arith.constant 0 : i32
      %dma_wait3A_1931 = tpu.memref_slice %arg3[%add3A, %dma_wait3A] : memref<32x16xi32, #tpu.memory_space<hbm>> -> memref<1x16xi32, #tpu.memory_space<hbm>>
      %dma_wait3A_1932 = tpu.memref_squeeze %dma_wait3A_1931 : memref<1x16xi32, #tpu.memory_space<hbm>> -> memref<16xi32, #tpu.memory_space<hbm>>
      %dma_wait3A_1933 = arith.constant 0 : i32
      %dma_wait3A_1934 = tpu.memref_slice %arg3[%add3A, %dma_wait3A_1933] : memref<32x16xi32, #tpu.memory_space<hbm>> -> memref<1x16xi32, #tpu.memory_space<hbm>>
      %dma_wait3A_1935 = tpu.memref_squeeze %dma_wait3A_1934 : memref<1x16xi32, #tpu.memory_space<hbm>> -> memref<16xi32, #tpu.memory_space<hbm>>
      tpu.wait_dma2 semaphore(%run_scoped3A : memref<!tpu.dma_semaphore, #tpu.memory_space<semaphore_mem>>) src(%arg12 : memref<16xi32, #tpu.memory_space<vmem>>) dst(%dma_wait3A_1935 : memref<16xi32, #tpu.memory_space<hbm>>)
      tpu.yield
    }) : () -> ()
    "tpu.region"() ({
      %run_scoped3A = tpu.sem_alloc : memref<!tpu.dma_semaphore, #tpu.memory_space<semaphore_mem>>
      %dma_start3A = arith.constant 0 : i32
      %dma_start3A_1926 = tpu.memref_slice %arg4[%add3A, %dma_start3A] : memref<32x16xi32, #tpu.memory_space<hbm>> -> memref<1x16xi32, #tpu.memory_space<hbm>>
      %dma_start3A_1927 = tpu.memref_squeeze %dma_start3A_1926 : memref<1x16xi32, #tpu.memory_space<hbm>> -> memref<16xi32, #tpu.memory_space<hbm>>
      %dma_start3A_1928 = arith.constant 0 : i32
      %dma_start3A_1929 = tpu.memref_slice %arg4[%add3A, %dma_start3A_1928] : memref<32x16xi32, #tpu.memory_space<hbm>> -> memref<1x16xi32, #tpu.memory_space<hbm>>
      %dma_start3A_1930 = tpu.memref_squeeze %dma_start3A_1929 : memref<1x16xi32, #tpu.memory_space<hbm>> -> memref<16xi32, #tpu.memory_space<hbm>>
      tpu.enqueue_dma source(%arg13 : memref<16xi32, #tpu.memory_space<vmem>>) target(%dma_start3A_1930 : memref<16xi32, #tpu.memory_space<hbm>>) target_semaphore(%run_scoped3A : memref<!tpu.dma_semaphore, #tpu.memory_space<semaphore_mem>>)
      %dma_wait3A = arith.constant 0 : i32
      %dma_wait3A_1931 = tpu.memref_slice %arg4[%add3A, %dma_wait3A] : memref<32x16xi32, #tpu.memory_space<hbm>> -> memref<1x16xi32, #tpu.memory_space<hbm>>
      %dma_wait3A_1932 = tpu.memref_squeeze %dma_wait3A_1931 : memref<1x16xi32, #tpu.memory_space<hbm>> -> memref<16xi32, #tpu.memory_space<hbm>>
      %dma_wait3A_1933 = arith.constant 0 : i32
      %dma_wait3A_1934 = tpu.memref_slice %arg4[%add3A, %dma_wait3A_1933] : memref<32x16xi32, #tpu.memory_space<hbm>> -> memref<1x16xi32, #tpu.memory_space<hbm>>
      %dma_wait3A_1935 = tpu.memref_squeeze %dma_wait3A_1934 : memref<1x16xi32, #tpu.memory_space<hbm>> -> memref<16xi32, #tpu.memory_space<hbm>>
      tpu.wait_dma2 semaphore(%run_scoped3A : memref<!tpu.dma_semaphore, #tpu.memory_space<semaphore_mem>>) src(%arg13 : memref<16xi32, #tpu.memory_space<vmem>>) dst(%dma_wait3A_1935 : memref<16xi32, #tpu.memory_space<hbm>>)
      tpu.yield
    }) : () -> ()
    return
  }
}

</mosaic_0001>

<sc_bundles>
// kernel: kernel.3.cloned.1.call-start
scs
__scs_entry_jumppad:
0x0: {  	(pc) =	sbr.rel $0x88, $3  }
0x1: {  	(tag) =	ssettag $0x0;
	lr =	simm.s32 $0x1  }
0x2: {  	[smem:$0x3FA0] =	sst lr;
	_ =	strace $0xD0000000  }
0x3: {  	_ = 	snop  }
0x4: {  	_ = 	snop  }
0x5: {  	_ = 	snop  }
0x6: {  	_ = 	snop  }
0x7: {  	_ = 	snop  }
__scs_overlays_trampoline_lowered:
0x8: {  	[smem:$0x3FAF] =	sst s0  }
0x9: {  	[smem:$0x3FB0] =	sst s1  }
0xa: {  	[smem:$0x3FB1] =	sst s2  }
0xb: {  	[smem:$0x3FB2] =	sst s3  }
0xc: {  	[smem:$0x3FB3] =	sst s4  }
0xd: {  	[smem:$0x3FB4] =	sst s5  }
0xe: {  	[smem:$0x3FB5] =	sst s6  }
0xf: {  	[smem:$0x3FB6] =	sst s7  }
0x10: {  	[smem:$0x3FB7] =	sst s8  }
0x11: {  	[smem:$0x3FB8] =	sst s9;
	s0 =	simm.s32 @!p0 $0x0  }
0x12: {  	s1 =	sld [smem:$0x3F9E];
	s0 =	simm.s32 @p0 $0x1  }
0x13: {  	[smem:$0x3FB9] =	sst s0;
	s0 =	simm.s32 @!p1 $0x0  }
0x14: {  	s2 =	sld [smem:$0x3F9D];
	s0 =	simm.s32 @p1 $0x1  }
0x15: {  	[smem:$0x3FBA] =	sst s0;
	s0 =	simm.s32 @!p2 $0x0  }
0x16: {  	s3 =	sld [smem:$0x3FDB];
	s0 =	simm.s32 @p2 $0x1  }
0x17: {  	s4 =	simm.s32 $0x1BF5;
	[smem:$0x3FBC] =	sst s0  }
0x18: {  	s0 =	sld [smem:$0x3F9F];
	_ =	swait.ge [sflag:s4], $0x0  }
0x19: {  	s7 =	sld [smem:$0x3FA0]  }
0x1a: {  	s8 =	sadd.s32 $0xFFFFE003, lr  }
0x1b: {  	s9 =	sadd.s32 $0xFFFFFEF7, lr;
	s5 =	simm.s32 $0xFFFFFFFF;
	p2 =	slt.u32 s8, $0xFFFFF086  }
0x1c: {  	p1 =	slt.u32 s9, $0xF7A;
	s5 =	simm.s32 @!p2 $0x0  }
0x1d: {  	s5 =	simm.s32 @p1 $0x1;
	p0 =	seq.s32 s7, s2  }
0x1e: {  	s7 =	smul.u32 @!p0 $0xF7A, s2;
	p2 =	seq.s32 @!p0 s5, $0x0  }
0x1f: {  	s9 =	smul.u32 $0xF7A, s1;
	s8 =	simm.s32 @!p0 $0x1BF5;
	p2 =	por !p2, p0  }
0x20: {  	[sflag:s8] =	ssyncset.s32 @!p0 $0xFFFFF086;
	s6 =	sadd.s32 @!p0 s3, s7;
	s7 =	simm.s32 @!p0 $0x108  }
0x21: {  	s3 =	sadd.s32 s3, s9;
	s6 =	sadd.s32 @!p0 $0x88, s6;
	s7 =	simm.s32 @p2 $0x1082  }
0x22: {  	[simem:s7], [sflag:s8] =	dma.local @!p0 [hbm:s6], $0xF7A  }
0x23: {  	s9 =	sor.u32 $0xD0000000, s2;
	s6 =	simm.s32 $0x108;
	_ =	swait.ge @!p0 [sflag:s8], $0x0  }
0x24: {  	s3 =	sadd.s32 $0x88, s3;
	s6 =	simm.s32 @!p1 $0x1082;
	[sflag:s4] =	ssyncset.s32 $0xFFFFF086  }
0x25: {  	[simem:s6], [sflag:s4] =	dma.local [hbm:s3], $0xF7A  }
0x26: {  	[smem:$0x3FA0] =	sst s1;
	(tag) =	ssettag s2;
	_ =	strace s9  }
0x27: {  	s1 =	sld [smem:$0x3FB0]  }
0x28: {  	s2 =	sld [smem:$0x3FB1]  }
0x29: {  	s4 =	sld [smem:$0x3FB3]  }
0x2a: {  	p0 =	seq.s32 s5, $0x0;
	s5 =	sld [smem:$0x3FB4]  }
0x2b: {  	s6 =	sld [smem:$0x3FB5]  }
0x2c: {  	s7 =	sld [smem:$0x3FB6]  }
0x2d: {  	s3 =	simm.s32 $0x108;
	s8 =	sld [smem:$0x3FB7]  }
0x2e: {  	s3 =	simm.s32 @!p0 $0x1082;
	s9 =	sld [smem:$0x3FB8]  }
0x2f: {  	lr =	sadd.s32 s0, s3;
	s0 =	sld [smem:$0x3FAF]  }
0x30: {  	s3 =	sld [smem:$0x3FB2]  }
0x31: {  	[smem:$0x3FBB] =	sst s10  }
0x32: {  	s10 =	sld [smem:$0x3FB9];
	_ =	sdelay $0x3  }
0x33: {  	p0 =	seq.s32 s10, $0x1;
	s10 =	sld [smem:$0x3FBB];
	_ =	sdelay $0x3  }
0x34: {  	[smem:$0x3FBB] =	sst s10  }
0x35: {  	s10 =	sld [smem:$0x3FBA];
	_ =	sdelay $0x3  }
0x36: {  	p1 =	seq.s32 s10, $0x1;
	s10 =	sld [smem:$0x3FBB];
	_ =	sdelay $0x3  }
0x37: {  	[smem:$0x3FBB] =	sst s10  }
0x38: {  	s10 =	sld [smem:$0x3FBC]  }
0x39: {  	_ = 	snop;
	(pc) =	sbr.ind lr, $3  }
0x3a: {  	_ = 	snop  }
0x3b: {  	_ = 	snop  }
0x3c: {  	p2 =	seq.s32 s10, $0x1;
	s10 =	sld [smem:$0x3FBB]  }
0x3d: {  	_ =	shalt  }
0x3e: {  	_ =	shalt  }
0x3f: {  	_ =	shalt  }
0x40: {  	_ =	shalt  }
0x41: {  	_ =	shalt  }
0x42: {  	_ =	shalt  }
0x43: {  	_ =	shalt  }
0x44: {  	_ =	shalt  }
0x45: {  	_ =	shalt  }
0x46: {  	_ =	shalt  }
0x47: {  	_ =	shalt  }
0x48: {  	_ =	shalt  }
0x49: {  	_ =	shalt  }
0x4a: {  	_ =	shalt  }
0x4b: {  	_ =	shalt  }
0x4c: {  	_ =	shalt  }
0x4d: {  	_ =	shalt  }
0x4e: {  	_ =	shalt  }
0x4f: {  	_ =	shalt  }
0x50: {  	_ =	shalt  }
0x51: {  	_ =	shalt  }
0x52: {  	_ =	shalt  }
0x53: {  	_ =	shalt  }
0x54: {  	_ =	shalt  }
0x55: {  	_ =	shalt  }
0x56: {  	_ =	shalt  }
0x57: {  	_ =	shalt  }
0x58: {  	_ =	shalt  }
0x59: {  	_ =	shalt  }
0x5a: {  	_ =	shalt  }
0x5b: {  	_ =	shalt  }
0x5c: {  	_ =	shalt  }
0x5d: {  	_ =	shalt  }
0x5e: {  	_ =	shalt  }
0x5f: {  	_ =	shalt  }
0x60: {  	_ =	shalt  }
0x61: {  	_ =	shalt  }
0x62: {  	_ =	shalt  }
0x63: {  	_ =	shalt  }
0x64: {  	_ =	shalt  }
0x65: {  	_ =	shalt  }
0x66: {  	_ =	shalt  }
0x67: {  	_ =	shalt  }
0x68: {  	_ =	shalt  }
0x69: {  	_ =	shalt  }
0x6a: {  	_ =	shalt  }
0x6b: {  	_ =	shalt  }
0x6c: {  	_ =	shalt  }
0x6d: {  	_ =	shalt  }
0x6e: {  	_ =	shalt  }
0x6f: {  	_ =	shalt  }
0x70: {  	_ =	shalt  }
0x71: {  	_ =	shalt  }
0x72: {  	_ =	shalt  }
0x73: {  	_ =	shalt  }
0x74: {  	_ =	shalt  }
0x75: {  	_ =	shalt  }
0x76: {  	_ =	shalt  }
0x77: {  	_ =	shalt  }
0x78: {  	_ =	shalt  }
0x79: {  	_ =	shalt  }
0x7a: {  	_ =	shalt  }
0x7b: {  	_ =	shalt  }
0x7c: {  	_ =	shalt  }
0x7d: {  	_ =	shalt  }
0x7e: {  	_ =	shalt  }
0x7f: {  	_ =	shalt  }
0x80: {  	_ =	shalt  }
0x81: {  	_ =	shalt  }
0x82: {  	_ =	shalt  }
0x83: {  	_ =	shalt  }
0x84: {  	_ =	shalt  }
0x85: {  	_ =	shalt  }
0x86: {  	_ =	shalt  }
0x87: {  	_ =	shalt  }
.Lfunc_end0:
.L_simem_size_0:
called_computation_lowered:
.L_overlay_start_0:
0x88: {  	s2 =	sld [smem:$0x3FD9]  }
0x89: {  	s3 =	sld [smem:$0x3FFE];
	_ =	sdelay $0x1  }
0x8a: {  	s1 =	srdreg.scid  }
0x8b: {  	s0 =	sand.u32 $0x1, s1  }
0x8c: {  	s16 =	sshll.u32 s0, $0xA;
	s2 =	sadd.s32 s3, s2  }
0x8d: {  	s2 =	sadd.s32 s2, s16  }
0x8e: {  	[smem:$0x3FC7] =	sst s2  }
0x8f: {  	_ = 	snop  }
0x90: {  	(tm) =	ssettm $0x1  }
0x91: {  	s17 =	sld [smem:$0x3FFB];
	_ =	sdelay $0x3  }
0x92: {  	_ =	strace s17  }
0x93: {  	s2 =	sld [smem:$0x3FFC];
	_ =	sdelay $0x3  }
0x94: {  	_ =	strace s2  }
0x95: {  	s2 =	sld [smem:$0x3FFD];
	_ =	sdelay $0x3  }
0x96: {  	_ =	strace s2  }
0x97: {  	_ =	strace $0x8FFFFFFF  }
0x98: {  	s18 =	sld [smem:$0x3FDB];
	_ =	sdelay $0x1  }
0x99: {  	s19 =	simm.s32 $_scs_section_size  }
0x9a: {  	s4 =	simm.s32 $_size__tile_overlayer_lowered;
	s5 =	simm.s32 $_tile_overlayer_lowered  }
0x9b: {  	s22 =	simm.s32 $0x1BFF;
	s21 =	sshll.u32 s5, $0x1;
	s2 =	sadd.s32 s19, s18  }
0x9c: {  	s6 =	simm.s32 $0x0;
	s20 =	sshll.u32 s4, $0x1;
	s4 =	sadd.s32 s21, s2  }
0x9d: {  	[timem:s6], [sflag:s22] =	dma.local [hbm:s4], s20  }
0x9e: {  	_ =	swait.ge [sflag:s22], s20  }
0x9f: {  	s3 =	ssub.s32 $0x0, s20;
	[sflag:s22] =	ssyncset.done $0x0  }
0xa0: {  	[sflag:s22] =	ssyncadd.s32 s3;
	_ =	sdelay $0x1  }
0xa1: {  	s23 =	simm.s32 $0x1B8B  }
0xa2: {  	_ =	swait.ge [sflag:s23], $0x1  }
0xa3: {  	[sflag:s23] =	ssyncset.done $0x0  }
0xa4: {  	s25 =	simm.s32 $0x1B8E;
	s24 =	sld [smem:$0x3FFE];
	[sflag:s23] =	ssyncadd.s32 $0xFFFFFFFF  }
0xa5: {  	s26 =	simm.s32 $execute0_lowered;
	[smem:$0x3FD2] =	sst s25  }
0xa6: {  	s4 =	sshll.u32 s26, $0x1;
	_ =	strace $0x80000046;
	[dreg:$0x1] =	wrdreg $0xFFFFFFFF  }
0xa7: {  	s28 =	simm.s32 $_size_execute0_lowered;
	s2 =	sadd.s32 s2, s4;
	[dreg:$0x0] =	wrdreg $0x0  }
0xa8: {  	s4 =	sshll.u32 s28, $0x1;
	[dreg:$0x2] =	wrdreg s2  }
0xa9: {  	[dreg:$0x3] =	wrdreg s4  }
0xaa: {  	[dreg:$0x4] =	wrdreg $0xC0  }
0xab: {  	_ =	task [dreg:s6], $0x5FFFF  }
0xac: {  	[dreg:$0x1] =	wrdreg $0xFFFFFFFF  }
0xad: {  	[dreg:$0x0] =	wrdreg $0x60  }
0xae: {  	[dreg:$0x2] =	wrdreg s24  }
0xaf: {  	[dreg:$0x3] =	wrdreg $0x9  }
0xb0: {  	_ =	task.clear_ibuf [dreg:s6], $0x4FFFF;
	_ =	strace $0x90000046  }
0xb1: {  	s29 =	simm.s32 $0x9;
	_ =	strace $0x80000048  }
0xb2: {  	_ =	swait.ge [sflag:s29], $0x1  }
0xb3: {  	[sflag:s29] =	ssyncadd.s32 $0xFFFFFFFF  }
0xb4: {  	_ =	strace $0x90000048  }
0xb5: {  	_ =	sfence  }
0xb6: {  	s30 =	sld [smem:$0x0];
	_ =	sdelay $0x2  }
0xb7: {  	s31 =	sshll.u32 s1, $0xD;
	s1 =	sshrl.u32 s1, $0x2  }
0xb8: {  	s3 =	sand.u32 $0x4000, s31;
	s1 =	sadd.s32 s1, s30  }
0xb9: {  	s0 =	sor.u32 s3, s0;
	s1 =	sshll.u32 s1, $0x11  }
0xba: {  	s0 =	sor.u32 s1, s0  }
0xbb: {  	s0 =	sadd.s32 $0x8F2B, s0  }
0xbc: {  	[sflag:s0] =	ssyncadd.remote.s32 $0x1  }
0xbd: {  	_ =	sfence.sel $0xFFFF  }
0xbe: {  	[dreg:$0x0] =	wrdreg $0xFFFFFFFF;
	(pc) =	sbr.abs _section_cstart, $3  }
0xbf: {  	[dreg:$0x1] =	wrdreg $0xFFFFFFFF  }
0xc0: {  	_ =	task.clear_ibuf [dreg:s6], $0x2FFFF;
	_ =	strace $0x9FFFFFFF  }
0xc1: {  	(tm) =	ssettm $0x7FFFFFFF  }
tec
execute0_lowered:
.L_overlay_start_1:
0x0: {  	(tag) =	ssettag $0x1  }
0x1: {  	s1 =	srdreg.scid;
	v0 =	vimm.s32 $0xBA98FEDC;
	v1 =	vimm.s32 $0x76543210  }
0x2: {  	s0 =	stileid.u32;
	s3 =	rddreg [dreg:$0x0];
	v2 =	vimm.s32 $0xFEDCBA98;
	s2 =	simm.s32 $0x0;
	v5 =	vimm.s32 $0xDCFE98BA;
	v3 =	vunpack.c.l.s4.s8 v0  }
0x3: {  	v6 =	vimm.s32 $0x54761032;
	v7 =	vimm.s32 $0xEFCDAB89;
	s9 =	simm.s32 $0x400;
	s10 =	simm.s32 $0x1;
	s11 =	simm.s32 $0x2000;
	v4 =	vunpack.c.l.s4.s8 v1  }
0x4: {  	s12 =	simm.s32 $0x4000;
	s13 =	simm.s32 $0x4100;
	s14 =	simm.s32 $0x4200;
	v1 =	vunpack.c.l.s4.s8 v2;
	v2 =	vunpack.c.0.s8.s32 v3;
	v3 =	vimm.s32 $0x32107654  }
0x5: {  	v8 =	vimm.s32 $0x67452301;
	s15 =	simm.s32 $0x4300;
	s16 =	simm.s32 $0x4480;
	s17 =	simm.s32 $0x4500;
	v3 =	vunpack.c.l.s4.s8 v3  }
0x6: {  	vm0 =	vcmask $0x308;
	s18 =	simm.s32 $0x4400;
	s19 =	simm.s32 $0x0;
	s4 =	sand.u32 $0x1, s1;
	v5 =	vunpack.c.l.s4.s8 v5;
	v6 =	vunpack.c.l.s4.s8 v6  }
0x7: {  	s5 =	sshll.u32 s0, $0x1;
	[smem:$0x7FF] =	sst s2;
	s6 =	sshll.u32 s0, $0xC;
	v7 =	vunpack.c.l.s4.s8 v7;
	v8 =	vunpack.c.l.s4.s8 v8;
	v3 =	vunpack.c.0.s8.s32 v3  }
0x8: {  	s5 =	sor.u32 s4, s5;
	_ =	strace $0x80000047;
	s4 =	ssub.s32 $0x2, s4;
	v9 =	vunpack.c.0.s8.s32 v1;
	v5 =	vunpack.c.0.s8.s32 v5;
	v6 =	vunpack.c.0.s8.s32 v6  }
.Ltmp0:
0x9: {  	s7 =	sshll.u32 s5, $0x5;
	s5 =	sshll.u32 s5, $0x4;
	v10 =	vcombine.low v3, v2;
	v3 =	vunpack.c.0.s8.s32 v7;
	v7 =	vunpack.c.0.s8.s32 v8;
	(pc) =	sbr.rel .LBB2_1-.Ltmp0, $4  }
0xa: {  	v0 =	vimm.s32 $0x0;
	s31 =	sshrl.u32 s4, $0x1;
	v4 =	vunpack.c.0.s8.s32 v4;
	s6 =	sor.u32 s6, s7;
	s30 =	sadd.s32 s5, s3;
	v6 =	vcombine.low v6, v5  }
0xb: {  	v1 =	vimm.s32 $0x1;
	s8 =	ssub.s32 s4, s31;
	s6 =	sand.u32 $0xE060, s6;
	s5 =	sadd.s32 $0x10800, s30;
	v5 =	vand.u32 $0xF, v9;
	v7 =	vcombine.low v7, v3  }
0xc: {  	s7 =	smax.u32 s8, $0x1;
	s8 =	simm.s32 $0x80;
	s6 =	sadd.s32 s6, s3;
	v4 =	vcombine.low v5, v4;
	v6 =	vand.u32 $0xF, v6;
	v2 =	vlaneseq.u32  }
0xd: {  	s3 =	sadd.s32 $0x800, s6;
	s4 =	sadd.s32 $0x810, s6;
	s6 =	sadd.s32 $0x10A00, s30;
	v3 =	vimm.s32 $0x80000000;
	v5 =	vand.u32 $0xF, v10;
	v7 =	vand.u32 $0xF, v7  }
.LBB2_16:
0xe: {  	_ =	sdelay $0x3  }
0xf: {  	v11 =	vld.idx.msk [tilespmem:v10+s15+$0x0], $0xffff;
	_ =	sdelay $0x7  }
0x10: {  	v10 =	vld.idx.msk [tilespmem:v11+s11+$0x0], $0xffff  }
.LBB2_23:
0x11: {  	_ =	sdelay $0x1  }
0x12: {  	vm1 =	vmmov $0x1  }
0x13: {  	v8 =	vnsel vm1, $0x0, v8  }
0x14: {  	v8 =	vsel vm0, v8, v10  }
0x15: {  	v9 =	vnsel vm1, $0x0, v9;
	vm2 =	vgt.s32 v8, $0xFFFFFFFF  }
0x16: {  	v9 =	vsel vm0, v9, v11;
	v63 =	vsel vm2, $0xFFFFFFFF, v3  }
0x17: {  	[tilespmem:$0x4500] =	vst v9;
	v8 =	vxor.u32 v8, v63  }
0x18: {  	[tilespmem:$0x4480] =	vst v8  }
0x19: {  	[hbm4b:s5+s2] =	stream.linear.scatter [tilespmem:s16], [sflag:$0x1], $0x80, $0x38;
	[tilespmem:$0x4580] =	vst v63  }
0x1a: {  	s19 =	sadd.s32 $0x1, s19;
	_ =	swait.ge [sflag:s10], $0x80  }
0x1b: {  	p0 =	sne.s32 s19, s7;
	[sflag:s10] =	ssyncset.done $0x0  }
.Ltmp1:
0x1c: {  	[sflag:s10] =	ssyncadd.s32 $0xFFFFFF80;
	(pc) =	sbr.rel @!p0 .LBB2_24-.Ltmp1, $4  }
0x1d: {  	[hbm4b:s6+s2] =	stream.linear.scatter [tilespmem:s17], [sflag:$0x1], $0x80, $0x38;
	[tilespmem:$0x4580] =	vst v63  }
0x1e: {  	_ =	swait.ge [sflag:s10], $0x80  }
0x1f: {  	[sflag:s10] =	ssyncset.done $0x0  }
0x20: {  	[sflag:s10] =	ssyncadd.s32 $0xFFFFFF80  }
.LBB2_1:
0x21: {  	[tilespmem:s2], [sflag:$0x1] =	stream.strided.gather [hbm4b:s3+s8], $0x2000, s9, s8, $0x38;
	[tilespmem:$0x4580] =	vst v63  }
0x22: {  	_ =	swait.ge [sflag:s10], $0x2000  }
0x23: {  	[sflag:s10] =	ssyncset.done $0x0  }
0x24: {  	[sflag:s10] =	ssyncadd.s32 $0xFFFFE000  }
0x25: {  	[tilespmem:s11], [sflag:$0x1] =	stream.strided.gather [hbm4b:s4+s8], $0x2000, s9, s8, $0x38;
	[tilespmem:$0x4580] =	vst v63  }
0x26: {  	_ =	swait.ge [sflag:s10], $0x2000  }
0x27: {  	[sflag:s10] =	ssyncset.done $0x0  }
0x28: {  	[sflag:s10] =	ssyncadd.s32 $0xFFFFE000  }
0x29: {  	[tilespmem:$0x4000] =	vst v0  }
0x2a: {  	[tilespmem:$0x4010] =	vst v0  }
0x2b: {  	[tilespmem:$0x4020] =	vst v0  }
0x2c: {  	[tilespmem:$0x4030] =	vst v0  }
0x2d: {  	[tilespmem:$0x4040] =	vst v0  }
0x2e: {  	[tilespmem:$0x4050] =	vst v0  }
0x2f: {  	[tilespmem:$0x4060] =	vst v0  }
0x30: {  	[tilespmem:$0x4070] =	vst v0  }
0x31: {  	[tilespmem:$0x4080] =	vst v0  }
0x32: {  	[tilespmem:$0x4090] =	vst v0  }
0x33: {  	[tilespmem:$0x40A0] =	vst v0  }
0x34: {  	[tilespmem:$0x40B0] =	vst v0  }
0x35: {  	[tilespmem:$0x40C0] =	vst v0  }
0x36: {  	[tilespmem:$0x40D0] =	vst v0  }
0x37: {  	[tilespmem:$0x40E0] =	vst v0  }
0x38: {  	[tilespmem:$0x40F0] =	vst v0  }
0x39: {  	[tilespmem:$0x4100] =	vst v0  }
0x3a: {  	[tilespmem:$0x4110] =	vst v0  }
0x3b: {  	[tilespmem:$0x4120] =	vst v0  }
0x3c: {  	[tilespmem:$0x4130] =	vst v0  }
0x3d: {  	[tilespmem:$0x4140] =	vst v0  }
0x3e: {  	[tilespmem:$0x4150] =	vst v0  }
0x3f: {  	[tilespmem:$0x4160] =	vst v0  }
0x40: {  	[tilespmem:$0x4170] =	vst v0  }
0x41: {  	[tilespmem:$0x4180] =	vst v0  }
0x42: {  	[tilespmem:$0x4190] =	vst v0  }
0x43: {  	[tilespmem:$0x41A0] =	vst v0  }
0x44: {  	[tilespmem:$0x41B0] =	vst v0  }
0x45: {  	[tilespmem:$0x41C0] =	vst v0  }
0x46: {  	[tilespmem:$0x41D0] =	vst v0  }
0x47: {  	[tilespmem:$0x41E0] =	vst v0  }
0x48: {  	s25 =	simm.s32 $0x20;
	[tilespmem:$0x41F0] =	vst v0  }
0x49: {  	v8 =	vld [tilespmem:s25+$0x10];
	_ =	sdelay $0x1  }
0x4a: {  	v9 =	vld [tilespmem:s25+$0xFFFFFFF0];
	_ =	sdelay $0x2  }
0x4b: {  	vm1 =	veq.s32 v8, $0x80000000  }
0x4c: {  	v8 =	vsel vm1, $0x0, v8  }
0x4d: {  	s22 =	simm.s32 $0x60;
	v10 =	vld [tilespmem:s25+$0x0];
	vm1 =	veq.s32 v9, $0x80000000;
	v11 =	vshra.s32 v8, $0x1F  }
0x4e: {  	v14 =	vld [tilespmem:s22+$0x10];
	v9 =	vsel vm1, $0x0, v9;
	v11 =	vor.u32 $0x80000000, v11  }
0x4f: {  	v18 =	vld [tilespmem:s22+$0xFFFFFFE0];
	v13 =	vshra.s32 v9, $0x1F;
	v8 =	vxor.u32 v8, v11  }
0x50: {  	v12 =	vld [tilespmem:s25+$0xFFFFFFE0];
	v13 =	vor.u32 $0x80000000, v13;
	v11 =	vshrl.u32 v8, $0x18  }
0x51: {  	v16 =	vld [tilespmem:s22+$0x0];
	v9 =	vxor.u32 v9, v13  }
0x52: {  	vm1 =	veq.s32 v10, $0x80000000;
	v13 =	vld [tilespmem:s22+$0xFFFFFFF0];
	v15 =	vshrl.u32 v9, $0x18  }
0x53: {  	v10 =	vsel vm1, $0x0, v10  }
0x54: {  	vm2 =	veq.s32 v14, $0x80000000;
	vm3 =	veq.s32 v18, $0x80000000;
	v17 =	vshra.s32 v10, $0x1F;
	[tilespmem:s25+$0x10] =	vst v8  }
0x55: {  	s23 =	simm.s32 $0x2020;
	v18 =	vsel vm3, $0x0, v18;
	vm1 =	veq.s32 v12, $0x80000000;
	v17 =	vor.u32 $0x80000000, v17;
	[tilespmem:v11+s12+$0x0] =	vst.idx.add.s32.msk $0xffff, v1  }
0x56: {  	v8 =	vxor.u32 v10, v17;
	v10 =	vsel vm1, $0x0, v12;
	v12 =	vsel vm2, $0x0, v14;
	[tilespmem:s25+$0xFFFFFFF0] =	vst v9;
	v9 =	vld [tilespmem:s23+$0x10]  }
0x57: {  	s20 =	simm.s32 $0xA0;
	vm2 =	veq.s32 v16, $0x80000000;
	v14 =	vshra.s32 v12, $0x1F;
	vm1 =	veq.s32 v13, $0x80000000;
	[tilespmem:v15+s12+$0x0] =	vst.idx.add.s32.msk $0xffff, v1  }
0x58: {  	v11 =	vshrl.u32 v8, $0x18;
	v13 =	vsel vm1, $0x0, v13;
	v15 =	vsel vm2, $0x0, v16;
	v16 =	vld [tilespmem:s20+$0x10]  }
0x59: {  	v14 =	vor.u32 $0x80000000, v14;
	v17 =	vshra.s32 v13, $0x1F;
	v19 =	vshra.s32 v15, $0x1F;
	v20 =	vld [tilespmem:s23+$0xFFFFFFF0]  }
0x5a: {  	v12 =	vxor.u32 v12, v14;
	v14 =	vor.u32 $0x80000000, v17;
	v17 =	vor.u32 $0x80000000, v19;
	v19 =	vld [tilespmem:s20+$0xFFFFFFF0]  }
0x5b: {  	v21 =	vshrl.u32 v12, $0x18;
	v13 =	vxor.u32 v13, v14;
	v14 =	vxor.u32 v15, v17;
	v15 =	vld [tilespmem:s20+$0x0]  }
0x5c: {  	v26 =	vshra.s32 v18, $0x1F;
	[tilespmem:s25+$0x0] =	vst v8;
	v22 =	vshra.s32 v10, $0x1F;
	v17 =	vld [tilespmem:s20+$0xFFFFFFE0]  }
0x5d: {  	v8 =	vshrl.u32 v14, $0x18;
	[tilespmem:v11+s12+$0x0] =	vst.idx.add.s32.msk $0xffff, v1;
	v11 =	vshrl.u32 v13, $0x18;
	vm1 =	veq.s32 v9, $0x80000000  }
0x5e: {  	[tilespmem:s22+$0x10] =	vst v12;
	vm2 =	veq.s32 v16, $0x80000000;
	v9 =	vsel vm1, $0x0, v9;
	vm1 =	veq.s32 v20, $0x80000000  }
0x5f: {  	[tilespmem:s22+$0x0] =	vst v14;
	v14 =	vsel vm2, $0x0, v16;
	v12 =	vshra.s32 v9, $0x1F;
	vm3 =	veq.s32 v19, $0x80000000  }
0x60: {  	s24 =	simm.s32 $0xE0;
	[tilespmem:v21+s12+$0x0] =	vst.idx.add.s32.msk $0xffff, v1;
	v20 =	vsel vm1, $0x0, v20;
	v12 =	vor.u32 $0x80000000, v12;
	vm2 =	veq.s32 v15, $0x80000000  }
0x61: {  	v24 =	vld [tilespmem:s24+$0xFFFFFFF0];
	[tilespmem:s22+$0xFFFFFFF0] =	vst v13;
	vm4 =	veq.s32 v17, $0x80000000;
	v16 =	vsel vm3, $0x0, v19;
	v23 =	vshra.s32 v20, $0x1F  }
0x62: {  	v12 =	vxor.u32 v9, v12;
	v9 =	vshra.s32 v14, $0x1F;
	[tilespmem:v8+s12+$0x0] =	vst.idx.add.s32.msk $0xffff, v1;
	v8 =	vshra.s32 v16, $0x1F  }
0x63: {  	s21 =	simm.s32 $0x2060;
	[tilespmem:v11+s12+$0x0] =	vst.idx.add.s32.msk $0xffff, v1;
	v11 =	vor.u32 $0x80000000, v22;
	v9 =	vor.u32 $0x80000000, v9;
	v19 =	vshrl.u32 v12, $0x18  }
0x64: {  	v8 =	vor.u32 $0x80000000, v8;
	v10 =	vxor.u32 v10, v11;
	v13 =	vxor.u32 v14, v9;
	v14 =	vld [tilespmem:s21+$0x10]  }
0x65: {  	v11 =	vld [tilespmem:s23+$0x0];
	v9 =	vsel vm2, $0x0, v15;
	v16 =	vxor.u32 v16, v8;
	v8 =	vsel vm4, $0x0, v17  }
0x66: {  	v17 =	vld [tilespmem:s24+$0x10];
	v25 =	vshrl.u32 v10, $0x18;
	[tilespmem:s25+$0xFFFFFFE0] =	vst v10;
	v10 =	vor.u32 $0x80000000, v23;
	vm2 =	veq.s32 v24, $0x80000000  }
0x67: {  	[tilespmem:s23+$0x10] =	vst v12;
	v23 =	vld [tilespmem:s24+$0x0];
	v15 =	vshrl.u32 v13, $0x18;
	v21 =	vshra.s32 v9, $0x1F;
	v22 =	vshrl.u32 v16, $0x18  }
0x68: {  	v10 =	vxor.u32 v20, v10;
	[tilespmem:s20+$0x10] =	vst v13;
	v20 =	vld [tilespmem:s24+$0xFFFFFFE0];
	v24 =	vsel vm2, $0x0, v24;
	v21 =	vor.u32 $0x80000000, v21  }
0x69: {  	[tilespmem:s20+$0xFFFFFFF0] =	vst v16;
	v27 =	vshrl.u32 v10, $0x18;
	v21 =	vxor.u32 v9, v21;
	v9 =	vld [tilespmem:s21+$0xFFFFFFF0];
	vm1 =	veq.s32 v14, $0x80000000  }
0x6a: {  	[tilespmem:s23+$0xFFFFFFF0] =	vst v10;
	v10 =	vor.u32 $0x80000000, v26;
	v14 =	vsel vm1, $0x0, v14;
	vm1 =	veq.s32 v11, $0x80000000  }
0x6b: {  	v12 =	vshrl.u32 v21, $0x18;
	[tilespmem:v19+s13+$0x0] =	vst.idx.add.s32.msk $0xffff, v1;
	vm3 =	veq.s32 v17, $0x80000000;
	v11 =	vsel vm1, $0x0, v11  }
0x6c: {  	[tilespmem:v25+s12+$0x0] =	vst.idx.add.s32.msk $0xffff, v1;
	v17 =	vsel vm3, $0x0, v17;
	vm3 =	veq.s32 v23, $0x80000000;
	v19 =	vshra.s32 v11, $0x1F  }
0x6d: {  	[tilespmem:v15+s12+$0x0] =	vst.idx.add.s32.msk $0xffff, v1;
	vm15 =	veq.s32 v20, $0x80000000;
	v13 =	vshra.s32 v14, $0x1F;
	v19 =	vor.u32 $0x80000000, v19  }
0x6e: {  	[tilespmem:s20+$0x0] =	vst v21;
	v25 =	vld [tilespmem:s23+$0xFFFFFFE0];
	v23 =	vsel vm3, $0x0, v23;
	vm1 =	veq.s32 v9, $0x80000000;
	v21 =	vxor.u32 v11, v19  }
0x6f: {  	[tilespmem:v22+s12+$0x0] =	vst.idx.add.s32.msk $0xffff, v1;
	v13 =	vor.u32 $0x80000000, v13;
	v22 =	vshra.s32 v23, $0x1F;
	v28 =	vshrl.u32 v21, $0x18  }
0x70: {  	v15 =	vxor.u32 v14, v13;
	[tilespmem:v12+s12+$0x0] =	vst.idx.add.s32.msk $0xffff, v1;
	v12 =	vshra.s32 v24, $0x1F;
	v11 =	vshra.s32 v17, $0x1F  }
0x71: {  	v16 =	vld [tilespmem:s21+$0x0];
	v14 =	vshrl.u32 v15, $0x18;
	v12 =	vor.u32 $0x80000000, v12;
	v19 =	vxor.u32 v18, v10  }
0x72: {  	s26 =	simm.s32 $0x20A0;
	[tilespmem:v27+s13+$0x0] =	vst.idx.add.s32.msk $0xffff, v1;
	v18 =	vor.u32 $0x80000000, v22;
	v10 =	vsel vm15, $0x0, v20;
	v11 =	vor.u32 $0x80000000, v11  }
0x73: {  	[tilespmem:s23+$0x0] =	vst v21;
	v12 =	vxor.u32 v24, v12;
	vm2 =	veq.s32 v25, $0x80000000;
	v17 =	vxor.u32 v17, v11;
	v11 =	vld [tilespmem:s26+$0x10]  }
0x74: {  	s28 =	simm.s32 $0xC;
	s29 =	simm.s32 $0x120;
	s25 =	simm.s32 $0x20A0;
	v18 =	vxor.u32 v23, v18;
	v20 =	vsel vm2, $0x0, v25;
	v13 =	vshrl.u32 v17, $0x18;
	[tilespmem:v28+s13+$0x0] =	vst.idx.add.s32.msk $0xffff, v1  }
.LBB2_2:
0x75: {  	v21 =	vld [tilespmem:s29+$0x10];
	s28 =	sadd.s32 $0x4, s28;
	v22 =	vshrl.u32 v12, $0x18;
	s26 =	sadd.s32 $0x40, s26;
	v23 =	vsel vm1, $0x0, v9;
	[tilespmem:s21+$0x10] =	vst v15;
	v15 =	vshra.s32 v20, $0x1F  }
0x76: {  	v24 =	vshrl.u32 v18, $0x18;
	p0 =	slt.u32 s28, $0x1FC;
	v9 =	vld [tilespmem:s25+$0xFFFFFFF0];
	[tilespmem:s22+$0xFFFFFFE0] =	vst v19;
	v25 =	vshra.s32 v23, $0x1F;
	v15 =	vor.u32 $0x80000000, v15;
	s22 =	smov.u32 s20;
	s20 =	smov.u32 s24  }
0x77: {  	s24 =	smov.u32 s29;
	v26 =	vld [tilespmem:s29+$0xFFFFFFF0];
	[tilespmem:s20+$0x10] =	vst v17;
	v17 =	vshrl.u32 v19, $0x18;
	v19 =	vor.u32 $0x80000000, v25;
	v15 =	vxor.u32 v20, v15  }
0x78: {  	vm1 =	veq.s32 v11, $0x80000000;
	v25 =	vshra.s32 v8, $0x1F;
	v20 =	vld [tilespmem:s29+$0x0];
	[tilespmem:s23+$0xFFFFFFE0] =	vst v15;
	v27 =	vshrl.u32 v15, $0x18;
	s23 =	smov.u32 s21;
	s21 =	smov.u32 s25;
	s25 =	smov.u32 s26  }
0x79: {  	v11 =	vsel vm1, $0x0, v11;
	vm1 =	veq.s32 v16, $0x80000000;
	v19 =	vxor.u32 v23, v19;
	[tilespmem:v14+s13+$0x0] =	vst.idx.add.s32.msk $0xffff, v1  }
0x7a: {  	v16 =	vsel vm1, $0x0, v16;
	v14 =	vshra.s32 v11, $0x1F;
	v28 =	vshrl.u32 v19, $0x18;
	v23 =	vld [tilespmem:s29+$0xFFFFFFE0];
	[tilespmem:s20+$0x0] =	vst v18  }
0x7b: {  	[tilespmem:v13+s12+$0x0] =	vst.idx.add.s32.msk $0xffff, v1;
	vm1 =	veq.s32 v9, $0x80000000;
	v13 =	vor.u32 $0x80000000, v14;
	v14 =	vshra.s32 v16, $0x1F  }
0x7c: {  	vm3 =	veq.s32 v21, $0x80000000;
	vm2 =	veq.s32 v26, $0x80000000;
	[tilespmem:v17+s12+$0x0] =	vst.idx.add.s32.msk $0xffff, v1;
	v14 =	vor.u32 $0x80000000, v14  }
0x7d: {  	v17 =	vsel vm3, $0x0, v21;
	v15 =	vxor.u32 v11, v13;
	v18 =	vxor.u32 v16, v14;
	[tilespmem:v27+s13+$0x0] =	vst.idx.add.s32.msk $0xffff, v1  }
0x7e: {  	vm3 =	veq.s32 v20, $0x80000000;
	v11 =	vshra.s32 v17, $0x1F;
	[tilespmem:s20+$0xFFFFFFF0] =	vst v12;
	v21 =	vld [tilespmem:s23+$0xFFFFFFE0];
	v27 =	vshrl.u32 v18, $0x18  }
0x7f: {  	v12 =	vsel vm2, $0x0, v26;
	v11 =	vor.u32 $0x80000000, v11;
	vm4 =	veq.s32 v23, $0x80000000;
	[tilespmem:v24+s12+$0x0] =	vst.idx.add.s32.msk $0xffff, v1  }
.Ltmp2:
0x80: {  	v14 =	vshrl.u32 v15, $0x18;
	v16 =	vshra.s32 v12, $0x1F;
	v17 =	vxor.u32 v17, v11;
	v11 =	vld [tilespmem:s26+$0x10];
	[tilespmem:s23+$0xFFFFFFF0] =	vst v19;
	(pc) =	sbr.rel @p0 .LBB2_2-.Ltmp2, $4  }
0x81: {  	v20 =	vsel vm3, $0x0, v20;
	v13 =	vshrl.u32 v17, $0x18;
	v19 =	vor.u32 $0x80000000, v25;
	[tilespmem:v22+s12+$0x0] =	vst.idx.add.s32.msk $0xffff, v1  }
0x82: {  	v24 =	vshra.s32 v20, $0x1F;
	v22 =	vor.u32 $0x80000000, v16;
	v19 =	vxor.u32 v8, v19;
	v8 =	vmovc v10;
	v16 =	vld [tilespmem:s21+$0x0];
	[tilespmem:s23+$0x0] =	vst v18  }
0x83: {  	v12 =	vxor.u32 v12, v22;
	v18 =	vor.u32 $0x80000000, v24;
	vm2 =	veq.s32 v21, $0x80000000;
	[tilespmem:v27+s13+$0x0] =	vst.idx.add.s32.msk $0xffff, v1  }
0x84: {  	s29 =	sadd.s32 $0x40, s29;
	v10 =	vsel vm4, $0x0, v23;
	v18 =	vxor.u32 v20, v18;
	v20 =	vsel vm2, $0x0, v21;
	[tilespmem:v28+s13+$0x0] =	vst.idx.add.s32.msk $0xffff, v1  }
0x85: {  	[tilespmem:s21+$0x10] =	vst v15  }
0x86: {  	[tilespmem:s22+$0xFFFFFFE0] =	vst v19  }
0x87: {  	[tilespmem:s24+$0x10] =	vst v17;
	v17 =	vshrl.u32 v19, $0x18  }
0x88: {  	v15 =	vshra.s32 v20, $0x1F;
	[tilespmem:s24+$0x0] =	vst v18  }
0x89: {  	v15 =	vor.u32 $0x80000000, v15;
	[tilespmem:v14+s13+$0x0] =	vst.idx.add.s32.msk $0xffff, v1;
	v14 =	vshrl.u32 v18, $0x18  }
0x8a: {  	[tilespmem:v13+s12+$0x0] =	vst.idx.add.s32.msk $0xffff, v1;
	v18 =	vshrl.u32 v12, $0x18;
	v15 =	vxor.u32 v20, v15  }
0x8b: {  	vm2 =	veq.s32 v16, $0x80000000;
	[tilespmem:s23+$0xFFFFFFE0] =	vst v15;
	v15 =	vshrl.u32 v15, $0x18  }
0x8c: {  	v16 =	vsel vm2, $0x0, v16;
	[tilespmem:v17+s12+$0x0] =	vst.idx.add.s32.msk $0xffff, v1  }
0x8d: {  	v9 =	vsel vm1, $0x0, v9;
	[tilespmem:s24+$0xFFFFFFF0] =	vst v12;
	v13 =	vshra.s32 v16, $0x1F;
	v12 =	vld [tilespmem:s21+$0xFFFFFFE0]  }
0x8e: {  	vm1 =	veq.s32 v11, $0x80000000;
	v19 =	vshra.s32 v9, $0x1F;
	v13 =	vor.u32 $0x80000000, v13;
	[tilespmem:v14+s12+$0x0] =	vst.idx.add.s32.msk $0xffff, v1  }
0x8f: {  	v11 =	vsel vm1, $0x0, v11;
	v17 =	vor.u32 $0x80000000, v19;
	v13 =	vxor.u32 v16, v13;
	[tilespmem:v18+s12+$0x0] =	vst.idx.add.s32.msk $0xffff, v1  }
0x90: {  	v9 =	vxor.u32 v9, v17;
	v16 =	vshrl.u32 v13, $0x18;
	[tilespmem:v15+s13+$0x0] =	vst.idx.add.s32.msk $0xffff, v1;
	v15 =	vshra.s32 v8, $0x1F  }
0x91: {  	v17 =	vshrl.u32 v9, $0x18;
	[tilespmem:s21+$0xFFFFFFF0] =	vst v9;
	v9 =	vshra.s32 v11, $0x1F;
	v14 =	vor.u32 $0x80000000, v15  }
0x92: {  	v18 =	vld [tilespmem:s25+$0x0];
	v9 =	vor.u32 $0x80000000, v9;
	v8 =	vxor.u32 v8, v14  }
0x93: {  	s28 =	sadd.s32 $0x40, s26;
	[tilespmem:s21+$0x0] =	vst v13;
	v15 =	vld [tilespmem:s25+$0xFFFFFFF0];
	v9 =	vxor.u32 v11, v9;
	v14 =	vshrl.u32 v8, $0x18  }
0x94: {  	v19 =	vld [tilespmem:s28+$0x0];
	[tilespmem:s25+$0x10] =	vst v9  }
0x95: {  	v13 =	vshra.s32 v10, $0x1F;
	v11 =	vshrl.u32 v9, $0x18;
	v9 =	vld [tilespmem:s28+$0xFFFFFFF0];
	vm1 =	veq.s32 v12, $0x80000000;
	[tilespmem:s20+$0xFFFFFFE0] =	vst v8  }
0x96: {  	v8 =	vor.u32 $0x80000000, v13;
	[tilespmem:v16+s13+$0x0] =	vst.idx.add.s32.msk $0xffff, v1;
	v12 =	vsel vm1, $0x0, v12  }
0x97: {  	v16 =	vld [tilespmem:s28+$0x10];
	v8 =	vxor.u32 v10, v8;
	v13 =	vshra.s32 v12, $0x1F  }
0x98: {  	v10 =	vor.u32 $0x80000000, v13;
	vm2 =	veq.s32 v15, $0x80000000;
	[tilespmem:v14+s12+$0x0] =	vst.idx.add.s32.msk $0xffff, v1;
	v14 =	vshrl.u32 v8, $0x18  }
0x99: {  	vm1 =	veq.s32 v18, $0x80000000;
	v10 =	vxor.u32 v12, v10;
	v15 =	vsel vm2, $0x0, v15;
	v13 =	vld [tilespmem:s25+$0xFFFFFFE0]  }
0x9a: {  	[tilespmem:v17+s13+$0x0] =	vst.idx.add.s32.msk $0xffff, v1;
	v12 =	vsel vm1, $0x0, v18;
	vm2 =	veq.s32 v19, $0x80000000;
	v18 =	vshra.s32 v15, $0x1F  }
0x9b: {  	[tilespmem:v11+s13+$0x0] =	vst.idx.add.s32.msk $0xffff, v1;
	v17 =	vshrl.u32 v10, $0x18;
	v11 =	vshra.s32 v12, $0x1F;
	v18 =	vor.u32 $0x80000000, v18  }
0x9c: {  	[tilespmem:s24+$0xFFFFFFE0] =	vst v8;
	vm1 =	veq.s32 v16, $0x80000000;
	v11 =	vor.u32 $0x80000000, v11;
	v8 =	vxor.u32 v15, v18  }
0x9d: {  	v16 =	vsel vm1, $0x0, v16;
	v11 =	vxor.u32 v12, v11;
	[tilespmem:v14+s12+$0x0] =	vst.idx.add.s32.msk $0xffff, v1;
	v14 =	vshrl.u32 v8, $0x18  }
0x9e: {  	[tilespmem:s21+$0xFFFFFFE0] =	vst v10;
	v12 =	vshrl.u32 v11, $0x18;
	v10 =	vshra.s32 v16, $0x1F;
	vm1 =	veq.s32 v13, $0x80000000;
	v15 =	vld [tilespmem:s28+$0xFFFFFFE0]  }
0x9f: {  	[tilespmem:s25+$0x0] =	vst v11;
	v11 =	vsel vm2, $0x0, v19;
	v10 =	vor.u32 $0x80000000, v10;
	v13 =	vsel vm1, $0x0, v13  }
0xa0: {  	[tilespmem:v17+s13+$0x0] =	vst.idx.add.s32.msk $0xffff, v1;
	v10 =	vxor.u32 v16, v10;
	vm1 =	veq.s32 v9, $0x80000000;
	v17 =	vshra.s32 v13, $0x1F  }
0xa1: {  	[tilespmem:s25+$0xFFFFFFF0] =	vst v8;
	v16 =	vshrl.u32 v10, $0x18;
	v9 =	vsel vm1, $0x0, v9;
	v8 =	vor.u32 $0x80000000, v17  }
0xa2: {  	v8 =	vxor.u32 v13, v8;
	v13 =	vshra.s32 v11, $0x1F;
	[tilespmem:v14+s13+$0x0] =	vst.idx.add.s32.msk $0xffff, v1;
	v14 =	vshra.s32 v9, $0x1F  }
0xa3: {  	[tilespmem:v12+s13+$0x0] =	vst.idx.add.s32.msk $0xffff, v1;
	v12 =	vshrl.u32 v8, $0x18;
	v13 =	vor.u32 $0x80000000, v13;
	vm1 =	veq.s32 v15, $0x80000000  }
0xa4: {  	[tilespmem:s28+$0x10] =	vst v10;
	v10 =	vor.u32 $0x80000000, v14;
	v11 =	vxor.u32 v11, v13;
	v13 =	vsel vm1, $0x0, v15  }
0xa5: {  	[tilespmem:s25+$0xFFFFFFE0] =	vst v8;
	v8 =	vxor.u32 v9, v10;
	v10 =	vshra.s32 v13, $0x1F  }
0xa6: {  	[tilespmem:v16+s13+$0x0] =	vst.idx.add.s32.msk $0xffff, v1;
	v9 =	vshrl.u32 v11, $0x18;
	v10 =	vor.u32 $0x80000000, v10  }
0xa7: {  	v14 =	vshrl.u32 v8, $0x18;
	[tilespmem:s28+$0xFFFFFFF0] =	vst v8;
	v10 =	vxor.u32 v13, v10  }
0xa8: {  	[tilespmem:s28+$0x0] =	vst v11;
	v8 =	vshrl.u32 v10, $0x18  }
0xa9: {  	[tilespmem:v12+s13+$0x0] =	vst.idx.add.s32.msk $0xffff, v1  }
0xaa: {  	[tilespmem:s28+$0xFFFFFFE0] =	vst v10  }
0xab: {  	[tilespmem:v9+s13+$0x0] =	vst.idx.add.s32.msk $0xffff, v1  }
0xac: {  	[tilespmem:v14+s13+$0x0] =	vst.idx.add.s32.msk $0xffff, v1  }
0xad: {  	[tilespmem:v8+s13+$0x0] =	vst.idx.add.s32.msk $0xffff, v1  }
0xae: {  	v8 =	vld [tilespmem:$0x4000];
	_ =	sdelay $0x1  }
0xaf: {  	v9 =	vld [tilespmem:$0x4010];
	_ =	sdelay $0x2  }
0xb0: {  	(xrf0) =	vadd.scan.msk.s32 $0xffff, v8;
	v8 =	vld [tilespmem:$0x4020];
	_ =	sdelay $0x1  }
0xb1: {  	(xrf0) =	vadd.scan.msk.s32 $0xffff, v9;
	v9 =	vld [tilespmem:$0x4030]  }
0xb2: {  	v10 =	vld [tilespmem:$0x4040]  }
0xb3: {  	v11 =	vld [tilespmem:$0x4050]  }
0xb4: {  	v12 =	vld [tilespmem:$0x4060];
	(xrf0) =	vadd.scan.msk.s32 $0xffff, v8  }
0xb5: {  	v13 =	vld [tilespmem:$0x4070];
	v8, _, _ =	vpop (xrf0)  }
0xb6: {  	v15 =	vld [tilespmem:$0x4080];
	(xrf0) =	vadd.scan.msk.s32 $0xffff, v9;
	v14 =	vbroadcast v8, $0xF  }
0xb7: {  	v16 =	vld [tilespmem:$0x4090];
	v9, _, _ =	vpop (xrf0);
	(xrf0) =	vadd.scan.msk.s32 $0xffff, v10  }
0xb8: {  	(xrf0) =	vadd.scan.msk.s32 $0xffff, v11;
	v11 =	vld [tilespmem:$0x40A0];
	v9 =	vadd.s32 v14, v9  }
0xb9: {  	(xrf0) =	vadd.scan.msk.s32 $0xffff, v12;
	v12 =	vld [tilespmem:$0x40B0];
	v10 =	vbroadcast v9, $0xF  }
0xba: {  	v14, _, _ =	vpop (xrf0);
	(xrf0) =	vadd.scan.msk.s32 $0xffff, v13;
	v13 =	vld [tilespmem:$0x40C0]  }
0xbb: {  	v10 =	vadd.s32 v10, v14;
	(xrf0) =	vadd.scan.msk.s32 $0xffff, v15;
	v14 =	vld [tilespmem:$0x40D0]  }
0xbc: {  	v15, _, _ =	vpop (xrf0);
	v17 =	vbroadcast v10, $0xF;
	(xrf0) =	vadd.scan.msk.s32 $0xffff, v16;
	v16 =	vld [tilespmem:$0x40E0]  }
0xbd: {  	v19 =	vld [tilespmem:$0x40F0];
	v18, _, _ =	vpop (xrf0);
	(xrf0) =	vadd.scan.msk.s32 $0xffff, v11  }
0xbe: {  	v11 =	vadd.s32 v17, v15;
	v15, _, _ =	vpop (xrf0);
	(xrf0) =	vadd.scan.msk.s32 $0xffff, v12;
	v12 =	vld [tilespmem:$0x4100]  }
0xbf: {  	v17 =	vbroadcast v11, $0xF;
	v39, _, _ =	vpop (xrf0);
	(xrf0) =	vadd.scan.msk.s32 $0xffff, v13  }
0xc0: {  	v22 =	vld [tilespmem:$0x4110];
	v21, _, _ =	vpop (xrf0);
	(xrf0) =	vadd.scan.msk.s32 $0xffff, v14  }
0xc1: {  	v13 =	vadd.s32 v17, v18;
	v18, _, _ =	vpop (xrf0);
	(xrf0) =	vadd.scan.msk.s32 $0xffff, v16  }
0xc2: {  	v14 =	vbroadcast v13, $0xF;
	v23, _, _ =	vpop (xrf0);
	(xrf0) =	vadd.scan.msk.s32 $0xffff, v19  }
0xc3: {  	v24, _, _ =	vpop (xrf0);
	(xrf0) =	vadd.scan.msk.s32 $0xffff, v12;
	v12 =	vld [tilespmem:$0x4120]  }
0xc4: {  	v25, _, _ =	vpop (xrf0);
	v14 =	vadd.s32 v14, v15  }
0xc5: {  	(xrf0) =	vadd.scan.msk.s32 $0xffff, v22;
	v15 =	vbroadcast v14, $0xF;
	v26, _, _ =	vpop (xrf0)  }
0xc6: {  	v19 =	vld [tilespmem:$0x4130];
	v29, _, _ =	vpop (xrf0)  }
0xc7: {  	vm1 =	vlt.s32 v8, $0x100;
	v30, _, _ =	vpop (xrf0);
	v16 =	vadd.s32 v15, v39  }
0xc8: {  	v40 =	vmpcnt.ones.xlane vm1;
	vm1 =	vlt.s32 v9, $0x100;
	v15 =	vbroadcast v16, $0xF;
	v31, _, _ =	vpop (xrf0);
	(xrf0) =	vadd.scan.msk.s32 $0xffff, v12  }
0xc9: {  	v41 =	vld [tilespmem:$0x4140];
	v27 =	vmpcnt.ones.xlane vm1;
	v12, _, _ =	vpop (xrf0)  }
0xca: {  	vm1 =	vlt.s32 v10, $0x100;
	v17 =	vadd.s32 v15, v21;
	v15 =	vbroadcast v12, $0xF  }
0xcb: {  	v42 =	vmpcnt.ones.xlane vm1;
	vm1 =	vlt.s32 v11, $0x100;
	(xrf0) =	vadd.scan.msk.s32 $0xffff, v19;
	v28, _, _ =	vpop (xrf0);
	v21 =	vbroadcast v17, $0xF  }
0xcc: {  	v43 =	vld [tilespmem:$0x4150];
	v20 =	vadd.s32 v40, v27;
	v44 =	vmpcnt.ones.xlane vm1;
	v15 =	vadd.s32 v15, v28  }
0xcd: {  	vm1 =	vlt.s32 v13, $0x100;
	v19 =	vadd.s32 v21, v18;
	v18 =	vbroadcast v15, $0xF  }
0xce: {  	v20 =	vadd.s32 v42, v20;
	v45 =	vmpcnt.ones.xlane vm1;
	vm1 =	vlt.s32 v14, $0x100;
	v33, _, _ =	vpop (xrf0);
	(xrf0) =	vadd.scan.msk.s32 $0xffff, v41  }
0xcf: {  	v46 =	vld [tilespmem:$0x4160];
	v20 =	vadd.s32 v44, v20;
	v49 =	vmpcnt.ones.xlane vm1;
	v18 =	vadd.s32 v18, v33  }
0xd0: {  	v22 =	vadd.s32 v45, v20;
	v32 =	vbroadcast v19, $0xF;
	v47 =	vbroadcast v18, $0xF  }
0xd1: {  	vm1 =	vlt.s32 v16, $0x100;
	v22 =	vadd.s32 v49, v22;
	v48, _, _ =	vpop (xrf0);
	(xrf0) =	vadd.scan.msk.s32 $0xffff, v43  }
0xd2: {  	v50 =	vld [tilespmem:$0x4170];
	v34 =	vmpcnt.ones.xlane vm1;
	v21 =	vadd.s32 v32, v23;
	v20 =	vadd.s32 v47, v48  }
0xd3: {  	vm1 =	vlt.s32 v17, $0x100;
	v32 =	vbroadcast v21, $0xF;
	v51 =	vbroadcast v20, $0xF  }
0xd4: {  	v54 =	vadd.s32 v34, v22;
	v55 =	vmpcnt.ones.xlane vm1;
	vm1 =	vlt.s32 v19, $0x100;
	v53, _, _ =	vpop (xrf0);
	(xrf0) =	vadd.scan.msk.s32 $0xffff, v46  }
0xd5: {  	v56 =	vld [tilespmem:$0x4180];
	v57 =	vmpcnt.ones.xlane vm1;
	v23 =	vadd.s32 v32, v24;
	v22 =	vadd.s32 v51, v53  }
0xd6: {  	v27 =	vadd.s32 v55, v54;
	v52 =	vbroadcast v23, $0xF;
	v24 =	vbroadcast v22, $0xF  }
0xd7: {  	vm1 =	vlt.s32 v21, $0x100;
	v27 =	vadd.s32 v57, v27;
	v36, _, _ =	vpop (xrf0);
	(xrf0) =	vadd.scan.msk.s32 $0xffff, v50  }
0xd8: {  	v59 =	vld [tilespmem:$0x4190];
	v58 =	vmpcnt.ones.xlane vm1;
	v25 =	vadd.s32 v52, v25;
	v24 =	vadd.s32 v24, v36  }
0xd9: {  	vm1 =	vlt.s32 v23, $0x100;
	v35 =	vbroadcast v25, $0xF;
	v60 =	vbroadcast v24, $0xF  }
0xda: {  	vm2 =	vlt.s32 v12, $0x100;
	v33 =	vadd.s32 v58, v27;
	v62 =	vmpcnt.ones.xlane vm1;
	v61, _, _ =	vpop (xrf0);
	(xrf0) =	vadd.scan.msk.s32 $0xffff, v56  }
0xdb: {  	v63 =	vld [tilespmem:$0x41A0];
	v52 =	vmpcnt.ones.xlane vm2;
	v28 =	vadd.s32 v35, v26;
	v27 =	vadd.s32 v60, v61  }
0xdc: {  	vm2 =	vlt.s32 v15, $0x100;
	v35 =	vbroadcast v28, $0xF;
	v41 =	vbroadcast v27, $0xF  }
0xdd: {  	vm1 =	vlt.s32 v25, $0x100;
	v32 =	vadd.s32 v62, v33;
	v54 =	vmpcnt.ones.xlane vm2;
	v37, _, _ =	vpop (xrf0);
	(xrf0) =	vadd.scan.msk.s32 $0xffff, v59  }
0xde: {  	v44 =	vld [tilespmem:$0x41B0];
	v40 =	vmpcnt.ones.xlane vm1;
	v35 =	vadd.s32 v35, v29;
	v29 =	vadd.s32 v41, v37  }
0xdf: {  	vm2 =	vlt.s32 v18, $0x100;
	vm1 =	vlt.s32 v28, $0x100;
	v45 =	vbroadcast v29, $0xF  }
0xe0: {  	v32 =	vadd.s32 v40, v32;
	v43 =	vmpcnt.ones.xlane vm1;
	v42 =	vbroadcast v35, $0xF;
	v39, _, _ =	vpop (xrf0);
	(xrf0) =	vadd.scan.msk.s32 $0xffff, v63  }
0xe1: {  	v49 =	vld [tilespmem:$0x41C0];
	v56 =	vadd.s32 v52, v54;
	vm1 =	vlt.s32 v35, $0x100;
	v33 =	vadd.s32 v45, v39  }
0xe2: {  	v47 =	vadd.s32 v43, v32;
	v30 =	vadd.s32 v42, v30;
	v50 =	vbroadcast v33, $0xF  }
0xe3: {  	v46 =	vmpcnt.ones.xlane vm1;
	vm1 =	vlt.s32 v30, $0x100;
	v38 =	vbroadcast v30, $0xF;
	v51, _, _ =	vpop (xrf0);
	(xrf0) =	vadd.scan.msk.s32 $0xffff, v44  }
0xe4: {  	v53 =	vld [tilespmem:$0x41D0];
	v41 =	vmpcnt.ones.xlane vm2;
	v48 =	vmpcnt.ones.xlane vm1;
	v32 =	vadd.s32 v50, v51  }
0xe5: {  	v26 =	vadd.s32 v46, v47;
	v31 =	vadd.s32 v38, v31;
	v55 =	vbroadcast v32, $0xF  }
0xe6: {  	v34 =	vadd.s32 v41, v56;
	v26 =	vadd.s32 v48, v26;
	vm1 =	vlt.s32 v31, $0x100;
	v42, _, _ =	vpop (xrf0);
	(xrf0) =	vadd.scan.msk.s32 $0xffff, v49  }
0xe7: {  	v58 =	vld [tilespmem:$0x41E0];
	v40 =	vmpcnt.ones.xlane vm1;
	vm1 =	vlt.s32 v20, $0x100;
	v38 =	vadd.s32 v55, v42  }
0xe8: {  	v57 =	vmpcnt.ones.xlane vm1;
	vm1 =	vlt.s32 v22, $0x100;
	v59 =	vbroadcast v38, $0xF  }
0xe9: {  	v26 =	vadd.s32 v40, v26;
	v61 =	vmpcnt.ones.xlane vm1;
	vm1 =	vlt.s32 v24, $0x100;
	v60, _, _ =	vpop (xrf0);
	(xrf0) =	vadd.scan.msk.s32 $0xffff, v53  }
0xea: {  	v62 =	vld [tilespmem:$0x41F0];
	(v2sf) =	vpush v26, $0x0;
	v34 =	vadd.s32 v57, v34;
	v36 =	vadd.s32 v59, v60  }
0xeb: {  	v63 =	vmpcnt.ones.xlane vm1;
	vm1 =	vlt.s32 v27, $0x100;
	v45 =	vbroadcast v36, $0xF  }
0xec: {  	v34 =	vadd.s32 v61, v34;
	v46 =	vmpcnt.ones.xlane vm1;
	v43, _, _ =	vpop (xrf0);
	(xrf0) =	vadd.scan.msk.s32 $0xffff, v58  }
0xed: {  	vm1 =	vlt.s32 v29, $0x100;
	v34 =	vadd.s32 v63, v34;
	v48 =	vadd.s32 v45, v43  }
0xee: {  	v47 =	vmpcnt.ones.xlane vm1;
	vm1 =	vlt.s32 v33, $0x100;
	v49 =	vbroadcast v48, $0xF  }
0xef: {  	v34 =	vadd.s32 v46, v34;
	v51 =	vmpcnt.ones.xlane vm1;
	v50, _, _ =	vpop (xrf0);
	(xrf0) =	vadd.scan.msk.s32 $0xffff, v62  }
0xf0: {  	vm1 =	vlt.s32 v32, $0x100;
	v34 =	vadd.s32 v47, v34;
	v37 =	vadd.s32 v49, v50  }
0xf1: {  	v52 =	vmpcnt.ones.xlane vm1;
	vm1 =	vlt.s32 v38, $0x100;
	v53 =	vbroadcast v37, $0xF  }
0xf2: {  	v34 =	vadd.s32 v51, v34;
	v55 =	vmpcnt.ones.xlane vm1;
	vm1 =	vlt.s32 v36, $0x100;
	v54, _, _ =	vpop (xrf0)  }
0xf3: {  	v34 =	vadd.s32 v52, v34;
	v57 =	vmpcnt.ones.xlane vm1;
	v56 =	vadd.s32 v53, v54  }
0xf4: {  	[tilespmem:$0x4000] =	vst v8;
	v8 =	vadd.s32 v55, v34;
	vm1 =	vlt.s32 v48, $0x100;
	v58 =	vbroadcast v56, $0xF  }
0xf5: {  	[tilespmem:$0x4010] =	vst v9;
	v8 =	vadd.s32 v57, v8;
	v9 =	vmpcnt.ones.xlane vm1;
	vm1 =	vlt.s32 v37, $0x100;
	v59, _, _ =	vpop (xrf0)  }
0xf6: {  	[tilespmem:$0x4020] =	vst v10;
	v60 =	vmpcnt.ones.xlane vm1;
	vm1 =	vlt.s32 v56, $0x100;
	v10 =	vadd.s32 v58, v59  }
0xf7: {  	v8 =	vadd.s32 v9, v8;
	v9 =	vmpcnt.ones.xlane vm1;
	vm1 =	vlt.s32 v10, $0x100  }
0xf8: {  	[tilespmem:$0x4030] =	vst v11;
	v8 =	vadd.s32 v60, v8;
	v11 =	vmpcnt.ones.xlane vm1  }
0xf9: {  	[tilespmem:$0x4040] =	vst v13;
	v8 =	vadd.s32 v9, v8  }
0xfa: {  	[tilespmem:$0x4050] =	vst v14;
	s23 =	spop (v2sf);
	v11 =	vadd.s32 v11, v8  }
0xfb: {  	[tilespmem:$0x4060] =	vst v16;
	s20 =	sadd.s32 $0xFFFFFFFF, s23;
	(v2sf) =	vpush v11, $0x0  }
0xfc: {  	[tilespmem:$0x4070] =	vst v17;
	p0 =	sgt.s32 s20, $0x0  }
0xfd: {  	[tilespmem:$0x4080] =	vst v19;
	s20 =	simm.s32 @!p0 $0x0  }
0xfe: {  	[tilespmem:$0x4090] =	vst v21;
	v8 =	vmov s20  }
0xff: {  	[tilespmem:$0x40A0] =	vst v23;
	v8 =	vbroadcast v8, $0x0  }
0x100: {  	[tilespmem:$0x40B0] =	vst v25  }
0x101: {  	[tilespmem:$0x40C0] =	vst v28  }
0x102: {  	[tilespmem:$0x40D0] =	vst v35  }
0x103: {  	[tilespmem:$0x40E0] =	vst v30  }
0x104: {  	[tilespmem:$0x40F0] =	vst v31  }
0x105: {  	v9 =	vld.idx.msk [tilespmem:v8+s12+$0x0], $0xffff;
	[tilespmem:$0x4100] =	vst v12  }
0x106: {  	[tilespmem:$0x4110] =	vst v15  }
0x107: {  	[tilespmem:$0x4120] =	vst v18  }
0x108: {  	[tilespmem:$0x4130] =	vst v20  }
0x109: {  	[tilespmem:$0x4140] =	vst v22  }
0x10a: {  	[tilespmem:$0x4150] =	vst v24;
	s21 =	spop (v2sf)  }
0x10b: {  	[tilespmem:$0x4160] =	vst v27;
	s20 =	sadd.s32 $0xFFFFFFFF, s21  }
0x10c: {  	[tilespmem:$0x4170] =	vst v29;
	p0 =	sgt.s32 s20, $0x0  }
0x10d: {  	[tilespmem:$0x4180] =	vst v33;
	s20 =	simm.s32 @!p0 $0x0  }
0x10e: {  	[tilespmem:$0x4190] =	vst v32;
	v8 =	vmov s20  }
0x10f: {  	[tilespmem:$0x41A0] =	vst v38;
	v8 =	vbroadcast v8, $0x0  }
0x110: {  	[tilespmem:$0x41B0] =	vst v36  }
0x111: {  	[tilespmem:$0x41C0] =	vst v48  }
0x112: {  	[tilespmem:$0x41D0] =	vst v37  }
0x113: {  	[tilespmem:$0x41E0] =	vst v56  }
0x114: {  	[tilespmem:$0x41F0] =	vst v10  }
0x115: {  	v8 =	vld.idx.msk [tilespmem:v8+s13+$0x0], $0xffff;
	[tilespmem:$0x4000] =	vst v0  }
0x116: {  	[tilespmem:$0x4010] =	vst v0  }
0x117: {  	[tilespmem:$0x4020] =	vst v0  }
0x118: {  	[tilespmem:$0x4030] =	vst v0  }
0x119: {  	[tilespmem:$0x4040] =	vst v0  }
0x11a: {  	[tilespmem:$0x4050] =	vst v0  }
0x11b: {  	[tilespmem:$0x4060] =	vst v0  }
0x11c: {  	[tilespmem:$0x4070] =	vst v0  }
0x11d: {  	[tilespmem:$0x4080] =	vst v0  }
0x11e: {  	[tilespmem:$0x4090] =	vst v0  }
0x11f: {  	[tilespmem:$0x40A0] =	vst v0  }
0x120: {  	[tilespmem:$0x40B0] =	vst v0  }
0x121: {  	[tilespmem:$0x40C0] =	vst v0  }
0x122: {  	[tilespmem:$0x40D0] =	vst v0  }
0x123: {  	[tilespmem:$0x40E0] =	vst v0  }
0x124: {  	[tilespmem:$0x40F0] =	vst v0  }
0x125: {  	[tilespmem:$0x4100] =	vst v0  }
0x126: {  	[tilespmem:$0x4110] =	vst v0  }
0x127: {  	[tilespmem:$0x4120] =	vst v0  }
0x128: {  	[tilespmem:$0x4130] =	vst v0  }
0x129: {  	[tilespmem:$0x4140] =	vst v0  }
0x12a: {  	[tilespmem:$0x4150] =	vst v0  }
0x12b: {  	[tilespmem:$0x4160] =	vst v0  }
0x12c: {  	[tilespmem:$0x4170] =	vst v0  }
0x12d: {  	[tilespmem:$0x4180] =	vst v0  }
0x12e: {  	[tilespmem:$0x4190] =	vst v0  }
0x12f: {  	[tilespmem:$0x41A0] =	vst v0  }
0x130: {  	[tilespmem:$0x41B0] =	vst v0  }
0x131: {  	[tilespmem:$0x41C0] =	vst v0  }
0x132: {  	[tilespmem:$0x41D0] =	vst v0  }
0x133: {  	[tilespmem:$0x41E0] =	vst v0  }
0x134: {  	s29 =	simm.s32 $0x20;
	[tilespmem:$0x41F0] =	vst v0  }
0x135: {  	v12 =	vld [tilespmem:s29+$0x10]  }
0x136: {  	v13 =	vld [tilespmem:s29+$0xFFFFFFE0];
	_ =	sdelay $0x2  }
0x137: {  	v10 =	vbroadcast v26, $0x0  }
0x138: {  	v14 =	vshrl.u32 v12, $0x18  }
0x139: {  	v12 =	vshrl.u32 v12, $0x10;
	v15 =	vshrl.u32 v13, $0x18;
	vm1 =	veq.s32 v14, v10  }
0x13a: {  	v13 =	vshrl.u32 v13, $0x10;
	v14 =	vld [tilespmem:s29+$0xFFFFFFF0];
	v12 =	vand.u32 $0xFF, v12;
	vm2 =	veq.s32 v15, v10  }
0x13b: {  	v13 =	vand.u32 $0xFF, v13;
	_ =	sdelay $0x1  }
0x13c: {  	v15 =	vld [tilespmem:s29+$0x0];
	_ =	sdelay $0x1  }
0x13d: {  	v16 =	vshrl.u32 v14, $0x18;
	[tilespmem:v12+s12+$0x0] =	vst.idx.add.s32.msk vm1, v1  }
0x13e: {  	s30 =	simm.s32 $0x2020;
	v12 =	vshrl.u32 v14, $0x10;
	vm1 =	veq.s32 v16, v10;
	[tilespmem:v13+s12+$0x0] =	vst.idx.add.s32.msk vm2, v1  }
0x13f: {  	s31 =	simm.s32 $0x60;
	v14 =	vld [tilespmem:s30+$0x10];
	v12 =	vand.u32 $0xFF, v12  }
0x140: {  	v13 =	vshrl.u32 v15, $0x18;
	v16 =	vld [tilespmem:s31+$0x10]  }
0x141: {  	v17 =	vld [tilespmem:s31+$0xFFFFFFE0];
	v15 =	vshrl.u32 v15, $0x10;
	vm2 =	veq.s32 v13, v10  }
0x142: {  	v18 =	vld [tilespmem:s31+$0x0];
	v15 =	vand.u32 $0xFF, v15  }
0x143: {  	v11 =	vbroadcast v11, $0x0;
	v13 =	vld [tilespmem:s31+$0xFFFFFFF0]  }
0x144: {  	v19 =	vshrl.u32 v14, $0x18;
	v14 =	vshrl.u32 v14, $0x10;
	[tilespmem:v12+s12+$0x0] =	vst.idx.add.s32.msk vm1, v1  }
0x145: {  	vm1 =	veq.s32 v19, v11;
	v12 =	vand.u32 $0xFF, v14;
	v14 =	vshrl.u32 v16, $0x18;
	v19 =	vld [tilespmem:s30+$0xFFFFFFE0]  }
0x146: {  	v21 =	vld [tilespmem:s30+$0xFFFFFFF0];
	vm3 =	veq.s32 v14, v10;
	v14 =	vshrl.u32 v16, $0x10  }
0x147: {  	v62 =	vshrl.u32 v18, $0x18;
	[tilespmem:v15+s12+$0x0] =	vst.idx.add.s32.msk vm2, v1;
	v14 =	vand.u32 $0xFF, v14  }
0x148: {  	vm5 =	veq.s32 v62, v10;
	v15 =	vshrl.u32 v17, $0x18;
	v23 =	vld [tilespmem:s30+$0x0]  }
0x149: {  	v61 =	vshrl.u32 v13, $0x18;
	v16 =	vshrl.u32 v17, $0x10;
	vm6 =	veq.s32 v15, v10  }
0x14a: {  	v13 =	vshrl.u32 v13, $0x10;
	v15 =	vshrl.u32 v18, $0x10;
	v18 =	vand.u32 $0xFF, v16  }
0x14b: {  	vm4 =	veq.s32 v61, v10;
	v16 =	vand.u32 $0xFF, v13;
	v15 =	vand.u32 $0xFF, v15;
	[tilespmem:v12+s13+$0x0] =	vst.idx.add.s32.msk vm1, v1  }
0x14c: {  	s20 =	simm.s32 $0x2060;
	v13 =	vshrl.u32 v19, $0x10;
	v17 =	vshrl.u32 v21, $0x18;
	v12 =	vshrl.u32 v19, $0x18;
	[tilespmem:v14+s12+$0x0] =	vst.idx.add.s32.msk vm3, v1  }
0x14d: {  	v19 =	vshrl.u32 v23, $0x18;
	v63 =	vshrl.u32 v23, $0x10;
	vm3 =	veq.s32 v17, v11;
	v17 =	vld [tilespmem:s20+$0x10]  }
0x14e: {  	vm1 =	veq.s32 v12, v11;
	v12 =	vshrl.u32 v21, $0x10;
	v14 =	vand.u32 $0xFF, v13  }
0x14f: {  	s22 =	simm.s32 $0x4;
	s24 =	simm.s32 $0xA0;
	vm2 =	veq.s32 v19, v11;
	[tilespmem:v18+s12+$0x0] =	vst.idx.add.s32.msk vm6, v1;
	v13 =	vand.u32 $0xFF, v12;
	v12 =	vand.u32 $0xFF, v63  }
.LBB2_4:
0x150: {  	v18 =	vld [tilespmem:s24+$0x10];
	s22 =	sadd.s32 $0x4, s22  }
0x151: {  	v19 =	vld [tilespmem:s24+$0xFFFFFFF0];
	p0 =	slt.u32 s22, $0x1FC  }
0x152: {  	v20 =	vld [tilespmem:s24+$0x0];
	v21 =	vshrl.u32 v17, $0x18  }
0x153: {  	v17 =	vshrl.u32 v17, $0x10;
	v22 =	vld [tilespmem:s24+$0xFFFFFFE0];
	vm6 =	veq.s32 v21, v11  }
0x154: {  	[tilespmem:v16+s12+$0x0] =	vst.idx.add.s32.msk vm4, v1;
	v16 =	vand.u32 $0xFF, v17  }
0x155: {  	v17 =	vshrl.u32 v18, $0x18;
	[tilespmem:v15+s12+$0x0] =	vst.idx.add.s32.msk vm5, v1  }
0x156: {  	v15 =	vshrl.u32 v19, $0x18;
	vm7 =	veq.s32 v17, v10;
	v17 =	vshrl.u32 v18, $0x10;
	v18 =	vld [tilespmem:s20+$0xFFFFFFE0]  }
0x157: {  	v19 =	vshrl.u32 v19, $0x10;
	v21 =	vshrl.u32 v20, $0x18;
	v17 =	vand.u32 $0xFF, v17;
	v23 =	vld [tilespmem:s20+$0xFFFFFFF0]  }
0x158: {  	v20 =	vshrl.u32 v20, $0x10;
	v24 =	vshrl.u32 v22, $0x18;
	v22 =	vshrl.u32 v22, $0x10;
	v25 =	vld [tilespmem:s20+$0x0]  }
0x159: {  	vm4 =	veq.s32 v15, v10;
	vm8 =	veq.s32 v24, v10;
	v22 =	vand.u32 $0xFF, v22;
	[tilespmem:v16+s13+$0x0] =	vst.idx.add.s32.msk vm6, v1  }
0x15a: {  	vm5 =	veq.s32 v21, v10;
	v15 =	vand.u32 $0xFF, v20;
	v16 =	vand.u32 $0xFF, v19;
	[tilespmem:v14+s13+$0x0] =	vst.idx.add.s32.msk vm1, v1  }
.Ltmp3:
0x15b: {  	v14 =	vshrl.u32 v18, $0x18;
	v18 =	vshrl.u32 v18, $0x10;
	[tilespmem:v13+s13+$0x0] =	vst.idx.add.s32.msk vm3, v1;
	(pc) =	sbr.rel @p0 .LBB2_4-.Ltmp3, $4  }
0x15c: {  	s20 =	sadd.s32 $0x40, s20;
	[tilespmem:v17+s12+$0x0] =	vst.idx.add.s32.msk vm7, v1;
	vm1 =	veq.s32 v14, v11;
	v13 =	vshrl.u32 v23, $0x18;
	v19 =	vshrl.u32 v23, $0x10  }
0x15d: {  	v17 =	vld [tilespmem:s20+$0x10];
	vm3 =	veq.s32 v13, v11;
	v20 =	vshrl.u32 v25, $0x18;
	v21 =	vshrl.u32 v25, $0x10  }
0x15e: {  	v14 =	vand.u32 $0xFF, v18;
	v13 =	vand.u32 $0xFF, v19;
	[tilespmem:v12+s13+$0x0] =	vst.idx.add.s32.msk vm2, v1;
	vm2 =	veq.s32 v20, v11  }
0x15f: {  	s24 =	sadd.s32 $0x40, s24;
	v12 =	vand.u32 $0xFF, v21;
	[tilespmem:v22+s12+$0x0] =	vst.idx.add.s32.msk vm8, v1  }
0x160: {  	_ =	sdelay $0x4  }
0x161: {  	[tilespmem:v16+s12+$0x0] =	vst.idx.add.s32.msk vm4, v1  }
0x162: {  	[tilespmem:v15+s12+$0x0] =	vst.idx.add.s32.msk vm5, v1  }
0x163: {  	v10 =	vld [tilespmem:s20+$0xFFFFFFE0]  }
0x164: {  	v16 =	vld [tilespmem:s20+$0xFFFFFFF0];
	v15 =	vshrl.u32 v17, $0x18  }
0x165: {  	vm4 =	veq.s32 v15, v11;
	v15 =	vshrl.u32 v17, $0x10;
	v17 =	vld [tilespmem:s20+$0x0]  }
0x166: {  	v15 =	vand.u32 $0xFF, v15;
	_ =	sdelay $0x1  }
0x167: {  	v18 =	vshrl.u32 v10, $0x18;
	v10 =	vshrl.u32 v10, $0x10  }
0x168: {  	vm5 =	veq.s32 v18, v11;
	v18 =	vshrl.u32 v16, $0x18;
	v16 =	vshrl.u32 v16, $0x10  }
0x169: {  	v10 =	vand.u32 $0xFF, v10;
	vm6 =	veq.s32 v18, v11;
	v18 =	vshrl.u32 v17, $0x18  }
0x16a: {  	v16 =	vand.u32 $0xFF, v16;
	[tilespmem:v15+s13+$0x0] =	vst.idx.add.s32.msk vm4, v1;
	v15 =	vshrl.u32 v17, $0x10;
	vm4 =	veq.s32 v18, v11  }
0x16b: {  	[tilespmem:v14+s13+$0x0] =	vst.idx.add.s32.msk vm1, v1;
	v11 =	vand.u32 $0xFF, v15  }
0x16c: {  	[tilespmem:v13+s13+$0x0] =	vst.idx.add.s32.msk vm3, v1  }
0x16d: {  	[tilespmem:v12+s13+$0x0] =	vst.idx.add.s32.msk vm2, v1  }
0x16e: {  	[tilespmem:v10+s13+$0x0] =	vst.idx.add.s32.msk vm5, v1  }
0x16f: {  	[tilespmem:v16+s13+$0x0] =	vst.idx.add.s32.msk vm6, v1  }
0x170: {  	[tilespmem:v11+s13+$0x0] =	vst.idx.add.s32.msk vm4, v1  }
0x171: {  	v10 =	vld [tilespmem:$0x4000];
	_ =	sdelay $0x1  }
0x172: {  	v11 =	vld [tilespmem:$0x4010];
	_ =	sdelay $0x2  }
0x173: {  	(xrf0) =	vadd.scan.msk.s32 $0xffff, v10;
	v10 =	vld [tilespmem:$0x4020];
	_ =	sdelay $0x1  }
0x174: {  	(xrf0) =	vadd.scan.msk.s32 $0xffff, v11  }
0x175: {  	v11 =	vld [tilespmem:$0x4030]  }
0x176: {  	v12 =	vld [tilespmem:$0x4040]  }
0x177: {  	(v2sf) =	vpush v9, $0x0;
	v13 =	vld [tilespmem:$0x4050];
	(xrf0) =	vadd.scan.msk.s32 $0xffff, v10  }
0x178: {  	v14 =	vld [tilespmem:$0x4060];
	v10, _, _ =	vpop (xrf0)  }
0x179: {  	v15 =	vld [tilespmem:$0x4070];
	v9 =	vbroadcast v10, $0xF  }
0x17a: {  	v16 =	vld [tilespmem:$0x4080];
	(xrf0) =	vadd.scan.msk.s32 $0xffff, v11;
	v11, _, _ =	vpop (xrf0)  }
0x17b: {  	(xrf0) =	vadd.scan.msk.s32 $0xffff, v12;
	v12 =	vld [tilespmem:$0x4090];
	v9 =	vadd.s32 v9, v11  }
0x17c: {  	(xrf0) =	vadd.scan.msk.s32 $0xffff, v13;
	v13 =	vld [tilespmem:$0x40A0];
	v11 =	vbroadcast v9, $0xF  }
0x17d: {  	(xrf0) =	vadd.scan.msk.s32 $0xffff, v14;
	v14 =	vld [tilespmem:$0x40B0];
	v17, _, _ =	vpop (xrf0)  }
0x17e: {  	(xrf0) =	vadd.scan.msk.s32 $0xffff, v15;
	v15 =	vld [tilespmem:$0x40C0];
	v11 =	vadd.s32 v11, v17  }
0x17f: {  	(xrf0) =	vadd.scan.msk.s32 $0xffff, v16;
	v16 =	vld [tilespmem:$0x40D0];
	v18 =	vbroadcast v11, $0xF  }
0x180: {  	v19 =	vld [tilespmem:$0x40E0];
	v17, _, _ =	vpop (xrf0);
	(xrf0) =	vadd.scan.msk.s32 $0xffff, v12  }
0x181: {  	v21 =	vld [tilespmem:$0x40F0];
	v20, _, _ =	vpop (xrf0);
	(xrf0) =	vadd.scan.msk.s32 $0xffff, v13  }
0x182: {  	v12 =	vadd.s32 v18, v17;
	v17, _, _ =	vpop (xrf0);
	(xrf0) =	vadd.scan.msk.s32 $0xffff, v14;
	v14 =	vld [tilespmem:$0x4100]  }
0x183: {  	v13 =	vbroadcast v12, $0xF;
	v18, _, _ =	vpop (xrf0);
	(xrf0) =	vadd.scan.msk.s32 $0xffff, v15  }
0x184: {  	v22, _, _ =	vpop (xrf0);
	(xrf0) =	vadd.scan.msk.s32 $0xffff, v16;
	v16 =	vld [tilespmem:$0x4110]  }
0x185: {  	v13 =	vadd.s32 v13, v20;
	v20, _, _ =	vpop (xrf0);
	(xrf0) =	vadd.scan.msk.s32 $0xffff, v19  }
0x186: {  	s1 =	spop (v2sf);
	(v2sf) =	vpush v8, $0x0;
	v15 =	vbroadcast v13, $0xF;
	v23, _, _ =	vpop (xrf0);
	(xrf0) =	vadd.scan.msk.s32 $0xffff, v21  }
0x187: {  	v24, _, _ =	vpop (xrf0);
	(xrf0) =	vadd.scan.msk.s32 $0xffff, v14;
	v14 =	vld [tilespmem:$0x4120]  }
0x188: {  	v15 =	vadd.s32 v15, v17;
	v25, _, _ =	vpop (xrf0)  }
0x189: {  	p0 =	seq.s32 s23, $0x0;
	s24 =	ssub.s32 $0x100, s1;
	v17 =	vbroadcast v15, $0xF;
	v26, _, _ =	vpop (xrf0);
	(xrf0) =	vadd.scan.msk.s32 $0xffff, v16  }
0x18a: {  	s24 =	simm.s32 @p0 $0x100;
	v28, _, _ =	vpop (xrf0)  }
0x18b: {  	vm1 =	vlt.s32 v10, s24;
	v19 =	vld [tilespmem:$0x4130];
	v16 =	vadd.s32 v17, v18;
	v30, _, _ =	vpop (xrf0)  }
0x18c: {  	v18 =	vmpcnt.ones.xlane vm1;
	vm1 =	vlt.s32 v9, s24;
	v17 =	vbroadcast v16, $0xF;
	v31, _, _ =	vpop (xrf0);
	(xrf0) =	vadd.scan.msk.s32 $0xffff, v14  }
0x18d: {  	v21 =	vld [tilespmem:$0x4140];
	v27 =	vmpcnt.ones.xlane vm1;
	v14, _, _ =	vpop (xrf0)  }
0x18e: {  	vm1 =	vlt.s32 v11, s24;
	v17 =	vadd.s32 v17, v22;
	v22 =	vbroadcast v14, $0xF  }
0x18f: {  	v48 =	vmpcnt.ones.xlane vm1;
	v29 =	vbroadcast v17, $0xF;
	v8, _, _ =	vpop (xrf0)  }
0x190: {  	vm1 =	vlt.s32 v12, s24;
	(xrf0) =	vadd.scan.msk.s32 $0xffff, v19;
	v18 =	vadd.s32 v18, v27;
	v8 =	vadd.s32 v22, v8  }
0x191: {  	v49 =	vmpcnt.ones.xlane vm1;
	v22 =	vld [tilespmem:$0x4150];
	v19 =	vadd.s32 v29, v20;
	v20 =	vbroadcast v8, $0xF  }
0x192: {  	vm1 =	vlt.s32 v13, s24;
	v33, _, _ =	vpop (xrf0);
	(xrf0) =	vadd.scan.msk.s32 $0xffff, v21;
	v21 =	vadd.s32 v48, v18  }
0x193: {  	v32 =	vbroadcast v19, $0xF;
	v18 =	vadd.s32 v20, v33;
	v20 =	vadd.s32 v49, v21  }
0x194: {  	v51 =	vld [tilespmem:$0x4160];
	v50 =	vmpcnt.ones.xlane vm1  }
0x195: {  	s22 =	spop (v2sf);
	v21 =	vadd.s32 v32, v23;
	v23 =	vbroadcast v18, $0xF  }
0x196: {  	p0 =	seq.s32 s21, $0x0;
	s20 =	ssub.s32 $0x100, s22;
	vm1 =	vlt.s32 v15, s24;
	v27 =	vadd.s32 v50, v20;
	v52 =	vbroadcast v21, $0xF;
	v20, _, _ =	vpop (xrf0);
	(xrf0) =	vadd.scan.msk.s32 $0xffff, v22  }
0x197: {  	v53 =	vld [tilespmem:$0x4170];
	s20 =	simm.s32 @p0 $0x100;
	v22 =	vmpcnt.ones.xlane vm1;
	vm1 =	vlt.s32 v16, s24;
	v20 =	vadd.s32 v23, v20  }
0x198: {  	vm2 =	vlt.s32 v14, s20;
	v34 =	vmpcnt.ones.xlane vm1;
	v54 =	vbroadcast v20, $0xF  }
0x199: {  	v23 =	vadd.s32 v52, v24;
	vm1 =	vlt.s32 v17, s24;
	v22 =	vadd.s32 v22, v27;
	v56, _, _ =	vpop (xrf0);
	(xrf0) =	vadd.scan.msk.s32 $0xffff, v51  }
0x19a: {  	v59 =	vld [tilespmem:$0x4180];
	v55 =	vbroadcast v23, $0xF;
	v57 =	vadd.s32 v34, v22;
	v22 =	vadd.s32 v54, v56  }
0x19b: {  	v58 =	vmpcnt.ones.xlane vm1;
	vm1 =	vlt.s32 v19, s24;
	v24 =	vbroadcast v22, $0xF  }
0x19c: {  	v60 =	vmpcnt.ones.xlane vm1;
	vm1 =	vlt.s32 v21, s24;
	v25 =	vadd.s32 v55, v25;
	v36, _, _ =	vpop (xrf0);
	(xrf0) =	vadd.scan.msk.s32 $0xffff, v53  }
0x19d: {  	v63 =	vld [tilespmem:$0x4190];
	v61 =	vadd.s32 v58, v57;
	v62 =	vmpcnt.ones.xlane vm1;
	v24 =	vadd.s32 v24, v36  }
0x19e: {  	vm1 =	vlt.s32 v23, s24;
	v35 =	vbroadcast v25, $0xF;
	v40 =	vbroadcast v24, $0xF  }
0x19f: {  	v55 =	vmpcnt.ones.xlane vm2;
	vm2 =	vlt.s32 v8, s20;
	v32 =	vadd.s32 v60, v61;
	v42, _, _ =	vpop (xrf0);
	(xrf0) =	vadd.scan.msk.s32 $0xffff, v59  }
0x1a0: {  	v44 =	vld [tilespmem:$0x41A0];
	v43 =	vmpcnt.ones.xlane vm1;
	v27 =	vadd.s32 v35, v26;
	v26 =	vadd.s32 v40, v42  }
0x1a1: {  	vm1 =	vlt.s32 v25, s24;
	v41 =	vbroadcast v27, $0xF;
	v45 =	vbroadcast v26, $0xF  }
0x1a2: {  	v57 =	vmpcnt.ones.xlane vm2;
	vm2 =	vlt.s32 v18, s20;
	v32 =	vadd.s32 v62, v32;
	v46, _, _ =	vpop (xrf0);
	(xrf0) =	vadd.scan.msk.s32 $0xffff, v63  }
0x1a3: {  	v48 =	vld [tilespmem:$0x41B0];
	v37 =	vmpcnt.ones.xlane vm1;
	v29 =	vadd.s32 v41, v28;
	v28 =	vadd.s32 v45, v46  }
0x1a4: {  	v32 =	vadd.s32 v43, v32;
	v33 =	vbroadcast v29, $0xF;
	v49 =	vbroadcast v28, $0xF  }
0x1a5: {  	vm1 =	vlt.s32 v27, s24;
	v32 =	vadd.s32 v37, v32;
	v59 =	vadd.s32 v55, v57;
	v39, _, _ =	vpop (xrf0);
	(xrf0) =	vadd.scan.msk.s32 $0xffff, v44  }
0x1a6: {  	v52 =	vld [tilespmem:$0x41C0];
	v47 =	vmpcnt.ones.xlane vm1;
	v30 =	vadd.s32 v33, v30;
	v33 =	vadd.s32 v49, v39  }
0x1a7: {  	v41 =	vmpcnt.ones.xlane vm2;
	vm1 =	vlt.s32 v29, s24;
	v53 =	vbroadcast v33, $0xF  }
0x1a8: {  	v50 =	vmpcnt.ones.xlane vm1;
	vm1 =	vlt.s32 v30, s24;
	v38 =	vbroadcast v30, $0xF;
	v54, _, _ =	vpop (xrf0);
	(xrf0) =	vadd.scan.msk.s32 $0xffff, v48  }
0x1a9: {  	v56 =	vld [tilespmem:$0x41D0];
	v32 =	vadd.s32 v47, v32;
	v51 =	vmpcnt.ones.xlane vm1;
	v34 =	vadd.s32 v53, v54  }
0x1aa: {  	v32 =	vadd.s32 v50, v32;
	v31 =	vadd.s32 v38, v31;
	v58 =	vbroadcast v34, $0xF  }
0x1ab: {  	v35 =	vadd.s32 v41, v59;
	v32 =	vadd.s32 v51, v32;
	vm1 =	vlt.s32 v31, s24;
	v42, _, _ =	vpop (xrf0);
	(xrf0) =	vadd.scan.msk.s32 $0xffff, v52  }
0x1ac: {  	v61 =	vld [tilespmem:$0x41E0];
	v40 =	vmpcnt.ones.xlane vm1;
	vm1 =	vlt.s32 v20, s20;
	v38 =	vadd.s32 v58, v42  }
0x1ad: {  	v60 =	vmpcnt.ones.xlane vm1;
	vm1 =	vlt.s32 v22, s20;
	v62 =	vbroadcast v38, $0xF  }
0x1ae: {  	v32 =	vadd.s32 v40, v32;
	v44 =	vmpcnt.ones.xlane vm1;
	vm1 =	vlt.s32 v24, s20;
	v43, _, _ =	vpop (xrf0);
	(xrf0) =	vadd.scan.msk.s32 $0xffff, v56  }
0x1af: {  	v45 =	vld [tilespmem:$0x41F0];
	(v2sf) =	vpush v32, $0x0;
	v63 =	vadd.s32 v60, v35;
	v35 =	vadd.s32 v62, v43  }
0x1b0: {  	v46 =	vmpcnt.ones.xlane vm1;
	vm1 =	vlt.s32 v26, s20;
	v47 =	vbroadcast v35, $0xF  }
0x1b1: {  	v32 =	vadd.s32 v44, v63;
	v48 =	vmpcnt.ones.xlane vm1;
	v49, _, _ =	vpop (xrf0);
	(xrf0) =	vadd.scan.msk.s32 $0xffff, v61  }
0x1b2: {  	vm1 =	vlt.s32 v28, s20;
	v32 =	vadd.s32 v46, v32;
	v51 =	vadd.s32 v47, v49  }
0x1b3: {  	v50 =	vmpcnt.ones.xlane vm1;
	vm1 =	vlt.s32 v33, s20;
	v52 =	vbroadcast v51, $0xF  }
0x1b4: {  	v32 =	vadd.s32 v48, v32;
	v54 =	vmpcnt.ones.xlane vm1;
	v53, _, _ =	vpop (xrf0);
	(xrf0) =	vadd.scan.msk.s32 $0xffff, v45  }
0x1b5: {  	vm1 =	vlt.s32 v34, s20;
	v32 =	vadd.s32 v50, v32;
	v36 =	vadd.s32 v52, v53  }
0x1b6: {  	v55 =	vmpcnt.ones.xlane vm1;
	vm1 =	vlt.s32 v38, s20;
	v56 =	vbroadcast v36, $0xF  }
0x1b7: {  	v32 =	vadd.s32 v54, v32;
	v58 =	vmpcnt.ones.xlane vm1;
	vm1 =	vlt.s32 v35, s20;
	v57, _, _ =	vpop (xrf0)  }
0x1b8: {  	v32 =	vadd.s32 v55, v32;
	v60 =	vmpcnt.ones.xlane vm1;
	v59 =	vadd.s32 v56, v57  }
0x1b9: {  	[tilespmem:$0x4000] =	vst v10;
	v10 =	vadd.s32 v58, v32;
	vm1 =	vlt.s32 v51, s20;
	v61 =	vbroadcast v59, $0xF  }
0x1ba: {  	[tilespmem:$0x4010] =	vst v9;
	v9 =	vadd.s32 v60, v10;
	v10 =	vmpcnt.ones.xlane vm1;
	vm1 =	vlt.s32 v36, s20;
	v62, _, _ =	vpop (xrf0)  }
0x1bb: {  	[tilespmem:$0x4020] =	vst v11;
	v63 =	vmpcnt.ones.xlane vm1;
	vm1 =	vlt.s32 v59, s20;
	v11 =	vadd.s32 v61, v62  }
0x1bc: {  	v9 =	vadd.s32 v10, v9;
	v10 =	vmpcnt.ones.xlane vm1;
	vm1 =	vlt.s32 v11, s20  }
0x1bd: {  	[tilespmem:$0x4030] =	vst v12;
	v9 =	vadd.s32 v63, v9;
	v12 =	vmpcnt.ones.xlane vm1  }
0x1be: {  	[tilespmem:$0x4040] =	vst v13;
	v9 =	vadd.s32 v10, v9  }
0x1bf: {  	[tilespmem:$0x4050] =	vst v15;
	s26 =	spop (v2sf);
	v9 =	vadd.s32 v12, v9  }
0x1c0: {  	[tilespmem:$0x4060] =	vst v16;
	s22 =	sadd.s32 $0xFFFFFFFF, s26;
	(v2sf) =	vpush v9, $0x0  }
0x1c1: {  	[tilespmem:$0x4070] =	vst v17;
	p0 =	sgt.s32 s22, $0x0  }
0x1c2: {  	[tilespmem:$0x4080] =	vst v19;
	s22 =	simm.s32 @!p0 $0x0  }
0x1c3: {  	[tilespmem:$0x4090] =	vst v21;
	v9 =	vmov s22  }
0x1c4: {  	[tilespmem:$0x40A0] =	vst v23;
	v9 =	vbroadcast v9, $0x0  }
0x1c5: {  	[tilespmem:$0x40B0] =	vst v25  }
0x1c6: {  	[tilespmem:$0x40C0] =	vst v27  }
0x1c7: {  	[tilespmem:$0x40D0] =	vst v29  }
0x1c8: {  	[tilespmem:$0x40E0] =	vst v30  }
0x1c9: {  	[tilespmem:$0x40F0] =	vst v31  }
0x1ca: {  	v9 =	vld.idx.msk [tilespmem:v9+s12+$0x0], $0xffff;
	[tilespmem:$0x4100] =	vst v14  }
0x1cb: {  	[tilespmem:$0x4110] =	vst v8  }
0x1cc: {  	[tilespmem:$0x4120] =	vst v18  }
0x1cd: {  	[tilespmem:$0x4130] =	vst v20  }
0x1ce: {  	[tilespmem:$0x4140] =	vst v22  }
0x1cf: {  	[tilespmem:$0x4150] =	vst v24;
	s22 =	spop (v2sf)  }
0x1d0: {  	[tilespmem:$0x4160] =	vst v26;
	s25 =	sadd.s32 $0xFFFFFFFF, s22  }
0x1d1: {  	[tilespmem:$0x4170] =	vst v28;
	p0 =	sgt.s32 s25, $0x0  }
0x1d2: {  	[tilespmem:$0x4180] =	vst v33;
	s25 =	simm.s32 @!p0 $0x0  }
0x1d3: {  	[tilespmem:$0x4190] =	vst v34;
	v8 =	vmov s25  }
0x1d4: {  	[tilespmem:$0x41A0] =	vst v38;
	v8 =	vbroadcast v8, $0x0  }
0x1d5: {  	[tilespmem:$0x41B0] =	vst v35  }
0x1d6: {  	[tilespmem:$0x41C0] =	vst v51  }
0x1d7: {  	[tilespmem:$0x41D0] =	vst v36  }
0x1d8: {  	[tilespmem:$0x41E0] =	vst v59  }
0x1d9: {  	[tilespmem:$0x41F0] =	vst v11  }
0x1da: {  	v8 =	vld.idx.msk [tilespmem:v8+s13+$0x0], $0xffff;
	[tilespmem:$0x4000] =	vst v0  }
0x1db: {  	[tilespmem:$0x4010] =	vst v0  }
0x1dc: {  	[tilespmem:$0x4020] =	vst v0  }
0x1dd: {  	[tilespmem:$0x4030] =	vst v0  }
0x1de: {  	[tilespmem:$0x4040] =	vst v0  }
0x1df: {  	[tilespmem:$0x4050] =	vst v0  }
0x1e0: {  	[tilespmem:$0x4060] =	vst v0  }
0x1e1: {  	[tilespmem:$0x4070] =	vst v0  }
0x1e2: {  	[tilespmem:$0x4080] =	vst v0  }
0x1e3: {  	[tilespmem:$0x4090] =	vst v0  }
0x1e4: {  	[tilespmem:$0x40A0] =	vst v0  }
0x1e5: {  	[tilespmem:$0x40B0] =	vst v0  }
0x1e6: {  	[tilespmem:$0x40C0] =	vst v0  }
0x1e7: {  	[tilespmem:$0x40D0] =	vst v0  }
0x1e8: {  	[tilespmem:$0x40E0] =	vst v0  }
0x1e9: {  	[tilespmem:$0x40F0] =	vst v0  }
0x1ea: {  	[tilespmem:$0x4100] =	vst v0  }
0x1eb: {  	[tilespmem:$0x4110] =	vst v0  }
0x1ec: {  	[tilespmem:$0x4120] =	vst v0  }
0x1ed: {  	[tilespmem:$0x4130] =	vst v0  }
0x1ee: {  	[tilespmem:$0x4140] =	vst v0  }
0x1ef: {  	[tilespmem:$0x4150] =	vst v0  }
0x1f0: {  	[tilespmem:$0x4160] =	vst v0  }
0x1f1: {  	[tilespmem:$0x4170] =	vst v0  }
0x1f2: {  	[tilespmem:$0x4180] =	vst v0  }
0x1f3: {  	[tilespmem:$0x4190] =	vst v0  }
0x1f4: {  	[tilespmem:$0x41A0] =	vst v0  }
0x1f5: {  	[tilespmem:$0x41B0] =	vst v0  }
0x1f6: {  	[tilespmem:$0x41C0] =	vst v0  }
0x1f7: {  	[tilespmem:$0x41D0] =	vst v0  }
0x1f8: {  	[tilespmem:$0x41E0] =	vst v0  }
0x1f9: {  	[tilespmem:$0x41F0] =	vst v0  }
0x1fa: {  	[tilespmem:$0x4200] =	vst v0  }
0x1fb: {  	[tilespmem:$0x4210] =	vst v0  }
0x1fc: {  	[tilespmem:$0x4220] =	vst v0  }
0x1fd: {  	[tilespmem:$0x4230] =	vst v0  }
0x1fe: {  	[tilespmem:$0x4240] =	vst v0  }
0x1ff: {  	[tilespmem:$0x4250] =	vst v0  }
0x200: {  	[tilespmem:$0x4260] =	vst v0  }
0x201: {  	[tilespmem:$0x4270] =	vst v0  }
0x202: {  	[tilespmem:$0x4280] =	vst v0  }
0x203: {  	[tilespmem:$0x4290] =	vst v0  }
0x204: {  	[tilespmem:$0x42A0] =	vst v0  }
0x205: {  	[tilespmem:$0x42B0] =	vst v0  }
0x206: {  	[tilespmem:$0x42C0] =	vst v0  }
0x207: {  	[tilespmem:$0x42D0] =	vst v0  }
0x208: {  	[tilespmem:$0x42E0] =	vst v0  }
0x209: {  	[tilespmem:$0x42F0] =	vst v0  }
0x20a: {  	[tilespmem:$0x4300] =	vst v0  }
0x20b: {  	[tilespmem:$0x4310] =	vst v0  }
0x20c: {  	[tilespmem:$0x4320] =	vst v0  }
0x20d: {  	[tilespmem:$0x4330] =	vst v0  }
0x20e: {  	[tilespmem:$0x4340] =	vst v0  }
0x20f: {  	[tilespmem:$0x4350] =	vst v0  }
0x210: {  	[tilespmem:$0x4360] =	vst v0  }
0x211: {  	[tilespmem:$0x4370] =	vst v0  }
0x212: {  	[tilespmem:$0x4380] =	vst v0  }
0x213: {  	[tilespmem:$0x4390] =	vst v0  }
0x214: {  	[tilespmem:$0x43A0] =	vst v0  }
0x215: {  	[tilespmem:$0x43B0] =	vst v0  }
0x216: {  	[tilespmem:$0x43C0] =	vst v0  }
0x217: {  	[tilespmem:$0x43D0] =	vst v0  }
0x218: {  	[tilespmem:$0x43E0] =	vst v0  }
0x219: {  	s28 =	simm.s32 $0x20;
	[tilespmem:$0x43F0] =	vst v0  }
0x21a: {  	v11 =	vld [tilespmem:s28+$0x10];
	_ =	sdelay $0x1  }
0x21b: {  	v12 =	vld [tilespmem:s28+$0xFFFFFFF0]  }
0x21c: {  	s25 =	sshll.u32 s23, $0x8  }
0x21d: {  	s25 =	sor.u32 s25, s26;
	v13 =	vld [tilespmem:s28+$0xFFFFFFE0]  }
0x21e: {  	v10 =	vmov s25;
	v14 =	vshrl.u32 v11, $0x10  }
0x21f: {  	v11 =	vshrl.u32 v11, $0x8;
	vm1 =	veq.s32 v14, v10  }
0x220: {  	v11 =	vand.u32 $0xFF, v11;
	v14 =	vshrl.u32 v12, $0x10  }
0x221: {  	v12 =	vshrl.u32 v12, $0x8;
	vm2 =	veq.s32 v14, v10  }
0x222: {  	v15 =	vld [tilespmem:s28+$0x0];
	v14 =	vshrl.u32 v13, $0x10;
	v16 =	vand.u32 $0xFF, v12  }
0x223: {  	v12 =	vshrl.u32 v13, $0x8;
	vm3 =	veq.s32 v14, v10  }
0x224: {  	s31 =	simm.s32 $0x30;
	v12 =	vand.u32 $0xFF, v12  }
0x225: {  	v14 =	vor.u32 s31, v2;
	[tilespmem:v11+s12+$0x0] =	vst.idx.add.s32.msk vm1, v1  }
0x226: {  	[tilespmem:v11+s14+$0x0] =	vst.idx.add.s32.msk vm1, v14  }
0x227: {  	s0 =	simm.s32 $0x2020;
	v11 =	vshrl.u32 v15, $0x10;
	[tilespmem:v16+s12+$0x0] =	vst.idx.add.s32.msk vm2, v1  }
0x228: {  	s28 =	simm.s32 $0x0;
	v15 =	vshrl.u32 v15, $0x8;
	v13 =	vld [tilespmem:s0+$0x10];
	vm1 =	veq.s32 v11, v10  }
0x229: {  	v17 =	vor.u32 s28, v2;
	s28 =	simm.s32 $0x10;
	v15 =	vand.u32 $0xFF, v15;
	[tilespmem:v12+s12+$0x0] =	vst.idx.add.s32.msk vm3, v1  }
0x22a: {  	v11 =	vor.u32 s28, v2;
	s28 =	simm.s32 $0x60;
	[tilespmem:v12+s14+$0x0] =	vst.idx.add.s32.msk vm3, v17  }
0x22b: {  	s1 =	sshll.u32 s21, $0x8;
	v19 =	vld [tilespmem:s28+$0x10]  }
0x22c: {  	s21 =	sor.u32 s1, s22;
	v18 =	vld [tilespmem:s0+$0xFFFFFFE0]  }
0x22d: {  	s29 =	simm.s32 $0x20;
	v12 =	vmov s21;
	[tilespmem:v16+s14+$0x0] =	vst.idx.add.s32.msk vm2, v11;
	v16 =	vshrl.u32 v13, $0x10  }
0x22e: {  	vm2 =	veq.s32 v16, v12;
	v16 =	vshrl.u32 v13, $0x8;
	v13 =	vor.u32 s29, v2;
	[tilespmem:v15+s12+$0x0] =	vst.idx.add.s32.msk vm1, v1  }
0x22f: {  	v16 =	vand.u32 $0xFF, v16;
	[tilespmem:v15+s14+$0x0] =	vst.idx.add.s32.msk vm1, v13  }
0x230: {  	v22 =	vshrl.u32 v19, $0x10;
	v15 =	vld [tilespmem:s28+$0xFFFFFFF0]  }
0x231: {  	v21 =	vld [tilespmem:s0+$0xFFFFFFF0];
	v19 =	vshrl.u32 v19, $0x8;
	v20 =	vshrl.u32 v18, $0x10;
	vm3 =	veq.s32 v22, v10  }
0x232: {  	v18 =	vshrl.u32 v18, $0x8;
	v23 =	vand.u32 $0xFF, v19;
	vm1 =	veq.s32 v20, v12;
	v20 =	vld [tilespmem:s28+$0xFFFFFFE0]  }
0x233: {  	v22 =	vld [tilespmem:s28+$0x0];
	v18 =	vand.u32 $0xFF, v18  }
0x234: {  	[tilespmem:v16+s13+$0x0] =	vst.idx.add.s32.msk vm2, v1  }
0x235: {  	[tilespmem:v16+s15+$0x0] =	vst.idx.add.s32.msk vm2, v14;
	v14 =	vshrl.u32 v15, $0x10  }
0x236: {  	v24 =	vld [tilespmem:s0+$0x0];
	vm2 =	veq.s32 v14, v10;
	v14 =	vshrl.u32 v15, $0x8  }
0x237: {  	s31 =	simm.s32 $0x70;
	[tilespmem:v23+s12+$0x0] =	vst.idx.add.s32.msk vm3, v1;
	v15 =	vshrl.u32 v20, $0x10;
	v14 =	vand.u32 $0xFF, v14  }
0x238: {  	v19 =	vor.u32 s31, v2;
	v16 =	vshrl.u32 v20, $0x8;
	[tilespmem:v18+s13+$0x0] =	vst.idx.add.s32.msk vm1, v1;
	vm4 =	veq.s32 v15, v10  }
0x239: {  	v16 =	vand.u32 $0xFF, v16;
	[tilespmem:v23+s14+$0x0] =	vst.idx.add.s32.msk vm3, v19;
	v15 =	vshrl.u32 v22, $0x10  }
0x23a: {  	s23 =	simm.s32 $0x2060;
	[tilespmem:v18+s15+$0x0] =	vst.idx.add.s32.msk vm1, v17;
	v17 =	vshrl.u32 v22, $0x8;
	vm1 =	veq.s32 v15, v10  }
0x23b: {  	s28 =	simm.s32 $0x50;
	v20 =	vld [tilespmem:s23+$0x10];
	v15 =	vand.u32 $0xFF, v17  }
0x23c: {  	v17 =	vor.u32 s28, v2;
	[tilespmem:v14+s12+$0x0] =	vst.idx.add.s32.msk vm2, v1  }
0x23d: {  	s28 =	simm.s32 $0x40;
	[tilespmem:v14+s14+$0x0] =	vst.idx.add.s32.msk vm2, v17  }
0x23e: {  	v14 =	vor.u32 s28, v2;
	[tilespmem:v16+s12+$0x0] =	vst.idx.add.s32.msk vm4, v1  }
0x23f: {  	s29 =	simm.s32 $0x60;
	[tilespmem:v16+s14+$0x0] =	vst.idx.add.s32.msk vm4, v14  }
0x240: {  	v22 =	vshrl.u32 v24, $0x8;
	v16 =	vor.u32 s29, v2;
	[tilespmem:v15+s12+$0x0] =	vst.idx.add.s32.msk vm1, v1  }
0x241: {  	v18 =	vshrl.u32 v21, $0x10;
	[tilespmem:v15+s14+$0x0] =	vst.idx.add.s32.msk vm1, v16;
	v15 =	vand.u32 $0xFF, v22;
	v22 =	vshrl.u32 v20, $0x10  }
0x242: {  	v21 =	vshrl.u32 v21, $0x8;
	v20 =	vshrl.u32 v20, $0x8;
	vm4 =	veq.s32 v22, v12  }
0x243: {  	vm2 =	veq.s32 v18, v12;
	v18 =	vshrl.u32 v24, $0x10;
	v23 =	vld [tilespmem:s23+$0xFFFFFFE0];
	v22 =	vand.u32 $0xFF, v20  }
0x244: {  	vm3 =	veq.s32 v18, v12;
	v18 =	vand.u32 $0xFF, v21;
	v21 =	vld [tilespmem:s23+$0xFFFFFFF0]  }
0x245: {  	s30 =	simm.s32 $0xA0;
	s29 =	simm.s32 $0x4;
	vm1 =	vmmov vm2;
	vm2 =	vmmov vm3;
	v20 =	vld [tilespmem:s23+$0x0]  }
.LBB2_6:
0x246: {  	v24 =	vld [tilespmem:s30+$0x10]  }
0x247: {  	v25 =	vld [tilespmem:s30+$0xFFFFFFF0]  }
0x248: {  	s29 =	sadd.s32 $0x4, s29;
	v26 =	vshrl.u32 v23, $0x10;
	v23 =	vshrl.u32 v23, $0x8;
	[tilespmem:v22+s13+$0x0] =	vst.idx.add.s32.msk vm4, v1  }
0x249: {  	p0 =	slt.u32 s29, $0x1FC;
	vm3 =	veq.s32 v26, v12;
	v26 =	vshrl.u32 v21, $0x10;
	v21 =	vshrl.u32 v21, $0x8;
	[tilespmem:v22+s15+$0x0] =	vst.idx.add.s32.msk vm4, v19  }
0x24a: {  	v19 =	vld [tilespmem:s30+$0x0];
	vm7 =	veq.s32 v26, v12;
	v22 =	vshrl.u32 v20, $0x10;
	v20 =	vshrl.u32 v20, $0x8  }
0x24b: {  	v23 =	vand.u32 $0xFF, v23;
	v26 =	vld [tilespmem:s30+$0xFFFFFFE0];
	v27 =	vshrl.u32 v24, $0x10;
	vm4 =	veq.s32 v22, v12  }
0x24c: {  	v24 =	vshrl.u32 v24, $0x8;
	v22 =	vshrl.u32 v25, $0x10;
	vm6 =	veq.s32 v27, v10;
	[tilespmem:v18+s13+$0x0] =	vst.idx.add.s32.msk vm1, v1  }
0x24d: {  	v24 =	vand.u32 $0xFF, v24;
	vm5 =	veq.s32 v22, v10;
	v22 =	vshrl.u32 v25, $0x8;
	[tilespmem:v18+s15+$0x0] =	vst.idx.add.s32.msk vm1, v11;
	v11 =	vmovc v17  }
0x24e: {  	v18 =	vand.u32 $0xFF, v21;
	v17 =	vand.u32 $0xFF, v20;
	v22 =	vand.u32 $0xFF, v22;
	[tilespmem:v15+s13+$0x0] =	vst.idx.add.s32.msk vm2, v1  }
0x24f: {  	vm1 =	vmmov vm7;
	v20 =	vshrl.u32 v19, $0x10;
	v19 =	vshrl.u32 v19, $0x8;
	[tilespmem:v15+s15+$0x0] =	vst.idx.add.s32.msk vm2, v13;
	v15 =	vmovc v17;
	v13 =	vmovc v16  }
0x250: {  	s28 =	sadd.s32 $0x40, s28;
	v16 =	vshrl.u32 v26, $0x10;
	v17 =	vshrl.u32 v26, $0x8;
	vm7 =	veq.s32 v20, v10;
	[tilespmem:v23+s13+$0x0] =	vst.idx.add.s32.msk vm3, v1  }
0x251: {  	s31 =	sadd.s32 $0x10, s28;
	s1 =	sadd.s32 $0x20, s28;
	s0 =	sadd.s32 $0x30, s28;
	v21 =	vand.u32 $0xFF, v19;
	vm8 =	veq.s32 v16, v10;
	v20 =	vand.u32 $0xFF, v17;
	[tilespmem:v23+s15+$0x0] =	vst.idx.add.s32.msk vm3, v14  }
0x252: {  	v19 =	vor.u32 s0, v2;
	v17 =	vor.u32 s31, v2;
	v16 =	vor.u32 s1, v2;
	[tilespmem:v24+s12+$0x0] =	vst.idx.add.s32.msk vm6, v1  }
0x253: {  	s23 =	sadd.s32 $0x40, s23;
	vm2 =	vmmov vm4;
	v14 =	vor.u32 s28, v2;
	[tilespmem:v24+s14+$0x0] =	vst.idx.add.s32.msk vm6, v19  }
0x254: {  	v23 =	vld [tilespmem:s23+$0x10]  }
0x255: {  	[tilespmem:v22+s12+$0x0] =	vst.idx.add.s32.msk vm5, v1  }
0x256: {  	[tilespmem:v22+s14+$0x0] =	vst.idx.add.s32.msk vm5, v17  }
0x257: {  	[tilespmem:v20+s12+$0x0] =	vst.idx.add.s32.msk vm8, v1  }
0x258: {  	[tilespmem:v20+s14+$0x0] =	vst.idx.add.s32.msk vm8, v14  }
.Ltmp4:
0x259: {  	[tilespmem:v21+s12+$0x0] =	vst.idx.add.s32.msk vm7, v1;
	v20 =	vshrl.u32 v23, $0x10;
	(pc) =	sbr.rel @p0 .LBB2_6-.Ltmp4, $4  }
0x25a: {  	[tilespmem:v21+s14+$0x0] =	vst.idx.add.s32.msk vm7, v16;
	vm4 =	veq.s32 v20, v12;
	v20 =	vshrl.u32 v23, $0x8  }
0x25b: {  	v23 =	vld [tilespmem:s23+$0xFFFFFFE0];
	v22 =	vand.u32 $0xFF, v20  }
0x25c: {  	v21 =	vld [tilespmem:s23+$0xFFFFFFF0]  }
0x25d: {  	s30 =	sadd.s32 $0x40, s30;
	v20 =	vld [tilespmem:s23+$0x0]  }
0x25e: {  	_ =	sdelay $0x3  }
0x25f: {  	v10 =	vshrl.u32 v23, $0x10  }
0x260: {  	[tilespmem:v22+s13+$0x0] =	vst.idx.add.s32.msk vm4, v1;
	v60 =	vshrl.u32 v23, $0x8;
	vm3 =	veq.s32 v10, v12;
	v10 =	vshrl.u32 v21, $0x10  }
0x261: {  	[tilespmem:v18+s13+$0x0] =	vst.idx.add.s32.msk vm1, v1;
	vm15 =	veq.s32 v10, v12;
	v10 =	vand.u32 $0xFF, v60  }
0x262: {  	[tilespmem:v22+s15+$0x0] =	vst.idx.add.s32.msk vm4, v19;
	v61 =	vshrl.u32 v21, $0x8;
	v62 =	vshrl.u32 v20, $0x10;
	vm4 =	vmmov vm15  }
0x263: {  	[tilespmem:v18+s15+$0x0] =	vst.idx.add.s32.msk vm1, v11;
	v11 =	vand.u32 $0xFF, v61;
	v63 =	vshrl.u32 v20, $0x8;
	vm5 =	veq.s32 v62, v12  }
0x264: {  	[tilespmem:v15+s13+$0x0] =	vst.idx.add.s32.msk vm2, v1;
	v12 =	vand.u32 $0xFF, v63  }
0x265: {  	[tilespmem:v15+s15+$0x0] =	vst.idx.add.s32.msk vm2, v13  }
0x266: {  	[tilespmem:v10+s13+$0x0] =	vst.idx.add.s32.msk vm3, v1  }
0x267: {  	[tilespmem:v10+s15+$0x0] =	vst.idx.add.s32.msk vm3, v14  }
0x268: {  	[tilespmem:v11+s13+$0x0] =	vst.idx.add.s32.msk vm4, v1  }
0x269: {  	[tilespmem:v12+s13+$0x0] =	vst.idx.add.s32.msk vm5, v1  }
0x26a: {  	[tilespmem:v11+s15+$0x0] =	vst.idx.add.s32.msk vm4, v17  }
0x26b: {  	[tilespmem:v12+s15+$0x0] =	vst.idx.add.s32.msk vm5, v16  }
0x26c: {  	v10 =	vld [tilespmem:$0x4000];
	_ =	sdelay $0x1  }
0x26d: {  	v11 =	vld [tilespmem:$0x4010];
	_ =	sdelay $0x2  }
0x26e: {  	(xrf0) =	vadd.scan.msk.s32 $0xffff, v10;
	v10 =	vld [tilespmem:$0x4020];
	_ =	sdelay $0x1  }
0x26f: {  	(xrf0) =	vadd.scan.msk.s32 $0xffff, v11  }
0x270: {  	v11 =	vld [tilespmem:$0x4030];
	_ =	sdelay $0x1  }
0x271: {  	(xrf0) =	vadd.scan.msk.s32 $0xffff, v10  }
0x272: {  	v12 =	vld [tilespmem:$0x4040];
	v10, _, _ =	vpop (xrf0)  }
0x273: {  	v17 =	vbroadcast v10, $0xF  }
0x274: {  	(xrf0) =	vadd.scan.msk.s32 $0xffff, v11;
	v18, _, _ =	vpop (xrf0)  }
0x275: {  	v19 =	vld [tilespmem:$0x4050];
	v11 =	vadd.s32 v17, v18  }
0x276: {  	v14 =	vbroadcast v11, $0xF  }
0x277: {  	(xrf0) =	vadd.scan.msk.s32 $0xffff, v12;
	v20, _, _ =	vpop (xrf0)  }
0x278: {  	v21 =	vld [tilespmem:$0x4060];
	v12 =	vadd.s32 v14, v20  }
0x279: {  	v15 =	vbroadcast v12, $0xF  }
0x27a: {  	(v2sf) =	vpush v9, $0x0;
	v9, _, _ =	vpop (xrf0);
	(xrf0) =	vadd.scan.msk.s32 $0xffff, v19  }
0x27b: {  	v22 =	vld [tilespmem:$0x4070];
	v9 =	vadd.s32 v15, v9  }
0x27c: {  	v15 =	vbroadcast v9, $0xF  }
0x27d: {  	v23, _, _ =	vpop (xrf0);
	(xrf0) =	vadd.scan.msk.s32 $0xffff, v21  }
0x27e: {  	v24 =	vld [tilespmem:$0x4080];
	v14 =	vadd.s32 v15, v23  }
0x27f: {  	v16 =	vbroadcast v14, $0xF  }
0x280: {  	v25, _, _ =	vpop (xrf0);
	(xrf0) =	vadd.scan.msk.s32 $0xffff, v22  }
0x281: {  	v26 =	vld [tilespmem:$0x4090];
	v13 =	vadd.s32 v16, v25  }
0x282: {  	v17 =	vbroadcast v13, $0xF  }
0x283: {  	v27, _, _ =	vpop (xrf0);
	(xrf0) =	vadd.scan.msk.s32 $0xffff, v24  }
0x284: {  	v28 =	vld [tilespmem:$0x40A0];
	v15 =	vadd.s32 v17, v27  }
0x285: {  	v18 =	vbroadcast v15, $0xF  }
0x286: {  	v29, _, _ =	vpop (xrf0);
	(xrf0) =	vadd.scan.msk.s32 $0xffff, v26  }
0x287: {  	v30 =	vld [tilespmem:$0x40B0];
	v16 =	vadd.s32 v18, v29  }
0x288: {  	v19 =	vbroadcast v16, $0xF  }
0x289: {  	v31, _, _ =	vpop (xrf0);
	(xrf0) =	vadd.scan.msk.s32 $0xffff, v28  }
0x28a: {  	p0 =	seq.s32 s26, $0x0;
	v33 =	vld [tilespmem:$0x40C0];
	s0 =	spop (v2sf);
	v32 =	vadd.s32 v19, v31  }
0x28b: {  	s0 =	simm.s32 @p0 $0x0;
	v20 =	vbroadcast v32, $0xF  }
0x28c: {  	vm1 =	vmmov vm5;
	s26 =	ssub.s32 s24, s0;
	v34, _, _ =	vpop (xrf0);
	(xrf0) =	vadd.scan.msk.s32 $0xffff, v30  }
0x28d: {  	v36 =	vld [tilespmem:$0x40D0];
	vm1 =	vlt.s32 v10, s26;
	v20 =	vadd.s32 v20, v34  }
0x28e: {  	v35 =	vmpcnt.ones.xlane vm1;
	vm1 =	vlt.s32 v11, s26;
	v38 =	vbroadcast v20, $0xF  }
0x28f: {  	v37 =	vmpcnt.ones.xlane vm1;
	vm1 =	vlt.s32 v12, s26;
	v25, _, _ =	vpop (xrf0);
	(xrf0) =	vadd.scan.msk.s32 $0xffff, v33  }
0x290: {  	v41 =	vld [tilespmem:$0x40E0];
	v24 =	vmpcnt.ones.xlane vm1;
	vm1 =	vlt.s32 v9, s26;
	v40 =	vadd.s32 v38, v25  }
0x291: {  	v39 =	vmpcnt.ones.xlane vm1;
	vm1 =	vlt.s32 v14, s26;
	v42 =	vbroadcast v40, $0xF  }
0x292: {  	v44 =	vmpcnt.ones.xlane vm1;
	vm1 =	vlt.s32 v13, s26;
	v43, _, _ =	vpop (xrf0);
	(xrf0) =	vadd.scan.msk.s32 $0xffff, v36  }
0x293: {  	v45 =	vld [tilespmem:$0x40F0];
	v46 =	vmpcnt.ones.xlane vm1;
	v18 =	vadd.s32 v35, v37;
	v19 =	vadd.s32 v42, v43  }
0x294: {  	vm1 =	vlt.s32 v15, s26;
	v18 =	vadd.s32 v24, v18;
	v26 =	vbroadcast v19, $0xF  }
0x295: {  	v47 =	vmpcnt.ones.xlane vm1;
	vm1 =	vlt.s32 v16, s26;
	v18 =	vadd.s32 v39, v18;
	v27, _, _ =	vpop (xrf0);
	(xrf0) =	vadd.scan.msk.s32 $0xffff, v41  }
0x296: {  	v48 =	vmpcnt.ones.xlane vm1;
	v18 =	vadd.s32 v44, v18;
	v49 =	vadd.s32 v26, v27  }
0x297: {  	v18 =	vadd.s32 v46, v18;
	vm1 =	vlt.s32 v32, s26;
	v50 =	vbroadcast v49, $0xF  }
0x298: {  	v18 =	vadd.s32 v47, v18;
	v52 =	vmpcnt.ones.xlane vm1;
	v51, _, _ =	vpop (xrf0);
	(xrf0) =	vadd.scan.msk.s32 $0xffff, v45  }
0x299: {  	v18 =	vadd.s32 v48, v18;
	vm1 =	vlt.s32 v20, s26;
	v21 =	vadd.s32 v50, v51  }
0x29a: {  	v53 =	vmpcnt.ones.xlane vm1;
	vm1 =	vlt.s32 v40, s26;
	v54 =	vbroadcast v21, $0xF  }
0x29b: {  	v18 =	vadd.s32 v52, v18;
	v56 =	vmpcnt.ones.xlane vm1;
	vm1 =	vlt.s32 v19, s26;
	v55, _, _ =	vpop (xrf0)  }
0x29c: {  	v18 =	vadd.s32 v53, v18;
	v57 =	vmpcnt.ones.xlane vm1;
	v26 =	vadd.s32 v54, v55  }
0x29d: {  	v18 =	vadd.s32 v56, v18;
	vm1 =	vlt.s32 v49, s26;
	v58 =	vbroadcast v26, $0xF  }
0x29e: {  	v18 =	vadd.s32 v57, v18;
	v59 =	vmpcnt.ones.xlane vm1;
	vm1 =	vlt.s32 v21, s26;
	v60, _, _ =	vpop (xrf0)  }
0x29f: {  	v61 =	vmpcnt.ones.xlane vm1;
	vm1 =	vlt.s32 v26, s26;
	v24 =	vadd.s32 v58, v60  }
0x2a0: {  	v18 =	vadd.s32 v59, v18;
	v62 =	vmpcnt.ones.xlane vm1;
	vm1 =	vlt.s32 v24, s26  }
0x2a1: {  	v18 =	vadd.s32 v61, v18;
	v63 =	vmpcnt.ones.xlane vm1  }
0x2a2: {  	v18 =	vadd.s32 v62, v18  }
0x2a3: {  	(v2sf) =	vpush v8, $0x0;
	v8 =	vadd.s32 v63, v18  }
0x2a4: {  	(v2sf) =	vpush v8, $0x0;
	_ =	sdelay $0x9  }
0x2a5: {  	[tilespmem:$0x4000] =	vst v10  }
0x2a6: {  	[tilespmem:$0x4010] =	vst v11  }
0x2a7: {  	[tilespmem:$0x4020] =	vst v12  }
0x2a8: {  	[tilespmem:$0x4030] =	vst v9  }
0x2a9: {  	s23 =	spop (v2sf);
	[tilespmem:$0x4040] =	vst v14  }
0x2aa: {  	[tilespmem:$0x4050] =	vst v13;
	s24 =	spop (v2sf)  }
0x2ab: {  	[tilespmem:$0x4060] =	vst v15;
	s0 =	sadd.s32 $0xFFFFFFFF, s24  }
0x2ac: {  	[tilespmem:$0x4070] =	vst v16;
	p0 =	sgt.s32 s0, $0x0  }
0x2ad: {  	[tilespmem:$0x4080] =	vst v32;
	s0 =	simm.s32 @!p0 $0x0  }
0x2ae: {  	[tilespmem:$0x4090] =	vst v20;
	v9 =	vmov s0  }
0x2af: {  	[tilespmem:$0x40A0] =	vst v40;
	v9 =	vbroadcast v9, $0x0  }
0x2b0: {  	[tilespmem:$0x40B0] =	vst v19;
	v8 =	vbroadcast v8, $0x0  }
0x2b1: {  	[tilespmem:$0x40C0] =	vst v49  }
0x2b2: {  	[tilespmem:$0x40D0] =	vst v21  }
0x2b3: {  	[tilespmem:$0x40E0] =	vst v26  }
0x2b4: {  	[tilespmem:$0x40F0] =	vst v24  }
0x2b5: {  	v9 =	vld.idx.msk [tilespmem:v9+s12+$0x0], $0xffff  }
0x2b6: {  	v10 =	vld.idx.msk [tilespmem:v8+s12+$0x0], $0xffff;
	_ =	sdelay $0x3  }
0x2b7: {  	(v2sf) =	vpush v9, $0x0  }
0x2b8: {  	(v2sf) =	vpush v10, $0x0;
	_ =	sdelay $0xd  }
0x2b9: {  	p0 =	seq.s32 s24, $0x0;
	s28 =	spop (v2sf)  }
0x2ba: {  	s28 =	simm.s32 @p0 $0x0;
	s31 =	spop (v2sf)  }
0x2bb: {  	s0 =	ssub.s32 s31, s28  }
0x2bc: {  	p0 =	sne.s32 s0, $0x1  }
.Ltmp5:
0x2bd: {  	_ = 	snop;
	(pc) =	sbr.rel @p0 .LBB2_9-.Ltmp5, $1  }
0x2be: {  	_ =	sdelay $0x3  }
0x2bf: {  	_ =	sdelay $0x3  }
0x2c0: {  	v9 =	vld.idx.msk [tilespmem:v8+s14+$0x0], $0xffff;
	_ =	sdelay $0x3  }
.Ltmp6:
0x2c1: {  	_ = 	snop;
	(pc) =	sbr.rel .LBB2_15-.Ltmp6, $2  }
0x2c2: {  	_ =	sdelay $0x2  }
0x2c3: {  	v8 =	vld.idx.msk [tilespmem:v9+s2+$0x0], $0xffff  }
.LBB2_9:
0x2c4: {  	[tilespmem:$0x4000] =	vst v0  }
0x2c5: {  	[tilespmem:$0x4010] =	vst v0  }
0x2c6: {  	[tilespmem:$0x4020] =	vst v0  }
0x2c7: {  	[tilespmem:$0x4030] =	vst v0  }
0x2c8: {  	[tilespmem:$0x4040] =	vst v0  }
0x2c9: {  	[tilespmem:$0x4050] =	vst v0  }
0x2ca: {  	[tilespmem:$0x4060] =	vst v0  }
0x2cb: {  	[tilespmem:$0x4070] =	vst v0  }
0x2cc: {  	[tilespmem:$0x4080] =	vst v0  }
0x2cd: {  	[tilespmem:$0x4090] =	vst v0  }
0x2ce: {  	[tilespmem:$0x40A0] =	vst v0  }
0x2cf: {  	[tilespmem:$0x40B0] =	vst v0  }
0x2d0: {  	[tilespmem:$0x40C0] =	vst v0  }
0x2d1: {  	[tilespmem:$0x40D0] =	vst v0  }
0x2d2: {  	[tilespmem:$0x40E0] =	vst v0  }
0x2d3: {  	[tilespmem:$0x40F0] =	vst v0  }
0x2d4: {  	[tilespmem:$0x4200] =	vst v0  }
0x2d5: {  	[tilespmem:$0x4210] =	vst v0  }
0x2d6: {  	[tilespmem:$0x4220] =	vst v0  }
0x2d7: {  	[tilespmem:$0x4230] =	vst v0  }
0x2d8: {  	[tilespmem:$0x4240] =	vst v0  }
0x2d9: {  	[tilespmem:$0x4250] =	vst v0  }
0x2da: {  	[tilespmem:$0x4260] =	vst v0  }
0x2db: {  	[tilespmem:$0x4270] =	vst v0  }
0x2dc: {  	[tilespmem:$0x4280] =	vst v0  }
0x2dd: {  	[tilespmem:$0x4290] =	vst v0  }
0x2de: {  	[tilespmem:$0x42A0] =	vst v0  }
0x2df: {  	[tilespmem:$0x42B0] =	vst v0  }
0x2e0: {  	[tilespmem:$0x42C0] =	vst v0  }
0x2e1: {  	[tilespmem:$0x42D0] =	vst v0  }
0x2e2: {  	[tilespmem:$0x42E0] =	vst v0  }
0x2e3: {  	[tilespmem:$0x42F0] =	vst v0;
	s0 =	simm.s32 $0x20  }
0x2e4: {  	v9 =	vld [tilespmem:s0+$0x10];
	_ =	sdelay $0x1  }
0x2e5: {  	v8 =	vld [tilespmem:s0+$0xFFFFFFF0]  }
0x2e6: {  	s1 =	sshll.u32 s25, $0x8;
	v12 =	vld [tilespmem:s0+$0x0]  }
0x2e7: {  	v13 =	vld [tilespmem:s0+$0xFFFFFFE0];
	s24 =	sor.u32 s1, s24  }
0x2e8: {  	v10 =	vmov s24;
	v11 =	vshrl.u32 v9, $0x8  }
0x2e9: {  	vm3 =	veq.s32 v11, v10  }
0x2ea: {  	v14 =	vshrl.u32 v8, $0x8;
	v11 =	vand.u32 $0xFF, v9  }
0x2eb: {  	v8 =	vand.u32 $0xFF, v8;
	vm1 =	veq.s32 v14, v10;
	v14 =	vshrl.u32 v12, $0x8  }
0x2ec: {  	s25 =	ssub.s32 s26, s28;
	v15 =	vshrl.u32 v13, $0x8;
	v9 =	vand.u32 $0xFF, v12;
	vm2 =	veq.s32 v14, v10  }
0x2ed: {  	s26 =	simm.s32 $0x0;
	s28 =	simm.s32 $0x0;
	s29 =	simm.s32 $0x60;
	v12 =	vand.u32 $0xFF, v13;
	vm4 =	veq.s32 v15, v10;
	vm2 =	vmmov vm2  }
.LBB2_10:
0x2ee: {  	v13 =	vld [tilespmem:s29+$0x10];
	v14 =	vor.u32 s26, v2;
	s0 =	sadd.s32 $0x10, s26;
	s1 =	sadd.s32 $0x20, s26;
	s30 =	sadd.s32 $0x30, s26  }
0x2ef: {  	v15 =	vor.u32 s0, v2;
	v16 =	vor.u32 s1, v2;
	[tilespmem:v11+s12+$0x0] =	vst.idx.add.s32.msk vm3, v1;
	v17 =	vor.u32 s30, v2  }
0x2f0: {  	s28 =	sadd.s32 $0x4, s28;
	[tilespmem:v11+s14+$0x0] =	vst.idx.add.s32.msk vm3, v17  }
0x2f1: {  	p0 =	slt.u32 s28, $0x1FC;
	v11 =	vld [tilespmem:s29+$0xFFFFFFF0]  }
0x2f2: {  	v17 =	vld [tilespmem:s29+$0x0]  }
0x2f3: {  	v18 =	vld [tilespmem:s29+$0xFFFFFFE0]  }
0x2f4: {  	v19 =	vshrl.u32 v13, $0x8;
	[tilespmem:v12+s12+$0x0] =	vst.idx.add.s32.msk vm4, v1  }
.Ltmp7:
0x2f5: {  	vm3 =	veq.s32 v19, v10;
	[tilespmem:v12+s14+$0x0] =	vst.idx.add.s32.msk vm4, v14;
	(pc) =	sbr.rel @p0 .LBB2_10-.Ltmp7, $4  }
0x2f6: {  	v12 =	vshrl.u32 v11, $0x8;
	v14 =	vand.u32 $0xFF, v11;
	v11 =	vand.u32 $0xFF, v13;
	[tilespmem:v8+s12+$0x0] =	vst.idx.add.s32.msk vm1, v1  }
0x2f7: {  	v13 =	vshrl.u32 v17, $0x8;
	v17 =	vand.u32 $0xFF, v17;
	[tilespmem:v8+s14+$0x0] =	vst.idx.add.s32.msk vm1, v15;
	vm1 =	veq.s32 v12, v10;
	v8 =	vmovc v14  }
0x2f8: {  	v14 =	vshrl.u32 v18, $0x8;
	v12 =	vand.u32 $0xFF, v18;
	vm5 =	veq.s32 v13, v10;
	[tilespmem:v9+s12+$0x0] =	vst.idx.add.s32.msk vm2, v1  }
0x2f9: {  	s26 =	sadd.s32 $0x40, s26;
	s29 =	sadd.s32 $0x40, s29;
	vm4 =	veq.s32 v14, v10;
	[tilespmem:v9+s14+$0x0] =	vst.idx.add.s32.msk vm2, v16;
	v9 =	vmov v17;
	vm2 =	vmmov vm5  }
0x2fa: {  	_ =	sdelay $0x4  }
0x2fb: {  	[tilespmem:v11+s12+$0x0] =	vst.idx.add.s32.msk vm3, v1  }
0x2fc: {  	[tilespmem:v12+s12+$0x0] =	vst.idx.add.s32.msk vm4, v1  }
0x2fd: {  	s0 =	sadd.s32 $0x30, s26;
	[tilespmem:v8+s12+$0x0] =	vst.idx.add.s32.msk vm1, v1  }
0x2fe: {  	[tilespmem:v9+s12+$0x0] =	vst.idx.add.s32.msk vm2, v1;
	v10 =	vor.u32 s0, v2  }
0x2ff: {  	s28 =	sadd.s32 $0x10, s26;
	[tilespmem:v11+s14+$0x0] =	vst.idx.add.s32.msk vm3, v10;
	v10 =	vor.u32 s26, v2  }
0x300: {  	s29 =	sadd.s32 $0x20, s26;
	[tilespmem:v12+s14+$0x0] =	vst.idx.add.s32.msk vm4, v10;
	v10 =	vor.u32 s28, v2  }
0x301: {  	[tilespmem:v8+s14+$0x0] =	vst.idx.add.s32.msk vm1, v10;
	v8 =	vor.u32 s29, v2  }
0x302: {  	[tilespmem:v9+s14+$0x0] =	vst.idx.add.s32.msk vm2, v8  }
0x303: {  	v8 =	vld [tilespmem:$0x4000];
	_ =	sdelay $0x1  }
0x304: {  	v9 =	vld [tilespmem:$0x4010];
	_ =	sdelay $0x2  }
0x305: {  	(xrf0) =	vadd.scan.msk.s32 $0xffff, v8;
	v8 =	vld [tilespmem:$0x4020];
	_ =	sdelay $0x1  }
0x306: {  	(xrf0) =	vadd.scan.msk.s32 $0xffff, v9  }
0x307: {  	v9 =	vld [tilespmem:$0x4030];
	_ =	sdelay $0x1  }
0x308: {  	(xrf0) =	vadd.scan.msk.s32 $0xffff, v8  }
0x309: {  	v10 =	vld [tilespmem:$0x4040];
	v8, _, _ =	vpop (xrf0)  }
0x30a: {  	v11 =	vbroadcast v8, $0xF  }
0x30b: {  	(xrf0) =	vadd.scan.msk.s32 $0xffff, v9;
	v25, _, _ =	vpop (xrf0)  }
0x30c: {  	v9 =	vadd.s32 v11, v25;
	v11 =	vld [tilespmem:$0x4050]  }
0x30d: {  	v12 =	vbroadcast v9, $0xF  }
0x30e: {  	(xrf0) =	vadd.scan.msk.s32 $0xffff, v10;
	v13, _, _ =	vpop (xrf0)  }
0x30f: {  	v26 =	vld [tilespmem:$0x4060];
	v10 =	vadd.s32 v12, v13  }
0x310: {  	v13 =	vbroadcast v10, $0xF  }
0x311: {  	v14, _, _ =	vpop (xrf0);
	(xrf0) =	vadd.scan.msk.s32 $0xffff, v11  }
0x312: {  	v27 =	vld [tilespmem:$0x4070];
	v11 =	vadd.s32 v13, v14  }
0x313: {  	v14 =	vbroadcast v11, $0xF  }
0x314: {  	v15, _, _ =	vpop (xrf0);
	(xrf0) =	vadd.scan.msk.s32 $0xffff, v26  }
0x315: {  	v28 =	vld [tilespmem:$0x4080];
	v12 =	vadd.s32 v14, v15  }
0x316: {  	v15 =	vbroadcast v12, $0xF  }
0x317: {  	v16, _, _ =	vpop (xrf0);
	(xrf0) =	vadd.scan.msk.s32 $0xffff, v27  }
0x318: {  	v30 =	vld [tilespmem:$0x4090];
	v29 =	vadd.s32 v15, v16  }
0x319: {  	v16 =	vbroadcast v29, $0xF  }
0x31a: {  	v17, _, _ =	vpop (xrf0);
	(xrf0) =	vadd.scan.msk.s32 $0xffff, v28  }
0x31b: {  	v32 =	vld [tilespmem:$0x40A0];
	v31 =	vadd.s32 v16, v17  }
0x31c: {  	v17 =	vbroadcast v31, $0xF  }
0x31d: {  	v18, _, _ =	vpop (xrf0);
	(xrf0) =	vadd.scan.msk.s32 $0xffff, v30  }
0x31e: {  	v34 =	vld [tilespmem:$0x40B0];
	v33 =	vadd.s32 v17, v18  }
0x31f: {  	v18 =	vbroadcast v33, $0xF  }
0x320: {  	v19, _, _ =	vpop (xrf0);
	(xrf0) =	vadd.scan.msk.s32 $0xffff, v32  }
0x321: {  	v36 =	vld [tilespmem:$0x40C0];
	v35 =	vadd.s32 v18, v19  }
0x322: {  	v19 =	vbroadcast v35, $0xF  }
0x323: {  	v20, _, _ =	vpop (xrf0);
	(xrf0) =	vadd.scan.msk.s32 $0xffff, v34  }
0x324: {  	v38 =	vld [tilespmem:$0x40D0];
	vm1 =	vlt.s32 v8, s25;
	v19 =	vadd.s32 v19, v20  }
0x325: {  	v37 =	vmpcnt.ones.xlane vm1;
	vm1 =	vlt.s32 v9, s25;
	v22 =	vbroadcast v19, $0xF  }
0x326: {  	v21 =	vmpcnt.ones.xlane vm1;
	vm1 =	vlt.s32 v10, s25;
	v24, _, _ =	vpop (xrf0);
	(xrf0) =	vadd.scan.msk.s32 $0xffff, v36  }
0x327: {  	v41 =	vld [tilespmem:$0x40E0];
	v23 =	vmpcnt.ones.xlane vm1;
	vm1 =	vlt.s32 v11, s25;
	v40 =	vadd.s32 v22, v24  }
0x328: {  	v39 =	vmpcnt.ones.xlane vm1;
	vm1 =	vlt.s32 v12, s25;
	v42 =	vbroadcast v40, $0xF  }
0x329: {  	v44 =	vmpcnt.ones.xlane vm1;
	vm1 =	vlt.s32 v29, s25;
	v43, _, _ =	vpop (xrf0);
	(xrf0) =	vadd.scan.msk.s32 $0xffff, v38  }
0x32a: {  	v45 =	vld [tilespmem:$0x40F0];
	v46 =	vmpcnt.ones.xlane vm1;
	v17 =	vadd.s32 v37, v21;
	v18 =	vadd.s32 v42, v43  }
0x32b: {  	vm1 =	vlt.s32 v31, s25;
	v17 =	vadd.s32 v23, v17;
	v25 =	vbroadcast v18, $0xF  }
0x32c: {  	v47 =	vmpcnt.ones.xlane vm1;
	vm1 =	vlt.s32 v33, s25;
	v17 =	vadd.s32 v39, v17;
	v26, _, _ =	vpop (xrf0);
	(xrf0) =	vadd.scan.msk.s32 $0xffff, v41  }
0x32d: {  	v48 =	vmpcnt.ones.xlane vm1;
	v17 =	vadd.s32 v44, v17;
	v49 =	vadd.s32 v25, v26  }
0x32e: {  	v17 =	vadd.s32 v46, v17;
	vm1 =	vlt.s32 v35, s25;
	v50 =	vbroadcast v49, $0xF  }
0x32f: {  	v17 =	vadd.s32 v47, v17;
	v52 =	vmpcnt.ones.xlane vm1;
	v51, _, _ =	vpop (xrf0);
	(xrf0) =	vadd.scan.msk.s32 $0xffff, v45  }
0x330: {  	v17 =	vadd.s32 v48, v17;
	vm1 =	vlt.s32 v19, s25;
	v20 =	vadd.s32 v50, v51  }
0x331: {  	v53 =	vmpcnt.ones.xlane vm1;
	vm1 =	vlt.s32 v40, s25;
	v54 =	vbroadcast v20, $0xF  }
0x332: {  	v17 =	vadd.s32 v52, v17;
	v56 =	vmpcnt.ones.xlane vm1;
	vm1 =	vlt.s32 v18, s25;
	v55, _, _ =	vpop (xrf0)  }
0x333: {  	v17 =	vadd.s32 v53, v17;
	v57 =	vmpcnt.ones.xlane vm1;
	v25 =	vadd.s32 v54, v55  }
0x334: {  	v17 =	vadd.s32 v56, v17;
	vm1 =	vlt.s32 v49, s25;
	v58 =	vbroadcast v25, $0xF  }
0x335: {  	v17 =	vadd.s32 v57, v17;
	v59 =	vmpcnt.ones.xlane vm1;
	vm1 =	vlt.s32 v20, s25;
	v60, _, _ =	vpop (xrf0)  }
0x336: {  	v61 =	vmpcnt.ones.xlane vm1;
	vm1 =	vlt.s32 v25, s25;
	v23 =	vadd.s32 v58, v60  }
0x337: {  	v17 =	vadd.s32 v59, v17;
	v62 =	vmpcnt.ones.xlane vm1;
	vm1 =	vlt.s32 v23, s25  }
0x338: {  	v17 =	vadd.s32 v61, v17;
	v63 =	vmpcnt.ones.xlane vm1  }
0x339: {  	v17 =	vadd.s32 v62, v17  }
0x33a: {  	v17 =	vadd.s32 v63, v17  }
0x33b: {  	(v2sf) =	vpush v17, $0x0;
	_ =	sdelay $0x9  }
0x33c: {  	[tilespmem:$0x4000] =	vst v8  }
0x33d: {  	[tilespmem:$0x4010] =	vst v9  }
0x33e: {  	[tilespmem:$0x4020] =	vst v10  }
0x33f: {  	[tilespmem:$0x4030] =	vst v11  }
0x340: {  	[tilespmem:$0x4040] =	vst v12  }
0x341: {  	[tilespmem:$0x4050] =	vst v29;
	s30 =	spop (v2sf)  }
0x342: {  	[tilespmem:$0x4060] =	vst v31;
	s1 =	sadd.s32 $0xFFFFFFFF, s30  }
0x343: {  	[tilespmem:$0x4070] =	vst v33;
	p0 =	sgt.s32 s1, $0x0  }
0x344: {  	[tilespmem:$0x4080] =	vst v35;
	s1 =	simm.s32 @!p0 $0x0  }
0x345: {  	[tilespmem:$0x4090] =	vst v19;
	v8 =	vmov s1  }
0x346: {  	[tilespmem:$0x40A0] =	vst v40;
	v8 =	vbroadcast v8, $0x0  }
0x347: {  	[tilespmem:$0x40B0] =	vst v18;
	v9 =	vbroadcast v17, $0x0  }
0x348: {  	[tilespmem:$0x40C0] =	vst v49  }
0x349: {  	[tilespmem:$0x40D0] =	vst v20  }
0x34a: {  	[tilespmem:$0x40E0] =	vst v25  }
0x34b: {  	[tilespmem:$0x40F0] =	vst v23  }
0x34c: {  	v8 =	vld.idx.msk [tilespmem:v8+s12+$0x0], $0xffff  }
0x34d: {  	v10 =	vld.idx.msk [tilespmem:v9+s12+$0x0], $0xffff;
	_ =	sdelay $0x3  }
0x34e: {  	(v2sf) =	vpush v8, $0x0  }
0x34f: {  	(v2sf) =	vpush v10, $0x0;
	_ =	sdelay $0xd  }
0x350: {  	p0 =	seq.s32 s30, $0x0;
	s26 =	spop (v2sf)  }
0x351: {  	s26 =	simm.s32 @p0 $0x0;
	s31 =	spop (v2sf)  }
0x352: {  	s1 =	ssub.s32 s31, s26  }
0x353: {  	p0 =	seq.s32 s1, $0x1  }
.Ltmp8:
0x354: {  	_ = 	snop;
	(pc) =	sbr.rel @!p0 .LBB2_12-.Ltmp8, $4  }
0x355: {  	_ = 	snop  }
0x356: {  	s24 =	sshll.u32 s24, $0x8  }
0x357: {  	s0 =	sor.u32 s24, s30  }
0x358: {  	v8 =	vmov s0  }
.Ltmp9:
0x359: {  	_ = 	snop;
	(pc) =	sbr.rel .LBB2_15-.Ltmp9, $2  }
0x35a: {  	_ =	sdelay $0x2  }
0x35b: {  	v9 =	vld.idx.msk [tilespmem:v9+s14+$0x0], $0xffff  }
.LBB2_12:
0x35c: {  	s1 =	simm.s32 $0x20  }
0x35d: {  	v10 =	vld [tilespmem:s1+$0xFFFFFFE0]  }
0x35e: {  	v11 =	vld [tilespmem:s1+$0x0]  }
0x35f: {  	v12 =	vld [tilespmem:s1+$0x10]  }
0x360: {  	v14 =	vld [tilespmem:s1+$0xFFFFFFF0];
	_ =	sdelay $0x1  }
0x361: {  	vm4 =	veq.s32 v10, v8  }
0x362: {  	vm3 =	veq.s32 v11, v8;
	v10 =	vsel vm4, $0x1, v0  }
0x363: {  	vm1 =	veq.s32 v12, v8;
	(xrf0) =	vadd.scan.msk.s32 $0xffff, v10;
	v10 =	vsel vm3, $0x1, v0  }
0x364: {  	vm2 =	veq.s32 v14, v8;
	v11 =	vsel vm1, $0x1, v0;
	(xrf0) =	vadd.scan.msk.s32 $0xffff, v10  }
0x365: {  	v10 =	vsel vm2, $0x1, v0;
	(xrf0) =	vadd.scan.msk.s32 $0xffff, v11  }
0x366: {  	(xrf0) =	vadd.scan.msk.s32 $0xffff, v10;
	v10 =	vmpcnt.ones.xlane vm4  }
0x367: {  	v13 =	vimm.s32 $0x0;
	v11 =	vmpcnt.ones.xlane vm2  }
0x368: {  	s0 =	ssub.s32 s25, s26;
	s26 =	simm.s32 $0x60;
	v12 =	vadd.s32 v13, v10  }
0x369: {  	v15 =	vld [tilespmem:s26+$0xFFFFFFE0];
	v18 =	vmpcnt.ones.xlane vm1;
	v11 =	vadd.s32 v12, v11  }
0x36a: {  	s24 =	simm.s32 $0x0;
	s1 =	simm.s32 $0x10;
	v10 =	vmpcnt.ones.xlane vm3;
	v14, _, _ =	vpop (xrf0)  }
0x36b: {  	v9 =	vmov s0;
	v21 =	vor.u32 s24, v2;
	v17 =	vor.u32 s1, v2;
	v19, _, _ =	vpop (xrf0)  }
0x36c: {  	v20 =	vld [tilespmem:s26+$0x0];
	vm6 =	vmmov vm4;
	v10 =	vadd.s32 v11, v10;
	v19 =	vadd.s32 v11, v19;
	v11, _, _ =	vpop (xrf0)  }
0x36d: {  	v16 =	vld [tilespmem:s26+$0x10];
	vm4 =	veq.s32 v19, v9;
	v11 =	vadd.s32 v10, v11;
	v10 =	vadd.s32 v10, v18;
	v18, _, _ =	vpop (xrf0)  }
0x36e: {  	v19 =	vld [tilespmem:s26+$0xFFFFFFF0];
	vm7 =	vmand vm3, vm4;
	vm4 =	veq.s32 v15, v8;
	v12 =	vadd.s32 v12, v18  }
0x36f: {  	vm3 =	veq.s32 v11, v9;
	v11 =	vsel vm4, $0x1, v0;
	vm8 =	veq.s32 v12, v9  }
0x370: {  	vm5 =	vmand vm1, vm3;
	v12 =	vmpcnt.ones.xlane vm4;
	(xrf0) =	vadd.scan.msk.s32 $0xffff, v11;
	v11 =	vadd.s32 v13, v14  }
0x371: {  	vm8 =	vmand vm2, vm8;
	vm2 =	veq.s32 v20, v8;
	vm9 =	veq.s32 v11, v9  }
0x372: {  	vm1 =	veq.s32 v16, v8;
	v14 =	vsel vm2, $0x1, v0;
	vm6 =	vmand vm6, vm9  }
0x373: {  	v15 =	vsel vm1, $0x1, v0;
	vm3 =	veq.s32 v19, v8;
	v18 =	vnsel vm6, $0x0, v21;
	(xrf0) =	vadd.scan.msk.s32 $0xffff, v14  }
0x374: {  	s30 =	simm.s32 $0x20;
	v11 =	vadd.s32 v10, v12;
	v16 =	vsel vm3, $0x1, v0;
	v13 =	vadd.s32 v13, v18;
	(xrf0) =	vadd.scan.msk.s32 $0xffff, v15  }
0x375: {  	s31 =	simm.s32 $0x30;
	v12 =	vmpcnt.ones.xlane vm2;
	v14 =	vnsel vm8, $0x0, v17;
	v17 =	vor.u32 s30, v2;
	(xrf0) =	vadd.scan.msk.s32 $0xffff, v16  }
0x376: {  	s25 =	simm.s32 $0x50;
	s28 =	simm.s32 $0x80;
	v17 =	vnsel vm7, $0x0, v17;
	v18 =	vor.u32 s31, v2;
	v15 =	vadd.s32 v14, v13  }
0x377: {  	s29 =	simm.s32 $0xA0;
	s24 =	simm.s32 $0x40;
	s26 =	simm.s32 $0x4;
	v14 =	vmpcnt.ones.xlane vm3;
	v16 =	vnsel vm5, $0x0, v18;
	v15 =	vadd.s32 v17, v15;
	v13, _, _ =	vpop (xrf0)  }
.LBB2_13:
0x378: {  	v17 =	vld [tilespmem:s29+$0xFFFFFFE0];
	s0 =	sadd.s32 $0x10, s28;
	s26 =	sadd.s32 $0x4, s26;
	v15 =	vadd.s32 v16, v15;
	vm5 =	vmmov vm4  }
0x379: {  	v18 =	vor.u32 s25, v2;
	v24 =	vmpcnt.ones.xlane vm1;
	v16 =	vld [tilespmem:s29+$0x10];
	p0 =	slt.u32 s26, $0x1FC;
	v23 =	vadd.s32 v11, v14;
	v20, _, _ =	vpop (xrf0);
	s25 =	smov.u32 s0  }
0x37a: {  	v22 =	vor.u32 s24, v2;
	v21 =	vld [tilespmem:s29+$0x0];
	v20 =	vadd.s32 v23, v20;
	v12 =	vadd.s32 v23, v12;
	v14, _, _ =	vpop (xrf0)  }
0x37b: {  	v23 =	vld [tilespmem:s29+$0xFFFFFFF0];
	vm4 =	veq.s32 v20, v9;
	v14 =	vadd.s32 v12, v14;
	v12 =	vadd.s32 v12, v24;
	v19, _, _ =	vpop (xrf0)  }
0x37c: {  	v11 =	vadd.s32 v11, v19;
	vm7 =	vmand vm2, vm4;
	vm2 =	veq.s32 v14, v9  }
0x37d: {  	vm4 =	veq.s32 v17, v8;
	vm8 =	veq.s32 v11, v9;
	vm6 =	vmand vm1, vm2  }
0x37e: {  	v11 =	vsel vm4, $0x1, v0;
	v14 =	vmpcnt.ones.xlane vm4;
	vm8 =	vmand vm3, vm8  }
0x37f: {  	vm1 =	veq.s32 v16, v8;
	vm2 =	veq.s32 v21, v8;
	(xrf0) =	vadd.scan.msk.s32 $0xffff, v11;
	v11 =	vadd.s32 v10, v13  }
0x380: {  	v16 =	vsel vm1, $0x1, v0;
	v10 =	vmovc v12;
	v13 =	vsel vm2, $0x1, v0;
	vm9 =	veq.s32 v11, v9  }
.Ltmp10:
0x381: {  	v11 =	vadd.s32 v12, v14;
	vm3 =	veq.s32 v23, v8;
	(xrf0) =	vadd.scan.msk.s32 $0xffff, v13;
	vm5 =	vmand vm5, vm9;
	(pc) =	sbr.rel @p0 .LBB2_13-.Ltmp10, $4  }
0x382: {  	s0 =	sadd.s32 $0x20, s24;
	v12 =	vmpcnt.ones.xlane vm2;
	v13 =	vsel vm3, $0x1, v0;
	(xrf0) =	vadd.scan.msk.s32 $0xffff, v16;
	v14 =	vnsel vm5, $0x0, v22  }
0x383: {  	(xrf0) =	vadd.scan.msk.s32 $0xffff, v13;
	v19 =	vadd.s32 v15, v14;
	v14 =	vnsel vm8, $0x0, v18;
	v15 =	vor.u32 s0, v2;
	s0 =	sadd.s32 $0x30, s24;
	s24 =	smov.u32 s28  }
0x384: {  	v16 =	vadd.s32 v14, v19;
	v15 =	vnsel vm7, $0x0, v15;
	v17 =	vor.u32 s0, v2  }
0x385: {  	s29 =	sadd.s32 $0x40, s29;
	s28 =	sadd.s32 $0x40, s28;
	v14 =	vmpcnt.ones.xlane vm3;
	v13, _, _ =	vpop (xrf0);
	v15 =	vadd.s32 v15, v16;
	v16 =	vnsel vm6, $0x0, v17  }
0x386: {  	v15 =	vadd.s32 v16, v15  }
0x387: {  	vm4 =	vmmov vm4;
	v61 =	vor.u32 s25, v2;
	v10 =	vadd.s32 v10, v13;
	v17, _, _ =	vpop (xrf0)  }
0x388: {  	v18 =	vor.u32 s24, v2;
	v14 =	vadd.s32 v11, v14;
	vm14 =	veq.s32 v10, v9;
	v62, _, _ =	vpop (xrf0)  }
0x389: {  	v17 =	vadd.s32 v14, v17;
	v12 =	vadd.s32 v14, v12;
	vm4 =	vmand vm4, vm14;
	v63, _, _ =	vpop (xrf0)  }
0x38a: {  	vm5 =	veq.s32 v17, v9;
	v12 =	vadd.s32 v12, v62;
	v11 =	vadd.s32 v11, v63  }
0x38b: {  	vm2 =	vmand vm2, vm5;
	vm6 =	veq.s32 v12, v9;
	vm15 =	veq.s32 v11, v9  }
0x38c: {  	s0 =	sadd.s32 $0x20, s24;
	vm1 =	vmand vm1, vm6;
	v9 =	vnsel vm4, $0x0, v18;
	vm3 =	vmand vm3, vm15  }
0x38d: {  	s31 =	sadd.s32 $0x30, s24;
	v11 =	vor.u32 s0, v2;
	v9 =	vadd.s32 v15, v9;
	v10 =	vnsel vm3, $0x0, v61  }
0x38e: {  	v9 =	vadd.s32 v10, v9;
	v10 =	vnsel vm2, $0x0, v11;
	v11 =	vor.u32 s31, v2  }
0x38f: {  	v9 =	vadd.s32 v10, v9;
	v10 =	vnsel vm1, $0x0, v11  }
0x390: {  	v9 =	vadd.s32 v10, v9  }
0x391: {  	[tilespmem:$0x4400] =	vst v9  }
0x392: {  	v10 =	vld.idx.msk [tilespmem:v4+s18+$0x0], $0xffff;
	_ =	sdelay $0x4  }
0x393: {  	v9 =	vadd.s32 v9, v10  }
0x394: {  	[tilespmem:$0x4400] =	vst v9  }
0x395: {  	v10 =	vld.idx.msk [tilespmem:v5+s18+$0x0], $0xffff;
	_ =	sdelay $0x4  }
0x396: {  	v9 =	vadd.s32 v9, v10  }
0x397: {  	[tilespmem:$0x4400] =	vst v9  }
0x398: {  	v10 =	vld.idx.msk [tilespmem:v6+s18+$0x0], $0xffff;
	_ =	sdelay $0x4  }
0x399: {  	v9 =	vadd.s32 v9, v10  }
0x39a: {  	[tilespmem:$0x4400] =	vst v9  }
0x39b: {  	v10 =	vld.idx.msk [tilespmem:v7+s18+$0x0], $0xffff;
	_ =	sdelay $0x4  }
0x39c: {  	v9 =	vadd.s32 v9, v10  }
.LBB2_15:
0x39d: {  	v10 =	vld [tilespmem:$0x4100];
	_ =	sdelay $0x1  }
0x39e: {  	v11 =	vld [tilespmem:$0x4110];
	_ =	sdelay $0x2  }
0x39f: {  	(xrf0) =	vadd.scan.msk.s32 $0xffff, v10;
	v10 =	vld [tilespmem:$0x4120];
	_ =	sdelay $0x1  }
0x3a0: {  	(xrf0) =	vadd.scan.msk.s32 $0xffff, v11  }
0x3a1: {  	v11 =	vld [tilespmem:$0x4130];
	_ =	sdelay $0x1  }
0x3a2: {  	(xrf0) =	vadd.scan.msk.s32 $0xffff, v10  }
0x3a3: {  	v12 =	vld [tilespmem:$0x4140];
	v10, _, _ =	vpop (xrf0)  }
0x3a4: {  	v13 =	vbroadcast v10, $0xF  }
0x3a5: {  	(xrf0) =	vadd.scan.msk.s32 $0xffff, v11;
	v14, _, _ =	vpop (xrf0)  }
0x3a6: {  	v27 =	vld [tilespmem:$0x4150];
	v11 =	vadd.s32 v13, v14  }
0x3a7: {  	v14 =	vbroadcast v11, $0xF  }
0x3a8: {  	(xrf0) =	vadd.scan.msk.s32 $0xffff, v12;
	v15, _, _ =	vpop (xrf0)  }
0x3a9: {  	v28 =	vld [tilespmem:$0x4160];
	v12 =	vadd.s32 v14, v15  }
0x3aa: {  	v15 =	vbroadcast v12, $0xF  }
0x3ab: {  	v16, _, _ =	vpop (xrf0);
	(xrf0) =	vadd.scan.msk.s32 $0xffff, v27  }
0x3ac: {  	v29 =	vld [tilespmem:$0x4170];
	v13 =	vadd.s32 v15, v16  }
0x3ad: {  	v16 =	vbroadcast v13, $0xF  }
0x3ae: {  	v17, _, _ =	vpop (xrf0);
	(xrf0) =	vadd.scan.msk.s32 $0xffff, v28  }
0x3af: {  	v30 =	vld [tilespmem:$0x4180];
	v14 =	vadd.s32 v16, v17  }
0x3b0: {  	v17 =	vbroadcast v14, $0xF  }
0x3b1: {  	v18, _, _ =	vpop (xrf0);
	(xrf0) =	vadd.scan.msk.s32 $0xffff, v29  }
0x3b2: {  	v31 =	vld [tilespmem:$0x4190];
	v15 =	vadd.s32 v17, v18  }
0x3b3: {  	v18 =	vbroadcast v15, $0xF  }
0x3b4: {  	v19, _, _ =	vpop (xrf0);
	(xrf0) =	vadd.scan.msk.s32 $0xffff, v30  }
0x3b5: {  	v32 =	vld [tilespmem:$0x41A0];
	v16 =	vadd.s32 v18, v19  }
0x3b6: {  	v19 =	vbroadcast v16, $0xF  }
0x3b7: {  	v20, _, _ =	vpop (xrf0);
	(xrf0) =	vadd.scan.msk.s32 $0xffff, v31  }
0x3b8: {  	v34 =	vld [tilespmem:$0x41B0];
	v33 =	vadd.s32 v19, v20  }
0x3b9: {  	v20 =	vbroadcast v33, $0xF  }
0x3ba: {  	v21, _, _ =	vpop (xrf0);
	(xrf0) =	vadd.scan.msk.s32 $0xffff, v32  }
0x3bb: {  	p0 =	seq.s32 s22, $0x0;
	v36 =	vld [tilespmem:$0x41C0];
	v35 =	vadd.s32 v20, v21  }
0x3bc: {  	s23 =	simm.s32 @p0 $0x0;
	v21 =	vbroadcast v35, $0xF  }
0x3bd: {  	s22 =	ssub.s32 s20, s23;
	v22, _, _ =	vpop (xrf0);
	(xrf0) =	vadd.scan.msk.s32 $0xffff, v34  }
0x3be: {  	v38 =	vld [tilespmem:$0x41D0];
	vm1 =	vlt.s32 v10, s22;
	v21 =	vadd.s32 v21, v22  }
0x3bf: {  	v37 =	vmpcnt.ones.xlane vm1;
	vm1 =	vlt.s32 v11, s22;
	v24 =	vbroadcast v21, $0xF  }
0x3c0: {  	v23 =	vmpcnt.ones.xlane vm1;
	vm1 =	vlt.s32 v12, s22;
	v26, _, _ =	vpop (xrf0);
	(xrf0) =	vadd.scan.msk.s32 $0xffff, v36  }
0x3c1: {  	v41 =	vld [tilespmem:$0x41E0];
	v25 =	vmpcnt.ones.xlane vm1;
	vm1 =	vlt.s32 v13, s22;
	v40 =	vadd.s32 v24, v26  }
0x3c2: {  	v39 =	vmpcnt.ones.xlane vm1;
	vm1 =	vlt.s32 v14, s22;
	v42 =	vbroadcast v40, $0xF  }
0x3c3: {  	v44 =	vmpcnt.ones.xlane vm1;
	vm1 =	vlt.s32 v15, s22;
	v43, _, _ =	vpop (xrf0);
	(xrf0) =	vadd.scan.msk.s32 $0xffff, v38  }
0x3c4: {  	v45 =	vld [tilespmem:$0x41F0];
	v46 =	vmpcnt.ones.xlane vm1;
	v19 =	vadd.s32 v37, v23;
	v20 =	vadd.s32 v42, v43  }
0x3c5: {  	vm1 =	vlt.s32 v16, s22;
	v19 =	vadd.s32 v25, v19;
	v27 =	vbroadcast v20, $0xF  }
0x3c6: {  	v47 =	vmpcnt.ones.xlane vm1;
	vm1 =	vlt.s32 v33, s22;
	v19 =	vadd.s32 v39, v19;
	v28, _, _ =	vpop (xrf0);
	(xrf0) =	vadd.scan.msk.s32 $0xffff, v41  }
0x3c7: {  	v48 =	vmpcnt.ones.xlane vm1;
	v19 =	vadd.s32 v44, v19;
	v49 =	vadd.s32 v27, v28  }
0x3c8: {  	v19 =	vadd.s32 v46, v19;
	vm1 =	vlt.s32 v35, s22;
	v50 =	vbroadcast v49, $0xF  }
0x3c9: {  	v19 =	vadd.s32 v47, v19;
	v52 =	vmpcnt.ones.xlane vm1;
	v51, _, _ =	vpop (xrf0);
	(xrf0) =	vadd.scan.msk.s32 $0xffff, v45  }
0x3ca: {  	v19 =	vadd.s32 v48, v19;
	vm1 =	vlt.s32 v21, s22;
	v22 =	vadd.s32 v50, v51  }
0x3cb: {  	v53 =	vmpcnt.ones.xlane vm1;
	vm1 =	vlt.s32 v40, s22;
	v54 =	vbroadcast v22, $0xF  }
0x3cc: {  	v19 =	vadd.s32 v52, v19;
	v56 =	vmpcnt.ones.xlane vm1;
	vm1 =	vlt.s32 v20, s22;
	v55, _, _ =	vpop (xrf0)  }
0x3cd: {  	v19 =	vadd.s32 v53, v19;
	v57 =	vmpcnt.ones.xlane vm1;
	v27 =	vadd.s32 v54, v55  }
0x3ce: {  	v19 =	vadd.s32 v56, v19;
	vm1 =	vlt.s32 v49, s22;
	v58 =	vbroadcast v27, $0xF  }
0x3cf: {  	v19 =	vadd.s32 v57, v19;
	v59 =	vmpcnt.ones.xlane vm1;
	vm1 =	vlt.s32 v22, s22;
	v60, _, _ =	vpop (xrf0)  }
0x3d0: {  	v61 =	vmpcnt.ones.xlane vm1;
	vm1 =	vlt.s32 v27, s22;
	v25 =	vadd.s32 v58, v60  }
0x3d1: {  	v19 =	vadd.s32 v59, v19;
	v62 =	vmpcnt.ones.xlane vm1;
	vm1 =	vlt.s32 v25, s22  }
0x3d2: {  	v19 =	vadd.s32 v61, v19;
	v63 =	vmpcnt.ones.xlane vm1  }
0x3d3: {  	v19 =	vadd.s32 v62, v19  }
0x3d4: {  	v19 =	vadd.s32 v63, v19  }
0x3d5: {  	(v2sf) =	vpush v19, $0x0;
	_ =	sdelay $0x9  }
0x3d6: {  	[tilespmem:$0x4100] =	vst v10  }
0x3d7: {  	[tilespmem:$0x4110] =	vst v11  }
0x3d8: {  	[tilespmem:$0x4120] =	vst v12  }
0x3d9: {  	[tilespmem:$0x4130] =	vst v13  }
0x3da: {  	[tilespmem:$0x4140] =	vst v14  }
0x3db: {  	[tilespmem:$0x4150] =	vst v15;
	s20 =	spop (v2sf)  }
0x3dc: {  	[tilespmem:$0x4160] =	vst v16;
	s0 =	sadd.s32 $0xFFFFFFFF, s20  }
0x3dd: {  	[tilespmem:$0x4170] =	vst v33;
	p0 =	sgt.s32 s0, $0x0  }
0x3de: {  	[tilespmem:$0x4180] =	vst v35;
	s0 =	simm.s32 @!p0 $0x0  }
0x3df: {  	[tilespmem:$0x4190] =	vst v21;
	v10 =	vmov s0  }
0x3e0: {  	[tilespmem:$0x41A0] =	vst v40;
	v11 =	vbroadcast v10, $0x0  }
0x3e1: {  	[tilespmem:$0x41B0] =	vst v20;
	v10 =	vbroadcast v19, $0x0  }
0x3e2: {  	[tilespmem:$0x41C0] =	vst v49  }
0x3e3: {  	[tilespmem:$0x41D0] =	vst v22  }
0x3e4: {  	[tilespmem:$0x41E0] =	vst v27  }
0x3e5: {  	[tilespmem:$0x41F0] =	vst v25  }
0x3e6: {  	v11 =	vld.idx.msk [tilespmem:v11+s13+$0x0], $0xffff  }
0x3e7: {  	v12 =	vld.idx.msk [tilespmem:v10+s13+$0x0], $0xffff;
	_ =	sdelay $0x3  }
0x3e8: {  	(v2sf) =	vpush v11, $0x0  }
0x3e9: {  	(v2sf) =	vpush v12, $0x0;
	_ =	sdelay $0xd  }
0x3ea: {  	p0 =	seq.s32 s20, $0x0;
	s23 =	spop (v2sf)  }
0x3eb: {  	s23 =	simm.s32 @p0 $0x0;
	s31 =	spop (v2sf)  }
0x3ec: {  	s0 =	ssub.s32 s31, s23  }
0x3ed: {  	p0 =	sne.s32 s0, $0x1  }
.Ltmp11:
0x3ee: {  	_ = 	snop;
	(pc) =	sbr.rel @!p0 .LBB2_16-.Ltmp11, $1  }
0x3ef: {  	_ =	sdelay $0x3  }
0x3f0: {  	[tilespmem:$0x4100] =	vst v0  }
0x3f1: {  	[tilespmem:$0x4110] =	vst v0  }
0x3f2: {  	[tilespmem:$0x4120] =	vst v0  }
0x3f3: {  	[tilespmem:$0x4130] =	vst v0  }
0x3f4: {  	[tilespmem:$0x4140] =	vst v0  }
0x3f5: {  	[tilespmem:$0x4150] =	vst v0  }
0x3f6: {  	[tilespmem:$0x4160] =	vst v0  }
0x3f7: {  	[tilespmem:$0x4170] =	vst v0  }
0x3f8: {  	[tilespmem:$0x4180] =	vst v0  }
0x3f9: {  	[tilespmem:$0x4190] =	vst v0  }
0x3fa: {  	[tilespmem:$0x41A0] =	vst v0  }
0x3fb: {  	[tilespmem:$0x41B0] =	vst v0  }
0x3fc: {  	[tilespmem:$0x41C0] =	vst v0  }
0x3fd: {  	[tilespmem:$0x41D0] =	vst v0  }
0x3fe: {  	[tilespmem:$0x41E0] =	vst v0  }
0x3ff: {  	[tilespmem:$0x41F0] =	vst v0  }
0x400: {  	[tilespmem:$0x4300] =	vst v0  }
0x401: {  	[tilespmem:$0x4310] =	vst v0  }
0x402: {  	[tilespmem:$0x4320] =	vst v0  }
0x403: {  	[tilespmem:$0x4330] =	vst v0  }
0x404: {  	[tilespmem:$0x4340] =	vst v0  }
0x405: {  	[tilespmem:$0x4350] =	vst v0  }
0x406: {  	[tilespmem:$0x4360] =	vst v0  }
0x407: {  	[tilespmem:$0x4370] =	vst v0  }
0x408: {  	[tilespmem:$0x4380] =	vst v0  }
0x409: {  	[tilespmem:$0x4390] =	vst v0  }
0x40a: {  	[tilespmem:$0x43A0] =	vst v0  }
0x40b: {  	[tilespmem:$0x43B0] =	vst v0  }
0x40c: {  	[tilespmem:$0x43C0] =	vst v0  }
0x40d: {  	[tilespmem:$0x43D0] =	vst v0  }
0x40e: {  	[tilespmem:$0x43E0] =	vst v0  }
0x40f: {  	[tilespmem:$0x43F0] =	vst v0;
	s0 =	simm.s32 $0x2020  }
0x410: {  	v11 =	vld [tilespmem:s0+$0x10]  }
0x411: {  	v10 =	vld [tilespmem:s0+$0xFFFFFFF0]  }
0x412: {  	v14 =	vld [tilespmem:s0+$0x0]  }
0x413: {  	s1 =	sshll.u32 s21, $0x8;
	v15 =	vld [tilespmem:s0+$0xFFFFFFE0]  }
0x414: {  	s20 =	sor.u32 s1, s20  }
0x415: {  	v12 =	vmov s20;
	v13 =	vshrl.u32 v11, $0x8  }
0x416: {  	vm3 =	veq.s32 v13, v12  }
0x417: {  	v16 =	vshrl.u32 v10, $0x8;
	v13 =	vand.u32 $0xFF, v11  }
0x418: {  	v10 =	vand.u32 $0xFF, v10;
	v63 =	vshrl.u32 v14, $0x8;
	v17 =	vshrl.u32 v15, $0x8  }
0x419: {  	s21 =	ssub.s32 s22, s23;
	vm1 =	veq.s32 v16, v12;
	v11 =	vand.u32 $0xFF, v14;
	vm2 =	veq.s32 v63, v12  }
0x41a: {  	s22 =	simm.s32 $0x0;
	s23 =	simm.s32 $0x0;
	s24 =	simm.s32 $0x2060;
	v14 =	vand.u32 $0xFF, v15;
	vm4 =	veq.s32 v17, v12;
	vm2 =	vmmov vm2  }
.LBB2_18:
0x41b: {  	v15 =	vld [tilespmem:s24+$0x10];
	v16 =	vor.u32 s22, v2;
	s0 =	sadd.s32 $0x10, s22;
	s1 =	sadd.s32 $0x20, s22;
	s25 =	sadd.s32 $0x30, s22  }
0x41c: {  	v17 =	vor.u32 s0, v2;
	v18 =	vor.u32 s1, v2;
	[tilespmem:v13+s13+$0x0] =	vst.idx.add.s32.msk vm3, v1;
	v19 =	vor.u32 s25, v2  }
0x41d: {  	s23 =	sadd.s32 $0x4, s23;
	[tilespmem:v13+s15+$0x0] =	vst.idx.add.s32.msk vm3, v19  }
0x41e: {  	p0 =	slt.u32 s23, $0x1FC;
	v13 =	vld [tilespmem:s24+$0xFFFFFFF0]  }
0x41f: {  	v19 =	vld [tilespmem:s24+$0x0]  }
0x420: {  	v20 =	vld [tilespmem:s24+$0xFFFFFFE0]  }
0x421: {  	v21 =	vshrl.u32 v15, $0x8;
	[tilespmem:v14+s13+$0x0] =	vst.idx.add.s32.msk vm4, v1  }
.Ltmp12:
0x422: {  	vm3 =	veq.s32 v21, v12;
	[tilespmem:v14+s15+$0x0] =	vst.idx.add.s32.msk vm4, v16;
	(pc) =	sbr.rel @p0 .LBB2_18-.Ltmp12, $4  }
0x423: {  	v14 =	vshrl.u32 v13, $0x8;
	v16 =	vand.u32 $0xFF, v13;
	v13 =	vand.u32 $0xFF, v15;
	[tilespmem:v10+s13+$0x0] =	vst.idx.add.s32.msk vm1, v1  }
0x424: {  	v15 =	vshrl.u32 v19, $0x8;
	v19 =	vand.u32 $0xFF, v19;
	[tilespmem:v10+s15+$0x0] =	vst.idx.add.s32.msk vm1, v17;
	vm1 =	veq.s32 v14, v12;
	v10 =	vmovc v16  }
0x425: {  	v16 =	vshrl.u32 v20, $0x8;
	v14 =	vand.u32 $0xFF, v20;
	vm5 =	veq.s32 v15, v12;
	[tilespmem:v11+s13+$0x0] =	vst.idx.add.s32.msk vm2, v1  }
0x426: {  	s22 =	sadd.s32 $0x40, s22;
	s24 =	sadd.s32 $0x40, s24;
	vm4 =	veq.s32 v16, v12;
	[tilespmem:v11+s15+$0x0] =	vst.idx.add.s32.msk vm2, v18;
	v11 =	vmov v19;
	vm2 =	vmmov vm5  }
0x427: {  	_ =	sdelay $0x4  }
0x428: {  	[tilespmem:v13+s13+$0x0] =	vst.idx.add.s32.msk vm3, v1  }
0x429: {  	[tilespmem:v14+s13+$0x0] =	vst.idx.add.s32.msk vm4, v1  }
0x42a: {  	[tilespmem:v10+s13+$0x0] =	vst.idx.add.s32.msk vm1, v1  }
0x42b: {  	s0 =	sadd.s32 $0x30, s22;
	v23 =	vor.u32 s22, v2;
	[tilespmem:v11+s13+$0x0] =	vst.idx.add.s32.msk vm2, v1  }
0x42c: {  	s28 =	sadd.s32 $0x10, s22;
	v12 =	vor.u32 s0, v2;
	[tilespmem:v14+s15+$0x0] =	vst.idx.add.s32.msk vm4, v23  }
0x42d: {  	s29 =	sadd.s32 $0x20, s22;
	v24 =	vor.u32 s28, v2;
	[tilespmem:v13+s15+$0x0] =	vst.idx.add.s32.msk vm3, v12  }
0x42e: {  	[tilespmem:v10+s15+$0x0] =	vst.idx.add.s32.msk vm1, v24;
	v10 =	vor.u32 s29, v2  }
0x42f: {  	[tilespmem:v11+s15+$0x0] =	vst.idx.add.s32.msk vm2, v10  }
0x430: {  	v10 =	vld [tilespmem:$0x4100];
	_ =	sdelay $0x1  }
0x431: {  	v11 =	vld [tilespmem:$0x4110];
	_ =	sdelay $0x2  }
0x432: {  	(xrf0) =	vadd.scan.msk.s32 $0xffff, v10;
	v10 =	vld [tilespmem:$0x4120];
	_ =	sdelay $0x1  }
0x433: {  	(xrf0) =	vadd.scan.msk.s32 $0xffff, v11  }
0x434: {  	v11 =	vld [tilespmem:$0x4130];
	_ =	sdelay $0x1  }
0x435: {  	(xrf0) =	vadd.scan.msk.s32 $0xffff, v10  }
0x436: {  	v12 =	vld [tilespmem:$0x4140];
	v10, _, _ =	vpop (xrf0)  }
0x437: {  	v25 =	vbroadcast v10, $0xF  }
0x438: {  	(xrf0) =	vadd.scan.msk.s32 $0xffff, v11;
	v26, _, _ =	vpop (xrf0)  }
0x439: {  	v27 =	vld [tilespmem:$0x4150];
	v11 =	vadd.s32 v25, v26  }
0x43a: {  	v14 =	vbroadcast v11, $0xF  }
0x43b: {  	(xrf0) =	vadd.scan.msk.s32 $0xffff, v12;
	v15, _, _ =	vpop (xrf0)  }
0x43c: {  	v28 =	vld [tilespmem:$0x4160];
	v12 =	vadd.s32 v14, v15  }
0x43d: {  	v15 =	vbroadcast v12, $0xF  }
0x43e: {  	v16, _, _ =	vpop (xrf0);
	(xrf0) =	vadd.scan.msk.s32 $0xffff, v27  }
0x43f: {  	v29 =	vld [tilespmem:$0x4170];
	v13 =	vadd.s32 v15, v16  }
0x440: {  	v16 =	vbroadcast v13, $0xF  }
0x441: {  	v17, _, _ =	vpop (xrf0);
	(xrf0) =	vadd.scan.msk.s32 $0xffff, v28  }
0x442: {  	v30 =	vld [tilespmem:$0x4180];
	v14 =	vadd.s32 v16, v17  }
0x443: {  	v17 =	vbroadcast v14, $0xF  }
0x444: {  	v18, _, _ =	vpop (xrf0);
	(xrf0) =	vadd.scan.msk.s32 $0xffff, v29  }
0x445: {  	v31 =	vld [tilespmem:$0x4190];
	v15 =	vadd.s32 v17, v18  }
0x446: {  	v18 =	vbroadcast v15, $0xF  }
0x447: {  	v19, _, _ =	vpop (xrf0);
	(xrf0) =	vadd.scan.msk.s32 $0xffff, v30  }
0x448: {  	v32 =	vld [tilespmem:$0x41A0];
	v16 =	vadd.s32 v18, v19  }
0x449: {  	v19 =	vbroadcast v16, $0xF  }
0x44a: {  	v20, _, _ =	vpop (xrf0);
	(xrf0) =	vadd.scan.msk.s32 $0xffff, v31  }
0x44b: {  	v34 =	vld [tilespmem:$0x41B0];
	v33 =	vadd.s32 v19, v20  }
0x44c: {  	v20 =	vbroadcast v33, $0xF  }
0x44d: {  	v21, _, _ =	vpop (xrf0);
	(xrf0) =	vadd.scan.msk.s32 $0xffff, v32  }
0x44e: {  	v36 =	vld [tilespmem:$0x41C0];
	v35 =	vadd.s32 v20, v21  }
0x44f: {  	v21 =	vbroadcast v35, $0xF  }
0x450: {  	v22, _, _ =	vpop (xrf0);
	(xrf0) =	vadd.scan.msk.s32 $0xffff, v34  }
0x451: {  	v38 =	vld [tilespmem:$0x41D0];
	vm1 =	vlt.s32 v10, s21;
	v21 =	vadd.s32 v21, v22  }
0x452: {  	v37 =	vmpcnt.ones.xlane vm1;
	vm1 =	vlt.s32 v11, s21;
	v24 =	vbroadcast v21, $0xF  }
0x453: {  	v23 =	vmpcnt.ones.xlane vm1;
	vm1 =	vlt.s32 v12, s21;
	v26, _, _ =	vpop (xrf0);
	(xrf0) =	vadd.scan.msk.s32 $0xffff, v36  }
0x454: {  	v41 =	vld [tilespmem:$0x41E0];
	v25 =	vmpcnt.ones.xlane vm1;
	vm1 =	vlt.s32 v13, s21;
	v40 =	vadd.s32 v24, v26  }
0x455: {  	v39 =	vmpcnt.ones.xlane vm1;
	vm1 =	vlt.s32 v14, s21;
	v42 =	vbroadcast v40, $0xF  }
0x456: {  	v44 =	vmpcnt.ones.xlane vm1;
	vm1 =	vlt.s32 v15, s21;
	v43, _, _ =	vpop (xrf0);
	(xrf0) =	vadd.scan.msk.s32 $0xffff, v38  }
0x457: {  	v45 =	vld [tilespmem:$0x41F0];
	v46 =	vmpcnt.ones.xlane vm1;
	v19 =	vadd.s32 v37, v23;
	v20 =	vadd.s32 v42, v43  }
0x458: {  	vm1 =	vlt.s32 v16, s21;
	v19 =	vadd.s32 v25, v19;
	v27 =	vbroadcast v20, $0xF  }
0x459: {  	v47 =	vmpcnt.ones.xlane vm1;
	vm1 =	vlt.s32 v33, s21;
	v19 =	vadd.s32 v39, v19;
	v28, _, _ =	vpop (xrf0);
	(xrf0) =	vadd.scan.msk.s32 $0xffff, v41  }
0x45a: {  	v48 =	vmpcnt.ones.xlane vm1;
	v19 =	vadd.s32 v44, v19;
	v49 =	vadd.s32 v27, v28  }
0x45b: {  	v19 =	vadd.s32 v46, v19;
	vm1 =	vlt.s32 v35, s21;
	v50 =	vbroadcast v49, $0xF  }
0x45c: {  	v19 =	vadd.s32 v47, v19;
	v52 =	vmpcnt.ones.xlane vm1;
	v51, _, _ =	vpop (xrf0);
	(xrf0) =	vadd.scan.msk.s32 $0xffff, v45  }
0x45d: {  	v19 =	vadd.s32 v48, v19;
	vm1 =	vlt.s32 v21, s21;
	v22 =	vadd.s32 v50, v51  }
0x45e: {  	v53 =	vmpcnt.ones.xlane vm1;
	vm1 =	vlt.s32 v40, s21;
	v54 =	vbroadcast v22, $0xF  }
0x45f: {  	v19 =	vadd.s32 v52, v19;
	v56 =	vmpcnt.ones.xlane vm1;
	vm1 =	vlt.s32 v20, s21;
	v55, _, _ =	vpop (xrf0)  }
0x460: {  	v19 =	vadd.s32 v53, v19;
	v57 =	vmpcnt.ones.xlane vm1;
	v27 =	vadd.s32 v54, v55  }
0x461: {  	v19 =	vadd.s32 v56, v19;
	vm1 =	vlt.s32 v49, s21;
	v58 =	vbroadcast v27, $0xF  }
0x462: {  	v19 =	vadd.s32 v57, v19;
	v59 =	vmpcnt.ones.xlane vm1;
	vm1 =	vlt.s32 v22, s21;
	v60, _, _ =	vpop (xrf0)  }
0x463: {  	v61 =	vmpcnt.ones.xlane vm1;
	vm1 =	vlt.s32 v27, s21;
	v25 =	vadd.s32 v58, v60  }
0x464: {  	v19 =	vadd.s32 v59, v19;
	v62 =	vmpcnt.ones.xlane vm1;
	vm1 =	vlt.s32 v25, s21  }
0x465: {  	v19 =	vadd.s32 v61, v19;
	v63 =	vmpcnt.ones.xlane vm1  }
0x466: {  	v19 =	vadd.s32 v62, v19  }
0x467: {  	v19 =	vadd.s32 v63, v19  }
0x468: {  	(v2sf) =	vpush v19, $0x0;
	_ =	sdelay $0x9  }
0x469: {  	[tilespmem:$0x4100] =	vst v10  }
0x46a: {  	[tilespmem:$0x4110] =	vst v11  }
0x46b: {  	[tilespmem:$0x4120] =	vst v12  }
0x46c: {  	[tilespmem:$0x4130] =	vst v13  }
0x46d: {  	[tilespmem:$0x4140] =	vst v14  }
0x46e: {  	[tilespmem:$0x4150] =	vst v15;
	s30 =	spop (v2sf)  }
0x46f: {  	[tilespmem:$0x4160] =	vst v16;
	s1 =	sadd.s32 $0xFFFFFFFF, s30  }
0x470: {  	[tilespmem:$0x4170] =	vst v33;
	p0 =	sgt.s32 s1, $0x0  }
0x471: {  	[tilespmem:$0x4180] =	vst v35;
	s1 =	simm.s32 @!p0 $0x0  }
0x472: {  	[tilespmem:$0x4190] =	vst v21;
	v10 =	vmov s1  }
0x473: {  	[tilespmem:$0x41A0] =	vst v40;
	v10 =	vbroadcast v10, $0x0  }
0x474: {  	[tilespmem:$0x41B0] =	vst v20;
	v11 =	vbroadcast v19, $0x0  }
0x475: {  	[tilespmem:$0x41C0] =	vst v49  }
0x476: {  	[tilespmem:$0x41D0] =	vst v22  }
0x477: {  	[tilespmem:$0x41E0] =	vst v27  }
0x478: {  	[tilespmem:$0x41F0] =	vst v25  }
0x479: {  	v10 =	vld.idx.msk [tilespmem:v10+s13+$0x0], $0xffff  }
0x47a: {  	v12 =	vld.idx.msk [tilespmem:v11+s13+$0x0], $0xffff;
	_ =	sdelay $0x3  }
0x47b: {  	(v2sf) =	vpush v10, $0x0  }
0x47c: {  	(v2sf) =	vpush v12, $0x0;
	_ =	sdelay $0xd  }
0x47d: {  	p0 =	seq.s32 s30, $0x0;
	s22 =	spop (v2sf)  }
0x47e: {  	s22 =	simm.s32 @p0 $0x0;
	s31 =	spop (v2sf)  }
0x47f: {  	s1 =	ssub.s32 s31, s22  }
0x480: {  	p0 =	seq.s32 s1, $0x1  }
.Ltmp13:
0x481: {  	_ = 	snop;
	(pc) =	sbr.rel @!p0 .LBB2_20-.Ltmp13, $4  }
0x482: {  	_ = 	snop  }
0x483: {  	s20 =	sshll.u32 s20, $0x8  }
0x484: {  	s0 =	sor.u32 s20, s30  }
0x485: {  	v10 =	vmov s0  }
.Ltmp14:
0x486: {  	_ = 	snop;
	(pc) =	sbr.rel .LBB2_23-.Ltmp14, $2  }
0x487: {  	_ =	sdelay $0x2  }
0x488: {  	v11 =	vld.idx.msk [tilespmem:v11+s15+$0x0], $0xffff  }
.LBB2_20:
0x489: {  	s28 =	simm.s32 $0x2020  }
0x48a: {  	v12 =	vld [tilespmem:s28+$0xFFFFFFE0]  }
0x48b: {  	v13 =	vld [tilespmem:s28+$0x0]  }
0x48c: {  	v14 =	vld [tilespmem:s28+$0x10]  }
0x48d: {  	v16 =	vld [tilespmem:s28+$0xFFFFFFF0];
	_ =	sdelay $0x1  }
0x48e: {  	vm4 =	veq.s32 v12, v10  }
0x48f: {  	vm3 =	veq.s32 v13, v10;
	v12 =	vsel vm4, $0x1, v0  }
0x490: {  	vm1 =	veq.s32 v14, v10;
	(xrf0) =	vadd.scan.msk.s32 $0xffff, v12;
	v12 =	vsel vm3, $0x1, v0  }
0x491: {  	vm2 =	veq.s32 v16, v10;
	v13 =	vsel vm1, $0x1, v0;
	(xrf0) =	vadd.scan.msk.s32 $0xffff, v12  }
0x492: {  	v12 =	vsel vm2, $0x1, v0;
	(xrf0) =	vadd.scan.msk.s32 $0xffff, v13  }
0x493: {  	(xrf0) =	vadd.scan.msk.s32 $0xffff, v12;
	v12 =	vmpcnt.ones.xlane vm4  }
0x494: {  	v15 =	vimm.s32 $0x0;
	v13 =	vmpcnt.ones.xlane vm2  }
0x495: {  	s29 =	simm.s32 $0x2060;
	v14 =	vadd.s32 v15, v12  }
0x496: {  	v17 =	vld [tilespmem:s29+$0xFFFFFFE0];
	v20 =	vmpcnt.ones.xlane vm1;
	v13 =	vadd.s32 v14, v13  }
0x497: {  	s0 =	ssub.s32 s21, s22;
	s20 =	simm.s32 $0x0;
	s1 =	simm.s32 $0x10;
	v12 =	vmpcnt.ones.xlane vm3;
	v16, _, _ =	vpop (xrf0)  }
0x498: {  	v11 =	vmov s0;
	v19 =	vor.u32 s1, v2;
	v23 =	vor.u32 s20, v2;
	v21, _, _ =	vpop (xrf0)  }
0x499: {  	v22 =	vld [tilespmem:s29+$0x0];
	vm6 =	vmmov vm4;
	v12 =	vadd.s32 v13, v12;
	v21 =	vadd.s32 v13, v21;
	v13, _, _ =	vpop (xrf0)  }
0x49a: {  	v18 =	vld [tilespmem:s29+$0x10];
	vm4 =	veq.s32 v21, v11;
	v13 =	vadd.s32 v12, v13;
	v12 =	vadd.s32 v12, v20;
	v20, _, _ =	vpop (xrf0)  }
0x49b: {  	v63 =	vld [tilespmem:s29+$0xFFFFFFF0];
	vm7 =	vmand vm3, vm4;
	vm4 =	veq.s32 v17, v10;
	v14 =	vadd.s32 v14, v20  }
0x49c: {  	vm3 =	veq.s32 v13, v11;
	v13 =	vsel vm4, $0x1, v0;
	vm8 =	veq.s32 v14, v11  }
0x49d: {  	vm5 =	vmand vm1, vm3;
	v14 =	vmpcnt.ones.xlane vm4;
	(xrf0) =	vadd.scan.msk.s32 $0xffff, v13;
	v13 =	vadd.s32 v15, v16  }
0x49e: {  	vm8 =	vmand vm2, vm8;
	vm2 =	veq.s32 v22, v10;
	vm9 =	veq.s32 v13, v11  }
0x49f: {  	vm1 =	veq.s32 v18, v10;
	v16 =	vsel vm2, $0x1, v0;
	vm6 =	vmand vm6, vm9  }
0x4a0: {  	vm3 =	veq.s32 v63, v10;
	v17 =	vsel vm1, $0x1, v0;
	v20 =	vnsel vm6, $0x0, v23;
	(xrf0) =	vadd.scan.msk.s32 $0xffff, v16  }
0x4a1: {  	s30 =	simm.s32 $0x20;
	v18 =	vsel vm3, $0x1, v0;
	v13 =	vadd.s32 v12, v14;
	v15 =	vadd.s32 v15, v20;
	(xrf0) =	vadd.scan.msk.s32 $0xffff, v17  }
0x4a2: {  	s31 =	simm.s32 $0x30;
	v14 =	vmpcnt.ones.xlane vm2;
	v16 =	vnsel vm8, $0x0, v19;
	v19 =	vor.u32 s30, v2;
	(xrf0) =	vadd.scan.msk.s32 $0xffff, v18  }
0x4a3: {  	s21 =	simm.s32 $0x50;
	s22 =	simm.s32 $0x4;
	v19 =	vnsel vm7, $0x0, v19;
	v20 =	vor.u32 s31, v2;
	v17 =	vadd.s32 v16, v15  }
0x4a4: {  	s23 =	simm.s32 $0x80;
	s24 =	simm.s32 $0x20A0;
	s20 =	simm.s32 $0x40;
	v16 =	vmpcnt.ones.xlane vm3;
	v18 =	vnsel vm5, $0x0, v20;
	v17 =	vadd.s32 v19, v17;
	v15, _, _ =	vpop (xrf0)  }
.LBB2_21:
0x4a5: {  	v19 =	vld [tilespmem:s24+$0xFFFFFFE0];
	s0 =	sadd.s32 $0x10, s23;
	s22 =	sadd.s32 $0x4, s22;
	v17 =	vadd.s32 v18, v17;
	vm5 =	vmmov vm4  }
0x4a6: {  	v20 =	vor.u32 s21, v2;
	v26 =	vmpcnt.ones.xlane vm1;
	v18 =	vld [tilespmem:s24+$0x10];
	p0 =	slt.u32 s22, $0x1FC;
	v25 =	vadd.s32 v13, v16;
	v22, _, _ =	vpop (xrf0);
	s21 =	smov.u32 s0  }
0x4a7: {  	v24 =	vor.u32 s20, v2;
	v23 =	vld [tilespmem:s24+$0x0];
	v22 =	vadd.s32 v25, v22;
	v14 =	vadd.s32 v25, v14;
	v16, _, _ =	vpop (xrf0)  }
0x4a8: {  	v25 =	vld [tilespmem:s24+$0xFFFFFFF0];
	vm4 =	veq.s32 v22, v11;
	v16 =	vadd.s32 v14, v16;
	v14 =	vadd.s32 v14, v26;
	v21, _, _ =	vpop (xrf0)  }
0x4a9: {  	v13 =	vadd.s32 v13, v21;
	vm7 =	vmand vm2, vm4;
	vm2 =	veq.s32 v16, v11  }
0x4aa: {  	vm4 =	veq.s32 v19, v10;
	vm8 =	veq.s32 v13, v11;
	vm6 =	vmand vm1, vm2  }
0x4ab: {  	v13 =	vsel vm4, $0x1, v0;
	v16 =	vmpcnt.ones.xlane vm4;
	vm8 =	vmand vm3, vm8  }
0x4ac: {  	vm1 =	veq.s32 v18, v10;
	vm2 =	veq.s32 v23, v10;
	(xrf0) =	vadd.scan.msk.s32 $0xffff, v13;
	v13 =	vadd.s32 v12, v15  }
0x4ad: {  	v18 =	vsel vm1, $0x1, v0;
	v12 =	vmovc v14;
	v15 =	vsel vm2, $0x1, v0;
	vm9 =	veq.s32 v13, v11  }
.Ltmp15:
0x4ae: {  	v13 =	vadd.s32 v14, v16;
	vm3 =	veq.s32 v25, v10;
	(xrf0) =	vadd.scan.msk.s32 $0xffff, v15;
	vm5 =	vmand vm5, vm9;
	(pc) =	sbr.rel @p0 .LBB2_21-.Ltmp15, $4  }
0x4af: {  	s0 =	sadd.s32 $0x20, s20;
	v14 =	vmpcnt.ones.xlane vm2;
	v15 =	vsel vm3, $0x1, v0;
	(xrf0) =	vadd.scan.msk.s32 $0xffff, v18;
	v16 =	vnsel vm5, $0x0, v24  }
0x4b0: {  	(xrf0) =	vadd.scan.msk.s32 $0xffff, v15;
	v21 =	vadd.s32 v17, v16;
	v16 =	vnsel vm8, $0x0, v20;
	v17 =	vor.u32 s0, v2;
	s0 =	sadd.s32 $0x30, s20;
	s20 =	smov.u32 s23  }
0x4b1: {  	v18 =	vadd.s32 v16, v21;
	v17 =	vnsel vm7, $0x0, v17;
	v19 =	vor.u32 s0, v2  }
0x4b2: {  	s24 =	sadd.s32 $0x40, s24;
	s23 =	sadd.s32 $0x40, s23;
	v16 =	vmpcnt.ones.xlane vm3;
	v15, _, _ =	vpop (xrf0);
	v17 =	vadd.s32 v17, v18;
	v18 =	vnsel vm6, $0x0, v19  }
0x4b3: {  	v17 =	vadd.s32 v18, v17  }
0x4b4: {  	vm4 =	vmmov vm4;
	v51 =	vor.u32 s21, v2;
	v12 =	vadd.s32 v12, v15;
	v19, _, _ =	vpop (xrf0)  }
0x4b5: {  	v20 =	vor.u32 s20, v2;
	s0 =	sadd.s32 $0x20, s20;
	s31 =	sadd.s32 $0x30, s20;
	v16 =	vadd.s32 v13, v16;
	vm14 =	veq.s32 v12, v11;
	v52, _, _ =	vpop (xrf0)  }
0x4b6: {  	v56 =	vor.u32 s0, v2;
	v58 =	vor.u32 s31, v2;
	v19 =	vadd.s32 v16, v19;
	v53, _, _ =	vpop (xrf0)  }
0x4b7: {  	v14 =	vadd.s32 v16, v14;
	vm4 =	vmand vm4, vm14;
	v54 =	vadd.s32 v13, v53  }
0x4b8: {  	vm5 =	veq.s32 v19, v11;
	v14 =	vadd.s32 v14, v52;
	vm15 =	veq.s32 v54, v11  }
0x4b9: {  	vm6 =	veq.s32 v14, v11;
	v11 =	vnsel vm4, $0x0, v20;
	vm3 =	vmand vm3, vm15  }
0x4ba: {  	vm2 =	vmand vm2, vm5;
	v11 =	vadd.s32 v17, v11;
	v55 =	vnsel vm3, $0x0, v51  }
0x4bb: {  	vm1 =	vmand vm1, vm6;
	v57 =	vnsel vm2, $0x0, v56;
	v11 =	vadd.s32 v55, v11  }
0x4bc: {  	v59 =	vnsel vm1, $0x0, v58;
	v11 =	vadd.s32 v57, v11  }
0x4bd: {  	v11 =	vadd.s32 v59, v11  }
0x4be: {  	[tilespmem:$0x4400] =	vst v11  }
0x4bf: {  	v60 =	vld.idx.msk [tilespmem:v4+s18+$0x0], $0xffff;
	_ =	sdelay $0x4  }
0x4c0: {  	v11 =	vadd.s32 v11, v60  }
0x4c1: {  	[tilespmem:$0x4400] =	vst v11  }
0x4c2: {  	v61 =	vld.idx.msk [tilespmem:v5+s18+$0x0], $0xffff;
	_ =	sdelay $0x4  }
0x4c3: {  	v11 =	vadd.s32 v11, v61  }
0x4c4: {  	[tilespmem:$0x4400] =	vst v11  }
0x4c5: {  	v62 =	vld.idx.msk [tilespmem:v6+s18+$0x0], $0xffff;
	_ =	sdelay $0x4  }
0x4c6: {  	v11 =	vadd.s32 v11, v62  }
0x4c7: {  	[tilespmem:$0x4400] =	vst v11  }
0x4c8: {  	v63 =	vld.idx.msk [tilespmem:v7+s18+$0x0], $0xffff  }
.Ltmp16:
0x4c9: {  	_ = 	snop;
	(pc) =	sbr.rel .LBB2_23-.Ltmp16, $2  }
0x4ca: {  	_ =	sdelay $0x2  }
0x4cb: {  	v11 =	vadd.s32 v11, v63  }
.LBB2_24:
0x4cc: {  	_ =	sfence.sel $0x180000  }
0x4cd: {  	[bflag:$0x0] =	sbarrier.arrive $0xFFFF  }
0x4ce: {  	_ =	strace $0x90000047  }
0x4cf: {  	s0 =	stileid.u32;
	[bflag:$0x2] =	sbarrier.arrive $0xFFFF  }
0x4d0: {  	p0 =	sne.s32 s0, $0x0;
	s0 =	rddreg [dreg:$0x1]  }
0x4d1: {  	s0 =	sadd.s32 @!p0 $0x100000, s0  }
0x4d2: {  	[sflag:s0] =	ssyncadd.tile.s32 @!p0 $0x1;
	_ =	shalt  }
.Lfunc_end2:
_tile_overlayer_lowered:
.L_overlay_start_2:
0x4d3: {  	(tag) =	ssettag $0x2  }
0x4d4: {  	s0 =	rddreg [dreg:$0x0];
	s2 =	stileid.u32  }
0x4d5: {  	s1 =	rddreg [dreg:$0x1];
	p0 =	sne.s32 s2, $0x0  }
0x4d6: {  	s3 =	rddreg [dreg:$0x2];
	[bflag:$0x3] =	sbarrier.arrive $0xFFFF;
	s2 =	simm.s32 @!p0 $0x1C01  }
0x4d7: {  	[timem:s3], [sflag:s2] =	dma.local @!p0 [hbm:s0], s1  }
0x4d8: {  	s0 =	simm.s32 @!p0 $0x1  }
0x4d9: {  	_ =	swait.ge @!p0 [sflag:s0], s1  }
0x4da: {  	s1 =	ssub.s32 @!p0 $0x0, s1;
	[sflag:s0] =	ssyncset.done @!p0 $0x0  }
0x4db: {  	[sflag:s0] =	ssyncadd.s32 @!p0 s1  }
0x4dc: {  	[bflag:$0x3] =	sbarrier.arrive $0xFFFF  }
0x4dd: {  	_ =	shalt  }

</sc_bundles>
